<compile_context>
chip_gen: v7x
topology: tpu7x:2x2x1
jax: 0.10.2.dev20260603
libtpu: 0.0.44.dev20260713+nightly
codegen_flags: <defaults>
</compile_context>

<pallas_src>
import functools

import jax
import jax.numpy as jnp
import numpy as np
from jax import lax
from jax.experimental import pallas as pl
from jax.experimental.pallas import tpu as pltpu
from jax.experimental.pallas import tpu_sc as plsc

_LEFT_HAND = np.arange(468, 489)
_LEFT_POSE = np.array([502, 504, 506, 508, 510])
_LIPS = np.array([
    61, 185, 40, 39, 37, 0, 267, 269, 270, 409, 291, 146, 91, 181, 84, 17,
    314, 405, 321, 375, 78, 191, 80, 81, 82, 13, 312, 311, 310, 415, 95, 88,
    178, 87, 14, 317, 402, 318, 324, 308,
])
_RIGHT_HAND = np.arange(522, 543)
_RIGHT_POSE = np.array([503, 505, 507, 509, 511])

N_FRAMES = 4096
N_LM = 543
N_OUT_LM = 66
OUT_F = 64
NS = 16
L = 16
FPT = N_FRAMES // NS
NGATHER = 9
OUT_W = NGATHER * L
FPT3 = OUT_F // NS
NFT = N_FRAMES // 128
NROW = N_LM * 2 * NFT

_UNION_LM = np.concatenate(
    (_LIPS, _LEFT_HAND, _LEFT_POSE, _RIGHT_HAND, _RIGHT_POSE))

_HANDS = np.concatenate((_LEFT_HAND, _RIGHT_HAND))
_HTAB = np.zeros(192, np.int32)
for _h in range(42):
    for _q in range(4):
        _HTAB[_h * 4 + _q] = _HANDS[_h] * 64 + (_q & 1) + (_q >> 1) * 2
for _h in range(42):
    for _ft in range(2):
        for _c in range(2):
            _HTAB[_h * 4 + _ft * 2 + _c] = _HANDS[_h] * 64 + _ft * 2 + _c

_UB = np.zeros(192, np.int32)
for _u in range(92):
    for _c in range(2):
        _UB[2 * _u + _c] = _UNION_LM[_u] * 64 + _c

_LIDXU_L = np.pad(np.arange(132, dtype=np.int32), (0, OUT_W - 132))
_uR = np.concatenate((np.arange(40), np.arange(66, 92)))
_LIDXU_R = np.pad(
    np.stack([2 * _uR, 2 * _uR + 1], axis=1).reshape(-1).astype(np.int32),
    (0, OUT_W - 132))

_MUL_R = np.ones(OUT_W, np.float32)
_ADD_R = np.zeros(OUT_W, np.float32)
for _l in range(40, N_OUT_LM):
    _MUL_R[2 * _l] = -1.0
    _ADD_R[2 * _l] = 1.0

_TBL = np.concatenate([
    _HTAB, _UB, _LIDXU_L, _LIDXU_R,
    _MUL_R.view(np.int32), _ADD_R.view(np.int32),
]).astype(np.int32)


@functools.cache
def _build_sc_kernel():
    mesh = plsc.VectorSubcoreMesh(
        core_axis_name="c", subcore_axis_name="s", num_cores=2,
        num_subcores=NS,
    )

    @functools.partial(
        pl.kernel,
        out_type=[
            jax.ShapeDtypeStruct((OUT_F * OUT_W,), jnp.float32),
            jax.ShapeDtypeStruct((N_FRAMES,), jnp.int32),
        ],
        mesh=mesh,
        compiler_params=pltpu.CompilerParams(
            needs_layout_passes=False, use_tc_tiling_on_sc=False),
        scratch_types=[
            pltpu.VMEM((2, 192, 128), jnp.float32),
            pltpu.VMEM((2, 128), jnp.int32),
            pltpu.VMEM((2, 64), jnp.int32),
            pltpu.VMEM((960,), jnp.int32),
            pltpu.VMEM((FPT,), jnp.int32),
            pltpu.VMEM((FPT,), jnp.int32),
            pltpu.VMEM((L,), jnp.int32),
            pltpu.VMEM((L,), jnp.int32),
            pltpu.VMEM_SHARED((N_FRAMES,), jnp.int32),
            pltpu.VMEM_SHARED((N_FRAMES,), jnp.int32),
            pltpu.VMEM_SHARED((NS, L), jnp.int32),
            pltpu.VMEM_SHARED((NS, L), jnp.int32),
            pltpu.VMEM_SHARED((OUT_F,), jnp.int32),
            pltpu.VMEM((N_FRAMES,), jnp.int32),
            pltpu.VMEM((N_FRAMES,), jnp.int32),
            pltpu.VMEM((NS, L), jnp.int32),
            pltpu.VMEM((NS, L), jnp.int32),
            pltpu.VMEM((N_FRAMES,), jnp.int32),
            pltpu.VMEM((OUT_F,), jnp.int32),
            pltpu.VMEM((FPT3 * OUT_W,), jnp.float32),
            pltpu.VMEM((OUT_W,), jnp.int32),
            pltpu.VMEM((OUT_W,), jnp.float32),
            pltpu.VMEM((OUT_W,), jnp.float32),
            pltpu.SemaphoreType.DMA,
            pltpu.SemaphoreType.DMA,
        ],
    )
    def _sc_kernel(
        y_hbm, tbl_hbm,
        out1_hbm, oidx_hbm,
        gbuf2, idxA2, idxB2, tbl_v,
        cntL_l, cntR_l, stageL, stageR,
        sh_cntL, sh_cntR, sh_totL, sh_totR, sh_idx,
        cntL_all, cntR_all, totL_all, totR_all,
        idx_buf, idx64, obuf,
        lidx_sel, mul_sel, add_sel,
        sem0, sem1,
    ):
        sems = (sem0, sem1)
        c = lax.axis_index("c")
        s = lax.axis_index("s")

        @pl.when(c == 0)
        def _core0():
            lane = lax.iota(jnp.int32, L)

            pltpu.sync_copy(tbl_hbm, tbl_v)
            s4 = s * 4
            for v in range(8):
                idxA2[0, pl.ds(v * L, L)] = tbl_v[pl.ds(v * L, L)] + s4
            for v in range(4):
                idxB2[0, pl.ds(v * L, L)] = tbl_v[pl.ds(128 + v * L, L)] + s4
            h1 = pltpu.async_copy(
                y_hbm.at[idxA2.at[0]], gbuf2.at[0, pl.ds(0, 128)], sem0)
            h2 = pltpu.async_copy(
                y_hbm.at[idxB2.at[0]], gbuf2.at[0, pl.ds(128, 64)], sem0)
            h1.wait()
            h2.wait()

            totL = jnp.zeros((L,), jnp.int32)
            totR = jnp.zeros((L,), jnp.int32)
            for ft in range(2):
                for v in range(8):
                    sl = pl.ds(v * L, L)
                    ft2 = ft * 2

                    def body(h, a, ft2=ft2, sl=sl):
                        aL, aR = a
                        r = h * 4 + ft2
                        v0 = gbuf2[0, r, sl]
                        v1 = gbuf2[0, r + 1, sl]
                        v2 = gbuf2[0, r + 84, sl]
                        v3 = gbuf2[0, r + 85, sl]
                        aL = (aL + (v0 != v0).astype(jnp.int32)
                              + (v1 != v1).astype(jnp.int32))
                        aR = (aR + (v2 != v2).astype(jnp.int32)
                              + (v3 != v3).astype(jnp.int32))
                        return (aL, aR)

                    aL, aR = lax.fori_loop(
                        0, 21, body,
                        (jnp.zeros((L,), jnp.int32),
                         jnp.zeros((L,), jnp.int32)))
                    cntL_l[pl.ds(ft * 128 + v * L, L)] = aL
                    cntR_l[pl.ds(ft * 128 + v * L, L)] = aR
                    totL = totL + aL
                    totR = totR + aR
            stageL[...] = jnp.full((L,), jnp.sum(totL), jnp.int32)
            stageR[...] = jnp.full((L,), jnp.sum(totR), jnp.int32)
            pltpu.sync_copy(cntL_l, sh_cntL.at[pl.ds(s * FPT, FPT)])
            pltpu.sync_copy(cntR_l, sh_cntR.at[pl.ds(s * FPT, FPT)])
            pltpu.sync_copy(stageL, sh_totL.at[s])
            pltpu.sync_copy(stageR, sh_totR.at[s])
            plsc.subcore_barrier()

            pltpu.sync_copy(sh_totL, totL_all)
            pltpu.sync_copy(sh_totR, totR_all)

            def tot_body(i, a):
                aL, aR = a
                return (aL + totL_all[i, :], aR + totR_all[i, :])

            accL, accR = lax.fori_loop(
                0, NS, tot_body,
                (jnp.zeros((L,), jnp.int32), jnp.zeros((L,), jnp.int32)),
            )
            ldv = accL <= accR

            @pl.when(s == 0)
            def _tile0():
                pltpu.sync_copy(sh_cntL, cntL_all)
                pltpu.sync_copy(sh_cntR, cntR_all)

                def comp(g, carry):
                    b = g * 2 * L
                    cl0 = cntL_all[pl.ds(b, L)]
                    cr0 = cntR_all[pl.ds(b, L)]
                    cl1 = cntL_all[pl.ds(b + L, L)]
                    cr1 = cntR_all[pl.ds(b + L, L)]
                    m0 = jnp.where(ldv, cl0, cr0) < 42
                    m1 = jnp.where(ldv, cl1, cr1) < 42
                    mi0 = m0.astype(jnp.int32)
                    mi1 = m1.astype(jnp.int32)
                    cs0 = plsc.cumsum(mi0)
                    cs1 = plsc.cumsum(mi1)
                    p0 = plsc.all_reduce_population_count(m0)
                    p1 = plsc.all_reduce_population_count(m1)
                    pos0 = carry + cs0 - mi0
                    pos1 = carry + p0 + cs1 - mi1
                    plsc.store_scatter(idx_buf, [pos0], b + lane, mask=m0)
                    plsc.store_scatter(
                        idx_buf, [pos1], b + L + lane, mask=m1)
                    return carry + p0 + p1

                count = lax.fori_loop(
                    0, N_FRAMES // (2 * L), comp, jnp.zeros((L,), jnp.int32))

                cnt0 = jnp.sum(jnp.where(lane == 0, count, 0))
                g0 = lax.shift_right_logical(cnt0, 4)
                pad = lane >= jnp.bitwise_and(cnt0, 15)
                plsc.store_scatter(
                    idx_buf, [g0 * L + lane],
                    jnp.zeros((L,), jnp.int32),
                    mask=jnp.logical_and(pad, g0 * L + lane < N_FRAMES))

                def zero(i, carry):
                    idx_buf[pl.ds(i * L, L)] = jnp.zeros((L,), jnp.int32)
                    return carry

                lax.fori_loop(g0 + 1, N_FRAMES // L, zero, 0)
                for v in range(OUT_F // L):
                    sl = pl.ds(v * L, L)
                    idx64[sl] = idx_buf[sl]
                pltpu.sync_copy(idx64, sh_idx)

            for v in range(NGATHER):
                sl = pl.ds(v * L, L)
                lidx_sel[sl] = jnp.where(
                    ldv, tbl_v[pl.ds(384 + v * L, L)],
                    tbl_v[pl.ds(528 + v * L, L)])
                mul_sel[sl] = jnp.where(
                    ldv, jnp.full((L,), 1.0, jnp.float32),
                    plsc.bitcast(tbl_v[pl.ds(672 + v * L, L)], jnp.float32))
                add_sel[sl] = jnp.where(
                    ldv, jnp.full((L,), 0.0, jnp.float32),
                    plsc.bitcast(tbl_v[pl.ds(816 + v * L, L)], jnp.float32))

            plsc.subcore_barrier()

            @pl.when(s == 0)
            def _oidx():
                pltpu.sync_copy(idx_buf, oidx_hbm)

            pltpu.sync_copy(sh_idx, idx64)
            zero16 = jnp.zeros((L,), jnp.int32)

            def issue(j):
                p = j & 1
                fo = s * FPT3 + j
                ch_i = lax.div(fo, L)
                lane_i = lax.rem(fo, L)
                idxv = idx64[pl.ds(ch_i * L, L)]
                sel = jnp.sum(jnp.where(lane == lane_i, idxv, zero16))
                ft2 = lax.shift_right_logical(sel, 7) * 2
                fl = jnp.bitwise_and(sel, 127)
                for v in range(8):
                    idxA2[p, pl.ds(v * L, L)] = (
                        tbl_v[pl.ds(192 + v * L, L)] + ft2)
                for v in range(4):
                    idxB2[p, pl.ds(v * L, L)] = (
                        tbl_v[pl.ds(320 + v * L, L)] + ft2)
                hA = pltpu.async_copy(
                    y_hbm.at[idxA2.at[p]], gbuf2.at[p, pl.ds(0, 128)],
                    sems[p])
                hB = pltpu.async_copy(
                    y_hbm.at[idxB2.at[p]], gbuf2.at[p, pl.ds(128, 64)],
                    sems[p])
                return (hA, hB, fl)

            pend = issue(0)
            for j in range(FPT3):
                hA, hB, fl = pend
                if j + 1 < FPT3:
                    nxt = issue(j + 1)
                hA.wait()
                hB.wait()
                p = j & 1
                flv = jnp.full((L,), fl, jnp.int32)
                for v in range(NGATHER):
                    sl = pl.ds(v * L, L)
                    vals = plsc.load_gather(
                        gbuf2.at[p], [lidx_sel[sl], flv])
                    t = vals * mul_sel[sl] + add_sel[sl]
                    t = jnp.where(vals != vals, jnp.float32(0.0), t)
                    obuf[pl.ds((j * NGATHER + v) * L, L)] = t
                if j + 1 < FPT3:
                    pend = nxt
            pltpu.sync_copy(
                obuf, out1_hbm.at[pl.ds(s * FPT3 * OUT_W, FPT3 * OUT_W)])

    return _sc_kernel


def kernel(x):
    y = x.transpose(1, 0, 2).reshape(N_LM, NFT, 128, 2)
    y = y.transpose(0, 1, 3, 2).reshape(NROW, 128)
    out1, oidx = _build_sc_kernel()(y, jnp.asarray(_TBL))
    x1 = out1.reshape(OUT_F, OUT_W)[:, : 2 * N_OUT_LM].reshape(
        OUT_F, N_OUT_LM, 2)
    return (x1, oidx)

# --- scband reference (transcript-rebuilt; emitter-appended) ---
"""Pipeline reference for scband-preprocess-layer-90271622627584 (READ-ONLY COPY).

The authoritative reference and input builder live on the scoring server;
editing this copy changes nothing except your own understanding.
"""

import jax, jax.numpy as jnp
import numpy as np

LEFT_HAND_IDXS0 = np.arange(468, 489)
LEFT_POSE_IDXS0 = np.array([502, 504, 506, 508, 510])
LIP_IDXS0 = np.array([61, 185, 40, 39, 37, 0, 267, 269, 270, 409, 291, 146, 91, 181, 84, 17, 314, 405, 321, 375, 78, 191, 80, 81, 82, 13, 312, 311, 310, 415, 95, 88, 178, 87, 14, 317, 402, 318, 324, 308])
LANDMARK_IDXS_LEFT_DOMINANT0 = np.concatenate((LIP_IDXS0, LEFT_HAND_IDXS0, LEFT_POSE_IDXS0))
RIGHT_HAND_IDXS0 = np.arange(522, 543)
RIGHT_POSE_IDXS0 = np.array([503, 505, 507, 509, 511])
LANDMARK_IDXS_RIGHT_DOMINANT0 = np.concatenate((LIP_IDXS0, RIGHT_HAND_IDXS0, RIGHT_POSE_IDXS0))
HAND_IDXS = np.argwhere(np.isin(LANDMARK_IDXS_LEFT_DOMINANT0, LEFT_HAND_IDXS0)).squeeze()
LIP_IDXS = np.argwhere(np.isin(LANDMARK_IDXS_LEFT_DOMINANT0, LIP_IDXS0)).squeeze()
POSE_IDXS = np.argwhere(np.isin(LANDMARK_IDXS_LEFT_DOMINANT0, LEFT_POSE_IDXS0)).squeeze()
INPUT_SIZE = 64

_nc = np.zeros((len(LANDMARK_IDXS_LEFT_DOMINANT0), 2), dtype=np.float32)
_nc[:, 0] = np.array([0] * len(LIP_IDXS) + [1] * len(HAND_IDXS) + [1] * len(POSE_IDXS), dtype=np.float32)
NORMALISATION_CORRECTION = jnp.asarray(_nc)[None, :, :]


def setup_inputs(seed: int = 0) -> dict:
    key = jax.random.key(seed)
    x = jax.random.normal(key, (4096, 543, 2), dtype=jnp.float32)
    return {"x": x}


def reference(x):
    nan_lhand = jnp.sum(jnp.isnan(x[:, LEFT_HAND_IDXS0, :]).astype(jnp.int32))
    nan_rhand = jnp.sum(jnp.isnan(x[:, RIGHT_HAND_IDXS0, :]).astype(jnp.int32))
    left_dominant = nan_lhand <= nan_rhand
    frame_with_dominant_hand = jnp.where(
        left_dominant,
        jnp.where(jnp.isnan(x[:, LEFT_HAND_IDXS0, :]), 0, 1),
        jnp.where(jnp.isnan(x[:, RIGHT_HAND_IDXS0, :]), 0, 1),
    )
    frame_counts = jnp.sum(frame_with_dominant_hand, axis=(1, 2))
    frame_with_dominant_hand_idxs = jnp.where(frame_counts > 0, size=x.shape[0], fill_value=0)[0]
    x1 = jnp.take(x, frame_with_dominant_hand_idxs, axis=0)
    x1_left = jnp.take(x1, LANDMARK_IDXS_LEFT_DOMINANT0, axis=1)
    x1_right = jnp.take(x1, LANDMARK_IDXS_RIGHT_DOMINANT0, axis=1)
    x1_right = x1_right * jnp.where(NORMALISATION_CORRECTION != 0, -1.0, 1.0) + NORMALISATION_CORRECTION
    x1 = jnp.where(left_dominant, x1_left, x1_right)
    x1 = jnp.where(jnp.isnan(x1), 0.0, x1)
    n = x1.shape[0]
    if n < INPUT_SIZE:
        x1 = jnp.pad(x1, ((0, INPUT_SIZE - n), (0, 0), (0, 0)), constant_values=0.0)
    else:
        x1 = x1[:INPUT_SIZE, :, :]
    return (x1, frame_with_dominant_hand_idxs)

if __name__ == "__main__":
    import jax
    _d = setup_inputs()
    print(jax.jit(kernel)(*tuple(_d.values())))

</pallas_src>

<mosaic_0001>
#map = affine_map<(d0, d1) -> (0, 0)>
#map1 = affine_map<(d0, d1) -> (0)>
module attributes {stable_mosaic.version = 14 : i64} {
  func.func @_sc_kernel(%arg0: i32, %arg1: i32, %arg2: memref<34752x128xf32, #tpu.memory_space<hbm>>, %arg3: memref<960xi32, #tpu.memory_space<hbm>>, %arg4: memref<9216xf32, #tpu.memory_space<hbm>>, %arg5: memref<4096xi32, #tpu.memory_space<hbm>>, %arg6: memref<2x192x128xf32, #tpu.memory_space<vmem>>, %arg7: memref<2x128xi32, #tpu.memory_space<vmem>>, %arg8: memref<2x64xi32, #tpu.memory_space<vmem>>, %arg9: memref<960xi32, #tpu.memory_space<vmem>>, %arg10: memref<256xi32, #tpu.memory_space<vmem>>, %arg11: memref<256xi32, #tpu.memory_space<vmem>>, %arg12: memref<16xi32, #tpu.memory_space<vmem>>, %arg13: memref<16xi32, #tpu.memory_space<vmem>>, %arg14: memref<4096xi32, #tpu.memory_space<vmem_shared>>, %arg15: memref<4096xi32, #tpu.memory_space<vmem_shared>>, %arg16: memref<16x16xi32, #tpu.memory_space<vmem_shared>>, %arg17: memref<16x16xi32, #tpu.memory_space<vmem_shared>>, %arg18: memref<64xi32, #tpu.memory_space<vmem_shared>>, %arg19: memref<4096xi32, #tpu.memory_space<vmem>>, %arg20: memref<4096xi32, #tpu.memory_space<vmem>>, %arg21: memref<16x16xi32, #tpu.memory_space<vmem>>, %arg22: memref<16x16xi32, #tpu.memory_space<vmem>>, %arg23: memref<4096xi32, #tpu.memory_space<vmem>>, %arg24: memref<64xi32, #tpu.memory_space<vmem>>, %arg25: memref<576xf32, #tpu.memory_space<vmem>>, %arg26: memref<144xi32, #tpu.memory_space<vmem>>, %arg27: memref<144xf32, #tpu.memory_space<vmem>>, %arg28: memref<144xf32, #tpu.memory_space<vmem>>, %arg29: memref<!tpu.dma_semaphore, #tpu.memory_space<semaphore_mem>>, %arg30: memref<!tpu.dma_semaphore, #tpu.memory_space<semaphore_mem>>) attributes {dimension_semantics = [#tpu.dimension_semantics<core_parallel>, #tpu.dimension_semantics<subcore_parallel>], iteration_bounds = array<i64: 2, 16>, scalar_prefetch = 0 : i64, scratch_operands = 25 : i64, tpu.core_type = #tpu.core_type<sc_vector_subcore>, window_params = [{transform_indices = #map}, {transform_indices = #map1}, {transform_indices = #map1}, {transform_indices = #map1}]} {
    %eq3A = arith.constant 0 : i32
    %eq3A_0 = arith.cmpi eq, %arg0, %eq3A : i32
    %convert_element_type3A = arith.extui %eq3A_0 : i1 to i32
    %cond3A = arith.constant 0 : i32
    %cond3A_1 = arith.cmpi ne, %convert_element_type3A, %cond3A : i32
    scf.if %cond3A_1 {
      %iota3A = tpu.iota {dimensions = array<i32: 0>} : vector<16xi32>
      "tpu.region"() ({
        %run_scoped3A = tpu.sem_alloc : memref<!tpu.dma_semaphore, #tpu.memory_space<semaphore_mem>>
        tpu.enqueue_dma source(%arg3 : memref<960xi32, #tpu.memory_space<hbm>>) target(%arg9 : memref<960xi32, #tpu.memory_space<vmem>>) target_semaphore(%run_scoped3A : memref<!tpu.dma_semaphore, #tpu.memory_space<semaphore_mem>>)
        tpu.wait_dma2 semaphore(%run_scoped3A : memref<!tpu.dma_semaphore, #tpu.memory_space<semaphore_mem>>) src(%arg3 : memref<960xi32, #tpu.memory_space<hbm>>) dst(%arg9 : memref<960xi32, #tpu.memory_space<vmem>>)
        tpu.yield
      }) : () -> ()
      %mul3A = arith.constant 4 : i32
      %mul3A_2 = arith.muli %arg1, %mul3A : i32
      %get3A = arith.constant 0 : index
      %get3A_3 = tpu.vector_load %arg9[%get3A] {strides = array<i32>} : memref<960xi32, #tpu.memory_space<vmem>>, vector<16xi32>,
      %add3A = vector.broadcast %mul3A_2 : i32 to vector<16xi32>
      %add3A_4 = arith.addi %get3A_3, %add3A : vector<16xi32>
      %swap3A = arith.constant 0 : i32
      %swap3A_5 = arith.index_cast %swap3A : i32 to index
      %swap3A_6 = arith.constant 0 : index
      %swap3A_7 = tpu.vector_load %arg7[%swap3A_5, %swap3A_6] {strides = array<i32>} : memref<2x128xi32, #tpu.memory_space<vmem>>, vector<16xi32>,
      tpu.vector_store %arg7[%swap3A_5, %swap3A_6], %add3A_4 {strides = array<i32>} : memref<2x128xi32, #tpu.memory_space<vmem>>, vector<16xi32>,
      %get3A_8 = arith.constant 16 : index
      %get3A_9 = tpu.vector_load %arg9[%get3A_8] {strides = array<i32>} : memref<960xi32, #tpu.memory_space<vmem>>, vector<16xi32>,
      %add3A_10 = vector.broadcast %mul3A_2 : i32 to vector<16xi32>
      %add3A_11 = arith.addi %get3A_9, %add3A_10 : vector<16xi32>
      %swap3A_12 = arith.constant 0 : i32
      %swap3A_13 = arith.index_cast %swap3A_12 : i32 to index
      %swap3A_14 = arith.constant 16 : index
      %swap3A_15 = tpu.vector_load %arg7[%swap3A_13, %swap3A_14] {strides = array<i32>} : memref<2x128xi32, #tpu.memory_space<vmem>>, vector<16xi32>,
      tpu.vector_store %arg7[%swap3A_13, %swap3A_14], %add3A_11 {strides = array<i32>} : memref<2x128xi32, #tpu.memory_space<vmem>>, vector<16xi32>,
      %get3A_16 = arith.constant 32 : index
      %get3A_17 = tpu.vector_load %arg9[%get3A_16] {strides = array<i32>} : memref<960xi32, #tpu.memory_space<vmem>>, vector<16xi32>,
      %add3A_18 = vector.broadcast %mul3A_2 : i32 to vector<16xi32>
      %add3A_19 = arith.addi %get3A_17, %add3A_18 : vector<16xi32>
      %swap3A_20 = arith.constant 0 : i32
      %swap3A_21 = arith.index_cast %swap3A_20 : i32 to index
      %swap3A_22 = arith.constant 32 : index
      %swap3A_23 = tpu.vector_load %arg7[%swap3A_21, %swap3A_22] {strides = array<i32>} : memref<2x128xi32, #tpu.memory_space<vmem>>, vector<16xi32>,
      tpu.vector_store %arg7[%swap3A_21, %swap3A_22], %add3A_19 {strides = array<i32>} : memref<2x128xi32, #tpu.memory_space<vmem>>, vector<16xi32>,
      %get3A_24 = arith.constant 48 : index
      %get3A_25 = tpu.vector_load %arg9[%get3A_24] {strides = array<i32>} : memref<960xi32, #tpu.memory_space<vmem>>, vector<16xi32>,
      %add3A_26 = vector.broadcast %mul3A_2 : i32 to vector<16xi32>
      %add3A_27 = arith.addi %get3A_25, %add3A_26 : vector<16xi32>
      %swap3A_28 = arith.constant 0 : i32
      %swap3A_29 = arith.index_cast %swap3A_28 : i32 to index
      %swap3A_30 = arith.constant 48 : index
      %swap3A_31 = tpu.vector_load %arg7[%swap3A_29, %swap3A_30] {strides = array<i32>} : memref<2x128xi32, #tpu.memory_space<vmem>>, vector<16xi32>,
      tpu.vector_store %arg7[%swap3A_29, %swap3A_30], %add3A_27 {strides = array<i32>} : memref<2x128xi32, #tpu.memory_space<vmem>>, vector<16xi32>,
      %get3A_32 = arith.constant 64 : index
      %get3A_33 = tpu.vector_load %arg9[%get3A_32] {strides = array<i32>} : memref<960xi32, #tpu.memory_space<vmem>>, vector<16xi32>,
      %add3A_34 = vector.broadcast %mul3A_2 : i32 to vector<16xi32>
      %add3A_35 = arith.addi %get3A_33, %add3A_34 : vector<16xi32>
      %swap3A_36 = arith.constant 0 : i32
      %swap3A_37 = arith.index_cast %swap3A_36 : i32 to index
      %swap3A_38 = arith.constant 64 : index
      %swap3A_39 = tpu.vector_load %arg7[%swap3A_37, %swap3A_38] {strides = array<i32>} : memref<2x128xi32, #tpu.memory_space<vmem>>, vector<16xi32>,
      tpu.vector_store %arg7[%swap3A_37, %swap3A_38], %add3A_35 {strides = array<i32>} : memref<2x128xi32, #tpu.memory_space<vmem>>, vector<16xi32>,
      %get3A_40 = arith.constant 80 : index
      %get3A_41 = tpu.vector_load %arg9[%get3A_40] {strides = array<i32>} : memref<960xi32, #tpu.memory_space<vmem>>, vector<16xi32>,
      %add3A_42 = vector.broadcast %mul3A_2 : i32 to vector<16xi32>
      %add3A_43 = arith.addi %get3A_41, %add3A_42 : vector<16xi32>
      %swap3A_44 = arith.constant 0 : i32
      %swap3A_45 = arith.index_cast %swap3A_44 : i32 to index
      %swap3A_46 = arith.constant 80 : index
      %swap3A_47 = tpu.vector_load %arg7[%swap3A_45, %swap3A_46] {strides = array<i32>} : memref<2x128xi32, #tpu.memory_space<vmem>>, vector<16xi32>,
      tpu.vector_store %arg7[%swap3A_45, %swap3A_46], %add3A_43 {strides = array<i32>} : memref<2x128xi32, #tpu.memory_space<vmem>>, vector<16xi32>,
      %get3A_48 = arith.constant 96 : index
      %get3A_49 = tpu.vector_load %arg9[%get3A_48] {strides = array<i32>} : memref<960xi32, #tpu.memory_space<vmem>>, vector<16xi32>,
      %add3A_50 = vector.broadcast %mul3A_2 : i32 to vector<16xi32>
      %add3A_51 = arith.addi %get3A_49, %add3A_50 : vector<16xi32>
      %swap3A_52 = arith.constant 0 : i32
      %swap3A_53 = arith.index_cast %swap3A_52 : i32 to index
      %swap3A_54 = arith.constant 96 : index
      %swap3A_55 = tpu.vector_load %arg7[%swap3A_53, %swap3A_54] {strides = array<i32>} : memref<2x128xi32, #tpu.memory_space<vmem>>, vector<16xi32>,
      tpu.vector_store %arg7[%swap3A_53, %swap3A_54], %add3A_51 {strides = array<i32>} : memref<2x128xi32, #tpu.memory_space<vmem>>, vector<16xi32>,
      %get3A_56 = arith.constant 112 : index
      %get3A_57 = tpu.vector_load %arg9[%get3A_56] {strides = array<i32>} : memref<960xi32, #tpu.memory_space<vmem>>, vector<16xi32>,
      %add3A_58 = vector.broadcast %mul3A_2 : i32 to vector<16xi32>
      %add3A_59 = arith.addi %get3A_57, %add3A_58 : vector<16xi32>
      %swap3A_60 = arith.constant 0 : i32
      %swap3A_61 = arith.index_cast %swap3A_60 : i32 to index
      %swap3A_62 = arith.constant 112 : index
      %swap3A_63 = tpu.vector_load %arg7[%swap3A_61, %swap3A_62] {strides = array<i32>} : memref<2x128xi32, #tpu.memory_space<vmem>>, vector<16xi32>,
      tpu.vector_store %arg7[%swap3A_61, %swap3A_62], %add3A_59 {strides = array<i32>} : memref<2x128xi32, #tpu.memory_space<vmem>>, vector<16xi32>,
      %get3A_64 = arith.constant 128 : index
      %get3A_65 = tpu.vector_load %arg9[%get3A_64] {strides = array<i32>} : memref<960xi32, #tpu.memory_space<vmem>>, vector<16xi32>,
      %add3A_66 = vector.broadcast %mul3A_2 : i32 to vector<16xi32>
      %add3A_67 = arith.addi %get3A_65, %add3A_66 : vector<16xi32>
      %swap3A_68 = arith.constant 0 : i32
      %swap3A_69 = arith.index_cast %swap3A_68 : i32 to index
      %swap3A_70 = arith.constant 0 : index
      %swap3A_71 = tpu.vector_load %arg8[%swap3A_69, %swap3A_70] {strides = array<i32>} : memref<2x64xi32, #tpu.memory_space<vmem>>, vector<16xi32>,
      tpu.vector_store %arg8[%swap3A_69, %swap3A_70], %add3A_67 {strides = array<i32>} : memref<2x64xi32, #tpu.memory_space<vmem>>, vector<16xi32>,
      %get3A_72 = arith.constant 144 : index
      %get3A_73 = tpu.vector_load %arg9[%get3A_72] {strides = array<i32>} : memref<960xi32, #tpu.memory_space<vmem>>, vector<16xi32>,
      %add3A_74 = vector.broadcast %mul3A_2 : i32 to vector<16xi32>
      %add3A_75 = arith.addi %get3A_73, %add3A_74 : vector<16xi32>
      %swap3A_76 = arith.constant 0 : i32
      %swap3A_77 = arith.index_cast %swap3A_76 : i32 to index
      %swap3A_78 = arith.constant 16 : index
      %swap3A_79 = tpu.vector_load %arg8[%swap3A_77, %swap3A_78] {strides = array<i32>} : memref<2x64xi32, #tpu.memory_space<vmem>>, vector<16xi32>,
      tpu.vector_store %arg8[%swap3A_77, %swap3A_78], %add3A_75 {strides = array<i32>} : memref<2x64xi32, #tpu.memory_space<vmem>>, vector<16xi32>,
      %get3A_80 = arith.constant 160 : index
      %get3A_81 = tpu.vector_load %arg9[%get3A_80] {strides = array<i32>} : memref<960xi32, #tpu.memory_space<vmem>>, vector<16xi32>,
      %add3A_82 = vector.broadcast %mul3A_2 : i32 to vector<16xi32>
      %add3A_83 = arith.addi %get3A_81, %add3A_82 : vector<16xi32>
      %swap3A_84 = arith.constant 0 : i32
      %swap3A_85 = arith.index_cast %swap3A_84 : i32 to index
      %swap3A_86 = arith.constant 32 : index
      %swap3A_87 = tpu.vector_load %arg8[%swap3A_85, %swap3A_86] {strides = array<i32>} : memref<2x64xi32, #tpu.memory_space<vmem>>, vector<16xi32>,
      tpu.vector_store %arg8[%swap3A_85, %swap3A_86], %add3A_83 {strides = array<i32>} : memref<2x64xi32, #tpu.memory_space<vmem>>, vector<16xi32>,
      %get3A_88 = arith.constant 176 : index
      %get3A_89 = tpu.vector_load %arg9[%get3A_88] {strides = array<i32>} : memref<960xi32, #tpu.memory_space<vmem>>, vector<16xi32>,
      %add3A_90 = vector.broadcast %mul3A_2 : i32 to vector<16xi32>
      %add3A_91 = arith.addi %get3A_89, %add3A_90 : vector<16xi32>
      %swap3A_92 = arith.constant 0 : i32
      %swap3A_93 = arith.index_cast %swap3A_92 : i32 to index
      %swap3A_94 = arith.constant 48 : index
      %swap3A_95 = tpu.vector_load %arg8[%swap3A_93, %swap3A_94] {strides = array<i32>} : memref<2x64xi32, #tpu.memory_space<vmem>>, vector<16xi32>,
      tpu.vector_store %arg8[%swap3A_93, %swap3A_94], %add3A_91 {strides = array<i32>} : memref<2x64xi32, #tpu.memory_space<vmem>>, vector<16xi32>,
      %dma_start3A = arith.constant 0 : i32
      %dma_start3A_96 = arith.constant 0 : i32
      %dma_start3A_97 = arith.constant 0 : i32
      %dma_start3A_98 = arith.constant 0 : i32
      %dma_start3A_99 = tpu.memref_slice %arg6[%dma_start3A_96, %dma_start3A_97, %dma_start3A_98] : memref<2x192x128xf32, #tpu.memory_space<vmem>> -> memref<1x128x128xf32, #tpu.memory_space<vmem>>
      %dma_start3A_100 = tpu.memref_squeeze %dma_start3A_99 : memref<1x128x128xf32, #tpu.memory_space<vmem>> -> memref<128x128xf32, #tpu.memory_space<vmem>>
      %dma_start3A_101 = arith.constant 0 : i32
      %dma_start3A_102 = tpu.memref_slice %arg7[%dma_start3A, %dma_start3A_101] : memref<2x128xi32, #tpu.memory_space<vmem>> -> memref<1x128xi32, #tpu.memory_space<vmem>>
      %dma_start3A_103 = tpu.memref_squeeze %dma_start3A_102 : memref<1x128xi32, #tpu.memory_space<vmem>> -> memref<128xi32, #tpu.memory_space<vmem>>
      %dma_start3A_104 = arith.constant 0 : i32
      %dma_start3A_105 = arith.constant 0 : i32
      %dma_start3A_106 = tpu.memref_slice %arg2[%dma_start3A_104, %dma_start3A_105] : memref<34752x128xf32, #tpu.memory_space<hbm>> -> memref<34752x128xf32, #tpu.memory_space<hbm>>
      tpu.enqueue_indirect_dma source(%dma_start3A_106 : memref<34752x128xf32, #tpu.memory_space<hbm>>) target(%dma_start3A_100 : memref<128x128xf32, #tpu.memory_space<vmem>>) offsets(%dma_start3A_103 : memref<128xi32, #tpu.memory_space<vmem>>) semaphore(%arg29 : memref<!tpu.dma_semaphore, #tpu.memory_space<semaphore_mem>>)
      %dma_start3A_107 = arith.constant 0 : i32
      %dma_start3A_108 = arith.constant 0 : i32
      %dma_start3A_109 = arith.constant 128 : i32
      %dma_start3A_110 = arith.constant 0 : i32
      %dma_start3A_111 = tpu.memref_slice %arg6[%dma_start3A_108, %dma_start3A_109, %dma_start3A_110] : memref<2x192x128xf32, #tpu.memory_space<vmem>> -> memref<1x64x128xf32, #tpu.memory_space<vmem>>
      %dma_start3A_112 = tpu.memref_squeeze %dma_start3A_111 : memref<1x64x128xf32, #tpu.memory_space<vmem>> -> memref<64x128xf32, #tpu.memory_space<vmem>>
      %dma_start3A_113 = arith.constant 0 : i32
      %dma_start3A_114 = tpu.memref_slice %arg8[%dma_start3A_107, %dma_start3A_113] : memref<2x64xi32, #tpu.memory_space<vmem>> -> memref<1x64xi32, #tpu.memory_space<vmem>>
      %dma_start3A_115 = tpu.memref_squeeze %dma_start3A_114 : memref<1x64xi32, #tpu.memory_space<vmem>> -> memref<64xi32, #tpu.memory_space<vmem>>
      %dma_start3A_116 = arith.constant 0 : i32
      %dma_start3A_117 = arith.constant 0 : i32
      %dma_start3A_118 = tpu.memref_slice %arg2[%dma_start3A_116, %dma_start3A_117] : memref<34752x128xf32, #tpu.memory_space<hbm>> -> memref<34752x128xf32, #tpu.memory_space<hbm>>
      tpu.enqueue_indirect_dma source(%dma_start3A_118 : memref<34752x128xf32, #tpu.memory_space<hbm>>) target(%dma_start3A_112 : memref<64x128xf32, #tpu.memory_space<vmem>>) offsets(%dma_start3A_115 : memref<64xi32, #tpu.memory_space<vmem>>) semaphore(%arg29 : memref<!tpu.dma_semaphore, #tpu.memory_space<semaphore_mem>>)
      %dma_wait3A = arith.constant 0 : i32
      %dma_wait3A_119 = arith.constant 0 : i32
      %dma_wait3A_120 = arith.constant 0 : i32
      %dma_wait3A_121 = arith.constant 0 : i32
      %dma_wait3A_122 = tpu.memref_slice %arg6[%dma_wait3A_119, %dma_wait3A_120, %dma_wait3A_121] : memref<2x192x128xf32, #tpu.memory_space<vmem>> -> memref<1x128x128xf32, #tpu.memory_space<vmem>>
      %dma_wait3A_123 = tpu.memref_squeeze %dma_wait3A_122 : memref<1x128x128xf32, #tpu.memory_space<vmem>> -> memref<128x128xf32, #tpu.memory_space<vmem>>
      %dma_wait3A_124 = arith.constant 0 : i32
      %dma_wait3A_125 = tpu.memref_slice %arg7[%dma_wait3A, %dma_wait3A_124] : memref<2x128xi32, #tpu.memory_space<vmem>> -> memref<1x128xi32, #tpu.memory_space<vmem>>
      %dma_wait3A_126 = tpu.memref_squeeze %dma_wait3A_125 : memref<1x128xi32, #tpu.memory_space<vmem>> -> memref<128xi32, #tpu.memory_space<vmem>>
      %dma_wait3A_127 = arith.constant 0 : i32
      %dma_wait3A_128 = arith.constant 0 : i32
      %dma_wait3A_129 = tpu.memref_slice %arg2[%dma_wait3A_127, %dma_wait3A_128] : memref<34752x128xf32, #tpu.memory_space<hbm>> -> memref<34752x128xf32, #tpu.memory_space<hbm>>
      tpu.wait_indirect_dma semaphore(%arg29 : memref<!tpu.dma_semaphore, #tpu.memory_space<semaphore_mem>>) src(%dma_wait3A_129 : memref<34752x128xf32, #tpu.memory_space<hbm>>) dst(%dma_wait3A_123 : memref<128x128xf32, #tpu.memory_space<vmem>>)
      %dma_wait3A_130 = arith.constant 0 : i32
      %dma_wait3A_131 = arith.constant 0 : i32
      %dma_wait3A_132 = arith.constant 128 : i32
      %dma_wait3A_133 = arith.constant 0 : i32
      %dma_wait3A_134 = tpu.memref_slice %arg6[%dma_wait3A_131, %dma_wait3A_132, %dma_wait3A_133] : memref<2x192x128xf32, #tpu.memory_space<vmem>> -> memref<1x64x128xf32, #tpu.memory_space<vmem>>
      %dma_wait3A_135 = tpu.memref_squeeze %dma_wait3A_134 : memref<1x64x128xf32, #tpu.memory_space<vmem>> -> memref<64x128xf32, #tpu.memory_space<vmem>>
      %dma_wait3A_136 = arith.constant 0 : i32
      %dma_wait3A_137 = tpu.memref_slice %arg8[%dma_wait3A_130, %dma_wait3A_136] : memref<2x64xi32, #tpu.memory_space<vmem>> -> memref<1x64xi32, #tpu.memory_space<vmem>>
      %dma_wait3A_138 = tpu.memref_squeeze %dma_wait3A_137 : memref<1x64xi32, #tpu.memory_space<vmem>> -> memref<64xi32, #tpu.memory_space<vmem>>
      %dma_wait3A_139 = arith.constant 0 : i32
      %dma_wait3A_140 = arith.constant 0 : i32
      %dma_wait3A_141 = tpu.memref_slice %arg2[%dma_wait3A_139, %dma_wait3A_140] : memref<34752x128xf32, #tpu.memory_space<hbm>> -> memref<34752x128xf32, #tpu.memory_space<hbm>>
      tpu.wait_indirect_dma semaphore(%arg29 : memref<!tpu.dma_semaphore, #tpu.memory_space<semaphore_mem>>) src(%dma_wait3A_141 : memref<34752x128xf32, #tpu.memory_space<hbm>>) dst(%dma_wait3A_135 : memref<64x128xf32, #tpu.memory_space<vmem>>)
      %broadcast_in_dim3A = arith.constant 0 : i32
      %broadcast_in_dim3A_142 = vector.broadcast %broadcast_in_dim3A : i32 to vector<16xi32>
      %broadcast_in_dim3A_143 = arith.constant 0 : i32
      %broadcast_in_dim3A_144 = vector.broadcast %broadcast_in_dim3A_143 : i32 to vector<16xi32>
      %broadcast_in_dim3A_145 = arith.constant 0 : i32
      %broadcast_in_dim3A_146 = vector.broadcast %broadcast_in_dim3A_145 : i32 to vector<16xi32>
      %broadcast_in_dim3A_147 = arith.constant 0 : i32
      %broadcast_in_dim3A_148 = vector.broadcast %broadcast_in_dim3A_147 : i32 to vector<16xi32>
      %scan3A = arith.constant 0 : i32
      %scan3A_149 = arith.constant 21 : i32
      %scan3A_150 = arith.addi %scan3A, %scan3A_149 : i32
      %scan3A_151 = arith.constant 1 : i32
      %scan3A_152:2 = scf.for %scan3A_2042 = %scan3A to %scan3A_150 step %scan3A_151 iter_args(%scan3A_2043 = %broadcast_in_dim3A_146, %scan3A_2044 = %broadcast_in_dim3A_148) -> (vector<16xi32>, vector<16xi32>)  : i32 {
        %mul3A_2045 = arith.constant 4 : i32
        %mul3A_2046 = arith.muli %scan3A_2042, %mul3A_2045 : i32
        %add3A_2047 = arith.constant 0 : i32
        %add3A_2048 = arith.addi %mul3A_2046, %add3A_2047 : i32
        %get3A_2049 = arith.constant 0 : i32
        %get3A_2050 = arith.index_cast %get3A_2049 : i32 to index
        %get3A_2051 = arith.index_cast %add3A_2048 : i32 to index
        %get3A_2052 = arith.constant 0 : index
        %get3A_2053 = tpu.vector_load %arg6[%get3A_2050, %get3A_2051, %get3A_2052] {strides = array<i32>} : memref<2x192x128xf32, #tpu.memory_space<vmem>>, vector<16xf32>,
        %add3A_2054 = arith.constant 1 : i32
        %add3A_2055 = arith.addi %add3A_2048, %add3A_2054 : i32
        %get3A_2056 = arith.constant 0 : i32
        %get3A_2057 = arith.index_cast %get3A_2056 : i32 to index
        %get3A_2058 = arith.index_cast %add3A_2055 : i32 to index
        %get3A_2059 = arith.constant 0 : index
        %get3A_2060 = tpu.vector_load %arg6[%get3A_2057, %get3A_2058, %get3A_2059] {strides = array<i32>} : memref<2x192x128xf32, #tpu.memory_space<vmem>>, vector<16xf32>,
        %add3A_2061 = arith.constant 84 : i32
        %add3A_2062 = arith.addi %add3A_2048, %add3A_2061 : i32
        %get3A_2063 = arith.constant 0 : i32
        %get3A_2064 = arith.index_cast %get3A_2063 : i32 to index
        %get3A_2065 = arith.index_cast %add3A_2062 : i32 to index
        %get3A_2066 = arith.constant 0 : index
        %get3A_2067 = tpu.vector_load %arg6[%get3A_2064, %get3A_2065, %get3A_2066] {strides = array<i32>} : memref<2x192x128xf32, #tpu.memory_space<vmem>>, vector<16xf32>,
        %add3A_2068 = arith.constant 85 : i32
        %add3A_2069 = arith.addi %add3A_2048, %add3A_2068 : i32
        %get3A_2070 = arith.constant 0 : i32
        %get3A_2071 = arith.index_cast %get3A_2070 : i32 to index
        %get3A_2072 = arith.index_cast %add3A_2069 : i32 to index
        %get3A_2073 = arith.constant 0 : index
        %get3A_2074 = tpu.vector_load %arg6[%get3A_2071, %get3A_2072, %get3A_2073] {strides = array<i32>} : memref<2x192x128xf32, #tpu.memory_space<vmem>>, vector<16xf32>,
        %ne3A_2075 = arith.cmpf one, %get3A_2053, %get3A_2053 : vector<16xf32>
        %convert_element_type3A_2076 = arith.extui %ne3A_2075 : vector<16xi1> to vector<16xi32>
        %add3A_2077 = arith.addi %scan3A_2043, %convert_element_type3A_2076 : vector<16xi32>
        %ne3A_2078 = arith.cmpf one, %get3A_2060, %get3A_2060 : vector<16xf32>
        %convert_element_type3A_2079 = arith.extui %ne3A_2078 : vector<16xi1> to vector<16xi32>
        %add3A_2080 = arith.addi %add3A_2077, %convert_element_type3A_2079 : vector<16xi32>
        %ne3A_2081 = arith.cmpf one, %get3A_2067, %get3A_2067 : vector<16xf32>
        %convert_element_type3A_2082 = arith.extui %ne3A_2081 : vector<16xi1> to vector<16xi32>
        %add3A_2083 = arith.addi %scan3A_2044, %convert_element_type3A_2082 : vector<16xi32>
        %ne3A_2084 = arith.cmpf one, %get3A_2074, %get3A_2074 : vector<16xf32>
        %convert_element_type3A_2085 = arith.extui %ne3A_2084 : vector<16xi1> to vector<16xi32>
        %add3A_2086 = arith.addi %add3A_2083, %convert_element_type3A_2085 : vector<16xi32>
        scf.yield %add3A_2080, %add3A_2086 : vector<16xi32>, vector<16xi32>
      }
      %scan3A_153 = arith.constant 21 : i32
      %swap3A_154 = arith.constant 0 : index
      %swap3A_155 = tpu.vector_load %arg10[%swap3A_154] {strides = array<i32>} : memref<256xi32, #tpu.memory_space<vmem>>, vector<16xi32>,
      tpu.vector_store %arg10[%swap3A_154], %scan3A_152#0 {strides = array<i32>} : memref<256xi32, #tpu.memory_space<vmem>>, vector<16xi32>,
      %swap3A_156 = arith.constant 0 : index
      %swap3A_157 = tpu.vector_load %arg11[%swap3A_156] {strides = array<i32>} : memref<256xi32, #tpu.memory_space<vmem>>, vector<16xi32>,
      tpu.vector_store %arg11[%swap3A_156], %scan3A_152#1 {strides = array<i32>} : memref<256xi32, #tpu.memory_space<vmem>>, vector<16xi32>,
      %add3A_158 = arith.addi %broadcast_in_dim3A_142, %scan3A_152#0 : vector<16xi32>
      %add3A_159 = arith.addi %broadcast_in_dim3A_144, %scan3A_152#1 : vector<16xi32>
      %broadcast_in_dim3A_160 = arith.constant 0 : i32
      %broadcast_in_dim3A_161 = vector.broadcast %broadcast_in_dim3A_160 : i32 to vector<16xi32>
      %broadcast_in_dim3A_162 = arith.constant 0 : i32
      %broadcast_in_dim3A_163 = vector.broadcast %broadcast_in_dim3A_162 : i32 to vector<16xi32>
      %scan3A_164 = arith.constant 0 : i32
      %scan3A_165 = arith.constant 21 : i32
      %scan3A_166 = arith.addi %scan3A_164, %scan3A_165 : i32
      %scan3A_167 = arith.constant 1 : i32
      %scan3A_168:2 = scf.for %scan3A_2042 = %scan3A_164 to %scan3A_166 step %scan3A_167 iter_args(%scan3A_2043 = %broadcast_in_dim3A_161, %scan3A_2044 = %broadcast_in_dim3A_163) -> (vector<16xi32>, vector<16xi32>)  : i32 {
        %mul3A_2045 = arith.constant 4 : i32
        %mul3A_2046 = arith.muli %scan3A_2042, %mul3A_2045 : i32
        %add3A_2047 = arith.constant 0 : i32
        %add3A_2048 = arith.addi %mul3A_2046, %add3A_2047 : i32
        %get3A_2049 = arith.constant 0 : i32
        %get3A_2050 = arith.index_cast %get3A_2049 : i32 to index
        %get3A_2051 = arith.index_cast %add3A_2048 : i32 to index
        %get3A_2052 = arith.constant 16 : index
        %get3A_2053 = tpu.vector_load %arg6[%get3A_2050, %get3A_2051, %get3A_2052] {strides = array<i32>} : memref<2x192x128xf32, #tpu.memory_space<vmem>>, vector<16xf32>,
        %add3A_2054 = arith.constant 1 : i32
        %add3A_2055 = arith.addi %add3A_2048, %add3A_2054 : i32
        %get3A_2056 = arith.constant 0 : i32
        %get3A_2057 = arith.index_cast %get3A_2056 : i32 to index
        %get3A_2058 = arith.index_cast %add3A_2055 : i32 to index
        %get3A_2059 = arith.constant 16 : index
        %get3A_2060 = tpu.vector_load %arg6[%get3A_2057, %get3A_2058, %get3A_2059] {strides = array<i32>} : memref<2x192x128xf32, #tpu.memory_space<vmem>>, vector<16xf32>,
        %add3A_2061 = arith.constant 84 : i32
        %add3A_2062 = arith.addi %add3A_2048, %add3A_2061 : i32
        %get3A_2063 = arith.constant 0 : i32
        %get3A_2064 = arith.index_cast %get3A_2063 : i32 to index
        %get3A_2065 = arith.index_cast %add3A_2062 : i32 to index
        %get3A_2066 = arith.constant 16 : index
        %get3A_2067 = tpu.vector_load %arg6[%get3A_2064, %get3A_2065, %get3A_2066] {strides = array<i32>} : memref<2x192x128xf32, #tpu.memory_space<vmem>>, vector<16xf32>,
        %add3A_2068 = arith.constant 85 : i32
        %add3A_2069 = arith.addi %add3A_2048, %add3A_2068 : i32
        %get3A_2070 = arith.constant 0 : i32
        %get3A_2071 = arith.index_cast %get3A_2070 : i32 to index
        %get3A_2072 = arith.index_cast %add3A_2069 : i32 to index
        %get3A_2073 = arith.constant 16 : index
        %get3A_2074 = tpu.vector_load %arg6[%get3A_2071, %get3A_2072, %get3A_2073] {strides = array<i32>} : memref<2x192x128xf32, #tpu.memory_space<vmem>>, vector<16xf32>,
        %ne3A_2075 = arith.cmpf one, %get3A_2053, %get3A_2053 : vector<16xf32>
        %convert_element_type3A_2076 = arith.extui %ne3A_2075 : vector<16xi1> to vector<16xi32>
        %add3A_2077 = arith.addi %scan3A_2043, %convert_element_type3A_2076 : vector<16xi32>
        %ne3A_2078 = arith.cmpf one, %get3A_2060, %get3A_2060 : vector<16xf32>
        %convert_element_type3A_2079 = arith.extui %ne3A_2078 : vector<16xi1> to vector<16xi32>
        %add3A_2080 = arith.addi %add3A_2077, %convert_element_type3A_2079 : vector<16xi32>
        %ne3A_2081 = arith.cmpf one, %get3A_2067, %get3A_2067 : vector<16xf32>
        %convert_element_type3A_2082 = arith.extui %ne3A_2081 : vector<16xi1> to vector<16xi32>
        %add3A_2083 = arith.addi %scan3A_2044, %convert_element_type3A_2082 : vector<16xi32>
        %ne3A_2084 = arith.cmpf one, %get3A_2074, %get3A_2074 : vector<16xf32>
        %convert_element_type3A_2085 = arith.extui %ne3A_2084 : vector<16xi1> to vector<16xi32>
        %add3A_2086 = arith.addi %add3A_2083, %convert_element_type3A_2085 : vector<16xi32>
        scf.yield %add3A_2080, %add3A_2086 : vector<16xi32>, vector<16xi32>
      }
      %scan3A_169 = arith.constant 21 : i32
      %swap3A_170 = arith.constant 16 : index
      %swap3A_171 = tpu.vector_load %arg10[%swap3A_170] {strides = array<i32>} : memref<256xi32, #tpu.memory_space<vmem>>, vector<16xi32>,
      tpu.vector_store %arg10[%swap3A_170], %scan3A_168#0 {strides = array<i32>} : memref<256xi32, #tpu.memory_space<vmem>>, vector<16xi32>,
      %swap3A_172 = arith.constant 16 : index
      %swap3A_173 = tpu.vector_load %arg11[%swap3A_172] {strides = array<i32>} : memref<256xi32, #tpu.memory_space<vmem>>, vector<16xi32>,
      tpu.vector_store %arg11[%swap3A_172], %scan3A_168#1 {strides = array<i32>} : memref<256xi32, #tpu.memory_space<vmem>>, vector<16xi32>,
      %add3A_174 = arith.addi %add3A_158, %scan3A_168#0 : vector<16xi32>
      %add3A_175 = arith.addi %add3A_159, %scan3A_168#1 : vector<16xi32>
      %broadcast_in_dim3A_176 = arith.constant 0 : i32
      %broadcast_in_dim3A_177 = vector.broadcast %broadcast_in_dim3A_176 : i32 to vector<16xi32>
      %broadcast_in_dim3A_178 = arith.constant 0 : i32
      %broadcast_in_dim3A_179 = vector.broadcast %broadcast_in_dim3A_178 : i32 to vector<16xi32>
      %scan3A_180 = arith.constant 0 : i32
      %scan3A_181 = arith.constant 21 : i32
      %scan3A_182 = arith.addi %scan3A_180, %scan3A_181 : i32
      %scan3A_183 = arith.constant 1 : i32
      %scan3A_184:2 = scf.for %scan3A_2042 = %scan3A_180 to %scan3A_182 step %scan3A_183 iter_args(%scan3A_2043 = %broadcast_in_dim3A_177, %scan3A_2044 = %broadcast_in_dim3A_179) -> (vector<16xi32>, vector<16xi32>)  : i32 {
        %mul3A_2045 = arith.constant 4 : i32
        %mul3A_2046 = arith.muli %scan3A_2042, %mul3A_2045 : i32
        %add3A_2047 = arith.constant 0 : i32
        %add3A_2048 = arith.addi %mul3A_2046, %add3A_2047 : i32
        %get3A_2049 = arith.constant 0 : i32
        %get3A_2050 = arith.index_cast %get3A_2049 : i32 to index
        %get3A_2051 = arith.index_cast %add3A_2048 : i32 to index
        %get3A_2052 = arith.constant 32 : index
        %get3A_2053 = tpu.vector_load %arg6[%get3A_2050, %get3A_2051, %get3A_2052] {strides = array<i32>} : memref<2x192x128xf32, #tpu.memory_space<vmem>>, vector<16xf32>,
        %add3A_2054 = arith.constant 1 : i32
        %add3A_2055 = arith.addi %add3A_2048, %add3A_2054 : i32
        %get3A_2056 = arith.constant 0 : i32
        %get3A_2057 = arith.index_cast %get3A_2056 : i32 to index
        %get3A_2058 = arith.index_cast %add3A_2055 : i32 to index
        %get3A_2059 = arith.constant 32 : index
        %get3A_2060 = tpu.vector_load %arg6[%get3A_2057, %get3A_2058, %get3A_2059] {strides = array<i32>} : memref<2x192x128xf32, #tpu.memory_space<vmem>>, vector<16xf32>,
        %add3A_2061 = arith.constant 84 : i32
        %add3A_2062 = arith.addi %add3A_2048, %add3A_2061 : i32
        %get3A_2063 = arith.constant 0 : i32
        %get3A_2064 = arith.index_cast %get3A_2063 : i32 to index
        %get3A_2065 = arith.index_cast %add3A_2062 : i32 to index
        %get3A_2066 = arith.constant 32 : index
        %get3A_2067 = tpu.vector_load %arg6[%get3A_2064, %get3A_2065, %get3A_2066] {strides = array<i32>} : memref<2x192x128xf32, #tpu.memory_space<vmem>>, vector<16xf32>,
        %add3A_2068 = arith.constant 85 : i32
        %add3A_2069 = arith.addi %add3A_2048, %add3A_2068 : i32
        %get3A_2070 = arith.constant 0 : i32
        %get3A_2071 = arith.index_cast %get3A_2070 : i32 to index
        %get3A_2072 = arith.index_cast %add3A_2069 : i32 to index
        %get3A_2073 = arith.constant 32 : index
        %get3A_2074 = tpu.vector_load %arg6[%get3A_2071, %get3A_2072, %get3A_2073] {strides = array<i32>} : memref<2x192x128xf32, #tpu.memory_space<vmem>>, vector<16xf32>,
        %ne3A_2075 = arith.cmpf one, %get3A_2053, %get3A_2053 : vector<16xf32>
        %convert_element_type3A_2076 = arith.extui %ne3A_2075 : vector<16xi1> to vector<16xi32>
        %add3A_2077 = arith.addi %scan3A_2043, %convert_element_type3A_2076 : vector<16xi32>
        %ne3A_2078 = arith.cmpf one, %get3A_2060, %get3A_2060 : vector<16xf32>
        %convert_element_type3A_2079 = arith.extui %ne3A_2078 : vector<16xi1> to vector<16xi32>
        %add3A_2080 = arith.addi %add3A_2077, %convert_element_type3A_2079 : vector<16xi32>
        %ne3A_2081 = arith.cmpf one, %get3A_2067, %get3A_2067 : vector<16xf32>
        %convert_element_type3A_2082 = arith.extui %ne3A_2081 : vector<16xi1> to vector<16xi32>
        %add3A_2083 = arith.addi %scan3A_2044, %convert_element_type3A_2082 : vector<16xi32>
        %ne3A_2084 = arith.cmpf one, %get3A_2074, %get3A_2074 : vector<16xf32>
        %convert_element_type3A_2085 = arith.extui %ne3A_2084 : vector<16xi1> to vector<16xi32>
        %add3A_2086 = arith.addi %add3A_2083, %convert_element_type3A_2085 : vector<16xi32>
        scf.yield %add3A_2080, %add3A_2086 : vector<16xi32>, vector<16xi32>
      }
      %scan3A_185 = arith.constant 21 : i32
      %swap3A_186 = arith.constant 32 : index
      %swap3A_187 = tpu.vector_load %arg10[%swap3A_186] {strides = array<i32>} : memref<256xi32, #tpu.memory_space<vmem>>, vector<16xi32>,
      tpu.vector_store %arg10[%swap3A_186], %scan3A_184#0 {strides = array<i32>} : memref<256xi32, #tpu.memory_space<vmem>>, vector<16xi32>,
      %swap3A_188 = arith.constant 32 : index
      %swap3A_189 = tpu.vector_load %arg11[%swap3A_188] {strides = array<i32>} : memref<256xi32, #tpu.memory_space<vmem>>, vector<16xi32>,
      tpu.vector_store %arg11[%swap3A_188], %scan3A_184#1 {strides = array<i32>} : memref<256xi32, #tpu.memory_space<vmem>>, vector<16xi32>,
      %add3A_190 = arith.addi %add3A_174, %scan3A_184#0 : vector<16xi32>
      %add3A_191 = arith.addi %add3A_175, %scan3A_184#1 : vector<16xi32>
      %broadcast_in_dim3A_192 = arith.constant 0 : i32
      %broadcast_in_dim3A_193 = vector.broadcast %broadcast_in_dim3A_192 : i32 to vector<16xi32>
      %broadcast_in_dim3A_194 = arith.constant 0 : i32
      %broadcast_in_dim3A_195 = vector.broadcast %broadcast_in_dim3A_194 : i32 to vector<16xi32>
      %scan3A_196 = arith.constant 0 : i32
      %scan3A_197 = arith.constant 21 : i32
      %scan3A_198 = arith.addi %scan3A_196, %scan3A_197 : i32
      %scan3A_199 = arith.constant 1 : i32
      %scan3A_200:2 = scf.for %scan3A_2042 = %scan3A_196 to %scan3A_198 step %scan3A_199 iter_args(%scan3A_2043 = %broadcast_in_dim3A_193, %scan3A_2044 = %broadcast_in_dim3A_195) -> (vector<16xi32>, vector<16xi32>)  : i32 {
        %mul3A_2045 = arith.constant 4 : i32
        %mul3A_2046 = arith.muli %scan3A_2042, %mul3A_2045 : i32
        %add3A_2047 = arith.constant 0 : i32
        %add3A_2048 = arith.addi %mul3A_2046, %add3A_2047 : i32
        %get3A_2049 = arith.constant 0 : i32
        %get3A_2050 = arith.index_cast %get3A_2049 : i32 to index
        %get3A_2051 = arith.index_cast %add3A_2048 : i32 to index
        %get3A_2052 = arith.constant 48 : index
        %get3A_2053 = tpu.vector_load %arg6[%get3A_2050, %get3A_2051, %get3A_2052] {strides = array<i32>} : memref<2x192x128xf32, #tpu.memory_space<vmem>>, vector<16xf32>,
        %add3A_2054 = arith.constant 1 : i32
        %add3A_2055 = arith.addi %add3A_2048, %add3A_2054 : i32
        %get3A_2056 = arith.constant 0 : i32
        %get3A_2057 = arith.index_cast %get3A_2056 : i32 to index
        %get3A_2058 = arith.index_cast %add3A_2055 : i32 to index
        %get3A_2059 = arith.constant 48 : index
        %get3A_2060 = tpu.vector_load %arg6[%get3A_2057, %get3A_2058, %get3A_2059] {strides = array<i32>} : memref<2x192x128xf32, #tpu.memory_space<vmem>>, vector<16xf32>,
        %add3A_2061 = arith.constant 84 : i32
        %add3A_2062 = arith.addi %add3A_2048, %add3A_2061 : i32
        %get3A_2063 = arith.constant 0 : i32
        %get3A_2064 = arith.index_cast %get3A_2063 : i32 to index
        %get3A_2065 = arith.index_cast %add3A_2062 : i32 to index
        %get3A_2066 = arith.constant 48 : index
        %get3A_2067 = tpu.vector_load %arg6[%get3A_2064, %get3A_2065, %get3A_2066] {strides = array<i32>} : memref<2x192x128xf32, #tpu.memory_space<vmem>>, vector<16xf32>,
        %add3A_2068 = arith.constant 85 : i32
        %add3A_2069 = arith.addi %add3A_2048, %add3A_2068 : i32
        %get3A_2070 = arith.constant 0 : i32
        %get3A_2071 = arith.index_cast %get3A_2070 : i32 to index
        %get3A_2072 = arith.index_cast %add3A_2069 : i32 to index
        %get3A_2073 = arith.constant 48 : index
        %get3A_2074 = tpu.vector_load %arg6[%get3A_2071, %get3A_2072, %get3A_2073] {strides = array<i32>} : memref<2x192x128xf32, #tpu.memory_space<vmem>>, vector<16xf32>,
        %ne3A_2075 = arith.cmpf one, %get3A_2053, %get3A_2053 : vector<16xf32>
        %convert_element_type3A_2076 = arith.extui %ne3A_2075 : vector<16xi1> to vector<16xi32>
        %add3A_2077 = arith.addi %scan3A_2043, %convert_element_type3A_2076 : vector<16xi32>
        %ne3A_2078 = arith.cmpf one, %get3A_2060, %get3A_2060 : vector<16xf32>
        %convert_element_type3A_2079 = arith.extui %ne3A_2078 : vector<16xi1> to vector<16xi32>
        %add3A_2080 = arith.addi %add3A_2077, %convert_element_type3A_2079 : vector<16xi32>
        %ne3A_2081 = arith.cmpf one, %get3A_2067, %get3A_2067 : vector<16xf32>
        %convert_element_type3A_2082 = arith.extui %ne3A_2081 : vector<16xi1> to vector<16xi32>
        %add3A_2083 = arith.addi %scan3A_2044, %convert_element_type3A_2082 : vector<16xi32>
        %ne3A_2084 = arith.cmpf one, %get3A_2074, %get3A_2074 : vector<16xf32>
        %convert_element_type3A_2085 = arith.extui %ne3A_2084 : vector<16xi1> to vector<16xi32>
        %add3A_2086 = arith.addi %add3A_2083, %convert_element_type3A_2085 : vector<16xi32>
        scf.yield %add3A_2080, %add3A_2086 : vector<16xi32>, vector<16xi32>
      }
      %scan3A_201 = arith.constant 21 : i32
      %swap3A_202 = arith.constant 48 : index
      %swap3A_203 = tpu.vector_load %arg10[%swap3A_202] {strides = array<i32>} : memref<256xi32, #tpu.memory_space<vmem>>, vector<16xi32>,
      tpu.vector_store %arg10[%swap3A_202], %scan3A_200#0 {strides = array<i32>} : memref<256xi32, #tpu.memory_space<vmem>>, vector<16xi32>,
      %swap3A_204 = arith.constant 48 : index
      %swap3A_205 = tpu.vector_load %arg11[%swap3A_204] {strides = array<i32>} : memref<256xi32, #tpu.memory_space<vmem>>, vector<16xi32>,
      tpu.vector_store %arg11[%swap3A_204], %scan3A_200#1 {strides = array<i32>} : memref<256xi32, #tpu.memory_space<vmem>>, vector<16xi32>,
      %add3A_206 = arith.addi %add3A_190, %scan3A_200#0 : vector<16xi32>
      %add3A_207 = arith.addi %add3A_191, %scan3A_200#1 : vector<16xi32>
      %broadcast_in_dim3A_208 = arith.constant 0 : i32
      %broadcast_in_dim3A_209 = vector.broadcast %broadcast_in_dim3A_208 : i32 to vector<16xi32>
      %broadcast_in_dim3A_210 = arith.constant 0 : i32
      %broadcast_in_dim3A_211 = vector.broadcast %broadcast_in_dim3A_210 : i32 to vector<16xi32>
      %scan3A_212 = arith.constant 0 : i32
      %scan3A_213 = arith.constant 21 : i32
      %scan3A_214 = arith.addi %scan3A_212, %scan3A_213 : i32
      %scan3A_215 = arith.constant 1 : i32
      %scan3A_216:2 = scf.for %scan3A_2042 = %scan3A_212 to %scan3A_214 step %scan3A_215 iter_args(%scan3A_2043 = %broadcast_in_dim3A_209, %scan3A_2044 = %broadcast_in_dim3A_211) -> (vector<16xi32>, vector<16xi32>)  : i32 {
        %mul3A_2045 = arith.constant 4 : i32
        %mul3A_2046 = arith.muli %scan3A_2042, %mul3A_2045 : i32
        %add3A_2047 = arith.constant 0 : i32
        %add3A_2048 = arith.addi %mul3A_2046, %add3A_2047 : i32
        %get3A_2049 = arith.constant 0 : i32
        %get3A_2050 = arith.index_cast %get3A_2049 : i32 to index
        %get3A_2051 = arith.index_cast %add3A_2048 : i32 to index
        %get3A_2052 = arith.constant 64 : index
        %get3A_2053 = tpu.vector_load %arg6[%get3A_2050, %get3A_2051, %get3A_2052] {strides = array<i32>} : memref<2x192x128xf32, #tpu.memory_space<vmem>>, vector<16xf32>,
        %add3A_2054 = arith.constant 1 : i32
        %add3A_2055 = arith.addi %add3A_2048, %add3A_2054 : i32
        %get3A_2056 = arith.constant 0 : i32
        %get3A_2057 = arith.index_cast %get3A_2056 : i32 to index
        %get3A_2058 = arith.index_cast %add3A_2055 : i32 to index
        %get3A_2059 = arith.constant 64 : index
        %get3A_2060 = tpu.vector_load %arg6[%get3A_2057, %get3A_2058, %get3A_2059] {strides = array<i32>} : memref<2x192x128xf32, #tpu.memory_space<vmem>>, vector<16xf32>,
        %add3A_2061 = arith.constant 84 : i32
        %add3A_2062 = arith.addi %add3A_2048, %add3A_2061 : i32
        %get3A_2063 = arith.constant 0 : i32
        %get3A_2064 = arith.index_cast %get3A_2063 : i32 to index
        %get3A_2065 = arith.index_cast %add3A_2062 : i32 to index
        %get3A_2066 = arith.constant 64 : index
        %get3A_2067 = tpu.vector_load %arg6[%get3A_2064, %get3A_2065, %get3A_2066] {strides = array<i32>} : memref<2x192x128xf32, #tpu.memory_space<vmem>>, vector<16xf32>,
        %add3A_2068 = arith.constant 85 : i32
        %add3A_2069 = arith.addi %add3A_2048, %add3A_2068 : i32
        %get3A_2070 = arith.constant 0 : i32
        %get3A_2071 = arith.index_cast %get3A_2070 : i32 to index
        %get3A_2072 = arith.index_cast %add3A_2069 : i32 to index
        %get3A_2073 = arith.constant 64 : index
        %get3A_2074 = tpu.vector_load %arg6[%get3A_2071, %get3A_2072, %get3A_2073] {strides = array<i32>} : memref<2x192x128xf32, #tpu.memory_space<vmem>>, vector<16xf32>,
        %ne3A_2075 = arith.cmpf one, %get3A_2053, %get3A_2053 : vector<16xf32>
        %convert_element_type3A_2076 = arith.extui %ne3A_2075 : vector<16xi1> to vector<16xi32>
        %add3A_2077 = arith.addi %scan3A_2043, %convert_element_type3A_2076 : vector<16xi32>
        %ne3A_2078 = arith.cmpf one, %get3A_2060, %get3A_2060 : vector<16xf32>
        %convert_element_type3A_2079 = arith.extui %ne3A_2078 : vector<16xi1> to vector<16xi32>
        %add3A_2080 = arith.addi %add3A_2077, %convert_element_type3A_2079 : vector<16xi32>
        %ne3A_2081 = arith.cmpf one, %get3A_2067, %get3A_2067 : vector<16xf32>
        %convert_element_type3A_2082 = arith.extui %ne3A_2081 : vector<16xi1> to vector<16xi32>
        %add3A_2083 = arith.addi %scan3A_2044, %convert_element_type3A_2082 : vector<16xi32>
        %ne3A_2084 = arith.cmpf one, %get3A_2074, %get3A_2074 : vector<16xf32>
        %convert_element_type3A_2085 = arith.extui %ne3A_2084 : vector<16xi1> to vector<16xi32>
        %add3A_2086 = arith.addi %add3A_2083, %convert_element_type3A_2085 : vector<16xi32>
        scf.yield %add3A_2080, %add3A_2086 : vector<16xi32>, vector<16xi32>
      }
      %scan3A_217 = arith.constant 21 : i32
      %swap3A_218 = arith.constant 64 : index
      %swap3A_219 = tpu.vector_load %arg10[%swap3A_218] {strides = array<i32>} : memref<256xi32, #tpu.memory_space<vmem>>, vector<16xi32>,
      tpu.vector_store %arg10[%swap3A_218], %scan3A_216#0 {strides = array<i32>} : memref<256xi32, #tpu.memory_space<vmem>>, vector<16xi32>,
      %swap3A_220 = arith.constant 64 : index
      %swap3A_221 = tpu.vector_load %arg11[%swap3A_220] {strides = array<i32>} : memref<256xi32, #tpu.memory_space<vmem>>, vector<16xi32>,
      tpu.vector_store %arg11[%swap3A_220], %scan3A_216#1 {strides = array<i32>} : memref<256xi32, #tpu.memory_space<vmem>>, vector<16xi32>,
      %add3A_222 = arith.addi %add3A_206, %scan3A_216#0 : vector<16xi32>
      %add3A_223 = arith.addi %add3A_207, %scan3A_216#1 : vector<16xi32>
      %broadcast_in_dim3A_224 = arith.constant 0 : i32
      %broadcast_in_dim3A_225 = vector.broadcast %broadcast_in_dim3A_224 : i32 to vector<16xi32>
      %broadcast_in_dim3A_226 = arith.constant 0 : i32
      %broadcast_in_dim3A_227 = vector.broadcast %broadcast_in_dim3A_226 : i32 to vector<16xi32>
      %scan3A_228 = arith.constant 0 : i32
      %scan3A_229 = arith.constant 21 : i32
      %scan3A_230 = arith.addi %scan3A_228, %scan3A_229 : i32
      %scan3A_231 = arith.constant 1 : i32
      %scan3A_232:2 = scf.for %scan3A_2042 = %scan3A_228 to %scan3A_230 step %scan3A_231 iter_args(%scan3A_2043 = %broadcast_in_dim3A_225, %scan3A_2044 = %broadcast_in_dim3A_227) -> (vector<16xi32>, vector<16xi32>)  : i32 {
        %mul3A_2045 = arith.constant 4 : i32
        %mul3A_2046 = arith.muli %scan3A_2042, %mul3A_2045 : i32
        %add3A_2047 = arith.constant 0 : i32
        %add3A_2048 = arith.addi %mul3A_2046, %add3A_2047 : i32
        %get3A_2049 = arith.constant 0 : i32
        %get3A_2050 = arith.index_cast %get3A_2049 : i32 to index
        %get3A_2051 = arith.index_cast %add3A_2048 : i32 to index
        %get3A_2052 = arith.constant 80 : index
        %get3A_2053 = tpu.vector_load %arg6[%get3A_2050, %get3A_2051, %get3A_2052] {strides = array<i32>} : memref<2x192x128xf32, #tpu.memory_space<vmem>>, vector<16xf32>,
        %add3A_2054 = arith.constant 1 : i32
        %add3A_2055 = arith.addi %add3A_2048, %add3A_2054 : i32
        %get3A_2056 = arith.constant 0 : i32
        %get3A_2057 = arith.index_cast %get3A_2056 : i32 to index
        %get3A_2058 = arith.index_cast %add3A_2055 : i32 to index
        %get3A_2059 = arith.constant 80 : index
        %get3A_2060 = tpu.vector_load %arg6[%get3A_2057, %get3A_2058, %get3A_2059] {strides = array<i32>} : memref<2x192x128xf32, #tpu.memory_space<vmem>>, vector<16xf32>,
        %add3A_2061 = arith.constant 84 : i32
        %add3A_2062 = arith.addi %add3A_2048, %add3A_2061 : i32
        %get3A_2063 = arith.constant 0 : i32
        %get3A_2064 = arith.index_cast %get3A_2063 : i32 to index
        %get3A_2065 = arith.index_cast %add3A_2062 : i32 to index
        %get3A_2066 = arith.constant 80 : index
        %get3A_2067 = tpu.vector_load %arg6[%get3A_2064, %get3A_2065, %get3A_2066] {strides = array<i32>} : memref<2x192x128xf32, #tpu.memory_space<vmem>>, vector<16xf32>,
        %add3A_2068 = arith.constant 85 : i32
        %add3A_2069 = arith.addi %add3A_2048, %add3A_2068 : i32
        %get3A_2070 = arith.constant 0 : i32
        %get3A_2071 = arith.index_cast %get3A_2070 : i32 to index
        %get3A_2072 = arith.index_cast %add3A_2069 : i32 to index
        %get3A_2073 = arith.constant 80 : index
        %get3A_2074 = tpu.vector_load %arg6[%get3A_2071, %get3A_2072, %get3A_2073] {strides = array<i32>} : memref<2x192x128xf32, #tpu.memory_space<vmem>>, vector<16xf32>,
        %ne3A_2075 = arith.cmpf one, %get3A_2053, %get3A_2053 : vector<16xf32>
        %convert_element_type3A_2076 = arith.extui %ne3A_2075 : vector<16xi1> to vector<16xi32>
        %add3A_2077 = arith.addi %scan3A_2043, %convert_element_type3A_2076 : vector<16xi32>
        %ne3A_2078 = arith.cmpf one, %get3A_2060, %get3A_2060 : vector<16xf32>
        %convert_element_type3A_2079 = arith.extui %ne3A_2078 : vector<16xi1> to vector<16xi32>
        %add3A_2080 = arith.addi %add3A_2077, %convert_element_type3A_2079 : vector<16xi32>
        %ne3A_2081 = arith.cmpf one, %get3A_2067, %get3A_2067 : vector<16xf32>
        %convert_element_type3A_2082 = arith.extui %ne3A_2081 : vector<16xi1> to vector<16xi32>
        %add3A_2083 = arith.addi %scan3A_2044, %convert_element_type3A_2082 : vector<16xi32>
        %ne3A_2084 = arith.cmpf one, %get3A_2074, %get3A_2074 : vector<16xf32>
        %convert_element_type3A_2085 = arith.extui %ne3A_2084 : vector<16xi1> to vector<16xi32>
        %add3A_2086 = arith.addi %add3A_2083, %convert_element_type3A_2085 : vector<16xi32>
        scf.yield %add3A_2080, %add3A_2086 : vector<16xi32>, vector<16xi32>
      }
      %scan3A_233 = arith.constant 21 : i32
      %swap3A_234 = arith.constant 80 : index
      %swap3A_235 = tpu.vector_load %arg10[%swap3A_234] {strides = array<i32>} : memref<256xi32, #tpu.memory_space<vmem>>, vector<16xi32>,
      tpu.vector_store %arg10[%swap3A_234], %scan3A_232#0 {strides = array<i32>} : memref<256xi32, #tpu.memory_space<vmem>>, vector<16xi32>,
      %swap3A_236 = arith.constant 80 : index
      %swap3A_237 = tpu.vector_load %arg11[%swap3A_236] {strides = array<i32>} : memref<256xi32, #tpu.memory_space<vmem>>, vector<16xi32>,
      tpu.vector_store %arg11[%swap3A_236], %scan3A_232#1 {strides = array<i32>} : memref<256xi32, #tpu.memory_space<vmem>>, vector<16xi32>,
      %add3A_238 = arith.addi %add3A_222, %scan3A_232#0 : vector<16xi32>
      %add3A_239 = arith.addi %add3A_223, %scan3A_232#1 : vector<16xi32>
      %broadcast_in_dim3A_240 = arith.constant 0 : i32
      %broadcast_in_dim3A_241 = vector.broadcast %broadcast_in_dim3A_240 : i32 to vector<16xi32>
      %broadcast_in_dim3A_242 = arith.constant 0 : i32
      %broadcast_in_dim3A_243 = vector.broadcast %broadcast_in_dim3A_242 : i32 to vector<16xi32>
      %scan3A_244 = arith.constant 0 : i32
      %scan3A_245 = arith.constant 21 : i32
      %scan3A_246 = arith.addi %scan3A_244, %scan3A_245 : i32
      %scan3A_247 = arith.constant 1 : i32
      %scan3A_248:2 = scf.for %scan3A_2042 = %scan3A_244 to %scan3A_246 step %scan3A_247 iter_args(%scan3A_2043 = %broadcast_in_dim3A_241, %scan3A_2044 = %broadcast_in_dim3A_243) -> (vector<16xi32>, vector<16xi32>)  : i32 {
        %mul3A_2045 = arith.constant 4 : i32
        %mul3A_2046 = arith.muli %scan3A_2042, %mul3A_2045 : i32
        %add3A_2047 = arith.constant 0 : i32
        %add3A_2048 = arith.addi %mul3A_2046, %add3A_2047 : i32
        %get3A_2049 = arith.constant 0 : i32
        %get3A_2050 = arith.index_cast %get3A_2049 : i32 to index
        %get3A_2051 = arith.index_cast %add3A_2048 : i32 to index
        %get3A_2052 = arith.constant 96 : index
        %get3A_2053 = tpu.vector_load %arg6[%get3A_2050, %get3A_2051, %get3A_2052] {strides = array<i32>} : memref<2x192x128xf32, #tpu.memory_space<vmem>>, vector<16xf32>,
        %add3A_2054 = arith.constant 1 : i32
        %add3A_2055 = arith.addi %add3A_2048, %add3A_2054 : i32
        %get3A_2056 = arith.constant 0 : i32
        %get3A_2057 = arith.index_cast %get3A_2056 : i32 to index
        %get3A_2058 = arith.index_cast %add3A_2055 : i32 to index
        %get3A_2059 = arith.constant 96 : index
        %get3A_2060 = tpu.vector_load %arg6[%get3A_2057, %get3A_2058, %get3A_2059] {strides = array<i32>} : memref<2x192x128xf32, #tpu.memory_space<vmem>>, vector<16xf32>,
        %add3A_2061 = arith.constant 84 : i32
        %add3A_2062 = arith.addi %add3A_2048, %add3A_2061 : i32
        %get3A_2063 = arith.constant 0 : i32
        %get3A_2064 = arith.index_cast %get3A_2063 : i32 to index
        %get3A_2065 = arith.index_cast %add3A_2062 : i32 to index
        %get3A_2066 = arith.constant 96 : index
        %get3A_2067 = tpu.vector_load %arg6[%get3A_2064, %get3A_2065, %get3A_2066] {strides = array<i32>} : memref<2x192x128xf32, #tpu.memory_space<vmem>>, vector<16xf32>,
        %add3A_2068 = arith.constant 85 : i32
        %add3A_2069 = arith.addi %add3A_2048, %add3A_2068 : i32
        %get3A_2070 = arith.constant 0 : i32
        %get3A_2071 = arith.index_cast %get3A_2070 : i32 to index
        %get3A_2072 = arith.index_cast %add3A_2069 : i32 to index
        %get3A_2073 = arith.constant 96 : index
        %get3A_2074 = tpu.vector_load %arg6[%get3A_2071, %get3A_2072, %get3A_2073] {strides = array<i32>} : memref<2x192x128xf32, #tpu.memory_space<vmem>>, vector<16xf32>,
        %ne3A_2075 = arith.cmpf one, %get3A_2053, %get3A_2053 : vector<16xf32>
        %convert_element_type3A_2076 = arith.extui %ne3A_2075 : vector<16xi1> to vector<16xi32>
        %add3A_2077 = arith.addi %scan3A_2043, %convert_element_type3A_2076 : vector<16xi32>
        %ne3A_2078 = arith.cmpf one, %get3A_2060, %get3A_2060 : vector<16xf32>
        %convert_element_type3A_2079 = arith.extui %ne3A_2078 : vector<16xi1> to vector<16xi32>
        %add3A_2080 = arith.addi %add3A_2077, %convert_element_type3A_2079 : vector<16xi32>
        %ne3A_2081 = arith.cmpf one, %get3A_2067, %get3A_2067 : vector<16xf32>
        %convert_element_type3A_2082 = arith.extui %ne3A_2081 : vector<16xi1> to vector<16xi32>
        %add3A_2083 = arith.addi %scan3A_2044, %convert_element_type3A_2082 : vector<16xi32>
        %ne3A_2084 = arith.cmpf one, %get3A_2074, %get3A_2074 : vector<16xf32>
        %convert_element_type3A_2085 = arith.extui %ne3A_2084 : vector<16xi1> to vector<16xi32>
        %add3A_2086 = arith.addi %add3A_2083, %convert_element_type3A_2085 : vector<16xi32>
        scf.yield %add3A_2080, %add3A_2086 : vector<16xi32>, vector<16xi32>
      }
      %scan3A_249 = arith.constant 21 : i32
      %swap3A_250 = arith.constant 96 : index
      %swap3A_251 = tpu.vector_load %arg10[%swap3A_250] {strides = array<i32>} : memref<256xi32, #tpu.memory_space<vmem>>, vector<16xi32>,
      tpu.vector_store %arg10[%swap3A_250], %scan3A_248#0 {strides = array<i32>} : memref<256xi32, #tpu.memory_space<vmem>>, vector<16xi32>,
      %swap3A_252 = arith.constant 96 : index
      %swap3A_253 = tpu.vector_load %arg11[%swap3A_252] {strides = array<i32>} : memref<256xi32, #tpu.memory_space<vmem>>, vector<16xi32>,
      tpu.vector_store %arg11[%swap3A_252], %scan3A_248#1 {strides = array<i32>} : memref<256xi32, #tpu.memory_space<vmem>>, vector<16xi32>,
      %add3A_254 = arith.addi %add3A_238, %scan3A_248#0 : vector<16xi32>
      %add3A_255 = arith.addi %add3A_239, %scan3A_248#1 : vector<16xi32>
      %broadcast_in_dim3A_256 = arith.constant 0 : i32
      %broadcast_in_dim3A_257 = vector.broadcast %broadcast_in_dim3A_256 : i32 to vector<16xi32>
      %broadcast_in_dim3A_258 = arith.constant 0 : i32
      %broadcast_in_dim3A_259 = vector.broadcast %broadcast_in_dim3A_258 : i32 to vector<16xi32>
      %scan3A_260 = arith.constant 0 : i32
      %scan3A_261 = arith.constant 21 : i32
      %scan3A_262 = arith.addi %scan3A_260, %scan3A_261 : i32
      %scan3A_263 = arith.constant 1 : i32
      %scan3A_264:2 = scf.for %scan3A_2042 = %scan3A_260 to %scan3A_262 step %scan3A_263 iter_args(%scan3A_2043 = %broadcast_in_dim3A_257, %scan3A_2044 = %broadcast_in_dim3A_259) -> (vector<16xi32>, vector<16xi32>)  : i32 {
        %mul3A_2045 = arith.constant 4 : i32
        %mul3A_2046 = arith.muli %scan3A_2042, %mul3A_2045 : i32
        %add3A_2047 = arith.constant 0 : i32
        %add3A_2048 = arith.addi %mul3A_2046, %add3A_2047 : i32
        %get3A_2049 = arith.constant 0 : i32
        %get3A_2050 = arith.index_cast %get3A_2049 : i32 to index
        %get3A_2051 = arith.index_cast %add3A_2048 : i32 to index
        %get3A_2052 = arith.constant 112 : index
        %get3A_2053 = tpu.vector_load %arg6[%get3A_2050, %get3A_2051, %get3A_2052] {strides = array<i32>} : memref<2x192x128xf32, #tpu.memory_space<vmem>>, vector<16xf32>,
        %add3A_2054 = arith.constant 1 : i32
        %add3A_2055 = arith.addi %add3A_2048, %add3A_2054 : i32
        %get3A_2056 = arith.constant 0 : i32
        %get3A_2057 = arith.index_cast %get3A_2056 : i32 to index
        %get3A_2058 = arith.index_cast %add3A_2055 : i32 to index
        %get3A_2059 = arith.constant 112 : index
        %get3A_2060 = tpu.vector_load %arg6[%get3A_2057, %get3A_2058, %get3A_2059] {strides = array<i32>} : memref<2x192x128xf32, #tpu.memory_space<vmem>>, vector<16xf32>,
        %add3A_2061 = arith.constant 84 : i32
        %add3A_2062 = arith.addi %add3A_2048, %add3A_2061 : i32
        %get3A_2063 = arith.constant 0 : i32
        %get3A_2064 = arith.index_cast %get3A_2063 : i32 to index
        %get3A_2065 = arith.index_cast %add3A_2062 : i32 to index
        %get3A_2066 = arith.constant 112 : index
        %get3A_2067 = tpu.vector_load %arg6[%get3A_2064, %get3A_2065, %get3A_2066] {strides = array<i32>} : memref<2x192x128xf32, #tpu.memory_space<vmem>>, vector<16xf32>,
        %add3A_2068 = arith.constant 85 : i32
        %add3A_2069 = arith.addi %add3A_2048, %add3A_2068 : i32
        %get3A_2070 = arith.constant 0 : i32
        %get3A_2071 = arith.index_cast %get3A_2070 : i32 to index
        %get3A_2072 = arith.index_cast %add3A_2069 : i32 to index
        %get3A_2073 = arith.constant 112 : index
        %get3A_2074 = tpu.vector_load %arg6[%get3A_2071, %get3A_2072, %get3A_2073] {strides = array<i32>} : memref<2x192x128xf32, #tpu.memory_space<vmem>>, vector<16xf32>,
        %ne3A_2075 = arith.cmpf one, %get3A_2053, %get3A_2053 : vector<16xf32>
        %convert_element_type3A_2076 = arith.extui %ne3A_2075 : vector<16xi1> to vector<16xi32>
        %add3A_2077 = arith.addi %scan3A_2043, %convert_element_type3A_2076 : vector<16xi32>
        %ne3A_2078 = arith.cmpf one, %get3A_2060, %get3A_2060 : vector<16xf32>
        %convert_element_type3A_2079 = arith.extui %ne3A_2078 : vector<16xi1> to vector<16xi32>
        %add3A_2080 = arith.addi %add3A_2077, %convert_element_type3A_2079 : vector<16xi32>
        %ne3A_2081 = arith.cmpf one, %get3A_2067, %get3A_2067 : vector<16xf32>
        %convert_element_type3A_2082 = arith.extui %ne3A_2081 : vector<16xi1> to vector<16xi32>
        %add3A_2083 = arith.addi %scan3A_2044, %convert_element_type3A_2082 : vector<16xi32>
        %ne3A_2084 = arith.cmpf one, %get3A_2074, %get3A_2074 : vector<16xf32>
        %convert_element_type3A_2085 = arith.extui %ne3A_2084 : vector<16xi1> to vector<16xi32>
        %add3A_2086 = arith.addi %add3A_2083, %convert_element_type3A_2085 : vector<16xi32>
        scf.yield %add3A_2080, %add3A_2086 : vector<16xi32>, vector<16xi32>
      }
      %scan3A_265 = arith.constant 21 : i32
      %swap3A_266 = arith.constant 112 : index
      %swap3A_267 = tpu.vector_load %arg10[%swap3A_266] {strides = array<i32>} : memref<256xi32, #tpu.memory_space<vmem>>, vector<16xi32>,
      tpu.vector_store %arg10[%swap3A_266], %scan3A_264#0 {strides = array<i32>} : memref<256xi32, #tpu.memory_space<vmem>>, vector<16xi32>,
      %swap3A_268 = arith.constant 112 : index
      %swap3A_269 = tpu.vector_load %arg11[%swap3A_268] {strides = array<i32>} : memref<256xi32, #tpu.memory_space<vmem>>, vector<16xi32>,
      tpu.vector_store %arg11[%swap3A_268], %scan3A_264#1 {strides = array<i32>} : memref<256xi32, #tpu.memory_space<vmem>>, vector<16xi32>,
      %add3A_270 = arith.addi %add3A_254, %scan3A_264#0 : vector<16xi32>
      %add3A_271 = arith.addi %add3A_255, %scan3A_264#1 : vector<16xi32>
      %broadcast_in_dim3A_272 = arith.constant 0 : i32
      %broadcast_in_dim3A_273 = vector.broadcast %broadcast_in_dim3A_272 : i32 to vector<16xi32>
      %broadcast_in_dim3A_274 = arith.constant 0 : i32
      %broadcast_in_dim3A_275 = vector.broadcast %broadcast_in_dim3A_274 : i32 to vector<16xi32>
      %scan3A_276 = arith.constant 0 : i32
      %scan3A_277 = arith.constant 21 : i32
      %scan3A_278 = arith.addi %scan3A_276, %scan3A_277 : i32
      %scan3A_279 = arith.constant 1 : i32
      %scan3A_280:2 = scf.for %scan3A_2042 = %scan3A_276 to %scan3A_278 step %scan3A_279 iter_args(%scan3A_2043 = %broadcast_in_dim3A_273, %scan3A_2044 = %broadcast_in_dim3A_275) -> (vector<16xi32>, vector<16xi32>)  : i32 {
        %mul3A_2045 = arith.constant 4 : i32
        %mul3A_2046 = arith.muli %scan3A_2042, %mul3A_2045 : i32
        %add3A_2047 = arith.constant 2 : i32
        %add3A_2048 = arith.addi %mul3A_2046, %add3A_2047 : i32
        %get3A_2049 = arith.constant 0 : i32
        %get3A_2050 = arith.index_cast %get3A_2049 : i32 to index
        %get3A_2051 = arith.index_cast %add3A_2048 : i32 to index
        %get3A_2052 = arith.constant 0 : index
        %get3A_2053 = tpu.vector_load %arg6[%get3A_2050, %get3A_2051, %get3A_2052] {strides = array<i32>} : memref<2x192x128xf32, #tpu.memory_space<vmem>>, vector<16xf32>,
        %add3A_2054 = arith.constant 1 : i32
        %add3A_2055 = arith.addi %add3A_2048, %add3A_2054 : i32
        %get3A_2056 = arith.constant 0 : i32
        %get3A_2057 = arith.index_cast %get3A_2056 : i32 to index
        %get3A_2058 = arith.index_cast %add3A_2055 : i32 to index
        %get3A_2059 = arith.constant 0 : index
        %get3A_2060 = tpu.vector_load %arg6[%get3A_2057, %get3A_2058, %get3A_2059] {strides = array<i32>} : memref<2x192x128xf32, #tpu.memory_space<vmem>>, vector<16xf32>,
        %add3A_2061 = arith.constant 84 : i32
        %add3A_2062 = arith.addi %add3A_2048, %add3A_2061 : i32
        %get3A_2063 = arith.constant 0 : i32
        %get3A_2064 = arith.index_cast %get3A_2063 : i32 to index
        %get3A_2065 = arith.index_cast %add3A_2062 : i32 to index
        %get3A_2066 = arith.constant 0 : index
        %get3A_2067 = tpu.vector_load %arg6[%get3A_2064, %get3A_2065, %get3A_2066] {strides = array<i32>} : memref<2x192x128xf32, #tpu.memory_space<vmem>>, vector<16xf32>,
        %add3A_2068 = arith.constant 85 : i32
        %add3A_2069 = arith.addi %add3A_2048, %add3A_2068 : i32
        %get3A_2070 = arith.constant 0 : i32
        %get3A_2071 = arith.index_cast %get3A_2070 : i32 to index
        %get3A_2072 = arith.index_cast %add3A_2069 : i32 to index
        %get3A_2073 = arith.constant 0 : index
        %get3A_2074 = tpu.vector_load %arg6[%get3A_2071, %get3A_2072, %get3A_2073] {strides = array<i32>} : memref<2x192x128xf32, #tpu.memory_space<vmem>>, vector<16xf32>,
        %ne3A_2075 = arith.cmpf one, %get3A_2053, %get3A_2053 : vector<16xf32>
        %convert_element_type3A_2076 = arith.extui %ne3A_2075 : vector<16xi1> to vector<16xi32>
        %add3A_2077 = arith.addi %scan3A_2043, %convert_element_type3A_2076 : vector<16xi32>
        %ne3A_2078 = arith.cmpf one, %get3A_2060, %get3A_2060 : vector<16xf32>
        %convert_element_type3A_2079 = arith.extui %ne3A_2078 : vector<16xi1> to vector<16xi32>
        %add3A_2080 = arith.addi %add3A_2077, %convert_element_type3A_2079 : vector<16xi32>
        %ne3A_2081 = arith.cmpf one, %get3A_2067, %get3A_2067 : vector<16xf32>
        %convert_element_type3A_2082 = arith.extui %ne3A_2081 : vector<16xi1> to vector<16xi32>
        %add3A_2083 = arith.addi %scan3A_2044, %convert_element_type3A_2082 : vector<16xi32>
        %ne3A_2084 = arith.cmpf one, %get3A_2074, %get3A_2074 : vector<16xf32>
        %convert_element_type3A_2085 = arith.extui %ne3A_2084 : vector<16xi1> to vector<16xi32>
        %add3A_2086 = arith.addi %add3A_2083, %convert_element_type3A_2085 : vector<16xi32>
        scf.yield %add3A_2080, %add3A_2086 : vector<16xi32>, vector<16xi32>
      }
      %scan3A_281 = arith.constant 21 : i32
      %swap3A_282 = arith.constant 128 : index
      %swap3A_283 = tpu.vector_load %arg10[%swap3A_282] {strides = array<i32>} : memref<256xi32, #tpu.memory_space<vmem>>, vector<16xi32>,
      tpu.vector_store %arg10[%swap3A_282], %scan3A_280#0 {strides = array<i32>} : memref<256xi32, #tpu.memory_space<vmem>>, vector<16xi32>,
      %swap3A_284 = arith.constant 128 : index
      %swap3A_285 = tpu.vector_load %arg11[%swap3A_284] {strides = array<i32>} : memref<256xi32, #tpu.memory_space<vmem>>, vector<16xi32>,
      tpu.vector_store %arg11[%swap3A_284], %scan3A_280#1 {strides = array<i32>} : memref<256xi32, #tpu.memory_space<vmem>>, vector<16xi32>,
      %add3A_286 = arith.addi %add3A_270, %scan3A_280#0 : vector<16xi32>
      %add3A_287 = arith.addi %add3A_271, %scan3A_280#1 : vector<16xi32>
      %broadcast_in_dim3A_288 = arith.constant 0 : i32
      %broadcast_in_dim3A_289 = vector.broadcast %broadcast_in_dim3A_288 : i32 to vector<16xi32>
      %broadcast_in_dim3A_290 = arith.constant 0 : i32
      %broadcast_in_dim3A_291 = vector.broadcast %broadcast_in_dim3A_290 : i32 to vector<16xi32>
      %scan3A_292 = arith.constant 0 : i32
      %scan3A_293 = arith.constant 21 : i32
      %scan3A_294 = arith.addi %scan3A_292, %scan3A_293 : i32
      %scan3A_295 = arith.constant 1 : i32
      %scan3A_296:2 = scf.for %scan3A_2042 = %scan3A_292 to %scan3A_294 step %scan3A_295 iter_args(%scan3A_2043 = %broadcast_in_dim3A_289, %scan3A_2044 = %broadcast_in_dim3A_291) -> (vector<16xi32>, vector<16xi32>)  : i32 {
        %mul3A_2045 = arith.constant 4 : i32
        %mul3A_2046 = arith.muli %scan3A_2042, %mul3A_2045 : i32
        %add3A_2047 = arith.constant 2 : i32
        %add3A_2048 = arith.addi %mul3A_2046, %add3A_2047 : i32
        %get3A_2049 = arith.constant 0 : i32
        %get3A_2050 = arith.index_cast %get3A_2049 : i32 to index
        %get3A_2051 = arith.index_cast %add3A_2048 : i32 to index
        %get3A_2052 = arith.constant 16 : index
        %get3A_2053 = tpu.vector_load %arg6[%get3A_2050, %get3A_2051, %get3A_2052] {strides = array<i32>} : memref<2x192x128xf32, #tpu.memory_space<vmem>>, vector<16xf32>,
        %add3A_2054 = arith.constant 1 : i32
        %add3A_2055 = arith.addi %add3A_2048, %add3A_2054 : i32
        %get3A_2056 = arith.constant 0 : i32
        %get3A_2057 = arith.index_cast %get3A_2056 : i32 to index
        %get3A_2058 = arith.index_cast %add3A_2055 : i32 to index
        %get3A_2059 = arith.constant 16 : index
        %get3A_2060 = tpu.vector_load %arg6[%get3A_2057, %get3A_2058, %get3A_2059] {strides = array<i32>} : memref<2x192x128xf32, #tpu.memory_space<vmem>>, vector<16xf32>,
        %add3A_2061 = arith.constant 84 : i32
        %add3A_2062 = arith.addi %add3A_2048, %add3A_2061 : i32
        %get3A_2063 = arith.constant 0 : i32
        %get3A_2064 = arith.index_cast %get3A_2063 : i32 to index
        %get3A_2065 = arith.index_cast %add3A_2062 : i32 to index
        %get3A_2066 = arith.constant 16 : index
        %get3A_2067 = tpu.vector_load %arg6[%get3A_2064, %get3A_2065, %get3A_2066] {strides = array<i32>} : memref<2x192x128xf32, #tpu.memory_space<vmem>>, vector<16xf32>,
        %add3A_2068 = arith.constant 85 : i32
        %add3A_2069 = arith.addi %add3A_2048, %add3A_2068 : i32
        %get3A_2070 = arith.constant 0 : i32
        %get3A_2071 = arith.index_cast %get3A_2070 : i32 to index
        %get3A_2072 = arith.index_cast %add3A_2069 : i32 to index
        %get3A_2073 = arith.constant 16 : index
        %get3A_2074 = tpu.vector_load %arg6[%get3A_2071, %get3A_2072, %get3A_2073] {strides = array<i32>} : memref<2x192x128xf32, #tpu.memory_space<vmem>>, vector<16xf32>,
        %ne3A_2075 = arith.cmpf one, %get3A_2053, %get3A_2053 : vector<16xf32>
        %convert_element_type3A_2076 = arith.extui %ne3A_2075 : vector<16xi1> to vector<16xi32>
        %add3A_2077 = arith.addi %scan3A_2043, %convert_element_type3A_2076 : vector<16xi32>
        %ne3A_2078 = arith.cmpf one, %get3A_2060, %get3A_2060 : vector<16xf32>
        %convert_element_type3A_2079 = arith.extui %ne3A_2078 : vector<16xi1> to vector<16xi32>
        %add3A_2080 = arith.addi %add3A_2077, %convert_element_type3A_2079 : vector<16xi32>
        %ne3A_2081 = arith.cmpf one, %get3A_2067, %get3A_2067 : vector<16xf32>
        %convert_element_type3A_2082 = arith.extui %ne3A_2081 : vector<16xi1> to vector<16xi32>
        %add3A_2083 = arith.addi %scan3A_2044, %convert_element_type3A_2082 : vector<16xi32>
        %ne3A_2084 = arith.cmpf one, %get3A_2074, %get3A_2074 : vector<16xf32>
        %convert_element_type3A_2085 = arith.extui %ne3A_2084 : vector<16xi1> to vector<16xi32>
        %add3A_2086 = arith.addi %add3A_2083, %convert_element_type3A_2085 : vector<16xi32>
        scf.yield %add3A_2080, %add3A_2086 : vector<16xi32>, vector<16xi32>
      }
      %scan3A_297 = arith.constant 21 : i32
      %swap3A_298 = arith.constant 144 : index
      %swap3A_299 = tpu.vector_load %arg10[%swap3A_298] {strides = array<i32>} : memref<256xi32, #tpu.memory_space<vmem>>, vector<16xi32>,
      tpu.vector_store %arg10[%swap3A_298], %scan3A_296#0 {strides = array<i32>} : memref<256xi32, #tpu.memory_space<vmem>>, vector<16xi32>,
      %swap3A_300 = arith.constant 144 : index
      %swap3A_301 = tpu.vector_load %arg11[%swap3A_300] {strides = array<i32>} : memref<256xi32, #tpu.memory_space<vmem>>, vector<16xi32>,
      tpu.vector_store %arg11[%swap3A_300], %scan3A_296#1 {strides = array<i32>} : memref<256xi32, #tpu.memory_space<vmem>>, vector<16xi32>,
      %add3A_302 = arith.addi %add3A_286, %scan3A_296#0 : vector<16xi32>
      %add3A_303 = arith.addi %add3A_287, %scan3A_296#1 : vector<16xi32>
      %broadcast_in_dim3A_304 = arith.constant 0 : i32
      %broadcast_in_dim3A_305 = vector.broadcast %broadcast_in_dim3A_304 : i32 to vector<16xi32>
      %broadcast_in_dim3A_306 = arith.constant 0 : i32
      %broadcast_in_dim3A_307 = vector.broadcast %broadcast_in_dim3A_306 : i32 to vector<16xi32>
      %scan3A_308 = arith.constant 0 : i32
      %scan3A_309 = arith.constant 21 : i32
      %scan3A_310 = arith.addi %scan3A_308, %scan3A_309 : i32
      %scan3A_311 = arith.constant 1 : i32
      %scan3A_312:2 = scf.for %scan3A_2042 = %scan3A_308 to %scan3A_310 step %scan3A_311 iter_args(%scan3A_2043 = %broadcast_in_dim3A_305, %scan3A_2044 = %broadcast_in_dim3A_307) -> (vector<16xi32>, vector<16xi32>)  : i32 {
        %mul3A_2045 = arith.constant 4 : i32
        %mul3A_2046 = arith.muli %scan3A_2042, %mul3A_2045 : i32
        %add3A_2047 = arith.constant 2 : i32
        %add3A_2048 = arith.addi %mul3A_2046, %add3A_2047 : i32
        %get3A_2049 = arith.constant 0 : i32
        %get3A_2050 = arith.index_cast %get3A_2049 : i32 to index
        %get3A_2051 = arith.index_cast %add3A_2048 : i32 to index
        %get3A_2052 = arith.constant 32 : index
        %get3A_2053 = tpu.vector_load %arg6[%get3A_2050, %get3A_2051, %get3A_2052] {strides = array<i32>} : memref<2x192x128xf32, #tpu.memory_space<vmem>>, vector<16xf32>,
        %add3A_2054 = arith.constant 1 : i32
        %add3A_2055 = arith.addi %add3A_2048, %add3A_2054 : i32
        %get3A_2056 = arith.constant 0 : i32
        %get3A_2057 = arith.index_cast %get3A_2056 : i32 to index
        %get3A_2058 = arith.index_cast %add3A_2055 : i32 to index
        %get3A_2059 = arith.constant 32 : index
        %get3A_2060 = tpu.vector_load %arg6[%get3A_2057, %get3A_2058, %get3A_2059] {strides = array<i32>} : memref<2x192x128xf32, #tpu.memory_space<vmem>>, vector<16xf32>,
        %add3A_2061 = arith.constant 84 : i32
        %add3A_2062 = arith.addi %add3A_2048, %add3A_2061 : i32
        %get3A_2063 = arith.constant 0 : i32
        %get3A_2064 = arith.index_cast %get3A_2063 : i32 to index
        %get3A_2065 = arith.index_cast %add3A_2062 : i32 to index
        %get3A_2066 = arith.constant 32 : index
        %get3A_2067 = tpu.vector_load %arg6[%get3A_2064, %get3A_2065, %get3A_2066] {strides = array<i32>} : memref<2x192x128xf32, #tpu.memory_space<vmem>>, vector<16xf32>,
        %add3A_2068 = arith.constant 85 : i32
        %add3A_2069 = arith.addi %add3A_2048, %add3A_2068 : i32
        %get3A_2070 = arith.constant 0 : i32
        %get3A_2071 = arith.index_cast %get3A_2070 : i32 to index
        %get3A_2072 = arith.index_cast %add3A_2069 : i32 to index
        %get3A_2073 = arith.constant 32 : index
        %get3A_2074 = tpu.vector_load %arg6[%get3A_2071, %get3A_2072, %get3A_2073] {strides = array<i32>} : memref<2x192x128xf32, #tpu.memory_space<vmem>>, vector<16xf32>,
        %ne3A_2075 = arith.cmpf one, %get3A_2053, %get3A_2053 : vector<16xf32>
        %convert_element_type3A_2076 = arith.extui %ne3A_2075 : vector<16xi1> to vector<16xi32>
        %add3A_2077 = arith.addi %scan3A_2043, %convert_element_type3A_2076 : vector<16xi32>
        %ne3A_2078 = arith.cmpf one, %get3A_2060, %get3A_2060 : vector<16xf32>
        %convert_element_type3A_2079 = arith.extui %ne3A_2078 : vector<16xi1> to vector<16xi32>
        %add3A_2080 = arith.addi %add3A_2077, %convert_element_type3A_2079 : vector<16xi32>
        %ne3A_2081 = arith.cmpf one, %get3A_2067, %get3A_2067 : vector<16xf32>
        %convert_element_type3A_2082 = arith.extui %ne3A_2081 : vector<16xi1> to vector<16xi32>
        %add3A_2083 = arith.addi %scan3A_2044, %convert_element_type3A_2082 : vector<16xi32>
        %ne3A_2084 = arith.cmpf one, %get3A_2074, %get3A_2074 : vector<16xf32>
        %convert_element_type3A_2085 = arith.extui %ne3A_2084 : vector<16xi1> to vector<16xi32>
        %add3A_2086 = arith.addi %add3A_2083, %convert_element_type3A_2085 : vector<16xi32>
        scf.yield %add3A_2080, %add3A_2086 : vector<16xi32>, vector<16xi32>
      }
      %scan3A_313 = arith.constant 21 : i32
      %swap3A_314 = arith.constant 160 : index
      %swap3A_315 = tpu.vector_load %arg10[%swap3A_314] {strides = array<i32>} : memref<256xi32, #tpu.memory_space<vmem>>, vector<16xi32>,
      tpu.vector_store %arg10[%swap3A_314], %scan3A_312#0 {strides = array<i32>} : memref<256xi32, #tpu.memory_space<vmem>>, vector<16xi32>,
      %swap3A_316 = arith.constant 160 : index
      %swap3A_317 = tpu.vector_load %arg11[%swap3A_316] {strides = array<i32>} : memref<256xi32, #tpu.memory_space<vmem>>, vector<16xi32>,
      tpu.vector_store %arg11[%swap3A_316], %scan3A_312#1 {strides = array<i32>} : memref<256xi32, #tpu.memory_space<vmem>>, vector<16xi32>,
      %add3A_318 = arith.addi %add3A_302, %scan3A_312#0 : vector<16xi32>
      %add3A_319 = arith.addi %add3A_303, %scan3A_312#1 : vector<16xi32>
      %broadcast_in_dim3A_320 = arith.constant 0 : i32
      %broadcast_in_dim3A_321 = vector.broadcast %broadcast_in_dim3A_320 : i32 to vector<16xi32>
      %broadcast_in_dim3A_322 = arith.constant 0 : i32
      %broadcast_in_dim3A_323 = vector.broadcast %broadcast_in_dim3A_322 : i32 to vector<16xi32>
      %scan3A_324 = arith.constant 0 : i32
      %scan3A_325 = arith.constant 21 : i32
      %scan3A_326 = arith.addi %scan3A_324, %scan3A_325 : i32
      %scan3A_327 = arith.constant 1 : i32
      %scan3A_328:2 = scf.for %scan3A_2042 = %scan3A_324 to %scan3A_326 step %scan3A_327 iter_args(%scan3A_2043 = %broadcast_in_dim3A_321, %scan3A_2044 = %broadcast_in_dim3A_323) -> (vector<16xi32>, vector<16xi32>)  : i32 {
        %mul3A_2045 = arith.constant 4 : i32
        %mul3A_2046 = arith.muli %scan3A_2042, %mul3A_2045 : i32
        %add3A_2047 = arith.constant 2 : i32
        %add3A_2048 = arith.addi %mul3A_2046, %add3A_2047 : i32
        %get3A_2049 = arith.constant 0 : i32
        %get3A_2050 = arith.index_cast %get3A_2049 : i32 to index
        %get3A_2051 = arith.index_cast %add3A_2048 : i32 to index
        %get3A_2052 = arith.constant 48 : index
        %get3A_2053 = tpu.vector_load %arg6[%get3A_2050, %get3A_2051, %get3A_2052] {strides = array<i32>} : memref<2x192x128xf32, #tpu.memory_space<vmem>>, vector<16xf32>,
        %add3A_2054 = arith.constant 1 : i32
        %add3A_2055 = arith.addi %add3A_2048, %add3A_2054 : i32
        %get3A_2056 = arith.constant 0 : i32
        %get3A_2057 = arith.index_cast %get3A_2056 : i32 to index
        %get3A_2058 = arith.index_cast %add3A_2055 : i32 to index
        %get3A_2059 = arith.constant 48 : index
        %get3A_2060 = tpu.vector_load %arg6[%get3A_2057, %get3A_2058, %get3A_2059] {strides = array<i32>} : memref<2x192x128xf32, #tpu.memory_space<vmem>>, vector<16xf32>,
        %add3A_2061 = arith.constant 84 : i32
        %add3A_2062 = arith.addi %add3A_2048, %add3A_2061 : i32
        %get3A_2063 = arith.constant 0 : i32
        %get3A_2064 = arith.index_cast %get3A_2063 : i32 to index
        %get3A_2065 = arith.index_cast %add3A_2062 : i32 to index
        %get3A_2066 = arith.constant 48 : index
        %get3A_2067 = tpu.vector_load %arg6[%get3A_2064, %get3A_2065, %get3A_2066] {strides = array<i32>} : memref<2x192x128xf32, #tpu.memory_space<vmem>>, vector<16xf32>,
        %add3A_2068 = arith.constant 85 : i32
        %add3A_2069 = arith.addi %add3A_2048, %add3A_2068 : i32
        %get3A_2070 = arith.constant 0 : i32
        %get3A_2071 = arith.index_cast %get3A_2070 : i32 to index
        %get3A_2072 = arith.index_cast %add3A_2069 : i32 to index
        %get3A_2073 = arith.constant 48 : index
        %get3A_2074 = tpu.vector_load %arg6[%get3A_2071, %get3A_2072, %get3A_2073] {strides = array<i32>} : memref<2x192x128xf32, #tpu.memory_space<vmem>>, vector<16xf32>,
        %ne3A_2075 = arith.cmpf one, %get3A_2053, %get3A_2053 : vector<16xf32>
        %convert_element_type3A_2076 = arith.extui %ne3A_2075 : vector<16xi1> to vector<16xi32>
        %add3A_2077 = arith.addi %scan3A_2043, %convert_element_type3A_2076 : vector<16xi32>
        %ne3A_2078 = arith.cmpf one, %get3A_2060, %get3A_2060 : vector<16xf32>
        %convert_element_type3A_2079 = arith.extui %ne3A_2078 : vector<16xi1> to vector<16xi32>
        %add3A_2080 = arith.addi %add3A_2077, %convert_element_type3A_2079 : vector<16xi32>
        %ne3A_2081 = arith.cmpf one, %get3A_2067, %get3A_2067 : vector<16xf32>
        %convert_element_type3A_2082 = arith.extui %ne3A_2081 : vector<16xi1> to vector<16xi32>
        %add3A_2083 = arith.addi %scan3A_2044, %convert_element_type3A_2082 : vector<16xi32>
        %ne3A_2084 = arith.cmpf one, %get3A_2074, %get3A_2074 : vector<16xf32>
        %convert_element_type3A_2085 = arith.extui %ne3A_2084 : vector<16xi1> to vector<16xi32>
        %add3A_2086 = arith.addi %add3A_2083, %convert_element_type3A_2085 : vector<16xi32>
        scf.yield %add3A_2080, %add3A_2086 : vector<16xi32>, vector<16xi32>
      }
      %scan3A_329 = arith.constant 21 : i32
      %swap3A_330 = arith.constant 176 : index
      %swap3A_331 = tpu.vector_load %arg10[%swap3A_330] {strides = array<i32>} : memref<256xi32, #tpu.memory_space<vmem>>, vector<16xi32>,
      tpu.vector_store %arg10[%swap3A_330], %scan3A_328#0 {strides = array<i32>} : memref<256xi32, #tpu.memory_space<vmem>>, vector<16xi32>,
      %swap3A_332 = arith.constant 176 : index
      %swap3A_333 = tpu.vector_load %arg11[%swap3A_332] {strides = array<i32>} : memref<256xi32, #tpu.memory_space<vmem>>, vector<16xi32>,
      tpu.vector_store %arg11[%swap3A_332], %scan3A_328#1 {strides = array<i32>} : memref<256xi32, #tpu.memory_space<vmem>>, vector<16xi32>,
      %add3A_334 = arith.addi %add3A_318, %scan3A_328#0 : vector<16xi32>
      %add3A_335 = arith.addi %add3A_319, %scan3A_328#1 : vector<16xi32>
      %broadcast_in_dim3A_336 = arith.constant 0 : i32
      %broadcast_in_dim3A_337 = vector.broadcast %broadcast_in_dim3A_336 : i32 to vector<16xi32>
      %broadcast_in_dim3A_338 = arith.constant 0 : i32
      %broadcast_in_dim3A_339 = vector.broadcast %broadcast_in_dim3A_338 : i32 to vector<16xi32>
      %scan3A_340 = arith.constant 0 : i32
      %scan3A_341 = arith.constant 21 : i32
      %scan3A_342 = arith.addi %scan3A_340, %scan3A_341 : i32
      %scan3A_343 = arith.constant 1 : i32
      %scan3A_344:2 = scf.for %scan3A_2042 = %scan3A_340 to %scan3A_342 step %scan3A_343 iter_args(%scan3A_2043 = %broadcast_in_dim3A_337, %scan3A_2044 = %broadcast_in_dim3A_339) -> (vector<16xi32>, vector<16xi32>)  : i32 {
        %mul3A_2045 = arith.constant 4 : i32
        %mul3A_2046 = arith.muli %scan3A_2042, %mul3A_2045 : i32
        %add3A_2047 = arith.constant 2 : i32
        %add3A_2048 = arith.addi %mul3A_2046, %add3A_2047 : i32
        %get3A_2049 = arith.constant 0 : i32
        %get3A_2050 = arith.index_cast %get3A_2049 : i32 to index
        %get3A_2051 = arith.index_cast %add3A_2048 : i32 to index
        %get3A_2052 = arith.constant 64 : index
        %get3A_2053 = tpu.vector_load %arg6[%get3A_2050, %get3A_2051, %get3A_2052] {strides = array<i32>} : memref<2x192x128xf32, #tpu.memory_space<vmem>>, vector<16xf32>,
        %add3A_2054 = arith.constant 1 : i32
        %add3A_2055 = arith.addi %add3A_2048, %add3A_2054 : i32
        %get3A_2056 = arith.constant 0 : i32
        %get3A_2057 = arith.index_cast %get3A_2056 : i32 to index
        %get3A_2058 = arith.index_cast %add3A_2055 : i32 to index
        %get3A_2059 = arith.constant 64 : index
        %get3A_2060 = tpu.vector_load %arg6[%get3A_2057, %get3A_2058, %get3A_2059] {strides = array<i32>} : memref<2x192x128xf32, #tpu.memory_space<vmem>>, vector<16xf32>,
        %add3A_2061 = arith.constant 84 : i32
        %add3A_2062 = arith.addi %add3A_2048, %add3A_2061 : i32
        %get3A_2063 = arith.constant 0 : i32
        %get3A_2064 = arith.index_cast %get3A_2063 : i32 to index
        %get3A_2065 = arith.index_cast %add3A_2062 : i32 to index
        %get3A_2066 = arith.constant 64 : index
        %get3A_2067 = tpu.vector_load %arg6[%get3A_2064, %get3A_2065, %get3A_2066] {strides = array<i32>} : memref<2x192x128xf32, #tpu.memory_space<vmem>>, vector<16xf32>,
        %add3A_2068 = arith.constant 85 : i32
        %add3A_2069 = arith.addi %add3A_2048, %add3A_2068 : i32
        %get3A_2070 = arith.constant 0 : i32
        %get3A_2071 = arith.index_cast %get3A_2070 : i32 to index
        %get3A_2072 = arith.index_cast %add3A_2069 : i32 to index
        %get3A_2073 = arith.constant 64 : index
        %get3A_2074 = tpu.vector_load %arg6[%get3A_2071, %get3A_2072, %get3A_2073] {strides = array<i32>} : memref<2x192x128xf32, #tpu.memory_space<vmem>>, vector<16xf32>,
        %ne3A_2075 = arith.cmpf one, %get3A_2053, %get3A_2053 : vector<16xf32>
        %convert_element_type3A_2076 = arith.extui %ne3A_2075 : vector<16xi1> to vector<16xi32>
        %add3A_2077 = arith.addi %scan3A_2043, %convert_element_type3A_2076 : vector<16xi32>
        %ne3A_2078 = arith.cmpf one, %get3A_2060, %get3A_2060 : vector<16xf32>
        %convert_element_type3A_2079 = arith.extui %ne3A_2078 : vector<16xi1> to vector<16xi32>
        %add3A_2080 = arith.addi %add3A_2077, %convert_element_type3A_2079 : vector<16xi32>
        %ne3A_2081 = arith.cmpf one, %get3A_2067, %get3A_2067 : vector<16xf32>
        %convert_element_type3A_2082 = arith.extui %ne3A_2081 : vector<16xi1> to vector<16xi32>
        %add3A_2083 = arith.addi %scan3A_2044, %convert_element_type3A_2082 : vector<16xi32>
        %ne3A_2084 = arith.cmpf one, %get3A_2074, %get3A_2074 : vector<16xf32>
        %convert_element_type3A_2085 = arith.extui %ne3A_2084 : vector<16xi1> to vector<16xi32>
        %add3A_2086 = arith.addi %add3A_2083, %convert_element_type3A_2085 : vector<16xi32>
        scf.yield %add3A_2080, %add3A_2086 : vector<16xi32>, vector<16xi32>
      }
      %scan3A_345 = arith.constant 21 : i32
      %swap3A_346 = arith.constant 192 : index
      %swap3A_347 = tpu.vector_load %arg10[%swap3A_346] {strides = array<i32>} : memref<256xi32, #tpu.memory_space<vmem>>, vector<16xi32>,
      tpu.vector_store %arg10[%swap3A_346], %scan3A_344#0 {strides = array<i32>} : memref<256xi32, #tpu.memory_space<vmem>>, vector<16xi32>,
      %swap3A_348 = arith.constant 192 : index
      %swap3A_349 = tpu.vector_load %arg11[%swap3A_348] {strides = array<i32>} : memref<256xi32, #tpu.memory_space<vmem>>, vector<16xi32>,
      tpu.vector_store %arg11[%swap3A_348], %scan3A_344#1 {strides = array<i32>} : memref<256xi32, #tpu.memory_space<vmem>>, vector<16xi32>,
      %add3A_350 = arith.addi %add3A_334, %scan3A_344#0 : vector<16xi32>
      %add3A_351 = arith.addi %add3A_335, %scan3A_344#1 : vector<16xi32>
      %broadcast_in_dim3A_352 = arith.constant 0 : i32
      %broadcast_in_dim3A_353 = vector.broadcast %broadcast_in_dim3A_352 : i32 to vector<16xi32>
      %broadcast_in_dim3A_354 = arith.constant 0 : i32
      %broadcast_in_dim3A_355 = vector.broadcast %broadcast_in_dim3A_354 : i32 to vector<16xi32>
      %scan3A_356 = arith.constant 0 : i32
      %scan3A_357 = arith.constant 21 : i32
      %scan3A_358 = arith.addi %scan3A_356, %scan3A_357 : i32
      %scan3A_359 = arith.constant 1 : i32
      %scan3A_360:2 = scf.for %scan3A_2042 = %scan3A_356 to %scan3A_358 step %scan3A_359 iter_args(%scan3A_2043 = %broadcast_in_dim3A_353, %scan3A_2044 = %broadcast_in_dim3A_355) -> (vector<16xi32>, vector<16xi32>)  : i32 {
        %mul3A_2045 = arith.constant 4 : i32
        %mul3A_2046 = arith.muli %scan3A_2042, %mul3A_2045 : i32
        %add3A_2047 = arith.constant 2 : i32
        %add3A_2048 = arith.addi %mul3A_2046, %add3A_2047 : i32
        %get3A_2049 = arith.constant 0 : i32
        %get3A_2050 = arith.index_cast %get3A_2049 : i32 to index
        %get3A_2051 = arith.index_cast %add3A_2048 : i32 to index
        %get3A_2052 = arith.constant 80 : index
        %get3A_2053 = tpu.vector_load %arg6[%get3A_2050, %get3A_2051, %get3A_2052] {strides = array<i32>} : memref<2x192x128xf32, #tpu.memory_space<vmem>>, vector<16xf32>,
        %add3A_2054 = arith.constant 1 : i32
        %add3A_2055 = arith.addi %add3A_2048, %add3A_2054 : i32
        %get3A_2056 = arith.constant 0 : i32
        %get3A_2057 = arith.index_cast %get3A_2056 : i32 to index
        %get3A_2058 = arith.index_cast %add3A_2055 : i32 to index
        %get3A_2059 = arith.constant 80 : index
        %get3A_2060 = tpu.vector_load %arg6[%get3A_2057, %get3A_2058, %get3A_2059] {strides = array<i32>} : memref<2x192x128xf32, #tpu.memory_space<vmem>>, vector<16xf32>,
        %add3A_2061 = arith.constant 84 : i32
        %add3A_2062 = arith.addi %add3A_2048, %add3A_2061 : i32
        %get3A_2063 = arith.constant 0 : i32
        %get3A_2064 = arith.index_cast %get3A_2063 : i32 to index
        %get3A_2065 = arith.index_cast %add3A_2062 : i32 to index
        %get3A_2066 = arith.constant 80 : index
        %get3A_2067 = tpu.vector_load %arg6[%get3A_2064, %get3A_2065, %get3A_2066] {strides = array<i32>} : memref<2x192x128xf32, #tpu.memory_space<vmem>>, vector<16xf32>,
        %add3A_2068 = arith.constant 85 : i32
        %add3A_2069 = arith.addi %add3A_2048, %add3A_2068 : i32
        %get3A_2070 = arith.constant 0 : i32
        %get3A_2071 = arith.index_cast %get3A_2070 : i32 to index
        %get3A_2072 = arith.index_cast %add3A_2069 : i32 to index
        %get3A_2073 = arith.constant 80 : index
        %get3A_2074 = tpu.vector_load %arg6[%get3A_2071, %get3A_2072, %get3A_2073] {strides = array<i32>} : memref<2x192x128xf32, #tpu.memory_space<vmem>>, vector<16xf32>,
        %ne3A_2075 = arith.cmpf one, %get3A_2053, %get3A_2053 : vector<16xf32>
        %convert_element_type3A_2076 = arith.extui %ne3A_2075 : vector<16xi1> to vector<16xi32>
        %add3A_2077 = arith.addi %scan3A_2043, %convert_element_type3A_2076 : vector<16xi32>
        %ne3A_2078 = arith.cmpf one, %get3A_2060, %get3A_2060 : vector<16xf32>
        %convert_element_type3A_2079 = arith.extui %ne3A_2078 : vector<16xi1> to vector<16xi32>
        %add3A_2080 = arith.addi %add3A_2077, %convert_element_type3A_2079 : vector<16xi32>
        %ne3A_2081 = arith.cmpf one, %get3A_2067, %get3A_2067 : vector<16xf32>
        %convert_element_type3A_2082 = arith.extui %ne3A_2081 : vector<16xi1> to vector<16xi32>
        %add3A_2083 = arith.addi %scan3A_2044, %convert_element_type3A_2082 : vector<16xi32>
        %ne3A_2084 = arith.cmpf one, %get3A_2074, %get3A_2074 : vector<16xf32>
        %convert_element_type3A_2085 = arith.extui %ne3A_2084 : vector<16xi1> to vector<16xi32>
        %add3A_2086 = arith.addi %add3A_2083, %convert_element_type3A_2085 : vector<16xi32>
        scf.yield %add3A_2080, %add3A_2086 : vector<16xi32>, vector<16xi32>
      }
      %scan3A_361 = arith.constant 21 : i32
      %swap3A_362 = arith.constant 208 : index
      %swap3A_363 = tpu.vector_load %arg10[%swap3A_362] {strides = array<i32>} : memref<256xi32, #tpu.memory_space<vmem>>, vector<16xi32>,
      tpu.vector_store %arg10[%swap3A_362], %scan3A_360#0 {strides = array<i32>} : memref<256xi32, #tpu.memory_space<vmem>>, vector<16xi32>,
      %swap3A_364 = arith.constant 208 : index
      %swap3A_365 = tpu.vector_load %arg11[%swap3A_364] {strides = array<i32>} : memref<256xi32, #tpu.memory_space<vmem>>, vector<16xi32>,
      tpu.vector_store %arg11[%swap3A_364], %scan3A_360#1 {strides = array<i32>} : memref<256xi32, #tpu.memory_space<vmem>>, vector<16xi32>,
      %add3A_366 = arith.addi %add3A_350, %scan3A_360#0 : vector<16xi32>
      %add3A_367 = arith.addi %add3A_351, %scan3A_360#1 : vector<16xi32>
      %broadcast_in_dim3A_368 = arith.constant 0 : i32
      %broadcast_in_dim3A_369 = vector.broadcast %broadcast_in_dim3A_368 : i32 to vector<16xi32>
      %broadcast_in_dim3A_370 = arith.constant 0 : i32
      %broadcast_in_dim3A_371 = vector.broadcast %broadcast_in_dim3A_370 : i32 to vector<16xi32>
      %scan3A_372 = arith.constant 0 : i32
      %scan3A_373 = arith.constant 21 : i32
      %scan3A_374 = arith.addi %scan3A_372, %scan3A_373 : i32
      %scan3A_375 = arith.constant 1 : i32
      %scan3A_376:2 = scf.for %scan3A_2042 = %scan3A_372 to %scan3A_374 step %scan3A_375 iter_args(%scan3A_2043 = %broadcast_in_dim3A_369, %scan3A_2044 = %broadcast_in_dim3A_371) -> (vector<16xi32>, vector<16xi32>)  : i32 {
        %mul3A_2045 = arith.constant 4 : i32
        %mul3A_2046 = arith.muli %scan3A_2042, %mul3A_2045 : i32
        %add3A_2047 = arith.constant 2 : i32
        %add3A_2048 = arith.addi %mul3A_2046, %add3A_2047 : i32
        %get3A_2049 = arith.constant 0 : i32
        %get3A_2050 = arith.index_cast %get3A_2049 : i32 to index
        %get3A_2051 = arith.index_cast %add3A_2048 : i32 to index
        %get3A_2052 = arith.constant 96 : index
        %get3A_2053 = tpu.vector_load %arg6[%get3A_2050, %get3A_2051, %get3A_2052] {strides = array<i32>} : memref<2x192x128xf32, #tpu.memory_space<vmem>>, vector<16xf32>,
        %add3A_2054 = arith.constant 1 : i32
        %add3A_2055 = arith.addi %add3A_2048, %add3A_2054 : i32
        %get3A_2056 = arith.constant 0 : i32
        %get3A_2057 = arith.index_cast %get3A_2056 : i32 to index
        %get3A_2058 = arith.index_cast %add3A_2055 : i32 to index
        %get3A_2059 = arith.constant 96 : index
        %get3A_2060 = tpu.vector_load %arg6[%get3A_2057, %get3A_2058, %get3A_2059] {strides = array<i32>} : memref<2x192x128xf32, #tpu.memory_space<vmem>>, vector<16xf32>,
        %add3A_2061 = arith.constant 84 : i32
        %add3A_2062 = arith.addi %add3A_2048, %add3A_2061 : i32
        %get3A_2063 = arith.constant 0 : i32
        %get3A_2064 = arith.index_cast %get3A_2063 : i32 to index
        %get3A_2065 = arith.index_cast %add3A_2062 : i32 to index
        %get3A_2066 = arith.constant 96 : index
        %get3A_2067 = tpu.vector_load %arg6[%get3A_2064, %get3A_2065, %get3A_2066] {strides = array<i32>} : memref<2x192x128xf32, #tpu.memory_space<vmem>>, vector<16xf32>,
        %add3A_2068 = arith.constant 85 : i32
        %add3A_2069 = arith.addi %add3A_2048, %add3A_2068 : i32
        %get3A_2070 = arith.constant 0 : i32
        %get3A_2071 = arith.index_cast %get3A_2070 : i32 to index
        %get3A_2072 = arith.index_cast %add3A_2069 : i32 to index
        %get3A_2073 = arith.constant 96 : index
        %get3A_2074 = tpu.vector_load %arg6[%get3A_2071, %get3A_2072, %get3A_2073] {strides = array<i32>} : memref<2x192x128xf32, #tpu.memory_space<vmem>>, vector<16xf32>,
        %ne3A_2075 = arith.cmpf one, %get3A_2053, %get3A_2053 : vector<16xf32>
        %convert_element_type3A_2076 = arith.extui %ne3A_2075 : vector<16xi1> to vector<16xi32>
        %add3A_2077 = arith.addi %scan3A_2043, %convert_element_type3A_2076 : vector<16xi32>
        %ne3A_2078 = arith.cmpf one, %get3A_2060, %get3A_2060 : vector<16xf32>
        %convert_element_type3A_2079 = arith.extui %ne3A_2078 : vector<16xi1> to vector<16xi32>
        %add3A_2080 = arith.addi %add3A_2077, %convert_element_type3A_2079 : vector<16xi32>
        %ne3A_2081 = arith.cmpf one, %get3A_2067, %get3A_2067 : vector<16xf32>
        %convert_element_type3A_2082 = arith.extui %ne3A_2081 : vector<16xi1> to vector<16xi32>
        %add3A_2083 = arith.addi %scan3A_2044, %convert_element_type3A_2082 : vector<16xi32>
        %ne3A_2084 = arith.cmpf one, %get3A_2074, %get3A_2074 : vector<16xf32>
        %convert_element_type3A_2085 = arith.extui %ne3A_2084 : vector<16xi1> to vector<16xi32>
        %add3A_2086 = arith.addi %add3A_2083, %convert_element_type3A_2085 : vector<16xi32>
        scf.yield %add3A_2080, %add3A_2086 : vector<16xi32>, vector<16xi32>
      }
      %scan3A_377 = arith.constant 21 : i32
      %swap3A_378 = arith.constant 224 : index
      %swap3A_379 = tpu.vector_load %arg10[%swap3A_378] {strides = array<i32>} : memref<256xi32, #tpu.memory_space<vmem>>, vector<16xi32>,
      tpu.vector_store %arg10[%swap3A_378], %scan3A_376#0 {strides = array<i32>} : memref<256xi32, #tpu.memory_space<vmem>>, vector<16xi32>,
      %swap3A_380 = arith.constant 224 : index
      %swap3A_381 = tpu.vector_load %arg11[%swap3A_380] {strides = array<i32>} : memref<256xi32, #tpu.memory_space<vmem>>, vector<16xi32>,
      tpu.vector_store %arg11[%swap3A_380], %scan3A_376#1 {strides = array<i32>} : memref<256xi32, #tpu.memory_space<vmem>>, vector<16xi32>,
      %add3A_382 = arith.addi %add3A_366, %scan3A_376#0 : vector<16xi32>
      %add3A_383 = arith.addi %add3A_367, %scan3A_376#1 : vector<16xi32>
      %broadcast_in_dim3A_384 = arith.constant 0 : i32
      %broadcast_in_dim3A_385 = vector.broadcast %broadcast_in_dim3A_384 : i32 to vector<16xi32>
      %broadcast_in_dim3A_386 = arith.constant 0 : i32
      %broadcast_in_dim3A_387 = vector.broadcast %broadcast_in_dim3A_386 : i32 to vector<16xi32>
      %scan3A_388 = arith.constant 0 : i32
      %scan3A_389 = arith.constant 21 : i32
      %scan3A_390 = arith.addi %scan3A_388, %scan3A_389 : i32
      %scan3A_391 = arith.constant 1 : i32
      %scan3A_392:2 = scf.for %scan3A_2042 = %scan3A_388 to %scan3A_390 step %scan3A_391 iter_args(%scan3A_2043 = %broadcast_in_dim3A_385, %scan3A_2044 = %broadcast_in_dim3A_387) -> (vector<16xi32>, vector<16xi32>)  : i32 {
        %mul3A_2045 = arith.constant 4 : i32
        %mul3A_2046 = arith.muli %scan3A_2042, %mul3A_2045 : i32
        %add3A_2047 = arith.constant 2 : i32
        %add3A_2048 = arith.addi %mul3A_2046, %add3A_2047 : i32
        %get3A_2049 = arith.constant 0 : i32
        %get3A_2050 = arith.index_cast %get3A_2049 : i32 to index
        %get3A_2051 = arith.index_cast %add3A_2048 : i32 to index
        %get3A_2052 = arith.constant 112 : index
        %get3A_2053 = tpu.vector_load %arg6[%get3A_2050, %get3A_2051, %get3A_2052] {strides = array<i32>} : memref<2x192x128xf32, #tpu.memory_space<vmem>>, vector<16xf32>,
        %add3A_2054 = arith.constant 1 : i32
        %add3A_2055 = arith.addi %add3A_2048, %add3A_2054 : i32
        %get3A_2056 = arith.constant 0 : i32
        %get3A_2057 = arith.index_cast %get3A_2056 : i32 to index
        %get3A_2058 = arith.index_cast %add3A_2055 : i32 to index
        %get3A_2059 = arith.constant 112 : index
        %get3A_2060 = tpu.vector_load %arg6[%get3A_2057, %get3A_2058, %get3A_2059] {strides = array<i32>} : memref<2x192x128xf32, #tpu.memory_space<vmem>>, vector<16xf32>,
        %add3A_2061 = arith.constant 84 : i32
        %add3A_2062 = arith.addi %add3A_2048, %add3A_2061 : i32
        %get3A_2063 = arith.constant 0 : i32
        %get3A_2064 = arith.index_cast %get3A_2063 : i32 to index
        %get3A_2065 = arith.index_cast %add3A_2062 : i32 to index
        %get3A_2066 = arith.constant 112 : index
        %get3A_2067 = tpu.vector_load %arg6[%get3A_2064, %get3A_2065, %get3A_2066] {strides = array<i32>} : memref<2x192x128xf32, #tpu.memory_space<vmem>>, vector<16xf32>,
        %add3A_2068 = arith.constant 85 : i32
        %add3A_2069 = arith.addi %add3A_2048, %add3A_2068 : i32
        %get3A_2070 = arith.constant 0 : i32
        %get3A_2071 = arith.index_cast %get3A_2070 : i32 to index
        %get3A_2072 = arith.index_cast %add3A_2069 : i32 to index
        %get3A_2073 = arith.constant 112 : index
        %get3A_2074 = tpu.vector_load %arg6[%get3A_2071, %get3A_2072, %get3A_2073] {strides = array<i32>} : memref<2x192x128xf32, #tpu.memory_space<vmem>>, vector<16xf32>,
        %ne3A_2075 = arith.cmpf one, %get3A_2053, %get3A_2053 : vector<16xf32>
        %convert_element_type3A_2076 = arith.extui %ne3A_2075 : vector<16xi1> to vector<16xi32>
        %add3A_2077 = arith.addi %scan3A_2043, %convert_element_type3A_2076 : vector<16xi32>
        %ne3A_2078 = arith.cmpf one, %get3A_2060, %get3A_2060 : vector<16xf32>
        %convert_element_type3A_2079 = arith.extui %ne3A_2078 : vector<16xi1> to vector<16xi32>
        %add3A_2080 = arith.addi %add3A_2077, %convert_element_type3A_2079 : vector<16xi32>
        %ne3A_2081 = arith.cmpf one, %get3A_2067, %get3A_2067 : vector<16xf32>
        %convert_element_type3A_2082 = arith.extui %ne3A_2081 : vector<16xi1> to vector<16xi32>
        %add3A_2083 = arith.addi %scan3A_2044, %convert_element_type3A_2082 : vector<16xi32>
        %ne3A_2084 = arith.cmpf one, %get3A_2074, %get3A_2074 : vector<16xf32>
        %convert_element_type3A_2085 = arith.extui %ne3A_2084 : vector<16xi1> to vector<16xi32>
        %add3A_2086 = arith.addi %add3A_2083, %convert_element_type3A_2085 : vector<16xi32>
        scf.yield %add3A_2080, %add3A_2086 : vector<16xi32>, vector<16xi32>
      }
      %scan3A_393 = arith.constant 21 : i32
      %swap3A_394 = arith.constant 240 : index
      %swap3A_395 = tpu.vector_load %arg10[%swap3A_394] {strides = array<i32>} : memref<256xi32, #tpu.memory_space<vmem>>, vector<16xi32>,
      tpu.vector_store %arg10[%swap3A_394], %scan3A_392#0 {strides = array<i32>} : memref<256xi32, #tpu.memory_space<vmem>>, vector<16xi32>,
      %swap3A_396 = arith.constant 240 : index
      %swap3A_397 = tpu.vector_load %arg11[%swap3A_396] {strides = array<i32>} : memref<256xi32, #tpu.memory_space<vmem>>, vector<16xi32>,
      tpu.vector_store %arg11[%swap3A_396], %scan3A_392#1 {strides = array<i32>} : memref<256xi32, #tpu.memory_space<vmem>>, vector<16xi32>,
      %add3A_398 = arith.addi %add3A_382, %scan3A_392#0 : vector<16xi32>
      %add3A_399 = arith.addi %add3A_383, %scan3A_392#1 : vector<16xi32>
      %reduce_sum3A = arith.constant true
      %reduce_sum3A_400 = vector.broadcast %reduce_sum3A : i1 to vector<16xi1>
      %reduce_sum3A_401 = tpu.scan <sum>, %add3A_398 masked %reduce_sum3A_400 : vector<16xi32>, vector<16xi1> -> vector<16xi32>
      %reduce_sum3A_402 = vector.extract %reduce_sum3A_401[15] : i32 from vector<16xi32>
      %broadcast_in_dim3A_403 = vector.broadcast %reduce_sum3A_402 : i32 to vector<16xi32>
      %swap3A_404 = arith.constant 0 : index
      %swap3A_405 = tpu.vector_load %arg12[%swap3A_404] {strides = array<i32>} : memref<16xi32, #tpu.memory_space<vmem>>, vector<16xi32>,
      tpu.vector_store %arg12[%swap3A_404], %broadcast_in_dim3A_403 {strides = array<i32>} : memref<16xi32, #tpu.memory_space<vmem>>, vector<16xi32>,
      %reduce_sum3A_406 = arith.constant true
      %reduce_sum3A_407 = vector.broadcast %reduce_sum3A_406 : i1 to vector<16xi1>
      %reduce_sum3A_408 = tpu.scan <sum>, %add3A_399 masked %reduce_sum3A_407 : vector<16xi32>, vector<16xi1> -> vector<16xi32>
      %reduce_sum3A_409 = vector.extract %reduce_sum3A_408[15] : i32 from vector<16xi32>
      %broadcast_in_dim3A_410 = vector.broadcast %reduce_sum3A_409 : i32 to vector<16xi32>
      %swap3A_411 = arith.constant 0 : index
      %swap3A_412 = tpu.vector_load %arg13[%swap3A_411] {strides = array<i32>} : memref<16xi32, #tpu.memory_space<vmem>>, vector<16xi32>,
      tpu.vector_store %arg13[%swap3A_411], %broadcast_in_dim3A_410 {strides = array<i32>} : memref<16xi32, #tpu.memory_space<vmem>>, vector<16xi32>,
      %mul3A_413 = arith.constant 256 : i32
      %mul3A_414 = arith.muli %arg1, %mul3A_413 : i32
      "tpu.region"() ({
        %run_scoped3A = tpu.sem_alloc : memref<!tpu.dma_semaphore, #tpu.memory_space<semaphore_mem>>
        %dma_start3A_2042 = tpu.memref_slice %arg14[%mul3A_414] : memref<4096xi32, #tpu.memory_space<vmem_shared>> -> memref<256xi32, #tpu.memory_space<vmem_shared>>
        %dma_start3A_2043 = tpu.memref_slice %arg14[%mul3A_414] : memref<4096xi32, #tpu.memory_space<vmem_shared>> -> memref<256xi32, #tpu.memory_space<vmem_shared>>
        tpu.enqueue_dma source(%arg10 : memref<256xi32, #tpu.memory_space<vmem>>) target(%dma_start3A_2043 : memref<256xi32, #tpu.memory_space<vmem_shared>>) target_semaphore(%run_scoped3A : memref<!tpu.dma_semaphore, #tpu.memory_space<semaphore_mem>>)
        %dma_wait3A_2044 = tpu.memref_slice %arg14[%mul3A_414] : memref<4096xi32, #tpu.memory_space<vmem_shared>> -> memref<256xi32, #tpu.memory_space<vmem_shared>>
        %dma_wait3A_2045 = tpu.memref_slice %arg14[%mul3A_414] : memref<4096xi32, #tpu.memory_space<vmem_shared>> -> memref<256xi32, #tpu.memory_space<vmem_shared>>
        tpu.wait_dma2 semaphore(%run_scoped3A : memref<!tpu.dma_semaphore, #tpu.memory_space<semaphore_mem>>) src(%arg10 : memref<256xi32, #tpu.memory_space<vmem>>) dst(%dma_wait3A_2045 : memref<256xi32, #tpu.memory_space<vmem_shared>>)
        tpu.yield
      }) : () -> ()
      %mul3A_415 = arith.constant 256 : i32
      %mul3A_416 = arith.muli %arg1, %mul3A_415 : i32
      "tpu.region"() ({
        %run_scoped3A = tpu.sem_alloc : memref<!tpu.dma_semaphore, #tpu.memory_space<semaphore_mem>>
        %dma_start3A_2042 = tpu.memref_slice %arg15[%mul3A_416] : memref<4096xi32, #tpu.memory_space<vmem_shared>> -> memref<256xi32, #tpu.memory_space<vmem_shared>>
        %dma_start3A_2043 = tpu.memref_slice %arg15[%mul3A_416] : memref<4096xi32, #tpu.memory_space<vmem_shared>> -> memref<256xi32, #tpu.memory_space<vmem_shared>>
        tpu.enqueue_dma source(%arg11 : memref<256xi32, #tpu.memory_space<vmem>>) target(%dma_start3A_2043 : memref<256xi32, #tpu.memory_space<vmem_shared>>) target_semaphore(%run_scoped3A : memref<!tpu.dma_semaphore, #tpu.memory_space<semaphore_mem>>)
        %dma_wait3A_2044 = tpu.memref_slice %arg15[%mul3A_416] : memref<4096xi32, #tpu.memory_space<vmem_shared>> -> memref<256xi32, #tpu.memory_space<vmem_shared>>
        %dma_wait3A_2045 = tpu.memref_slice %arg15[%mul3A_416] : memref<4096xi32, #tpu.memory_space<vmem_shared>> -> memref<256xi32, #tpu.memory_space<vmem_shared>>
        tpu.wait_dma2 semaphore(%run_scoped3A : memref<!tpu.dma_semaphore, #tpu.memory_space<semaphore_mem>>) src(%arg11 : memref<256xi32, #tpu.memory_space<vmem>>) dst(%dma_wait3A_2045 : memref<256xi32, #tpu.memory_space<vmem_shared>>)
        tpu.yield
      }) : () -> ()
      "tpu.region"() ({
        %run_scoped3A = tpu.sem_alloc : memref<!tpu.dma_semaphore, #tpu.memory_space<semaphore_mem>>
        %dma_start3A_2042 = arith.constant 0 : i32
        %dma_start3A_2043 = tpu.memref_slice %arg16[%arg1, %dma_start3A_2042] : memref<16x16xi32, #tpu.memory_space<vmem_shared>> -> memref<1x16xi32, #tpu.memory_space<vmem_shared>>
        %dma_start3A_2044 = tpu.memref_squeeze %dma_start3A_2043 : memref<1x16xi32, #tpu.memory_space<vmem_shared>> -> memref<16xi32, #tpu.memory_space<vmem_shared>>
        %dma_start3A_2045 = arith.constant 0 : i32
        %dma_start3A_2046 = tpu.memref_slice %arg16[%arg1, %dma_start3A_2045] : memref<16x16xi32, #tpu.memory_space<vmem_shared>> -> memref<1x16xi32, #tpu.memory_space<vmem_shared>>
        %dma_start3A_2047 = tpu.memref_squeeze %dma_start3A_2046 : memref<1x16xi32, #tpu.memory_space<vmem_shared>> -> memref<16xi32, #tpu.memory_space<vmem_shared>>
        tpu.enqueue_dma source(%arg12 : memref<16xi32, #tpu.memory_space<vmem>>) target(%dma_start3A_2047 : memref<16xi32, #tpu.memory_space<vmem_shared>>) target_semaphore(%run_scoped3A : memref<!tpu.dma_semaphore, #tpu.memory_space<semaphore_mem>>)
        %dma_wait3A_2048 = arith.constant 0 : i32
        %dma_wait3A_2049 = tpu.memref_slice %arg16[%arg1, %dma_wait3A_2048] : memref<16x16xi32, #tpu.memory_space<vmem_shared>> -> memref<1x16xi32, #tpu.memory_space<vmem_shared>>
        %dma_wait3A_2050 = tpu.memref_squeeze %dma_wait3A_2049 : memref<1x16xi32, #tpu.memory_space<vmem_shared>> -> memref<16xi32, #tpu.memory_space<vmem_shared>>
        %dma_wait3A_2051 = arith.constant 0 : i32
        %dma_wait3A_2052 = tpu.memref_slice %arg16[%arg1, %dma_wait3A_2051] : memref<16x16xi32, #tpu.memory_space<vmem_shared>> -> memref<1x16xi32, #tpu.memory_space<vmem_shared>>
        %dma_wait3A_2053 = tpu.memref_squeeze %dma_wait3A_2052 : memref<1x16xi32, #tpu.memory_space<vmem_shared>> -> memref<16xi32, #tpu.memory_space<vmem_shared>>
        tpu.wait_dma2 semaphore(%run_scoped3A : memref<!tpu.dma_semaphore, #tpu.memory_space<semaphore_mem>>) src(%arg12 : memref<16xi32, #tpu.memory_space<vmem>>) dst(%dma_wait3A_2053 : memref<16xi32, #tpu.memory_space<vmem_shared>>)
        tpu.yield
      }) : () -> ()
      "tpu.region"() ({
        %run_scoped3A = tpu.sem_alloc : memref<!tpu.dma_semaphore, #tpu.memory_space<semaphore_mem>>
        %dma_start3A_2042 = arith.constant 0 : i32
        %dma_start3A_2043 = tpu.memref_slice %arg17[%arg1, %dma_start3A_2042] : memref<16x16xi32, #tpu.memory_space<vmem_shared>> -> memref<1x16xi32, #tpu.memory_space<vmem_shared>>
        %dma_start3A_2044 = tpu.memref_squeeze %dma_start3A_2043 : memref<1x16xi32, #tpu.memory_space<vmem_shared>> -> memref<16xi32, #tpu.memory_space<vmem_shared>>
        %dma_start3A_2045 = arith.constant 0 : i32
        %dma_start3A_2046 = tpu.memref_slice %arg17[%arg1, %dma_start3A_2045] : memref<16x16xi32, #tpu.memory_space<vmem_shared>> -> memref<1x16xi32, #tpu.memory_space<vmem_shared>>
        %dma_start3A_2047 = tpu.memref_squeeze %dma_start3A_2046 : memref<1x16xi32, #tpu.memory_space<vmem_shared>> -> memref<16xi32, #tpu.memory_space<vmem_shared>>
        tpu.enqueue_dma source(%arg13 : memref<16xi32, #tpu.memory_space<vmem>>) target(%dma_start3A_2047 : memref<16xi32, #tpu.memory_space<vmem_shared>>) target_semaphore(%run_scoped3A : memref<!tpu.dma_semaphore, #tpu.memory_space<semaphore_mem>>)
        %dma_wait3A_2048 = arith.constant 0 : i32
        %dma_wait3A_2049 = tpu.memref_slice %arg17[%arg1, %dma_wait3A_2048] : memref<16x16xi32, #tpu.memory_space<vmem_shared>> -> memref<1x16xi32, #tpu.memory_space<vmem_shared>>
        %dma_wait3A_2050 = tpu.memref_squeeze %dma_wait3A_2049 : memref<1x16xi32, #tpu.memory_space<vmem_shared>> -> memref<16xi32, #tpu.memory_space<vmem_shared>>
        %dma_wait3A_2051 = arith.constant 0 : i32
        %dma_wait3A_2052 = tpu.memref_slice %arg17[%arg1, %dma_wait3A_2051] : memref<16x16xi32, #tpu.memory_space<vmem_shared>> -> memref<1x16xi32, #tpu.memory_space<vmem_shared>>
        %dma_wait3A_2053 = tpu.memref_squeeze %dma_wait3A_2052 : memref<1x16xi32, #tpu.memory_space<vmem_shared>> -> memref<16xi32, #tpu.memory_space<vmem_shared>>
        tpu.wait_dma2 semaphore(%run_scoped3A : memref<!tpu.dma_semaphore, #tpu.memory_space<semaphore_mem>>) src(%arg13 : memref<16xi32, #tpu.memory_space<vmem>>) dst(%dma_wait3A_2053 : memref<16xi32, #tpu.memory_space<vmem_shared>>)
        tpu.yield
      }) : () -> ()
      %barrier3A = arith.constant 0 : index
      tpu.barrier barrier_id(%barrier3A)
      "tpu.region"() ({
        %run_scoped3A = tpu.sem_alloc : memref<!tpu.dma_semaphore, #tpu.memory_space<semaphore_mem>>
        tpu.enqueue_dma source(%arg16 : memref<16x16xi32, #tpu.memory_space<vmem_shared>>) target(%arg21 : memref<16x16xi32, #tpu.memory_space<vmem>>) target_semaphore(%run_scoped3A : memref<!tpu.dma_semaphore, #tpu.memory_space<semaphore_mem>>)
        tpu.wait_dma2 semaphore(%run_scoped3A : memref<!tpu.dma_semaphore, #tpu.memory_space<semaphore_mem>>) src(%arg16 : memref<16x16xi32, #tpu.memory_space<vmem_shared>>) dst(%arg21 : memref<16x16xi32, #tpu.memory_space<vmem>>)
        tpu.yield
      }) : () -> ()
      "tpu.region"() ({
        %run_scoped3A = tpu.sem_alloc : memref<!tpu.dma_semaphore, #tpu.memory_space<semaphore_mem>>
        tpu.enqueue_dma source(%arg17 : memref<16x16xi32, #tpu.memory_space<vmem_shared>>) target(%arg22 : memref<16x16xi32, #tpu.memory_space<vmem>>) target_semaphore(%run_scoped3A : memref<!tpu.dma_semaphore, #tpu.memory_space<semaphore_mem>>)
        tpu.wait_dma2 semaphore(%run_scoped3A : memref<!tpu.dma_semaphore, #tpu.memory_space<semaphore_mem>>) src(%arg17 : memref<16x16xi32, #tpu.memory_space<vmem_shared>>) dst(%arg22 : memref<16x16xi32, #tpu.memory_space<vmem>>)
        tpu.yield
      }) : () -> ()
      %broadcast_in_dim3A_417 = arith.constant 0 : i32
      %broadcast_in_dim3A_418 = vector.broadcast %broadcast_in_dim3A_417 : i32 to vector<16xi32>
      %broadcast_in_dim3A_419 = arith.constant 0 : i32
      %broadcast_in_dim3A_420 = vector.broadcast %broadcast_in_dim3A_419 : i32 to vector<16xi32>
      %scan3A_421 = arith.constant 0 : i32
      %scan3A_422 = arith.constant 16 : i32
      %scan3A_423 = arith.addi %scan3A_421, %scan3A_422 : i32
      %scan3A_424 = arith.constant 1 : i32
      %scan3A_425:2 = scf.for %scan3A_2042 = %scan3A_421 to %scan3A_423 step %scan3A_424 iter_args(%scan3A_2043 = %broadcast_in_dim3A_418, %scan3A_2044 = %broadcast_in_dim3A_420) -> (vector<16xi32>, vector<16xi32>)  : i32 {
        %get3A_2045 = arith.index_cast %scan3A_2042 : i32 to index
        %get3A_2046 = arith.constant 0 : index
        %get3A_2047 = tpu.vector_load %arg21[%get3A_2045, %get3A_2046] {strides = array<i32>} : memref<16x16xi32, #tpu.memory_space<vmem>>, vector<16xi32>,
        %add3A_2048 = arith.addi %scan3A_2043, %get3A_2047 : vector<16xi32>
        %get3A_2049 = arith.index_cast %scan3A_2042 : i32 to index
        %get3A_2050 = arith.constant 0 : index
        %get3A_2051 = tpu.vector_load %arg22[%get3A_2049, %get3A_2050] {strides = array<i32>} : memref<16x16xi32, #tpu.memory_space<vmem>>, vector<16xi32>,
        %add3A_2052 = arith.addi %scan3A_2044, %get3A_2051 : vector<16xi32>
        scf.yield %add3A_2048, %add3A_2052 : vector<16xi32>, vector<16xi32>
      }
      %scan3A_426 = arith.constant 16 : i32
      %le3A = arith.cmpi sle, %scan3A_425#0, %scan3A_425#1 : vector<16xi32>
      %eq3A_427 = arith.constant 0 : i32
      %eq3A_428 = arith.cmpi eq, %arg1, %eq3A_427 : i32
      %convert_element_type3A_429 = arith.extui %eq3A_428 : i1 to i32
      %cond3A_430 = arith.constant 0 : i32
      %cond3A_431 = arith.cmpi ne, %convert_element_type3A_429, %cond3A_430 : i32
      scf.if %cond3A_431 {
        "tpu.region"() ({
          %run_scoped3A = tpu.sem_alloc : memref<!tpu.dma_semaphore, #tpu.memory_space<semaphore_mem>>
          tpu.enqueue_dma source(%arg14 : memref<4096xi32, #tpu.memory_space<vmem_shared>>) target(%arg19 : memref<4096xi32, #tpu.memory_space<vmem>>) target_semaphore(%run_scoped3A : memref<!tpu.dma_semaphore, #tpu.memory_space<semaphore_mem>>)
          tpu.wait_dma2 semaphore(%run_scoped3A : memref<!tpu.dma_semaphore, #tpu.memory_space<semaphore_mem>>) src(%arg14 : memref<4096xi32, #tpu.memory_space<vmem_shared>>) dst(%arg19 : memref<4096xi32, #tpu.memory_space<vmem>>)
          tpu.yield
        }) : () -> ()
        "tpu.region"() ({
          %run_scoped3A = tpu.sem_alloc : memref<!tpu.dma_semaphore, #tpu.memory_space<semaphore_mem>>
          tpu.enqueue_dma source(%arg15 : memref<4096xi32, #tpu.memory_space<vmem_shared>>) target(%arg20 : memref<4096xi32, #tpu.memory_space<vmem>>) target_semaphore(%run_scoped3A : memref<!tpu.dma_semaphore, #tpu.memory_space<semaphore_mem>>)
          tpu.wait_dma2 semaphore(%run_scoped3A : memref<!tpu.dma_semaphore, #tpu.memory_space<semaphore_mem>>) src(%arg15 : memref<4096xi32, #tpu.memory_space<vmem_shared>>) dst(%arg20 : memref<4096xi32, #tpu.memory_space<vmem>>)
          tpu.yield
        }) : () -> ()
        %broadcast_in_dim3A_2042 = arith.constant 0 : i32
        %broadcast_in_dim3A_2043 = vector.broadcast %broadcast_in_dim3A_2042 : i32 to vector<16xi32>
        %scan3A_2044 = arith.constant 0 : i32
        %scan3A_2045 = arith.constant 128 : i32
        %scan3A_2046 = arith.addi %scan3A_2044, %scan3A_2045 : i32
        %scan3A_2047 = arith.constant 1 : i32
        %scan3A_2048 = scf.for %scan3A_2105 = %scan3A_2044 to %scan3A_2046 step %scan3A_2047 iter_args(%scan3A_2106 = %broadcast_in_dim3A_2043) -> (vector<16xi32>)  : i32 {
          %mul3A_2107 = arith.constant 2 : i32
          %mul3A_2108 = arith.muli %scan3A_2105, %mul3A_2107 : i32
          %mul3A_2109 = arith.constant 16 : i32
          %mul3A_2110 = arith.muli %mul3A_2108, %mul3A_2109 : i32
          %get3A_2111 = arith.index_cast %mul3A_2110 : i32 to index
          %get3A_2112 = tpu.vector_load %arg19[%get3A_2111] {strides = array<i32>} : memref<4096xi32, #tpu.memory_space<vmem>>, vector<16xi32>,
          %get3A_2113 = arith.index_cast %mul3A_2110 : i32 to index
          %get3A_2114 = tpu.vector_load %arg20[%get3A_2113] {strides = array<i32>} : memref<4096xi32, #tpu.memory_space<vmem>>, vector<16xi32>,
          %add3A_2115 = arith.constant 16 : i32
          %add3A_2116 = arith.addi %mul3A_2110, %add3A_2115 : i32
          %get3A_2117 = arith.index_cast %add3A_2116 : i32 to index
          %get3A_2118 = tpu.vector_load %arg19[%get3A_2117] {strides = array<i32>} : memref<4096xi32, #tpu.memory_space<vmem>>, vector<16xi32>,
          %add3A_2119 = arith.constant 16 : i32
          %add3A_2120 = arith.addi %mul3A_2110, %add3A_2119 : i32
          %get3A_2121 = arith.index_cast %add3A_2120 : i32 to index
          %get3A_2122 = tpu.vector_load %arg20[%get3A_2121] {strides = array<i32>} : memref<4096xi32, #tpu.memory_space<vmem>>, vector<16xi32>,
          %select_n3A_2123 = arith.select %le3A, %get3A_2112, %get3A_2114 : vector<16xi1>, vector<16xi32>
          %lt3A_2124 = arith.constant 42 : i32
          %lt3A_2125 = vector.broadcast %lt3A_2124 : i32 to vector<16xi32>
          %lt3A_2126 = arith.cmpi slt, %select_n3A_2123, %lt3A_2125 : vector<16xi32>
          %select_n3A_2127 = arith.select %le3A, %get3A_2118, %get3A_2122 : vector<16xi1>, vector<16xi32>
          %lt3A_2128 = arith.constant 42 : i32
          %lt3A_2129 = vector.broadcast %lt3A_2128 : i32 to vector<16xi32>
          %lt3A_2130 = arith.cmpi slt, %select_n3A_2127, %lt3A_2129 : vector<16xi32>
          %convert_element_type3A_2131 = arith.extui %lt3A_2126 : vector<16xi1> to vector<16xi32>
          %convert_element_type3A_2132 = arith.extui %lt3A_2130 : vector<16xi1> to vector<16xi32>
          %broadcast_in_dim3A_2133 = arith.constant true
          %broadcast_in_dim3A_2134 = vector.broadcast %broadcast_in_dim3A_2133 : i1 to vector<16xi1>
          %masked_cumsum3A = tpu.scan <sum>, %convert_element_type3A_2131 masked %broadcast_in_dim3A_2134 : vector<16xi32>, vector<16xi1> -> vector<16xi32>
          %broadcast_in_dim3A_2135 = arith.constant true
          %broadcast_in_dim3A_2136 = vector.broadcast %broadcast_in_dim3A_2135 : i1 to vector<16xi1>
          %masked_cumsum3A_2137 = tpu.scan <sum>, %convert_element_type3A_2132 masked %broadcast_in_dim3A_2136 : vector<16xi32>, vector<16xi1> -> vector<16xi32>
          %all_reduce_population_count3A = tpu.all_reduce %lt3A_2126 {dim = 0 : i64, kind = #tpu.reduction_kind<sum>} : vector<16xi1> -> vector<16xi32>
          %all_reduce_population_count3A_2138 = tpu.all_reduce %lt3A_2130 {dim = 0 : i64, kind = #tpu.reduction_kind<sum>} : vector<16xi1> -> vector<16xi32>
          %add3A_2139 = arith.addi %scan3A_2106, %masked_cumsum3A : vector<16xi32>
          %sub3A = arith.subi %add3A_2139, %convert_element_type3A_2131 : vector<16xi32>
          %add3A_2140 = arith.addi %scan3A_2106, %all_reduce_population_count3A : vector<16xi32>
          %add3A_2141 = arith.addi %add3A_2140, %masked_cumsum3A_2137 : vector<16xi32>
          %sub3A_2142 = arith.subi %add3A_2141, %convert_element_type3A_2132 : vector<16xi32>
          %add3A_2143 = vector.broadcast %mul3A_2110 : i32 to vector<16xi32>
          %add3A_2144 = arith.addi %add3A_2143, %iota3A : vector<16xi32>
          tpu.vector_store_idx %arg23[%sub3A], %add3A_2144 masked %lt3A_2126 : memref<4096xi32, #tpu.memory_space<vmem>>[vector<16xi32>], vector<16xi32>, vector<16xi1>
          %add3A_2145 = arith.constant 16 : i32
          %add3A_2146 = arith.addi %mul3A_2110, %add3A_2145 : i32
          %add3A_2147 = vector.broadcast %add3A_2146 : i32 to vector<16xi32>
          %add3A_2148 = arith.addi %add3A_2147, %iota3A : vector<16xi32>
          tpu.vector_store_idx %arg23[%sub3A_2142], %add3A_2148 masked %lt3A_2130 : memref<4096xi32, #tpu.memory_space<vmem>>[vector<16xi32>], vector<16xi32>, vector<16xi1>
          %add3A_2149 = arith.addi %scan3A_2106, %all_reduce_population_count3A : vector<16xi32>
          %add3A_2150 = arith.addi %add3A_2149, %all_reduce_population_count3A_2138 : vector<16xi32>
          scf.yield %add3A_2150 : vector<16xi32>
        }
        %scan3A_2049 = arith.constant 128 : i32
        %eq3A_2050 = arith.constant 0 : i32
        %eq3A_2051 = vector.broadcast %eq3A_2050 : i32 to vector<16xi32>
        %eq3A_2052 = arith.cmpi eq, %iota3A, %eq3A_2051 : vector<16xi32>
        %jit3A_2053 = arith.constant 0 : i32
        %broadcast_in_dim3A_2054 = vector.broadcast %jit3A_2053 : i32 to vector<16xi32>
        %select_n3A_2055 = arith.select %eq3A_2052, %scan3A_2048, %broadcast_in_dim3A_2054 : vector<16xi1>, vector<16xi32>
        %reduce_sum3A_2056 = arith.constant true
        %reduce_sum3A_2057 = vector.broadcast %reduce_sum3A_2056 : i1 to vector<16xi1>
        %reduce_sum3A_2058 = tpu.scan <sum>, %select_n3A_2055 masked %reduce_sum3A_2057 : vector<16xi32>, vector<16xi1> -> vector<16xi32>
        %reduce_sum3A_2059 = vector.extract %reduce_sum3A_2058[15] : i32 from vector<16xi32>
        %shift_right_logical3A_2060 = arith.constant 4 : i32
        %shift_right_logical3A_2061 = arith.shrui %reduce_sum3A_2059, %shift_right_logical3A_2060 : i32
        %and3A_2062 = arith.constant 15 : i32
        %and3A_2063 = arith.andi %reduce_sum3A_2059, %and3A_2062 : i32
        %ge3A = vector.broadcast %and3A_2063 : i32 to vector<16xi32>
        %ge3A_2064 = arith.cmpi sge, %iota3A, %ge3A : vector<16xi32>
        %mul3A_2065 = arith.constant 16 : i32
        %mul3A_2066 = arith.muli %shift_right_logical3A_2061, %mul3A_2065 : i32
        %add3A_2067 = vector.broadcast %mul3A_2066 : i32 to vector<16xi32>
        %add3A_2068 = arith.addi %add3A_2067, %iota3A : vector<16xi32>
        %broadcast_in_dim3A_2069 = arith.constant 0 : i32
        %broadcast_in_dim3A_2070 = vector.broadcast %broadcast_in_dim3A_2069 : i32 to vector<16xi32>
        %mul3A_2071 = arith.constant 16 : i32
        %mul3A_2072 = arith.muli %shift_right_logical3A_2061, %mul3A_2071 : i32
        %add3A_2073 = vector.broadcast %mul3A_2072 : i32 to vector<16xi32>
        %add3A_2074 = arith.addi %add3A_2073, %iota3A : vector<16xi32>
        %lt3A = arith.constant 4096 : i32
        %lt3A_2075 = vector.broadcast %lt3A : i32 to vector<16xi32>
        %lt3A_2076 = arith.cmpi slt, %add3A_2074, %lt3A_2075 : vector<16xi32>
        %and3A_2077 = arith.andi %ge3A_2064, %lt3A_2076 : vector<16xi1>
        tpu.vector_store_idx %arg23[%add3A_2068], %broadcast_in_dim3A_2070 masked %and3A_2077 : memref<4096xi32, #tpu.memory_space<vmem>>[vector<16xi32>], vector<16xi32>, vector<16xi1>
        %add3A_2078 = arith.constant 1 : i32
        %add3A_2079 = arith.addi %shift_right_logical3A_2061, %add3A_2078 : i32
        %while3A = arith.constant 0 : i32
        %while3A_2080 = arith.constant 256 : i32
        %while3A_2081 = arith.subi %while3A_2080, %add3A_2079 : i32
        %while3A_2082 = arith.addi %add3A_2079, %while3A_2081 : i32
        %while3A_2083 = arith.constant 1 : i32
        %while3A_2084 = arith.divsi %while3A_2081, %while3A_2083 : i32
        %while3A_2085 = arith.muli %while3A_2084, %while3A_2083 : i32
        %while3A_2086 = arith.addi %add3A_2079, %while3A_2085 : i32
        %while3A_2087 = arith.constant 1 : i32
        scf.for %while3A_2105 = %add3A_2079 to %while3A_2086 step %while3A_2087  : i32 {
          %broadcast_in_dim3A_2106 = arith.constant 0 : i32
          %broadcast_in_dim3A_2107 = vector.broadcast %broadcast_in_dim3A_2106 : i32 to vector<16xi32>
          %mul3A_2108 = arith.constant 16 : i32
          %mul3A_2109 = arith.muli %while3A_2105, %mul3A_2108 : i32
          %swap3A_2110 = arith.index_cast %mul3A_2109 : i32 to index
          %swap3A_2111 = tpu.vector_load %arg23[%swap3A_2110] {strides = array<i32>} : memref<4096xi32, #tpu.memory_space<vmem>>, vector<16xi32>,
          tpu.vector_store %arg23[%swap3A_2110], %broadcast_in_dim3A_2107 {strides = array<i32>} : memref<4096xi32, #tpu.memory_space<vmem>>, vector<16xi32>,
        }
        %while3A_2088 = arith.constant 1 : i32
        scf.for %while3A_2105 = %while3A_2086 to %while3A_2082 step %while3A_2088  : i32 {
          %broadcast_in_dim3A_2106 = arith.constant 0 : i32
          %broadcast_in_dim3A_2107 = vector.broadcast %broadcast_in_dim3A_2106 : i32 to vector<16xi32>
          %mul3A_2108 = arith.constant 16 : i32
          %mul3A_2109 = arith.muli %while3A_2105, %mul3A_2108 : i32
          %swap3A_2110 = arith.index_cast %mul3A_2109 : i32 to index
          %swap3A_2111 = tpu.vector_load %arg23[%swap3A_2110] {strides = array<i32>} : memref<4096xi32, #tpu.memory_space<vmem>>, vector<16xi32>,
          tpu.vector_store %arg23[%swap3A_2110], %broadcast_in_dim3A_2107 {strides = array<i32>} : memref<4096xi32, #tpu.memory_space<vmem>>, vector<16xi32>,
        }
        %get3A_2089 = arith.constant 0 : index
        %get3A_2090 = tpu.vector_load %arg23[%get3A_2089] {strides = array<i32>} : memref<4096xi32, #tpu.memory_space<vmem>>, vector<16xi32>,
        %swap3A_2091 = arith.constant 0 : index
        %swap3A_2092 = tpu.vector_load %arg24[%swap3A_2091] {strides = array<i32>} : memref<64xi32, #tpu.memory_space<vmem>>, vector<16xi32>,
        tpu.vector_store %arg24[%swap3A_2091], %get3A_2090 {strides = array<i32>} : memref<64xi32, #tpu.memory_space<vmem>>, vector<16xi32>,
        %get3A_2093 = arith.constant 16 : index
        %get3A_2094 = tpu.vector_load %arg23[%get3A_2093] {strides = array<i32>} : memref<4096xi32, #tpu.memory_space<vmem>>, vector<16xi32>,
        %swap3A_2095 = arith.constant 16 : index
        %swap3A_2096 = tpu.vector_load %arg24[%swap3A_2095] {strides = array<i32>} : memref<64xi32, #tpu.memory_space<vmem>>, vector<16xi32>,
        tpu.vector_store %arg24[%swap3A_2095], %get3A_2094 {strides = array<i32>} : memref<64xi32, #tpu.memory_space<vmem>>, vector<16xi32>,
        %get3A_2097 = arith.constant 32 : index
        %get3A_2098 = tpu.vector_load %arg23[%get3A_2097] {strides = array<i32>} : memref<4096xi32, #tpu.memory_space<vmem>>, vector<16xi32>,
        %swap3A_2099 = arith.constant 32 : index
        %swap3A_2100 = tpu.vector_load %arg24[%swap3A_2099] {strides = array<i32>} : memref<64xi32, #tpu.memory_space<vmem>>, vector<16xi32>,
        tpu.vector_store %arg24[%swap3A_2099], %get3A_2098 {strides = array<i32>} : memref<64xi32, #tpu.memory_space<vmem>>, vector<16xi32>,
        %get3A_2101 = arith.constant 48 : index
        %get3A_2102 = tpu.vector_load %arg23[%get3A_2101] {strides = array<i32>} : memref<4096xi32, #tpu.memory_space<vmem>>, vector<16xi32>,
        %swap3A_2103 = arith.constant 48 : index
        %swap3A_2104 = tpu.vector_load %arg24[%swap3A_2103] {strides = array<i32>} : memref<64xi32, #tpu.memory_space<vmem>>, vector<16xi32>,
        tpu.vector_store %arg24[%swap3A_2103], %get3A_2102 {strides = array<i32>} : memref<64xi32, #tpu.memory_space<vmem>>, vector<16xi32>,
        "tpu.region"() ({
          %run_scoped3A = tpu.sem_alloc : memref<!tpu.dma_semaphore, #tpu.memory_space<semaphore_mem>>
          tpu.enqueue_dma source(%arg24 : memref<64xi32, #tpu.memory_space<vmem>>) target(%arg18 : memref<64xi32, #tpu.memory_space<vmem_shared>>) target_semaphore(%run_scoped3A : memref<!tpu.dma_semaphore, #tpu.memory_space<semaphore_mem>>)
          tpu.wait_dma2 semaphore(%run_scoped3A : memref<!tpu.dma_semaphore, #tpu.memory_space<semaphore_mem>>) src(%arg24 : memref<64xi32, #tpu.memory_space<vmem>>) dst(%arg18 : memref<64xi32, #tpu.memory_space<vmem_shared>>)
          tpu.yield
        }) : () -> ()
      } else {
      }
      %get3A_432 = arith.constant 384 : index
      %get3A_433 = tpu.vector_load %arg9[%get3A_432] {strides = array<i32>} : memref<960xi32, #tpu.memory_space<vmem>>, vector<16xi32>,
      %get3A_434 = arith.constant 528 : index
      %get3A_435 = tpu.vector_load %arg9[%get3A_434] {strides = array<i32>} : memref<960xi32, #tpu.memory_space<vmem>>, vector<16xi32>,
      %select_n3A = arith.select %le3A, %get3A_433, %get3A_435 : vector<16xi1>, vector<16xi32>
      %swap3A_436 = arith.constant 0 : index
      %swap3A_437 = tpu.vector_load %arg26[%swap3A_436] {strides = array<i32>} : memref<144xi32, #tpu.memory_space<vmem>>, vector<16xi32>,
      tpu.vector_store %arg26[%swap3A_436], %select_n3A {strides = array<i32>} : memref<144xi32, #tpu.memory_space<vmem>>, vector<16xi32>,
      %broadcast_in_dim3A_438 = arith.constant 1.000000e+00 : f32
      %broadcast_in_dim3A_439 = vector.broadcast %broadcast_in_dim3A_438 : f32 to vector<16xf32>
      %get3A_440 = arith.constant 672 : index
      %get3A_441 = tpu.vector_load %arg9[%get3A_440] {strides = array<i32>} : memref<960xi32, #tpu.memory_space<vmem>>, vector<16xi32>,
      %bitcast3A = vector.bitcast %get3A_441 : vector<16xi32> to vector<16xf32>
      %select_n3A_442 = arith.select %le3A, %broadcast_in_dim3A_439, %bitcast3A : vector<16xi1>, vector<16xf32>
      %swap3A_443 = arith.constant 0 : index
      %swap3A_444 = tpu.vector_load %arg27[%swap3A_443] {strides = array<i32>} : memref<144xf32, #tpu.memory_space<vmem>>, vector<16xf32>,
      tpu.vector_store %arg27[%swap3A_443], %select_n3A_442 {strides = array<i32>} : memref<144xf32, #tpu.memory_space<vmem>>, vector<16xf32>,
      %broadcast_in_dim3A_445 = arith.constant 0.000000e+00 : f32
      %broadcast_in_dim3A_446 = vector.broadcast %broadcast_in_dim3A_445 : f32 to vector<16xf32>
      %get3A_447 = arith.constant 816 : index
      %get3A_448 = tpu.vector_load %arg9[%get3A_447] {strides = array<i32>} : memref<960xi32, #tpu.memory_space<vmem>>, vector<16xi32>,
      %bitcast3A_449 = vector.bitcast %get3A_448 : vector<16xi32> to vector<16xf32>
      %select_n3A_450 = arith.select %le3A, %broadcast_in_dim3A_446, %bitcast3A_449 : vector<16xi1>, vector<16xf32>
      %swap3A_451 = arith.constant 0 : index
      %swap3A_452 = tpu.vector_load %arg28[%swap3A_451] {strides = array<i32>} : memref<144xf32, #tpu.memory_space<vmem>>, vector<16xf32>,
      tpu.vector_store %arg28[%swap3A_451], %select_n3A_450 {strides = array<i32>} : memref<144xf32, #tpu.memory_space<vmem>>, vector<16xf32>,
      %get3A_453 = arith.constant 400 : index
      %get3A_454 = tpu.vector_load %arg9[%get3A_453] {strides = array<i32>} : memref<960xi32, #tpu.memory_space<vmem>>, vector<16xi32>,
      %get3A_455 = arith.constant 544 : index
      %get3A_456 = tpu.vector_load %arg9[%get3A_455] {strides = array<i32>} : memref<960xi32, #tpu.memory_space<vmem>>, vector<16xi32>,
      %select_n3A_457 = arith.select %le3A, %get3A_454, %get3A_456 : vector<16xi1>, vector<16xi32>
      %swap3A_458 = arith.constant 16 : index
      %swap3A_459 = tpu.vector_load %arg26[%swap3A_458] {strides = array<i32>} : memref<144xi32, #tpu.memory_space<vmem>>, vector<16xi32>,
      tpu.vector_store %arg26[%swap3A_458], %select_n3A_457 {strides = array<i32>} : memref<144xi32, #tpu.memory_space<vmem>>, vector<16xi32>,
      %broadcast_in_dim3A_460 = arith.constant 1.000000e+00 : f32
      %broadcast_in_dim3A_461 = vector.broadcast %broadcast_in_dim3A_460 : f32 to vector<16xf32>
      %get3A_462 = arith.constant 688 : index
      %get3A_463 = tpu.vector_load %arg9[%get3A_462] {strides = array<i32>} : memref<960xi32, #tpu.memory_space<vmem>>, vector<16xi32>,
      %bitcast3A_464 = vector.bitcast %get3A_463 : vector<16xi32> to vector<16xf32>
      %select_n3A_465 = arith.select %le3A, %broadcast_in_dim3A_461, %bitcast3A_464 : vector<16xi1>, vector<16xf32>
      %swap3A_466 = arith.constant 16 : index
      %swap3A_467 = tpu.vector_load %arg27[%swap3A_466] {strides = array<i32>} : memref<144xf32, #tpu.memory_space<vmem>>, vector<16xf32>,
      tpu.vector_store %arg27[%swap3A_466], %select_n3A_465 {strides = array<i32>} : memref<144xf32, #tpu.memory_space<vmem>>, vector<16xf32>,
      %broadcast_in_dim3A_468 = arith.constant 0.000000e+00 : f32
      %broadcast_in_dim3A_469 = vector.broadcast %broadcast_in_dim3A_468 : f32 to vector<16xf32>
      %get3A_470 = arith.constant 832 : index
      %get3A_471 = tpu.vector_load %arg9[%get3A_470] {strides = array<i32>} : memref<960xi32, #tpu.memory_space<vmem>>, vector<16xi32>,
      %bitcast3A_472 = vector.bitcast %get3A_471 : vector<16xi32> to vector<16xf32>
      %select_n3A_473 = arith.select %le3A, %broadcast_in_dim3A_469, %bitcast3A_472 : vector<16xi1>, vector<16xf32>
      %swap3A_474 = arith.constant 16 : index
      %swap3A_475 = tpu.vector_load %arg28[%swap3A_474] {strides = array<i32>} : memref<144xf32, #tpu.memory_space<vmem>>, vector<16xf32>,
      tpu.vector_store %arg28[%swap3A_474], %select_n3A_473 {strides = array<i32>} : memref<144xf32, #tpu.memory_space<vmem>>, vector<16xf32>,
      %get3A_476 = arith.constant 416 : index
      %get3A_477 = tpu.vector_load %arg9[%get3A_476] {strides = array<i32>} : memref<960xi32, #tpu.memory_space<vmem>>, vector<16xi32>,
      %get3A_478 = arith.constant 560 : index
      %get3A_479 = tpu.vector_load %arg9[%get3A_478] {strides = array<i32>} : memref<960xi32, #tpu.memory_space<vmem>>, vector<16xi32>,
      %select_n3A_480 = arith.select %le3A, %get3A_477, %get3A_479 : vector<16xi1>, vector<16xi32>
      %swap3A_481 = arith.constant 32 : index
      %swap3A_482 = tpu.vector_load %arg26[%swap3A_481] {strides = array<i32>} : memref<144xi32, #tpu.memory_space<vmem>>, vector<16xi32>,
      tpu.vector_store %arg26[%swap3A_481], %select_n3A_480 {strides = array<i32>} : memref<144xi32, #tpu.memory_space<vmem>>, vector<16xi32>,
      %broadcast_in_dim3A_483 = arith.constant 1.000000e+00 : f32
      %broadcast_in_dim3A_484 = vector.broadcast %broadcast_in_dim3A_483 : f32 to vector<16xf32>
      %get3A_485 = arith.constant 704 : index
      %get3A_486 = tpu.vector_load %arg9[%get3A_485] {strides = array<i32>} : memref<960xi32, #tpu.memory_space<vmem>>, vector<16xi32>,
      %bitcast3A_487 = vector.bitcast %get3A_486 : vector<16xi32> to vector<16xf32>
      %select_n3A_488 = arith.select %le3A, %broadcast_in_dim3A_484, %bitcast3A_487 : vector<16xi1>, vector<16xf32>
      %swap3A_489 = arith.constant 32 : index
      %swap3A_490 = tpu.vector_load %arg27[%swap3A_489] {strides = array<i32>} : memref<144xf32, #tpu.memory_space<vmem>>, vector<16xf32>,
      tpu.vector_store %arg27[%swap3A_489], %select_n3A_488 {strides = array<i32>} : memref<144xf32, #tpu.memory_space<vmem>>, vector<16xf32>,
      %broadcast_in_dim3A_491 = arith.constant 0.000000e+00 : f32
      %broadcast_in_dim3A_492 = vector.broadcast %broadcast_in_dim3A_491 : f32 to vector<16xf32>
      %get3A_493 = arith.constant 848 : index
      %get3A_494 = tpu.vector_load %arg9[%get3A_493] {strides = array<i32>} : memref<960xi32, #tpu.memory_space<vmem>>, vector<16xi32>,
      %bitcast3A_495 = vector.bitcast %get3A_494 : vector<16xi32> to vector<16xf32>
      %select_n3A_496 = arith.select %le3A, %broadcast_in_dim3A_492, %bitcast3A_495 : vector<16xi1>, vector<16xf32>
      %swap3A_497 = arith.constant 32 : index
      %swap3A_498 = tpu.vector_load %arg28[%swap3A_497] {strides = array<i32>} : memref<144xf32, #tpu.memory_space<vmem>>, vector<16xf32>,
      tpu.vector_store %arg28[%swap3A_497], %select_n3A_496 {strides = array<i32>} : memref<144xf32, #tpu.memory_space<vmem>>, vector<16xf32>,
      %get3A_499 = arith.constant 432 : index
      %get3A_500 = tpu.vector_load %arg9[%get3A_499] {strides = array<i32>} : memref<960xi32, #tpu.memory_space<vmem>>, vector<16xi32>,
      %get3A_501 = arith.constant 576 : index
      %get3A_502 = tpu.vector_load %arg9[%get3A_501] {strides = array<i32>} : memref<960xi32, #tpu.memory_space<vmem>>, vector<16xi32>,
      %select_n3A_503 = arith.select %le3A, %get3A_500, %get3A_502 : vector<16xi1>, vector<16xi32>
      %swap3A_504 = arith.constant 48 : index
      %swap3A_505 = tpu.vector_load %arg26[%swap3A_504] {strides = array<i32>} : memref<144xi32, #tpu.memory_space<vmem>>, vector<16xi32>,
      tpu.vector_store %arg26[%swap3A_504], %select_n3A_503 {strides = array<i32>} : memref<144xi32, #tpu.memory_space<vmem>>, vector<16xi32>,
      %broadcast_in_dim3A_506 = arith.constant 1.000000e+00 : f32
      %broadcast_in_dim3A_507 = vector.broadcast %broadcast_in_dim3A_506 : f32 to vector<16xf32>
      %get3A_508 = arith.constant 720 : index
      %get3A_509 = tpu.vector_load %arg9[%get3A_508] {strides = array<i32>} : memref<960xi32, #tpu.memory_space<vmem>>, vector<16xi32>,
      %bitcast3A_510 = vector.bitcast %get3A_509 : vector<16xi32> to vector<16xf32>
      %select_n3A_511 = arith.select %le3A, %broadcast_in_dim3A_507, %bitcast3A_510 : vector<16xi1>, vector<16xf32>
      %swap3A_512 = arith.constant 48 : index
      %swap3A_513 = tpu.vector_load %arg27[%swap3A_512] {strides = array<i32>} : memref<144xf32, #tpu.memory_space<vmem>>, vector<16xf32>,
      tpu.vector_store %arg27[%swap3A_512], %select_n3A_511 {strides = array<i32>} : memref<144xf32, #tpu.memory_space<vmem>>, vector<16xf32>,
      %broadcast_in_dim3A_514 = arith.constant 0.000000e+00 : f32
      %broadcast_in_dim3A_515 = vector.broadcast %broadcast_in_dim3A_514 : f32 to vector<16xf32>
      %get3A_516 = arith.constant 864 : index
      %get3A_517 = tpu.vector_load %arg9[%get3A_516] {strides = array<i32>} : memref<960xi32, #tpu.memory_space<vmem>>, vector<16xi32>,
      %bitcast3A_518 = vector.bitcast %get3A_517 : vector<16xi32> to vector<16xf32>
      %select_n3A_519 = arith.select %le3A, %broadcast_in_dim3A_515, %bitcast3A_518 : vector<16xi1>, vector<16xf32>
      %swap3A_520 = arith.constant 48 : index
      %swap3A_521 = tpu.vector_load %arg28[%swap3A_520] {strides = array<i32>} : memref<144xf32, #tpu.memory_space<vmem>>, vector<16xf32>,
      tpu.vector_store %arg28[%swap3A_520], %select_n3A_519 {strides = array<i32>} : memref<144xf32, #tpu.memory_space<vmem>>, vector<16xf32>,
      %get3A_522 = arith.constant 448 : index
      %get3A_523 = tpu.vector_load %arg9[%get3A_522] {strides = array<i32>} : memref<960xi32, #tpu.memory_space<vmem>>, vector<16xi32>,
      %get3A_524 = arith.constant 592 : index
      %get3A_525 = tpu.vector_load %arg9[%get3A_524] {strides = array<i32>} : memref<960xi32, #tpu.memory_space<vmem>>, vector<16xi32>,
      %select_n3A_526 = arith.select %le3A, %get3A_523, %get3A_525 : vector<16xi1>, vector<16xi32>
      %swap3A_527 = arith.constant 64 : index
      %swap3A_528 = tpu.vector_load %arg26[%swap3A_527] {strides = array<i32>} : memref<144xi32, #tpu.memory_space<vmem>>, vector<16xi32>,
      tpu.vector_store %arg26[%swap3A_527], %select_n3A_526 {strides = array<i32>} : memref<144xi32, #tpu.memory_space<vmem>>, vector<16xi32>,
      %broadcast_in_dim3A_529 = arith.constant 1.000000e+00 : f32
      %broadcast_in_dim3A_530 = vector.broadcast %broadcast_in_dim3A_529 : f32 to vector<16xf32>
      %get3A_531 = arith.constant 736 : index
      %get3A_532 = tpu.vector_load %arg9[%get3A_531] {strides = array<i32>} : memref<960xi32, #tpu.memory_space<vmem>>, vector<16xi32>,
      %bitcast3A_533 = vector.bitcast %get3A_532 : vector<16xi32> to vector<16xf32>
      %select_n3A_534 = arith.select %le3A, %broadcast_in_dim3A_530, %bitcast3A_533 : vector<16xi1>, vector<16xf32>
      %swap3A_535 = arith.constant 64 : index
      %swap3A_536 = tpu.vector_load %arg27[%swap3A_535] {strides = array<i32>} : memref<144xf32, #tpu.memory_space<vmem>>, vector<16xf32>,
      tpu.vector_store %arg27[%swap3A_535], %select_n3A_534 {strides = array<i32>} : memref<144xf32, #tpu.memory_space<vmem>>, vector<16xf32>,
      %broadcast_in_dim3A_537 = arith.constant 0.000000e+00 : f32
      %broadcast_in_dim3A_538 = vector.broadcast %broadcast_in_dim3A_537 : f32 to vector<16xf32>
      %get3A_539 = arith.constant 880 : index
      %get3A_540 = tpu.vector_load %arg9[%get3A_539] {strides = array<i32>} : memref<960xi32, #tpu.memory_space<vmem>>, vector<16xi32>,
      %bitcast3A_541 = vector.bitcast %get3A_540 : vector<16xi32> to vector<16xf32>
      %select_n3A_542 = arith.select %le3A, %broadcast_in_dim3A_538, %bitcast3A_541 : vector<16xi1>, vector<16xf32>
      %swap3A_543 = arith.constant 64 : index
      %swap3A_544 = tpu.vector_load %arg28[%swap3A_543] {strides = array<i32>} : memref<144xf32, #tpu.memory_space<vmem>>, vector<16xf32>,
      tpu.vector_store %arg28[%swap3A_543], %select_n3A_542 {strides = array<i32>} : memref<144xf32, #tpu.memory_space<vmem>>, vector<16xf32>,
      %get3A_545 = arith.constant 464 : index
      %get3A_546 = tpu.vector_load %arg9[%get3A_545] {strides = array<i32>} : memref<960xi32, #tpu.memory_space<vmem>>, vector<16xi32>,
      %get3A_547 = arith.constant 608 : index
      %get3A_548 = tpu.vector_load %arg9[%get3A_547] {strides = array<i32>} : memref<960xi32, #tpu.memory_space<vmem>>, vector<16xi32>,
      %select_n3A_549 = arith.select %le3A, %get3A_546, %get3A_548 : vector<16xi1>, vector<16xi32>
      %swap3A_550 = arith.constant 80 : index
      %swap3A_551 = tpu.vector_load %arg26[%swap3A_550] {strides = array<i32>} : memref<144xi32, #tpu.memory_space<vmem>>, vector<16xi32>,
      tpu.vector_store %arg26[%swap3A_550], %select_n3A_549 {strides = array<i32>} : memref<144xi32, #tpu.memory_space<vmem>>, vector<16xi32>,
      %broadcast_in_dim3A_552 = arith.constant 1.000000e+00 : f32
      %broadcast_in_dim3A_553 = vector.broadcast %broadcast_in_dim3A_552 : f32 to vector<16xf32>
      %get3A_554 = arith.constant 752 : index
      %get3A_555 = tpu.vector_load %arg9[%get3A_554] {strides = array<i32>} : memref<960xi32, #tpu.memory_space<vmem>>, vector<16xi32>,
      %bitcast3A_556 = vector.bitcast %get3A_555 : vector<16xi32> to vector<16xf32>
      %select_n3A_557 = arith.select %le3A, %broadcast_in_dim3A_553, %bitcast3A_556 : vector<16xi1>, vector<16xf32>
      %swap3A_558 = arith.constant 80 : index
      %swap3A_559 = tpu.vector_load %arg27[%swap3A_558] {strides = array<i32>} : memref<144xf32, #tpu.memory_space<vmem>>, vector<16xf32>,
      tpu.vector_store %arg27[%swap3A_558], %select_n3A_557 {strides = array<i32>} : memref<144xf32, #tpu.memory_space<vmem>>, vector<16xf32>,
      %broadcast_in_dim3A_560 = arith.constant 0.000000e+00 : f32
      %broadcast_in_dim3A_561 = vector.broadcast %broadcast_in_dim3A_560 : f32 to vector<16xf32>
      %get3A_562 = arith.constant 896 : index
      %get3A_563 = tpu.vector_load %arg9[%get3A_562] {strides = array<i32>} : memref<960xi32, #tpu.memory_space<vmem>>, vector<16xi32>,
      %bitcast3A_564 = vector.bitcast %get3A_563 : vector<16xi32> to vector<16xf32>
      %select_n3A_565 = arith.select %le3A, %broadcast_in_dim3A_561, %bitcast3A_564 : vector<16xi1>, vector<16xf32>
      %swap3A_566 = arith.constant 80 : index
      %swap3A_567 = tpu.vector_load %arg28[%swap3A_566] {strides = array<i32>} : memref<144xf32, #tpu.memory_space<vmem>>, vector<16xf32>,
      tpu.vector_store %arg28[%swap3A_566], %select_n3A_565 {strides = array<i32>} : memref<144xf32, #tpu.memory_space<vmem>>, vector<16xf32>,
      %get3A_568 = arith.constant 480 : index
      %get3A_569 = tpu.vector_load %arg9[%get3A_568] {strides = array<i32>} : memref<960xi32, #tpu.memory_space<vmem>>, vector<16xi32>,
      %get3A_570 = arith.constant 624 : index
      %get3A_571 = tpu.vector_load %arg9[%get3A_570] {strides = array<i32>} : memref<960xi32, #tpu.memory_space<vmem>>, vector<16xi32>,
      %select_n3A_572 = arith.select %le3A, %get3A_569, %get3A_571 : vector<16xi1>, vector<16xi32>
      %swap3A_573 = arith.constant 96 : index
      %swap3A_574 = tpu.vector_load %arg26[%swap3A_573] {strides = array<i32>} : memref<144xi32, #tpu.memory_space<vmem>>, vector<16xi32>,
      tpu.vector_store %arg26[%swap3A_573], %select_n3A_572 {strides = array<i32>} : memref<144xi32, #tpu.memory_space<vmem>>, vector<16xi32>,
      %broadcast_in_dim3A_575 = arith.constant 1.000000e+00 : f32
      %broadcast_in_dim3A_576 = vector.broadcast %broadcast_in_dim3A_575 : f32 to vector<16xf32>
      %get3A_577 = arith.constant 768 : index
      %get3A_578 = tpu.vector_load %arg9[%get3A_577] {strides = array<i32>} : memref<960xi32, #tpu.memory_space<vmem>>, vector<16xi32>,
      %bitcast3A_579 = vector.bitcast %get3A_578 : vector<16xi32> to vector<16xf32>
      %select_n3A_580 = arith.select %le3A, %broadcast_in_dim3A_576, %bitcast3A_579 : vector<16xi1>, vector<16xf32>
      %swap3A_581 = arith.constant 96 : index
      %swap3A_582 = tpu.vector_load %arg27[%swap3A_581] {strides = array<i32>} : memref<144xf32, #tpu.memory_space<vmem>>, vector<16xf32>,
      tpu.vector_store %arg27[%swap3A_581], %select_n3A_580 {strides = array<i32>} : memref<144xf32, #tpu.memory_space<vmem>>, vector<16xf32>,
      %broadcast_in_dim3A_583 = arith.constant 0.000000e+00 : f32
      %broadcast_in_dim3A_584 = vector.broadcast %broadcast_in_dim3A_583 : f32 to vector<16xf32>
      %get3A_585 = arith.constant 912 : index
      %get3A_586 = tpu.vector_load %arg9[%get3A_585] {strides = array<i32>} : memref<960xi32, #tpu.memory_space<vmem>>, vector<16xi32>,
      %bitcast3A_587 = vector.bitcast %get3A_586 : vector<16xi32> to vector<16xf32>
      %select_n3A_588 = arith.select %le3A, %broadcast_in_dim3A_584, %bitcast3A_587 : vector<16xi1>, vector<16xf32>
      %swap3A_589 = arith.constant 96 : index
      %swap3A_590 = tpu.vector_load %arg28[%swap3A_589] {strides = array<i32>} : memref<144xf32, #tpu.memory_space<vmem>>, vector<16xf32>,
      tpu.vector_store %arg28[%swap3A_589], %select_n3A_588 {strides = array<i32>} : memref<144xf32, #tpu.memory_space<vmem>>, vector<16xf32>,
      %get3A_591 = arith.constant 496 : index
      %get3A_592 = tpu.vector_load %arg9[%get3A_591] {strides = array<i32>} : memref<960xi32, #tpu.memory_space<vmem>>, vector<16xi32>,
      %get3A_593 = arith.constant 640 : index
      %get3A_594 = tpu.vector_load %arg9[%get3A_593] {strides = array<i32>} : memref<960xi32, #tpu.memory_space<vmem>>, vector<16xi32>,
      %select_n3A_595 = arith.select %le3A, %get3A_592, %get3A_594 : vector<16xi1>, vector<16xi32>
      %swap3A_596 = arith.constant 112 : index
      %swap3A_597 = tpu.vector_load %arg26[%swap3A_596] {strides = array<i32>} : memref<144xi32, #tpu.memory_space<vmem>>, vector<16xi32>,
      tpu.vector_store %arg26[%swap3A_596], %select_n3A_595 {strides = array<i32>} : memref<144xi32, #tpu.memory_space<vmem>>, vector<16xi32>,
      %broadcast_in_dim3A_598 = arith.constant 1.000000e+00 : f32
      %broadcast_in_dim3A_599 = vector.broadcast %broadcast_in_dim3A_598 : f32 to vector<16xf32>
      %get3A_600 = arith.constant 784 : index
      %get3A_601 = tpu.vector_load %arg9[%get3A_600] {strides = array<i32>} : memref<960xi32, #tpu.memory_space<vmem>>, vector<16xi32>,
      %bitcast3A_602 = vector.bitcast %get3A_601 : vector<16xi32> to vector<16xf32>
      %select_n3A_603 = arith.select %le3A, %broadcast_in_dim3A_599, %bitcast3A_602 : vector<16xi1>, vector<16xf32>
      %swap3A_604 = arith.constant 112 : index
      %swap3A_605 = tpu.vector_load %arg27[%swap3A_604] {strides = array<i32>} : memref<144xf32, #tpu.memory_space<vmem>>, vector<16xf32>,
      tpu.vector_store %arg27[%swap3A_604], %select_n3A_603 {strides = array<i32>} : memref<144xf32, #tpu.memory_space<vmem>>, vector<16xf32>,
      %broadcast_in_dim3A_606 = arith.constant 0.000000e+00 : f32
      %broadcast_in_dim3A_607 = vector.broadcast %broadcast_in_dim3A_606 : f32 to vector<16xf32>
      %get3A_608 = arith.constant 928 : index
      %get3A_609 = tpu.vector_load %arg9[%get3A_608] {strides = array<i32>} : memref<960xi32, #tpu.memory_space<vmem>>, vector<16xi32>,
      %bitcast3A_610 = vector.bitcast %get3A_609 : vector<16xi32> to vector<16xf32>
      %select_n3A_611 = arith.select %le3A, %broadcast_in_dim3A_607, %bitcast3A_610 : vector<16xi1>, vector<16xf32>
      %swap3A_612 = arith.constant 112 : index
      %swap3A_613 = tpu.vector_load %arg28[%swap3A_612] {strides = array<i32>} : memref<144xf32, #tpu.memory_space<vmem>>, vector<16xf32>,
      tpu.vector_store %arg28[%swap3A_612], %select_n3A_611 {strides = array<i32>} : memref<144xf32, #tpu.memory_space<vmem>>, vector<16xf32>,
      %get3A_614 = arith.constant 512 : index
      %get3A_615 = tpu.vector_load %arg9[%get3A_614] {strides = array<i32>} : memref<960xi32, #tpu.memory_space<vmem>>, vector<16xi32>,
      %get3A_616 = arith.constant 656 : index
      %get3A_617 = tpu.vector_load %arg9[%get3A_616] {strides = array<i32>} : memref<960xi32, #tpu.memory_space<vmem>>, vector<16xi32>,
      %select_n3A_618 = arith.select %le3A, %get3A_615, %get3A_617 : vector<16xi1>, vector<16xi32>
      %swap3A_619 = arith.constant 128 : index
      %swap3A_620 = tpu.vector_load %arg26[%swap3A_619] {strides = array<i32>} : memref<144xi32, #tpu.memory_space<vmem>>, vector<16xi32>,
      tpu.vector_store %arg26[%swap3A_619], %select_n3A_618 {strides = array<i32>} : memref<144xi32, #tpu.memory_space<vmem>>, vector<16xi32>,
      %broadcast_in_dim3A_621 = arith.constant 1.000000e+00 : f32
      %broadcast_in_dim3A_622 = vector.broadcast %broadcast_in_dim3A_621 : f32 to vector<16xf32>
      %get3A_623 = arith.constant 800 : index
      %get3A_624 = tpu.vector_load %arg9[%get3A_623] {strides = array<i32>} : memref<960xi32, #tpu.memory_space<vmem>>, vector<16xi32>,
      %bitcast3A_625 = vector.bitcast %get3A_624 : vector<16xi32> to vector<16xf32>
      %select_n3A_626 = arith.select %le3A, %broadcast_in_dim3A_622, %bitcast3A_625 : vector<16xi1>, vector<16xf32>
      %swap3A_627 = arith.constant 128 : index
      %swap3A_628 = tpu.vector_load %arg27[%swap3A_627] {strides = array<i32>} : memref<144xf32, #tpu.memory_space<vmem>>, vector<16xf32>,
      tpu.vector_store %arg27[%swap3A_627], %select_n3A_626 {strides = array<i32>} : memref<144xf32, #tpu.memory_space<vmem>>, vector<16xf32>,
      %broadcast_in_dim3A_629 = arith.constant 0.000000e+00 : f32
      %broadcast_in_dim3A_630 = vector.broadcast %broadcast_in_dim3A_629 : f32 to vector<16xf32>
      %get3A_631 = arith.constant 944 : index
      %get3A_632 = tpu.vector_load %arg9[%get3A_631] {strides = array<i32>} : memref<960xi32, #tpu.memory_space<vmem>>, vector<16xi32>,
      %bitcast3A_633 = vector.bitcast %get3A_632 : vector<16xi32> to vector<16xf32>
      %select_n3A_634 = arith.select %le3A, %broadcast_in_dim3A_630, %bitcast3A_633 : vector<16xi1>, vector<16xf32>
      %swap3A_635 = arith.constant 128 : index
      %swap3A_636 = tpu.vector_load %arg28[%swap3A_635] {strides = array<i32>} : memref<144xf32, #tpu.memory_space<vmem>>, vector<16xf32>,
      tpu.vector_store %arg28[%swap3A_635], %select_n3A_634 {strides = array<i32>} : memref<144xf32, #tpu.memory_space<vmem>>, vector<16xf32>,
      %barrier3A_637 = arith.constant 0 : index
      tpu.barrier barrier_id(%barrier3A_637)
      %eq3A_638 = arith.constant 0 : i32
      %eq3A_639 = arith.cmpi eq, %arg1, %eq3A_638 : i32
      %convert_element_type3A_640 = arith.extui %eq3A_639 : i1 to i32
      %cond3A_641 = arith.constant 0 : i32
      %cond3A_642 = arith.cmpi ne, %convert_element_type3A_640, %cond3A_641 : i32
      scf.if %cond3A_642 {
        "tpu.region"() ({
          %run_scoped3A = tpu.sem_alloc : memref<!tpu.dma_semaphore, #tpu.memory_space<semaphore_mem>>
          tpu.enqueue_dma source(%arg23 : memref<4096xi32, #tpu.memory_space<vmem>>) target(%arg5 : memref<4096xi32, #tpu.memory_space<hbm>>) target_semaphore(%run_scoped3A : memref<!tpu.dma_semaphore, #tpu.memory_space<semaphore_mem>>)
          tpu.wait_dma2 semaphore(%run_scoped3A : memref<!tpu.dma_semaphore, #tpu.memory_space<semaphore_mem>>) src(%arg23 : memref<4096xi32, #tpu.memory_space<vmem>>) dst(%arg5 : memref<4096xi32, #tpu.memory_space<hbm>>)
          tpu.yield
        }) : () -> ()
      } else {
      }
      "tpu.region"() ({
        %run_scoped3A = tpu.sem_alloc : memref<!tpu.dma_semaphore, #tpu.memory_space<semaphore_mem>>
        tpu.enqueue_dma source(%arg18 : memref<64xi32, #tpu.memory_space<vmem_shared>>) target(%arg24 : memref<64xi32, #tpu.memory_space<vmem>>) target_semaphore(%run_scoped3A : memref<!tpu.dma_semaphore, #tpu.memory_space<semaphore_mem>>)
        tpu.wait_dma2 semaphore(%run_scoped3A : memref<!tpu.dma_semaphore, #tpu.memory_space<semaphore_mem>>) src(%arg18 : memref<64xi32, #tpu.memory_space<vmem_shared>>) dst(%arg24 : memref<64xi32, #tpu.memory_space<vmem>>)
        tpu.yield
      }) : () -> ()
      %broadcast_in_dim3A_643 = arith.constant 0 : i32
      %broadcast_in_dim3A_644 = vector.broadcast %broadcast_in_dim3A_643 : i32 to vector<16xi32>
      %mul3A_645 = arith.constant 4 : i32
      %mul3A_646 = arith.muli %arg1, %mul3A_645 : i32
      %add3A_647 = arith.constant 0 : i32
      %add3A_648 = arith.addi %mul3A_646, %add3A_647 : i32
      %div3A = arith.constant 16 : i32
      %div3A_649 = arith.divsi %add3A_648, %div3A : i32
      %rem3A = arith.constant 16 : i32
      %rem3A_650 = arith.remsi %add3A_648, %rem3A : i32
      %mul3A_651 = arith.constant 16 : i32
      %mul3A_652 = arith.muli %div3A_649, %mul3A_651 : i32
      %get3A_653 = arith.index_cast %mul3A_652 : i32 to index
      %get3A_654 = tpu.vector_load %arg24[%get3A_653] {strides = array<i32>} : memref<64xi32, #tpu.memory_space<vmem>>, vector<16xi32>,
      %eq3A_655 = vector.broadcast %rem3A_650 : i32 to vector<16xi32>
      %eq3A_656 = arith.cmpi eq, %iota3A, %eq3A_655 : vector<16xi32>
      %select_n3A_657 = arith.select %eq3A_656, %get3A_654, %broadcast_in_dim3A_644 : vector<16xi1>, vector<16xi32>
      %reduce_sum3A_658 = arith.constant true
      %reduce_sum3A_659 = vector.broadcast %reduce_sum3A_658 : i1 to vector<16xi1>
      %reduce_sum3A_660 = tpu.scan <sum>, %select_n3A_657 masked %reduce_sum3A_659 : vector<16xi32>, vector<16xi1> -> vector<16xi32>
      %reduce_sum3A_661 = vector.extract %reduce_sum3A_660[15] : i32 from vector<16xi32>
      %shift_right_logical3A = arith.constant 7 : i32
      %shift_right_logical3A_662 = arith.shrui %reduce_sum3A_661, %shift_right_logical3A : i32
      %mul3A_663 = arith.constant 2 : i32
      %mul3A_664 = arith.muli %shift_right_logical3A_662, %mul3A_663 : i32
      %and3A = arith.constant 127 : i32
      %and3A_665 = arith.andi %reduce_sum3A_661, %and3A : i32
      %get3A_666 = arith.constant 192 : index
      %get3A_667 = tpu.vector_load %arg9[%get3A_666] {strides = array<i32>} : memref<960xi32, #tpu.memory_space<vmem>>, vector<16xi32>,
      %add3A_668 = vector.broadcast %mul3A_664 : i32 to vector<16xi32>
      %add3A_669 = arith.addi %get3A_667, %add3A_668 : vector<16xi32>
      %swap3A_670 = arith.constant 0 : i32
      %swap3A_671 = arith.index_cast %swap3A_670 : i32 to index
      %swap3A_672 = arith.constant 0 : index
      %swap3A_673 = tpu.vector_load %arg7[%swap3A_671, %swap3A_672] {strides = array<i32>} : memref<2x128xi32, #tpu.memory_space<vmem>>, vector<16xi32>,
      tpu.vector_store %arg7[%swap3A_671, %swap3A_672], %add3A_669 {strides = array<i32>} : memref<2x128xi32, #tpu.memory_space<vmem>>, vector<16xi32>,
      %get3A_674 = arith.constant 208 : index
      %get3A_675 = tpu.vector_load %arg9[%get3A_674] {strides = array<i32>} : memref<960xi32, #tpu.memory_space<vmem>>, vector<16xi32>,
      %add3A_676 = vector.broadcast %mul3A_664 : i32 to vector<16xi32>
      %add3A_677 = arith.addi %get3A_675, %add3A_676 : vector<16xi32>
      %swap3A_678 = arith.constant 0 : i32
      %swap3A_679 = arith.index_cast %swap3A_678 : i32 to index
      %swap3A_680 = arith.constant 16 : index
      %swap3A_681 = tpu.vector_load %arg7[%swap3A_679, %swap3A_680] {strides = array<i32>} : memref<2x128xi32, #tpu.memory_space<vmem>>, vector<16xi32>,
      tpu.vector_store %arg7[%swap3A_679, %swap3A_680], %add3A_677 {strides = array<i32>} : memref<2x128xi32, #tpu.memory_space<vmem>>, vector<16xi32>,
      %get3A_682 = arith.constant 224 : index
      %get3A_683 = tpu.vector_load %arg9[%get3A_682] {strides = array<i32>} : memref<960xi32, #tpu.memory_space<vmem>>, vector<16xi32>,
      %add3A_684 = vector.broadcast %mul3A_664 : i32 to vector<16xi32>
      %add3A_685 = arith.addi %get3A_683, %add3A_684 : vector<16xi32>
      %swap3A_686 = arith.constant 0 : i32
      %swap3A_687 = arith.index_cast %swap3A_686 : i32 to index
      %swap3A_688 = arith.constant 32 : index
      %swap3A_689 = tpu.vector_load %arg7[%swap3A_687, %swap3A_688] {strides = array<i32>} : memref<2x128xi32, #tpu.memory_space<vmem>>, vector<16xi32>,
      tpu.vector_store %arg7[%swap3A_687, %swap3A_688], %add3A_685 {strides = array<i32>} : memref<2x128xi32, #tpu.memory_space<vmem>>, vector<16xi32>,
      %get3A_690 = arith.constant 240 : index
      %get3A_691 = tpu.vector_load %arg9[%get3A_690] {strides = array<i32>} : memref<960xi32, #tpu.memory_space<vmem>>, vector<16xi32>,
      %add3A_692 = vector.broadcast %mul3A_664 : i32 to vector<16xi32>
      %add3A_693 = arith.addi %get3A_691, %add3A_692 : vector<16xi32>
      %swap3A_694 = arith.constant 0 : i32
      %swap3A_695 = arith.index_cast %swap3A_694 : i32 to index
      %swap3A_696 = arith.constant 48 : index
      %swap3A_697 = tpu.vector_load %arg7[%swap3A_695, %swap3A_696] {strides = array<i32>} : memref<2x128xi32, #tpu.memory_space<vmem>>, vector<16xi32>,
      tpu.vector_store %arg7[%swap3A_695, %swap3A_696], %add3A_693 {strides = array<i32>} : memref<2x128xi32, #tpu.memory_space<vmem>>, vector<16xi32>,
      %get3A_698 = arith.constant 256 : index
      %get3A_699 = tpu.vector_load %arg9[%get3A_698] {strides = array<i32>} : memref<960xi32, #tpu.memory_space<vmem>>, vector<16xi32>,
      %add3A_700 = vector.broadcast %mul3A_664 : i32 to vector<16xi32>
      %add3A_701 = arith.addi %get3A_699, %add3A_700 : vector<16xi32>
      %swap3A_702 = arith.constant 0 : i32
      %swap3A_703 = arith.index_cast %swap3A_702 : i32 to index
      %swap3A_704 = arith.constant 64 : index
      %swap3A_705 = tpu.vector_load %arg7[%swap3A_703, %swap3A_704] {strides = array<i32>} : memref<2x128xi32, #tpu.memory_space<vmem>>, vector<16xi32>,
      tpu.vector_store %arg7[%swap3A_703, %swap3A_704], %add3A_701 {strides = array<i32>} : memref<2x128xi32, #tpu.memory_space<vmem>>, vector<16xi32>,
      %get3A_706 = arith.constant 272 : index
      %get3A_707 = tpu.vector_load %arg9[%get3A_706] {strides = array<i32>} : memref<960xi32, #tpu.memory_space<vmem>>, vector<16xi32>,
      %add3A_708 = vector.broadcast %mul3A_664 : i32 to vector<16xi32>
      %add3A_709 = arith.addi %get3A_707, %add3A_708 : vector<16xi32>
      %swap3A_710 = arith.constant 0 : i32
      %swap3A_711 = arith.index_cast %swap3A_710 : i32 to index
      %swap3A_712 = arith.constant 80 : index
      %swap3A_713 = tpu.vector_load %arg7[%swap3A_711, %swap3A_712] {strides = array<i32>} : memref<2x128xi32, #tpu.memory_space<vmem>>, vector<16xi32>,
      tpu.vector_store %arg7[%swap3A_711, %swap3A_712], %add3A_709 {strides = array<i32>} : memref<2x128xi32, #tpu.memory_space<vmem>>, vector<16xi32>,
      %get3A_714 = arith.constant 288 : index
      %get3A_715 = tpu.vector_load %arg9[%get3A_714] {strides = array<i32>} : memref<960xi32, #tpu.memory_space<vmem>>, vector<16xi32>,
      %add3A_716 = vector.broadcast %mul3A_664 : i32 to vector<16xi32>
      %add3A_717 = arith.addi %get3A_715, %add3A_716 : vector<16xi32>
      %swap3A_718 = arith.constant 0 : i32
      %swap3A_719 = arith.index_cast %swap3A_718 : i32 to index
      %swap3A_720 = arith.constant 96 : index
      %swap3A_721 = tpu.vector_load %arg7[%swap3A_719, %swap3A_720] {strides = array<i32>} : memref<2x128xi32, #tpu.memory_space<vmem>>, vector<16xi32>,
      tpu.vector_store %arg7[%swap3A_719, %swap3A_720], %add3A_717 {strides = array<i32>} : memref<2x128xi32, #tpu.memory_space<vmem>>, vector<16xi32>,
      %get3A_722 = arith.constant 304 : index
      %get3A_723 = tpu.vector_load %arg9[%get3A_722] {strides = array<i32>} : memref<960xi32, #tpu.memory_space<vmem>>, vector<16xi32>,
      %add3A_724 = vector.broadcast %mul3A_664 : i32 to vector<16xi32>
      %add3A_725 = arith.addi %get3A_723, %add3A_724 : vector<16xi32>
      %swap3A_726 = arith.constant 0 : i32
      %swap3A_727 = arith.index_cast %swap3A_726 : i32 to index
      %swap3A_728 = arith.constant 112 : index
      %swap3A_729 = tpu.vector_load %arg7[%swap3A_727, %swap3A_728] {strides = array<i32>} : memref<2x128xi32, #tpu.memory_space<vmem>>, vector<16xi32>,
      tpu.vector_store %arg7[%swap3A_727, %swap3A_728], %add3A_725 {strides = array<i32>} : memref<2x128xi32, #tpu.memory_space<vmem>>, vector<16xi32>,
      %get3A_730 = arith.constant 320 : index
      %get3A_731 = tpu.vector_load %arg9[%get3A_730] {strides = array<i32>} : memref<960xi32, #tpu.memory_space<vmem>>, vector<16xi32>,
      %add3A_732 = vector.broadcast %mul3A_664 : i32 to vector<16xi32>
      %add3A_733 = arith.addi %get3A_731, %add3A_732 : vector<16xi32>
      %swap3A_734 = arith.constant 0 : i32
      %swap3A_735 = arith.index_cast %swap3A_734 : i32 to index
      %swap3A_736 = arith.constant 0 : index
      %swap3A_737 = tpu.vector_load %arg8[%swap3A_735, %swap3A_736] {strides = array<i32>} : memref<2x64xi32, #tpu.memory_space<vmem>>, vector<16xi32>,
      tpu.vector_store %arg8[%swap3A_735, %swap3A_736], %add3A_733 {strides = array<i32>} : memref<2x64xi32, #tpu.memory_space<vmem>>, vector<16xi32>,
      %get3A_738 = arith.constant 336 : index
      %get3A_739 = tpu.vector_load %arg9[%get3A_738] {strides = array<i32>} : memref<960xi32, #tpu.memory_space<vmem>>, vector<16xi32>,
      %add3A_740 = vector.broadcast %mul3A_664 : i32 to vector<16xi32>
      %add3A_741 = arith.addi %get3A_739, %add3A_740 : vector<16xi32>
      %swap3A_742 = arith.constant 0 : i32
      %swap3A_743 = arith.index_cast %swap3A_742 : i32 to index
      %swap3A_744 = arith.constant 16 : index
      %swap3A_745 = tpu.vector_load %arg8[%swap3A_743, %swap3A_744] {strides = array<i32>} : memref<2x64xi32, #tpu.memory_space<vmem>>, vector<16xi32>,
      tpu.vector_store %arg8[%swap3A_743, %swap3A_744], %add3A_741 {strides = array<i32>} : memref<2x64xi32, #tpu.memory_space<vmem>>, vector<16xi32>,
      %get3A_746 = arith.constant 352 : index
      %get3A_747 = tpu.vector_load %arg9[%get3A_746] {strides = array<i32>} : memref<960xi32, #tpu.memory_space<vmem>>, vector<16xi32>,
      %add3A_748 = vector.broadcast %mul3A_664 : i32 to vector<16xi32>
      %add3A_749 = arith.addi %get3A_747, %add3A_748 : vector<16xi32>
      %swap3A_750 = arith.constant 0 : i32
      %swap3A_751 = arith.index_cast %swap3A_750 : i32 to index
      %swap3A_752 = arith.constant 32 : index
      %swap3A_753 = tpu.vector_load %arg8[%swap3A_751, %swap3A_752] {strides = array<i32>} : memref<2x64xi32, #tpu.memory_space<vmem>>, vector<16xi32>,
      tpu.vector_store %arg8[%swap3A_751, %swap3A_752], %add3A_749 {strides = array<i32>} : memref<2x64xi32, #tpu.memory_space<vmem>>, vector<16xi32>,
      %get3A_754 = arith.constant 368 : index
      %get3A_755 = tpu.vector_load %arg9[%get3A_754] {strides = array<i32>} : memref<960xi32, #tpu.memory_space<vmem>>, vector<16xi32>,
      %add3A_756 = vector.broadcast %mul3A_664 : i32 to vector<16xi32>
      %add3A_757 = arith.addi %get3A_755, %add3A_756 : vector<16xi32>
      %swap3A_758 = arith.constant 0 : i32
      %swap3A_759 = arith.index_cast %swap3A_758 : i32 to index
      %swap3A_760 = arith.constant 48 : index
      %swap3A_761 = tpu.vector_load %arg8[%swap3A_759, %swap3A_760] {strides = array<i32>} : memref<2x64xi32, #tpu.memory_space<vmem>>, vector<16xi32>,
      tpu.vector_store %arg8[%swap3A_759, %swap3A_760], %add3A_757 {strides = array<i32>} : memref<2x64xi32, #tpu.memory_space<vmem>>, vector<16xi32>,
      %dma_start3A_762 = arith.constant 0 : i32
      %dma_start3A_763 = arith.constant 0 : i32
      %dma_start3A_764 = arith.constant 0 : i32
      %dma_start3A_765 = arith.constant 0 : i32
      %dma_start3A_766 = tpu.memref_slice %arg6[%dma_start3A_763, %dma_start3A_764, %dma_start3A_765] : memref<2x192x128xf32, #tpu.memory_space<vmem>> -> memref<1x128x128xf32, #tpu.memory_space<vmem>>
      %dma_start3A_767 = tpu.memref_squeeze %dma_start3A_766 : memref<1x128x128xf32, #tpu.memory_space<vmem>> -> memref<128x128xf32, #tpu.memory_space<vmem>>
      %dma_start3A_768 = arith.constant 0 : i32
      %dma_start3A_769 = tpu.memref_slice %arg7[%dma_start3A_762, %dma_start3A_768] : memref<2x128xi32, #tpu.memory_space<vmem>> -> memref<1x128xi32, #tpu.memory_space<vmem>>
      %dma_start3A_770 = tpu.memref_squeeze %dma_start3A_769 : memref<1x128xi32, #tpu.memory_space<vmem>> -> memref<128xi32, #tpu.memory_space<vmem>>
      %dma_start3A_771 = arith.constant 0 : i32
      %dma_start3A_772 = arith.constant 0 : i32
      %dma_start3A_773 = tpu.memref_slice %arg2[%dma_start3A_771, %dma_start3A_772] : memref<34752x128xf32, #tpu.memory_space<hbm>> -> memref<34752x128xf32, #tpu.memory_space<hbm>>
      tpu.enqueue_indirect_dma source(%dma_start3A_773 : memref<34752x128xf32, #tpu.memory_space<hbm>>) target(%dma_start3A_767 : memref<128x128xf32, #tpu.memory_space<vmem>>) offsets(%dma_start3A_770 : memref<128xi32, #tpu.memory_space<vmem>>) semaphore(%arg29 : memref<!tpu.dma_semaphore, #tpu.memory_space<semaphore_mem>>)
      %dma_start3A_774 = arith.constant 0 : i32
      %dma_start3A_775 = arith.constant 0 : i32
      %dma_start3A_776 = arith.constant 128 : i32
      %dma_start3A_777 = arith.constant 0 : i32
      %dma_start3A_778 = tpu.memref_slice %arg6[%dma_start3A_775, %dma_start3A_776, %dma_start3A_777] : memref<2x192x128xf32, #tpu.memory_space<vmem>> -> memref<1x64x128xf32, #tpu.memory_space<vmem>>
      %dma_start3A_779 = tpu.memref_squeeze %dma_start3A_778 : memref<1x64x128xf32, #tpu.memory_space<vmem>> -> memref<64x128xf32, #tpu.memory_space<vmem>>
      %dma_start3A_780 = arith.constant 0 : i32
      %dma_start3A_781 = tpu.memref_slice %arg8[%dma_start3A_774, %dma_start3A_780] : memref<2x64xi32, #tpu.memory_space<vmem>> -> memref<1x64xi32, #tpu.memory_space<vmem>>
      %dma_start3A_782 = tpu.memref_squeeze %dma_start3A_781 : memref<1x64xi32, #tpu.memory_space<vmem>> -> memref<64xi32, #tpu.memory_space<vmem>>
      %dma_start3A_783 = arith.constant 0 : i32
      %dma_start3A_784 = arith.constant 0 : i32
      %dma_start3A_785 = tpu.memref_slice %arg2[%dma_start3A_783, %dma_start3A_784] : memref<34752x128xf32, #tpu.memory_space<hbm>> -> memref<34752x128xf32, #tpu.memory_space<hbm>>
      tpu.enqueue_indirect_dma source(%dma_start3A_785 : memref<34752x128xf32, #tpu.memory_space<hbm>>) target(%dma_start3A_779 : memref<64x128xf32, #tpu.memory_space<vmem>>) offsets(%dma_start3A_782 : memref<64xi32, #tpu.memory_space<vmem>>) semaphore(%arg29 : memref<!tpu.dma_semaphore, #tpu.memory_space<semaphore_mem>>)
      %mul3A_786 = arith.constant 4 : i32
      %mul3A_787 = arith.muli %arg1, %mul3A_786 : i32
      %add3A_788 = arith.constant 1 : i32
      %add3A_789 = arith.addi %mul3A_787, %add3A_788 : i32
      %div3A_790 = arith.constant 16 : i32
      %div3A_791 = arith.divsi %add3A_789, %div3A_790 : i32
      %rem3A_792 = arith.constant 16 : i32
      %rem3A_793 = arith.remsi %add3A_789, %rem3A_792 : i32
      %mul3A_794 = arith.constant 16 : i32
      %mul3A_795 = arith.muli %div3A_791, %mul3A_794 : i32
      %get3A_796 = arith.index_cast %mul3A_795 : i32 to index
      %get3A_797 = tpu.vector_load %arg24[%get3A_796] {strides = array<i32>} : memref<64xi32, #tpu.memory_space<vmem>>, vector<16xi32>,
      %eq3A_798 = vector.broadcast %rem3A_793 : i32 to vector<16xi32>
      %eq3A_799 = arith.cmpi eq, %iota3A, %eq3A_798 : vector<16xi32>
      %select_n3A_800 = arith.select %eq3A_799, %get3A_797, %broadcast_in_dim3A_644 : vector<16xi1>, vector<16xi32>
      %reduce_sum3A_801 = arith.constant true
      %reduce_sum3A_802 = vector.broadcast %reduce_sum3A_801 : i1 to vector<16xi1>
      %reduce_sum3A_803 = tpu.scan <sum>, %select_n3A_800 masked %reduce_sum3A_802 : vector<16xi32>, vector<16xi1> -> vector<16xi32>
      %reduce_sum3A_804 = vector.extract %reduce_sum3A_803[15] : i32 from vector<16xi32>
      %shift_right_logical3A_805 = arith.constant 7 : i32
      %shift_right_logical3A_806 = arith.shrui %reduce_sum3A_804, %shift_right_logical3A_805 : i32
      %mul3A_807 = arith.constant 2 : i32
      %mul3A_808 = arith.muli %shift_right_logical3A_806, %mul3A_807 : i32
      %and3A_809 = arith.constant 127 : i32
      %and3A_810 = arith.andi %reduce_sum3A_804, %and3A_809 : i32
      %get3A_811 = arith.constant 192 : index
      %get3A_812 = tpu.vector_load %arg9[%get3A_811] {strides = array<i32>} : memref<960xi32, #tpu.memory_space<vmem>>, vector<16xi32>,
      %add3A_813 = vector.broadcast %mul3A_808 : i32 to vector<16xi32>
      %add3A_814 = arith.addi %get3A_812, %add3A_813 : vector<16xi32>
      %swap3A_815 = arith.constant 1 : i32
      %swap3A_816 = arith.index_cast %swap3A_815 : i32 to index
      %swap3A_817 = arith.constant 0 : index
      %swap3A_818 = tpu.vector_load %arg7[%swap3A_816, %swap3A_817] {strides = array<i32>} : memref<2x128xi32, #tpu.memory_space<vmem>>, vector<16xi32>,
      tpu.vector_store %arg7[%swap3A_816, %swap3A_817], %add3A_814 {strides = array<i32>} : memref<2x128xi32, #tpu.memory_space<vmem>>, vector<16xi32>,
      %get3A_819 = arith.constant 208 : index
      %get3A_820 = tpu.vector_load %arg9[%get3A_819] {strides = array<i32>} : memref<960xi32, #tpu.memory_space<vmem>>, vector<16xi32>,
      %add3A_821 = vector.broadcast %mul3A_808 : i32 to vector<16xi32>
      %add3A_822 = arith.addi %get3A_820, %add3A_821 : vector<16xi32>
      %swap3A_823 = arith.constant 1 : i32
      %swap3A_824 = arith.index_cast %swap3A_823 : i32 to index
      %swap3A_825 = arith.constant 16 : index
      %swap3A_826 = tpu.vector_load %arg7[%swap3A_824, %swap3A_825] {strides = array<i32>} : memref<2x128xi32, #tpu.memory_space<vmem>>, vector<16xi32>,
      tpu.vector_store %arg7[%swap3A_824, %swap3A_825], %add3A_822 {strides = array<i32>} : memref<2x128xi32, #tpu.memory_space<vmem>>, vector<16xi32>,
      %get3A_827 = arith.constant 224 : index
      %get3A_828 = tpu.vector_load %arg9[%get3A_827] {strides = array<i32>} : memref<960xi32, #tpu.memory_space<vmem>>, vector<16xi32>,
      %add3A_829 = vector.broadcast %mul3A_808 : i32 to vector<16xi32>
      %add3A_830 = arith.addi %get3A_828, %add3A_829 : vector<16xi32>
      %swap3A_831 = arith.constant 1 : i32
      %swap3A_832 = arith.index_cast %swap3A_831 : i32 to index
      %swap3A_833 = arith.constant 32 : index
      %swap3A_834 = tpu.vector_load %arg7[%swap3A_832, %swap3A_833] {strides = array<i32>} : memref<2x128xi32, #tpu.memory_space<vmem>>, vector<16xi32>,
      tpu.vector_store %arg7[%swap3A_832, %swap3A_833], %add3A_830 {strides = array<i32>} : memref<2x128xi32, #tpu.memory_space<vmem>>, vector<16xi32>,
      %get3A_835 = arith.constant 240 : index
      %get3A_836 = tpu.vector_load %arg9[%get3A_835] {strides = array<i32>} : memref<960xi32, #tpu.memory_space<vmem>>, vector<16xi32>,
      %add3A_837 = vector.broadcast %mul3A_808 : i32 to vector<16xi32>
      %add3A_838 = arith.addi %get3A_836, %add3A_837 : vector<16xi32>
      %swap3A_839 = arith.constant 1 : i32
      %swap3A_840 = arith.index_cast %swap3A_839 : i32 to index
      %swap3A_841 = arith.constant 48 : index
      %swap3A_842 = tpu.vector_load %arg7[%swap3A_840, %swap3A_841] {strides = array<i32>} : memref<2x128xi32, #tpu.memory_space<vmem>>, vector<16xi32>,
      tpu.vector_store %arg7[%swap3A_840, %swap3A_841], %add3A_838 {strides = array<i32>} : memref<2x128xi32, #tpu.memory_space<vmem>>, vector<16xi32>,
      %get3A_843 = arith.constant 256 : index
      %get3A_844 = tpu.vector_load %arg9[%get3A_843] {strides = array<i32>} : memref<960xi32, #tpu.memory_space<vmem>>, vector<16xi32>,
      %add3A_845 = vector.broadcast %mul3A_808 : i32 to vector<16xi32>
      %add3A_846 = arith.addi %get3A_844, %add3A_845 : vector<16xi32>
      %swap3A_847 = arith.constant 1 : i32
      %swap3A_848 = arith.index_cast %swap3A_847 : i32 to index
      %swap3A_849 = arith.constant 64 : index
      %swap3A_850 = tpu.vector_load %arg7[%swap3A_848, %swap3A_849] {strides = array<i32>} : memref<2x128xi32, #tpu.memory_space<vmem>>, vector<16xi32>,
      tpu.vector_store %arg7[%swap3A_848, %swap3A_849], %add3A_846 {strides = array<i32>} : memref<2x128xi32, #tpu.memory_space<vmem>>, vector<16xi32>,
      %get3A_851 = arith.constant 272 : index
      %get3A_852 = tpu.vector_load %arg9[%get3A_851] {strides = array<i32>} : memref<960xi32, #tpu.memory_space<vmem>>, vector<16xi32>,
      %add3A_853 = vector.broadcast %mul3A_808 : i32 to vector<16xi32>
      %add3A_854 = arith.addi %get3A_852, %add3A_853 : vector<16xi32>
      %swap3A_855 = arith.constant 1 : i32
      %swap3A_856 = arith.index_cast %swap3A_855 : i32 to index
      %swap3A_857 = arith.constant 80 : index
      %swap3A_858 = tpu.vector_load %arg7[%swap3A_856, %swap3A_857] {strides = array<i32>} : memref<2x128xi32, #tpu.memory_space<vmem>>, vector<16xi32>,
      tpu.vector_store %arg7[%swap3A_856, %swap3A_857], %add3A_854 {strides = array<i32>} : memref<2x128xi32, #tpu.memory_space<vmem>>, vector<16xi32>,
      %get3A_859 = arith.constant 288 : index
      %get3A_860 = tpu.vector_load %arg9[%get3A_859] {strides = array<i32>} : memref<960xi32, #tpu.memory_space<vmem>>, vector<16xi32>,
      %add3A_861 = vector.broadcast %mul3A_808 : i32 to vector<16xi32>
      %add3A_862 = arith.addi %get3A_860, %add3A_861 : vector<16xi32>
      %swap3A_863 = arith.constant 1 : i32
      %swap3A_864 = arith.index_cast %swap3A_863 : i32 to index
      %swap3A_865 = arith.constant 96 : index
      %swap3A_866 = tpu.vector_load %arg7[%swap3A_864, %swap3A_865] {strides = array<i32>} : memref<2x128xi32, #tpu.memory_space<vmem>>, vector<16xi32>,
      tpu.vector_store %arg7[%swap3A_864, %swap3A_865], %add3A_862 {strides = array<i32>} : memref<2x128xi32, #tpu.memory_space<vmem>>, vector<16xi32>,
      %get3A_867 = arith.constant 304 : index
      %get3A_868 = tpu.vector_load %arg9[%get3A_867] {strides = array<i32>} : memref<960xi32, #tpu.memory_space<vmem>>, vector<16xi32>,
      %add3A_869 = vector.broadcast %mul3A_808 : i32 to vector<16xi32>
      %add3A_870 = arith.addi %get3A_868, %add3A_869 : vector<16xi32>
      %swap3A_871 = arith.constant 1 : i32
      %swap3A_872 = arith.index_cast %swap3A_871 : i32 to index
      %swap3A_873 = arith.constant 112 : index
      %swap3A_874 = tpu.vector_load %arg7[%swap3A_872, %swap3A_873] {strides = array<i32>} : memref<2x128xi32, #tpu.memory_space<vmem>>, vector<16xi32>,
      tpu.vector_store %arg7[%swap3A_872, %swap3A_873], %add3A_870 {strides = array<i32>} : memref<2x128xi32, #tpu.memory_space<vmem>>, vector<16xi32>,
      %get3A_875 = arith.constant 320 : index
      %get3A_876 = tpu.vector_load %arg9[%get3A_875] {strides = array<i32>} : memref<960xi32, #tpu.memory_space<vmem>>, vector<16xi32>,
      %add3A_877 = vector.broadcast %mul3A_808 : i32 to vector<16xi32>
      %add3A_878 = arith.addi %get3A_876, %add3A_877 : vector<16xi32>
      %swap3A_879 = arith.constant 1 : i32
      %swap3A_880 = arith.index_cast %swap3A_879 : i32 to index
      %swap3A_881 = arith.constant 0 : index
      %swap3A_882 = tpu.vector_load %arg8[%swap3A_880, %swap3A_881] {strides = array<i32>} : memref<2x64xi32, #tpu.memory_space<vmem>>, vector<16xi32>,
      tpu.vector_store %arg8[%swap3A_880, %swap3A_881], %add3A_878 {strides = array<i32>} : memref<2x64xi32, #tpu.memory_space<vmem>>, vector<16xi32>,
      %get3A_883 = arith.constant 336 : index
      %get3A_884 = tpu.vector_load %arg9[%get3A_883] {strides = array<i32>} : memref<960xi32, #tpu.memory_space<vmem>>, vector<16xi32>,
      %add3A_885 = vector.broadcast %mul3A_808 : i32 to vector<16xi32>
      %add3A_886 = arith.addi %get3A_884, %add3A_885 : vector<16xi32>
      %swap3A_887 = arith.constant 1 : i32
      %swap3A_888 = arith.index_cast %swap3A_887 : i32 to index
      %swap3A_889 = arith.constant 16 : index
      %swap3A_890 = tpu.vector_load %arg8[%swap3A_888, %swap3A_889] {strides = array<i32>} : memref<2x64xi32, #tpu.memory_space<vmem>>, vector<16xi32>,
      tpu.vector_store %arg8[%swap3A_888, %swap3A_889], %add3A_886 {strides = array<i32>} : memref<2x64xi32, #tpu.memory_space<vmem>>, vector<16xi32>,
      %get3A_891 = arith.constant 352 : index
      %get3A_892 = tpu.vector_load %arg9[%get3A_891] {strides = array<i32>} : memref<960xi32, #tpu.memory_space<vmem>>, vector<16xi32>,
      %add3A_893 = vector.broadcast %mul3A_808 : i32 to vector<16xi32>
      %add3A_894 = arith.addi %get3A_892, %add3A_893 : vector<16xi32>
      %swap3A_895 = arith.constant 1 : i32
      %swap3A_896 = arith.index_cast %swap3A_895 : i32 to index
      %swap3A_897 = arith.constant 32 : index
      %swap3A_898 = tpu.vector_load %arg8[%swap3A_896, %swap3A_897] {strides = array<i32>} : memref<2x64xi32, #tpu.memory_space<vmem>>, vector<16xi32>,
      tpu.vector_store %arg8[%swap3A_896, %swap3A_897], %add3A_894 {strides = array<i32>} : memref<2x64xi32, #tpu.memory_space<vmem>>, vector<16xi32>,
      %get3A_899 = arith.constant 368 : index
      %get3A_900 = tpu.vector_load %arg9[%get3A_899] {strides = array<i32>} : memref<960xi32, #tpu.memory_space<vmem>>, vector<16xi32>,
      %add3A_901 = vector.broadcast %mul3A_808 : i32 to vector<16xi32>
      %add3A_902 = arith.addi %get3A_900, %add3A_901 : vector<16xi32>
      %swap3A_903 = arith.constant 1 : i32
      %swap3A_904 = arith.index_cast %swap3A_903 : i32 to index
      %swap3A_905 = arith.constant 48 : index
      %swap3A_906 = tpu.vector_load %arg8[%swap3A_904, %swap3A_905] {strides = array<i32>} : memref<2x64xi32, #tpu.memory_space<vmem>>, vector<16xi32>,
      tpu.vector_store %arg8[%swap3A_904, %swap3A_905], %add3A_902 {strides = array<i32>} : memref<2x64xi32, #tpu.memory_space<vmem>>, vector<16xi32>,
      %dma_start3A_907 = arith.constant 1 : i32
      %dma_start3A_908 = arith.constant 1 : i32
      %dma_start3A_909 = arith.constant 0 : i32
      %dma_start3A_910 = arith.constant 0 : i32
      %dma_start3A_911 = tpu.memref_slice %arg6[%dma_start3A_908, %dma_start3A_909, %dma_start3A_910] : memref<2x192x128xf32, #tpu.memory_space<vmem>> -> memref<1x128x128xf32, #tpu.memory_space<vmem>>
      %dma_start3A_912 = tpu.memref_squeeze %dma_start3A_911 : memref<1x128x128xf32, #tpu.memory_space<vmem>> -> memref<128x128xf32, #tpu.memory_space<vmem>>
      %dma_start3A_913 = arith.constant 0 : i32
      %dma_start3A_914 = tpu.memref_slice %arg7[%dma_start3A_907, %dma_start3A_913] : memref<2x128xi32, #tpu.memory_space<vmem>> -> memref<1x128xi32, #tpu.memory_space<vmem>>
      %dma_start3A_915 = tpu.memref_squeeze %dma_start3A_914 : memref<1x128xi32, #tpu.memory_space<vmem>> -> memref<128xi32, #tpu.memory_space<vmem>>
      %dma_start3A_916 = arith.constant 0 : i32
      %dma_start3A_917 = arith.constant 0 : i32
      %dma_start3A_918 = tpu.memref_slice %arg2[%dma_start3A_916, %dma_start3A_917] : memref<34752x128xf32, #tpu.memory_space<hbm>> -> memref<34752x128xf32, #tpu.memory_space<hbm>>
      tpu.enqueue_indirect_dma source(%dma_start3A_918 : memref<34752x128xf32, #tpu.memory_space<hbm>>) target(%dma_start3A_912 : memref<128x128xf32, #tpu.memory_space<vmem>>) offsets(%dma_start3A_915 : memref<128xi32, #tpu.memory_space<vmem>>) semaphore(%arg30 : memref<!tpu.dma_semaphore, #tpu.memory_space<semaphore_mem>>)
      %dma_start3A_919 = arith.constant 1 : i32
      %dma_start3A_920 = arith.constant 1 : i32
      %dma_start3A_921 = arith.constant 128 : i32
      %dma_start3A_922 = arith.constant 0 : i32
      %dma_start3A_923 = tpu.memref_slice %arg6[%dma_start3A_920, %dma_start3A_921, %dma_start3A_922] : memref<2x192x128xf32, #tpu.memory_space<vmem>> -> memref<1x64x128xf32, #tpu.memory_space<vmem>>
      %dma_start3A_924 = tpu.memref_squeeze %dma_start3A_923 : memref<1x64x128xf32, #tpu.memory_space<vmem>> -> memref<64x128xf32, #tpu.memory_space<vmem>>
      %dma_start3A_925 = arith.constant 0 : i32
      %dma_start3A_926 = tpu.memref_slice %arg8[%dma_start3A_919, %dma_start3A_925] : memref<2x64xi32, #tpu.memory_space<vmem>> -> memref<1x64xi32, #tpu.memory_space<vmem>>
      %dma_start3A_927 = tpu.memref_squeeze %dma_start3A_926 : memref<1x64xi32, #tpu.memory_space<vmem>> -> memref<64xi32, #tpu.memory_space<vmem>>
      %dma_start3A_928 = arith.constant 0 : i32
      %dma_start3A_929 = arith.constant 0 : i32
      %dma_start3A_930 = tpu.memref_slice %arg2[%dma_start3A_928, %dma_start3A_929] : memref<34752x128xf32, #tpu.memory_space<hbm>> -> memref<34752x128xf32, #tpu.memory_space<hbm>>
      tpu.enqueue_indirect_dma source(%dma_start3A_930 : memref<34752x128xf32, #tpu.memory_space<hbm>>) target(%dma_start3A_924 : memref<64x128xf32, #tpu.memory_space<vmem>>) offsets(%dma_start3A_927 : memref<64xi32, #tpu.memory_space<vmem>>) semaphore(%arg30 : memref<!tpu.dma_semaphore, #tpu.memory_space<semaphore_mem>>)
      %dma_wait3A_931 = arith.constant 0 : i32
      %dma_wait3A_932 = arith.constant 0 : i32
      %dma_wait3A_933 = arith.constant 0 : i32
      %dma_wait3A_934 = arith.constant 0 : i32
      %dma_wait3A_935 = tpu.memref_slice %arg6[%dma_wait3A_932, %dma_wait3A_933, %dma_wait3A_934] : memref<2x192x128xf32, #tpu.memory_space<vmem>> -> memref<1x128x128xf32, #tpu.memory_space<vmem>>
      %dma_wait3A_936 = tpu.memref_squeeze %dma_wait3A_935 : memref<1x128x128xf32, #tpu.memory_space<vmem>> -> memref<128x128xf32, #tpu.memory_space<vmem>>
      %dma_wait3A_937 = arith.constant 0 : i32
      %dma_wait3A_938 = tpu.memref_slice %arg7[%dma_wait3A_931, %dma_wait3A_937] : memref<2x128xi32, #tpu.memory_space<vmem>> -> memref<1x128xi32, #tpu.memory_space<vmem>>
      %dma_wait3A_939 = tpu.memref_squeeze %dma_wait3A_938 : memref<1x128xi32, #tpu.memory_space<vmem>> -> memref<128xi32, #tpu.memory_space<vmem>>
      %dma_wait3A_940 = arith.constant 0 : i32
      %dma_wait3A_941 = arith.constant 0 : i32
      %dma_wait3A_942 = tpu.memref_slice %arg2[%dma_wait3A_940, %dma_wait3A_941] : memref<34752x128xf32, #tpu.memory_space<hbm>> -> memref<34752x128xf32, #tpu.memory_space<hbm>>
      tpu.wait_indirect_dma semaphore(%arg29 : memref<!tpu.dma_semaphore, #tpu.memory_space<semaphore_mem>>) src(%dma_wait3A_942 : memref<34752x128xf32, #tpu.memory_space<hbm>>) dst(%dma_wait3A_936 : memref<128x128xf32, #tpu.memory_space<vmem>>)
      %dma_wait3A_943 = arith.constant 0 : i32
      %dma_wait3A_944 = arith.constant 0 : i32
      %dma_wait3A_945 = arith.constant 128 : i32
      %dma_wait3A_946 = arith.constant 0 : i32
      %dma_wait3A_947 = tpu.memref_slice %arg6[%dma_wait3A_944, %dma_wait3A_945, %dma_wait3A_946] : memref<2x192x128xf32, #tpu.memory_space<vmem>> -> memref<1x64x128xf32, #tpu.memory_space<vmem>>
      %dma_wait3A_948 = tpu.memref_squeeze %dma_wait3A_947 : memref<1x64x128xf32, #tpu.memory_space<vmem>> -> memref<64x128xf32, #tpu.memory_space<vmem>>
      %dma_wait3A_949 = arith.constant 0 : i32
      %dma_wait3A_950 = tpu.memref_slice %arg8[%dma_wait3A_943, %dma_wait3A_949] : memref<2x64xi32, #tpu.memory_space<vmem>> -> memref<1x64xi32, #tpu.memory_space<vmem>>
      %dma_wait3A_951 = tpu.memref_squeeze %dma_wait3A_950 : memref<1x64xi32, #tpu.memory_space<vmem>> -> memref<64xi32, #tpu.memory_space<vmem>>
      %dma_wait3A_952 = arith.constant 0 : i32
      %dma_wait3A_953 = arith.constant 0 : i32
      %dma_wait3A_954 = tpu.memref_slice %arg2[%dma_wait3A_952, %dma_wait3A_953] : memref<34752x128xf32, #tpu.memory_space<hbm>> -> memref<34752x128xf32, #tpu.memory_space<hbm>>
      tpu.wait_indirect_dma semaphore(%arg29 : memref<!tpu.dma_semaphore, #tpu.memory_space<semaphore_mem>>) src(%dma_wait3A_954 : memref<34752x128xf32, #tpu.memory_space<hbm>>) dst(%dma_wait3A_948 : memref<64x128xf32, #tpu.memory_space<vmem>>)
      %broadcast_in_dim3A_955 = vector.broadcast %and3A_665 : i32 to vector<16xi32>
      %get3A_956 = arith.constant 0 : index
      %get3A_957 = tpu.vector_load %arg26[%get3A_956] {strides = array<i32>} : memref<144xi32, #tpu.memory_space<vmem>>, vector<16xi32>,
      %gather3A = arith.constant 0 : i32
      %gather3A_958 = arith.constant 0 : i32
      %gather3A_959 = arith.constant 0 : i32
      %gather3A_960 = tpu.memref_slice %arg6[%gather3A, %gather3A_958, %gather3A_959] : memref<2x192x128xf32, #tpu.memory_space<vmem>> -> memref<1x192x128xf32, #tpu.memory_space<vmem>>
      %gather3A_961 = tpu.memref_squeeze %gather3A_960 : memref<1x192x128xf32, #tpu.memory_space<vmem>> -> memref<192x128xf32, #tpu.memory_space<vmem>>
      %gather3A_962 = tpu.vector_load_idx %gather3A_961[%get3A_957, %broadcast_in_dim3A_955] : memref<192x128xf32, #tpu.memory_space<vmem>>[vector<16xi32>, vector<16xi32>], vector<16xf32>,
      %get3A_963 = arith.constant 0 : index
      %get3A_964 = tpu.vector_load %arg27[%get3A_963] {strides = array<i32>} : memref<144xf32, #tpu.memory_space<vmem>>, vector<16xf32>,
      %mul3A_965 = arith.mulf %gather3A_962, %get3A_964 : vector<16xf32>
      %get3A_966 = arith.constant 0 : index
      %get3A_967 = tpu.vector_load %arg28[%get3A_966] {strides = array<i32>} : memref<144xf32, #tpu.memory_space<vmem>>, vector<16xf32>,
      %add3A_968 = arith.addf %mul3A_965, %get3A_967 : vector<16xf32>
      %ne3A = arith.cmpf one, %gather3A_962, %gather3A_962 : vector<16xf32>
      %jit3A = arith.constant 0.000000e+00 : f32
      %broadcast_in_dim3A_969 = vector.broadcast %jit3A : f32 to vector<16xf32>
      %select_n3A_970 = arith.select %ne3A, %broadcast_in_dim3A_969, %add3A_968 : vector<16xi1>, vector<16xf32>
      %swap3A_971 = arith.constant 0 : index
      %swap3A_972 = tpu.vector_load %arg25[%swap3A_971] {strides = array<i32>} : memref<576xf32, #tpu.memory_space<vmem>>, vector<16xf32>,
      tpu.vector_store %arg25[%swap3A_971], %select_n3A_970 {strides = array<i32>} : memref<576xf32, #tpu.memory_space<vmem>>, vector<16xf32>,
      %get3A_973 = arith.constant 16 : index
      %get3A_974 = tpu.vector_load %arg26[%get3A_973] {strides = array<i32>} : memref<144xi32, #tpu.memory_space<vmem>>, vector<16xi32>,
      %gather3A_975 = arith.constant 0 : i32
      %gather3A_976 = arith.constant 0 : i32
      %gather3A_977 = arith.constant 0 : i32
      %gather3A_978 = tpu.memref_slice %arg6[%gather3A_975, %gather3A_976, %gather3A_977] : memref<2x192x128xf32, #tpu.memory_space<vmem>> -> memref<1x192x128xf32, #tpu.memory_space<vmem>>
      %gather3A_979 = tpu.memref_squeeze %gather3A_978 : memref<1x192x128xf32, #tpu.memory_space<vmem>> -> memref<192x128xf32, #tpu.memory_space<vmem>>
      %gather3A_980 = tpu.vector_load_idx %gather3A_979[%get3A_974, %broadcast_in_dim3A_955] : memref<192x128xf32, #tpu.memory_space<vmem>>[vector<16xi32>, vector<16xi32>], vector<16xf32>,
      %get3A_981 = arith.constant 16 : index
      %get3A_982 = tpu.vector_load %arg27[%get3A_981] {strides = array<i32>} : memref<144xf32, #tpu.memory_space<vmem>>, vector<16xf32>,
      %mul3A_983 = arith.mulf %gather3A_980, %get3A_982 : vector<16xf32>
      %get3A_984 = arith.constant 16 : index
      %get3A_985 = tpu.vector_load %arg28[%get3A_984] {strides = array<i32>} : memref<144xf32, #tpu.memory_space<vmem>>, vector<16xf32>,
      %add3A_986 = arith.addf %mul3A_983, %get3A_985 : vector<16xf32>
      %ne3A_987 = arith.cmpf one, %gather3A_980, %gather3A_980 : vector<16xf32>
      %jit3A_988 = arith.constant 0.000000e+00 : f32
      %broadcast_in_dim3A_989 = vector.broadcast %jit3A_988 : f32 to vector<16xf32>
      %select_n3A_990 = arith.select %ne3A_987, %broadcast_in_dim3A_989, %add3A_986 : vector<16xi1>, vector<16xf32>
      %swap3A_991 = arith.constant 16 : index
      %swap3A_992 = tpu.vector_load %arg25[%swap3A_991] {strides = array<i32>} : memref<576xf32, #tpu.memory_space<vmem>>, vector<16xf32>,
      tpu.vector_store %arg25[%swap3A_991], %select_n3A_990 {strides = array<i32>} : memref<576xf32, #tpu.memory_space<vmem>>, vector<16xf32>,
      %get3A_993 = arith.constant 32 : index
      %get3A_994 = tpu.vector_load %arg26[%get3A_993] {strides = array<i32>} : memref<144xi32, #tpu.memory_space<vmem>>, vector<16xi32>,
      %gather3A_995 = arith.constant 0 : i32
      %gather3A_996 = arith.constant 0 : i32
      %gather3A_997 = arith.constant 0 : i32
      %gather3A_998 = tpu.memref_slice %arg6[%gather3A_995, %gather3A_996, %gather3A_997] : memref<2x192x128xf32, #tpu.memory_space<vmem>> -> memref<1x192x128xf32, #tpu.memory_space<vmem>>
      %gather3A_999 = tpu.memref_squeeze %gather3A_998 : memref<1x192x128xf32, #tpu.memory_space<vmem>> -> memref<192x128xf32, #tpu.memory_space<vmem>>
      %gather3A_1000 = tpu.vector_load_idx %gather3A_999[%get3A_994, %broadcast_in_dim3A_955] : memref<192x128xf32, #tpu.memory_space<vmem>>[vector<16xi32>, vector<16xi32>], vector<16xf32>,
      %get3A_1001 = arith.constant 32 : index
      %get3A_1002 = tpu.vector_load %arg27[%get3A_1001] {strides = array<i32>} : memref<144xf32, #tpu.memory_space<vmem>>, vector<16xf32>,
      %mul3A_1003 = arith.mulf %gather3A_1000, %get3A_1002 : vector<16xf32>
      %get3A_1004 = arith.constant 32 : index
      %get3A_1005 = tpu.vector_load %arg28[%get3A_1004] {strides = array<i32>} : memref<144xf32, #tpu.memory_space<vmem>>, vector<16xf32>,
      %add3A_1006 = arith.addf %mul3A_1003, %get3A_1005 : vector<16xf32>
      %ne3A_1007 = arith.cmpf one, %gather3A_1000, %gather3A_1000 : vector<16xf32>
      %jit3A_1008 = arith.constant 0.000000e+00 : f32
      %broadcast_in_dim3A_1009 = vector.broadcast %jit3A_1008 : f32 to vector<16xf32>
      %select_n3A_1010 = arith.select %ne3A_1007, %broadcast_in_dim3A_1009, %add3A_1006 : vector<16xi1>, vector<16xf32>
      %swap3A_1011 = arith.constant 32 : index
      %swap3A_1012 = tpu.vector_load %arg25[%swap3A_1011] {strides = array<i32>} : memref<576xf32, #tpu.memory_space<vmem>>, vector<16xf32>,
      tpu.vector_store %arg25[%swap3A_1011], %select_n3A_1010 {strides = array<i32>} : memref<576xf32, #tpu.memory_space<vmem>>, vector<16xf32>,
      %get3A_1013 = arith.constant 48 : index
      %get3A_1014 = tpu.vector_load %arg26[%get3A_1013] {strides = array<i32>} : memref<144xi32, #tpu.memory_space<vmem>>, vector<16xi32>,
      %gather3A_1015 = arith.constant 0 : i32
      %gather3A_1016 = arith.constant 0 : i32
      %gather3A_1017 = arith.constant 0 : i32
      %gather3A_1018 = tpu.memref_slice %arg6[%gather3A_1015, %gather3A_1016, %gather3A_1017] : memref<2x192x128xf32, #tpu.memory_space<vmem>> -> memref<1x192x128xf32, #tpu.memory_space<vmem>>
      %gather3A_1019 = tpu.memref_squeeze %gather3A_1018 : memref<1x192x128xf32, #tpu.memory_space<vmem>> -> memref<192x128xf32, #tpu.memory_space<vmem>>
      %gather3A_1020 = tpu.vector_load_idx %gather3A_1019[%get3A_1014, %broadcast_in_dim3A_955] : memref<192x128xf32, #tpu.memory_space<vmem>>[vector<16xi32>, vector<16xi32>], vector<16xf32>,
      %get3A_1021 = arith.constant 48 : index
      %get3A_1022 = tpu.vector_load %arg27[%get3A_1021] {strides = array<i32>} : memref<144xf32, #tpu.memory_space<vmem>>, vector<16xf32>,
      %mul3A_1023 = arith.mulf %gather3A_1020, %get3A_1022 : vector<16xf32>
      %get3A_1024 = arith.constant 48 : index
      %get3A_1025 = tpu.vector_load %arg28[%get3A_1024] {strides = array<i32>} : memref<144xf32, #tpu.memory_space<vmem>>, vector<16xf32>,
      %add3A_1026 = arith.addf %mul3A_1023, %get3A_1025 : vector<16xf32>
      %ne3A_1027 = arith.cmpf one, %gather3A_1020, %gather3A_1020 : vector<16xf32>
      %jit3A_1028 = arith.constant 0.000000e+00 : f32
      %broadcast_in_dim3A_1029 = vector.broadcast %jit3A_1028 : f32 to vector<16xf32>
      %select_n3A_1030 = arith.select %ne3A_1027, %broadcast_in_dim3A_1029, %add3A_1026 : vector<16xi1>, vector<16xf32>
      %swap3A_1031 = arith.constant 48 : index
      %swap3A_1032 = tpu.vector_load %arg25[%swap3A_1031] {strides = array<i32>} : memref<576xf32, #tpu.memory_space<vmem>>, vector<16xf32>,
      tpu.vector_store %arg25[%swap3A_1031], %select_n3A_1030 {strides = array<i32>} : memref<576xf32, #tpu.memory_space<vmem>>, vector<16xf32>,
      %get3A_1033 = arith.constant 64 : index
      %get3A_1034 = tpu.vector_load %arg26[%get3A_1033] {strides = array<i32>} : memref<144xi32, #tpu.memory_space<vmem>>, vector<16xi32>,
      %gather3A_1035 = arith.constant 0 : i32
      %gather3A_1036 = arith.constant 0 : i32
      %gather3A_1037 = arith.constant 0 : i32
      %gather3A_1038 = tpu.memref_slice %arg6[%gather3A_1035, %gather3A_1036, %gather3A_1037] : memref<2x192x128xf32, #tpu.memory_space<vmem>> -> memref<1x192x128xf32, #tpu.memory_space<vmem>>
      %gather3A_1039 = tpu.memref_squeeze %gather3A_1038 : memref<1x192x128xf32, #tpu.memory_space<vmem>> -> memref<192x128xf32, #tpu.memory_space<vmem>>
      %gather3A_1040 = tpu.vector_load_idx %gather3A_1039[%get3A_1034, %broadcast_in_dim3A_955] : memref<192x128xf32, #tpu.memory_space<vmem>>[vector<16xi32>, vector<16xi32>], vector<16xf32>,
      %get3A_1041 = arith.constant 64 : index
      %get3A_1042 = tpu.vector_load %arg27[%get3A_1041] {strides = array<i32>} : memref<144xf32, #tpu.memory_space<vmem>>, vector<16xf32>,
      %mul3A_1043 = arith.mulf %gather3A_1040, %get3A_1042 : vector<16xf32>
      %get3A_1044 = arith.constant 64 : index
      %get3A_1045 = tpu.vector_load %arg28[%get3A_1044] {strides = array<i32>} : memref<144xf32, #tpu.memory_space<vmem>>, vector<16xf32>,
      %add3A_1046 = arith.addf %mul3A_1043, %get3A_1045 : vector<16xf32>
      %ne3A_1047 = arith.cmpf one, %gather3A_1040, %gather3A_1040 : vector<16xf32>
      %jit3A_1048 = arith.constant 0.000000e+00 : f32
      %broadcast_in_dim3A_1049 = vector.broadcast %jit3A_1048 : f32 to vector<16xf32>
      %select_n3A_1050 = arith.select %ne3A_1047, %broadcast_in_dim3A_1049, %add3A_1046 : vector<16xi1>, vector<16xf32>
      %swap3A_1051 = arith.constant 64 : index
      %swap3A_1052 = tpu.vector_load %arg25[%swap3A_1051] {strides = array<i32>} : memref<576xf32, #tpu.memory_space<vmem>>, vector<16xf32>,
      tpu.vector_store %arg25[%swap3A_1051], %select_n3A_1050 {strides = array<i32>} : memref<576xf32, #tpu.memory_space<vmem>>, vector<16xf32>,
      %get3A_1053 = arith.constant 80 : index
      %get3A_1054 = tpu.vector_load %arg26[%get3A_1053] {strides = array<i32>} : memref<144xi32, #tpu.memory_space<vmem>>, vector<16xi32>,
      %gather3A_1055 = arith.constant 0 : i32
      %gather3A_1056 = arith.constant 0 : i32
      %gather3A_1057 = arith.constant 0 : i32
      %gather3A_1058 = tpu.memref_slice %arg6[%gather3A_1055, %gather3A_1056, %gather3A_1057] : memref<2x192x128xf32, #tpu.memory_space<vmem>> -> memref<1x192x128xf32, #tpu.memory_space<vmem>>
      %gather3A_1059 = tpu.memref_squeeze %gather3A_1058 : memref<1x192x128xf32, #tpu.memory_space<vmem>> -> memref<192x128xf32, #tpu.memory_space<vmem>>
      %gather3A_1060 = tpu.vector_load_idx %gather3A_1059[%get3A_1054, %broadcast_in_dim3A_955] : memref<192x128xf32, #tpu.memory_space<vmem>>[vector<16xi32>, vector<16xi32>], vector<16xf32>,
      %get3A_1061 = arith.constant 80 : index
      %get3A_1062 = tpu.vector_load %arg27[%get3A_1061] {strides = array<i32>} : memref<144xf32, #tpu.memory_space<vmem>>, vector<16xf32>,
      %mul3A_1063 = arith.mulf %gather3A_1060, %get3A_1062 : vector<16xf32>
      %get3A_1064 = arith.constant 80 : index
      %get3A_1065 = tpu.vector_load %arg28[%get3A_1064] {strides = array<i32>} : memref<144xf32, #tpu.memory_space<vmem>>, vector<16xf32>,
      %add3A_1066 = arith.addf %mul3A_1063, %get3A_1065 : vector<16xf32>
      %ne3A_1067 = arith.cmpf one, %gather3A_1060, %gather3A_1060 : vector<16xf32>
      %jit3A_1068 = arith.constant 0.000000e+00 : f32
      %broadcast_in_dim3A_1069 = vector.broadcast %jit3A_1068 : f32 to vector<16xf32>
      %select_n3A_1070 = arith.select %ne3A_1067, %broadcast_in_dim3A_1069, %add3A_1066 : vector<16xi1>, vector<16xf32>
      %swap3A_1071 = arith.constant 80 : index
      %swap3A_1072 = tpu.vector_load %arg25[%swap3A_1071] {strides = array<i32>} : memref<576xf32, #tpu.memory_space<vmem>>, vector<16xf32>,
      tpu.vector_store %arg25[%swap3A_1071], %select_n3A_1070 {strides = array<i32>} : memref<576xf32, #tpu.memory_space<vmem>>, vector<16xf32>,
      %get3A_1073 = arith.constant 96 : index
      %get3A_1074 = tpu.vector_load %arg26[%get3A_1073] {strides = array<i32>} : memref<144xi32, #tpu.memory_space<vmem>>, vector<16xi32>,
      %gather3A_1075 = arith.constant 0 : i32
      %gather3A_1076 = arith.constant 0 : i32
      %gather3A_1077 = arith.constant 0 : i32
      %gather3A_1078 = tpu.memref_slice %arg6[%gather3A_1075, %gather3A_1076, %gather3A_1077] : memref<2x192x128xf32, #tpu.memory_space<vmem>> -> memref<1x192x128xf32, #tpu.memory_space<vmem>>
      %gather3A_1079 = tpu.memref_squeeze %gather3A_1078 : memref<1x192x128xf32, #tpu.memory_space<vmem>> -> memref<192x128xf32, #tpu.memory_space<vmem>>
      %gather3A_1080 = tpu.vector_load_idx %gather3A_1079[%get3A_1074, %broadcast_in_dim3A_955] : memref<192x128xf32, #tpu.memory_space<vmem>>[vector<16xi32>, vector<16xi32>], vector<16xf32>,
      %get3A_1081 = arith.constant 96 : index
      %get3A_1082 = tpu.vector_load %arg27[%get3A_1081] {strides = array<i32>} : memref<144xf32, #tpu.memory_space<vmem>>, vector<16xf32>,
      %mul3A_1083 = arith.mulf %gather3A_1080, %get3A_1082 : vector<16xf32>
      %get3A_1084 = arith.constant 96 : index
      %get3A_1085 = tpu.vector_load %arg28[%get3A_1084] {strides = array<i32>} : memref<144xf32, #tpu.memory_space<vmem>>, vector<16xf32>,
      %add3A_1086 = arith.addf %mul3A_1083, %get3A_1085 : vector<16xf32>
      %ne3A_1087 = arith.cmpf one, %gather3A_1080, %gather3A_1080 : vector<16xf32>
      %jit3A_1088 = arith.constant 0.000000e+00 : f32
      %broadcast_in_dim3A_1089 = vector.broadcast %jit3A_1088 : f32 to vector<16xf32>
      %select_n3A_1090 = arith.select %ne3A_1087, %broadcast_in_dim3A_1089, %add3A_1086 : vector<16xi1>, vector<16xf32>
      %swap3A_1091 = arith.constant 96 : index
      %swap3A_1092 = tpu.vector_load %arg25[%swap3A_1091] {strides = array<i32>} : memref<576xf32, #tpu.memory_space<vmem>>, vector<16xf32>,
      tpu.vector_store %arg25[%swap3A_1091], %select_n3A_1090 {strides = array<i32>} : memref<576xf32, #tpu.memory_space<vmem>>, vector<16xf32>,
      %get3A_1093 = arith.constant 112 : index
      %get3A_1094 = tpu.vector_load %arg26[%get3A_1093] {strides = array<i32>} : memref<144xi32, #tpu.memory_space<vmem>>, vector<16xi32>,
      %gather3A_1095 = arith.constant 0 : i32
      %gather3A_1096 = arith.constant 0 : i32
      %gather3A_1097 = arith.constant 0 : i32
      %gather3A_1098 = tpu.memref_slice %arg6[%gather3A_1095, %gather3A_1096, %gather3A_1097] : memref<2x192x128xf32, #tpu.memory_space<vmem>> -> memref<1x192x128xf32, #tpu.memory_space<vmem>>
      %gather3A_1099 = tpu.memref_squeeze %gather3A_1098 : memref<1x192x128xf32, #tpu.memory_space<vmem>> -> memref<192x128xf32, #tpu.memory_space<vmem>>
      %gather3A_1100 = tpu.vector_load_idx %gather3A_1099[%get3A_1094, %broadcast_in_dim3A_955] : memref<192x128xf32, #tpu.memory_space<vmem>>[vector<16xi32>, vector<16xi32>], vector<16xf32>,
      %get3A_1101 = arith.constant 112 : index
      %get3A_1102 = tpu.vector_load %arg27[%get3A_1101] {strides = array<i32>} : memref<144xf32, #tpu.memory_space<vmem>>, vector<16xf32>,
      %mul3A_1103 = arith.mulf %gather3A_1100, %get3A_1102 : vector<16xf32>
      %get3A_1104 = arith.constant 112 : index
      %get3A_1105 = tpu.vector_load %arg28[%get3A_1104] {strides = array<i32>} : memref<144xf32, #tpu.memory_space<vmem>>, vector<16xf32>,
      %add3A_1106 = arith.addf %mul3A_1103, %get3A_1105 : vector<16xf32>
      %ne3A_1107 = arith.cmpf one, %gather3A_1100, %gather3A_1100 : vector<16xf32>
      %jit3A_1108 = arith.constant 0.000000e+00 : f32
      %broadcast_in_dim3A_1109 = vector.broadcast %jit3A_1108 : f32 to vector<16xf32>
      %select_n3A_1110 = arith.select %ne3A_1107, %broadcast_in_dim3A_1109, %add3A_1106 : vector<16xi1>, vector<16xf32>
      %swap3A_1111 = arith.constant 112 : index
      %swap3A_1112 = tpu.vector_load %arg25[%swap3A_1111] {strides = array<i32>} : memref<576xf32, #tpu.memory_space<vmem>>, vector<16xf32>,
      tpu.vector_store %arg25[%swap3A_1111], %select_n3A_1110 {strides = array<i32>} : memref<576xf32, #tpu.memory_space<vmem>>, vector<16xf32>,
      %get3A_1113 = arith.constant 128 : index
      %get3A_1114 = tpu.vector_load %arg26[%get3A_1113] {strides = array<i32>} : memref<144xi32, #tpu.memory_space<vmem>>, vector<16xi32>,
      %gather3A_1115 = arith.constant 0 : i32
      %gather3A_1116 = arith.constant 0 : i32
      %gather3A_1117 = arith.constant 0 : i32
      %gather3A_1118 = tpu.memref_slice %arg6[%gather3A_1115, %gather3A_1116, %gather3A_1117] : memref<2x192x128xf32, #tpu.memory_space<vmem>> -> memref<1x192x128xf32, #tpu.memory_space<vmem>>
      %gather3A_1119 = tpu.memref_squeeze %gather3A_1118 : memref<1x192x128xf32, #tpu.memory_space<vmem>> -> memref<192x128xf32, #tpu.memory_space<vmem>>
      %gather3A_1120 = tpu.vector_load_idx %gather3A_1119[%get3A_1114, %broadcast_in_dim3A_955] : memref<192x128xf32, #tpu.memory_space<vmem>>[vector<16xi32>, vector<16xi32>], vector<16xf32>,
      %get3A_1121 = arith.constant 128 : index
      %get3A_1122 = tpu.vector_load %arg27[%get3A_1121] {strides = array<i32>} : memref<144xf32, #tpu.memory_space<vmem>>, vector<16xf32>,
      %mul3A_1123 = arith.mulf %gather3A_1120, %get3A_1122 : vector<16xf32>
      %get3A_1124 = arith.constant 128 : index
      %get3A_1125 = tpu.vector_load %arg28[%get3A_1124] {strides = array<i32>} : memref<144xf32, #tpu.memory_space<vmem>>, vector<16xf32>,
      %add3A_1126 = arith.addf %mul3A_1123, %get3A_1125 : vector<16xf32>
      %ne3A_1127 = arith.cmpf one, %gather3A_1120, %gather3A_1120 : vector<16xf32>
      %jit3A_1128 = arith.constant 0.000000e+00 : f32
      %broadcast_in_dim3A_1129 = vector.broadcast %jit3A_1128 : f32 to vector<16xf32>
      %select_n3A_1130 = arith.select %ne3A_1127, %broadcast_in_dim3A_1129, %add3A_1126 : vector<16xi1>, vector<16xf32>
      %swap3A_1131 = arith.constant 128 : index
      %swap3A_1132 = tpu.vector_load %arg25[%swap3A_1131] {strides = array<i32>} : memref<576xf32, #tpu.memory_space<vmem>>, vector<16xf32>,
      tpu.vector_store %arg25[%swap3A_1131], %select_n3A_1130 {strides = array<i32>} : memref<576xf32, #tpu.memory_space<vmem>>, vector<16xf32>,
      %mul3A_1133 = arith.constant 4 : i32
      %mul3A_1134 = arith.muli %arg1, %mul3A_1133 : i32
      %add3A_1135 = arith.constant 2 : i32
      %add3A_1136 = arith.addi %mul3A_1134, %add3A_1135 : i32
      %div3A_1137 = arith.constant 16 : i32
      %div3A_1138 = arith.divsi %add3A_1136, %div3A_1137 : i32
      %rem3A_1139 = arith.constant 16 : i32
      %rem3A_1140 = arith.remsi %add3A_1136, %rem3A_1139 : i32
      %mul3A_1141 = arith.constant 16 : i32
      %mul3A_1142 = arith.muli %div3A_1138, %mul3A_1141 : i32
      %get3A_1143 = arith.index_cast %mul3A_1142 : i32 to index
      %get3A_1144 = tpu.vector_load %arg24[%get3A_1143] {strides = array<i32>} : memref<64xi32, #tpu.memory_space<vmem>>, vector<16xi32>,
      %eq3A_1145 = vector.broadcast %rem3A_1140 : i32 to vector<16xi32>
      %eq3A_1146 = arith.cmpi eq, %iota3A, %eq3A_1145 : vector<16xi32>
      %select_n3A_1147 = arith.select %eq3A_1146, %get3A_1144, %broadcast_in_dim3A_644 : vector<16xi1>, vector<16xi32>
      %reduce_sum3A_1148 = arith.constant true
      %reduce_sum3A_1149 = vector.broadcast %reduce_sum3A_1148 : i1 to vector<16xi1>
      %reduce_sum3A_1150 = tpu.scan <sum>, %select_n3A_1147 masked %reduce_sum3A_1149 : vector<16xi32>, vector<16xi1> -> vector<16xi32>
      %reduce_sum3A_1151 = vector.extract %reduce_sum3A_1150[15] : i32 from vector<16xi32>
      %shift_right_logical3A_1152 = arith.constant 7 : i32
      %shift_right_logical3A_1153 = arith.shrui %reduce_sum3A_1151, %shift_right_logical3A_1152 : i32
      %mul3A_1154 = arith.constant 2 : i32
      %mul3A_1155 = arith.muli %shift_right_logical3A_1153, %mul3A_1154 : i32
      %and3A_1156 = arith.constant 127 : i32
      %and3A_1157 = arith.andi %reduce_sum3A_1151, %and3A_1156 : i32
      %get3A_1158 = arith.constant 192 : index
      %get3A_1159 = tpu.vector_load %arg9[%get3A_1158] {strides = array<i32>} : memref<960xi32, #tpu.memory_space<vmem>>, vector<16xi32>,
      %add3A_1160 = vector.broadcast %mul3A_1155 : i32 to vector<16xi32>
      %add3A_1161 = arith.addi %get3A_1159, %add3A_1160 : vector<16xi32>
      %swap3A_1162 = arith.constant 0 : i32
      %swap3A_1163 = arith.index_cast %swap3A_1162 : i32 to index
      %swap3A_1164 = arith.constant 0 : index
      %swap3A_1165 = tpu.vector_load %arg7[%swap3A_1163, %swap3A_1164] {strides = array<i32>} : memref<2x128xi32, #tpu.memory_space<vmem>>, vector<16xi32>,
      tpu.vector_store %arg7[%swap3A_1163, %swap3A_1164], %add3A_1161 {strides = array<i32>} : memref<2x128xi32, #tpu.memory_space<vmem>>, vector<16xi32>,
      %get3A_1166 = arith.constant 208 : index
      %get3A_1167 = tpu.vector_load %arg9[%get3A_1166] {strides = array<i32>} : memref<960xi32, #tpu.memory_space<vmem>>, vector<16xi32>,
      %add3A_1168 = vector.broadcast %mul3A_1155 : i32 to vector<16xi32>
      %add3A_1169 = arith.addi %get3A_1167, %add3A_1168 : vector<16xi32>
      %swap3A_1170 = arith.constant 0 : i32
      %swap3A_1171 = arith.index_cast %swap3A_1170 : i32 to index
      %swap3A_1172 = arith.constant 16 : index
      %swap3A_1173 = tpu.vector_load %arg7[%swap3A_1171, %swap3A_1172] {strides = array<i32>} : memref<2x128xi32, #tpu.memory_space<vmem>>, vector<16xi32>,
      tpu.vector_store %arg7[%swap3A_1171, %swap3A_1172], %add3A_1169 {strides = array<i32>} : memref<2x128xi32, #tpu.memory_space<vmem>>, vector<16xi32>,
      %get3A_1174 = arith.constant 224 : index
      %get3A_1175 = tpu.vector_load %arg9[%get3A_1174] {strides = array<i32>} : memref<960xi32, #tpu.memory_space<vmem>>, vector<16xi32>,
      %add3A_1176 = vector.broadcast %mul3A_1155 : i32 to vector<16xi32>
      %add3A_1177 = arith.addi %get3A_1175, %add3A_1176 : vector<16xi32>
      %swap3A_1178 = arith.constant 0 : i32
      %swap3A_1179 = arith.index_cast %swap3A_1178 : i32 to index
      %swap3A_1180 = arith.constant 32 : index
      %swap3A_1181 = tpu.vector_load %arg7[%swap3A_1179, %swap3A_1180] {strides = array<i32>} : memref<2x128xi32, #tpu.memory_space<vmem>>, vector<16xi32>,
      tpu.vector_store %arg7[%swap3A_1179, %swap3A_1180], %add3A_1177 {strides = array<i32>} : memref<2x128xi32, #tpu.memory_space<vmem>>, vector<16xi32>,
      %get3A_1182 = arith.constant 240 : index
      %get3A_1183 = tpu.vector_load %arg9[%get3A_1182] {strides = array<i32>} : memref<960xi32, #tpu.memory_space<vmem>>, vector<16xi32>,
      %add3A_1184 = vector.broadcast %mul3A_1155 : i32 to vector<16xi32>
      %add3A_1185 = arith.addi %get3A_1183, %add3A_1184 : vector<16xi32>
      %swap3A_1186 = arith.constant 0 : i32
      %swap3A_1187 = arith.index_cast %swap3A_1186 : i32 to index
      %swap3A_1188 = arith.constant 48 : index
      %swap3A_1189 = tpu.vector_load %arg7[%swap3A_1187, %swap3A_1188] {strides = array<i32>} : memref<2x128xi32, #tpu.memory_space<vmem>>, vector<16xi32>,
      tpu.vector_store %arg7[%swap3A_1187, %swap3A_1188], %add3A_1185 {strides = array<i32>} : memref<2x128xi32, #tpu.memory_space<vmem>>, vector<16xi32>,
      %get3A_1190 = arith.constant 256 : index
      %get3A_1191 = tpu.vector_load %arg9[%get3A_1190] {strides = array<i32>} : memref<960xi32, #tpu.memory_space<vmem>>, vector<16xi32>,
      %add3A_1192 = vector.broadcast %mul3A_1155 : i32 to vector<16xi32>
      %add3A_1193 = arith.addi %get3A_1191, %add3A_1192 : vector<16xi32>
      %swap3A_1194 = arith.constant 0 : i32
      %swap3A_1195 = arith.index_cast %swap3A_1194 : i32 to index
      %swap3A_1196 = arith.constant 64 : index
      %swap3A_1197 = tpu.vector_load %arg7[%swap3A_1195, %swap3A_1196] {strides = array<i32>} : memref<2x128xi32, #tpu.memory_space<vmem>>, vector<16xi32>,
      tpu.vector_store %arg7[%swap3A_1195, %swap3A_1196], %add3A_1193 {strides = array<i32>} : memref<2x128xi32, #tpu.memory_space<vmem>>, vector<16xi32>,
      %get3A_1198 = arith.constant 272 : index
      %get3A_1199 = tpu.vector_load %arg9[%get3A_1198] {strides = array<i32>} : memref<960xi32, #tpu.memory_space<vmem>>, vector<16xi32>,
      %add3A_1200 = vector.broadcast %mul3A_1155 : i32 to vector<16xi32>
      %add3A_1201 = arith.addi %get3A_1199, %add3A_1200 : vector<16xi32>
      %swap3A_1202 = arith.constant 0 : i32
      %swap3A_1203 = arith.index_cast %swap3A_1202 : i32 to index
      %swap3A_1204 = arith.constant 80 : index
      %swap3A_1205 = tpu.vector_load %arg7[%swap3A_1203, %swap3A_1204] {strides = array<i32>} : memref<2x128xi32, #tpu.memory_space<vmem>>, vector<16xi32>,
      tpu.vector_store %arg7[%swap3A_1203, %swap3A_1204], %add3A_1201 {strides = array<i32>} : memref<2x128xi32, #tpu.memory_space<vmem>>, vector<16xi32>,
      %get3A_1206 = arith.constant 288 : index
      %get3A_1207 = tpu.vector_load %arg9[%get3A_1206] {strides = array<i32>} : memref<960xi32, #tpu.memory_space<vmem>>, vector<16xi32>,
      %add3A_1208 = vector.broadcast %mul3A_1155 : i32 to vector<16xi32>
      %add3A_1209 = arith.addi %get3A_1207, %add3A_1208 : vector<16xi32>
      %swap3A_1210 = arith.constant 0 : i32
      %swap3A_1211 = arith.index_cast %swap3A_1210 : i32 to index
      %swap3A_1212 = arith.constant 96 : index
      %swap3A_1213 = tpu.vector_load %arg7[%swap3A_1211, %swap3A_1212] {strides = array<i32>} : memref<2x128xi32, #tpu.memory_space<vmem>>, vector<16xi32>,
      tpu.vector_store %arg7[%swap3A_1211, %swap3A_1212], %add3A_1209 {strides = array<i32>} : memref<2x128xi32, #tpu.memory_space<vmem>>, vector<16xi32>,
      %get3A_1214 = arith.constant 304 : index
      %get3A_1215 = tpu.vector_load %arg9[%get3A_1214] {strides = array<i32>} : memref<960xi32, #tpu.memory_space<vmem>>, vector<16xi32>,
      %add3A_1216 = vector.broadcast %mul3A_1155 : i32 to vector<16xi32>
      %add3A_1217 = arith.addi %get3A_1215, %add3A_1216 : vector<16xi32>
      %swap3A_1218 = arith.constant 0 : i32
      %swap3A_1219 = arith.index_cast %swap3A_1218 : i32 to index
      %swap3A_1220 = arith.constant 112 : index
      %swap3A_1221 = tpu.vector_load %arg7[%swap3A_1219, %swap3A_1220] {strides = array<i32>} : memref<2x128xi32, #tpu.memory_space<vmem>>, vector<16xi32>,
      tpu.vector_store %arg7[%swap3A_1219, %swap3A_1220], %add3A_1217 {strides = array<i32>} : memref<2x128xi32, #tpu.memory_space<vmem>>, vector<16xi32>,
      %get3A_1222 = arith.constant 320 : index
      %get3A_1223 = tpu.vector_load %arg9[%get3A_1222] {strides = array<i32>} : memref<960xi32, #tpu.memory_space<vmem>>, vector<16xi32>,
      %add3A_1224 = vector.broadcast %mul3A_1155 : i32 to vector<16xi32>
      %add3A_1225 = arith.addi %get3A_1223, %add3A_1224 : vector<16xi32>
      %swap3A_1226 = arith.constant 0 : i32
      %swap3A_1227 = arith.index_cast %swap3A_1226 : i32 to index
      %swap3A_1228 = arith.constant 0 : index
      %swap3A_1229 = tpu.vector_load %arg8[%swap3A_1227, %swap3A_1228] {strides = array<i32>} : memref<2x64xi32, #tpu.memory_space<vmem>>, vector<16xi32>,
      tpu.vector_store %arg8[%swap3A_1227, %swap3A_1228], %add3A_1225 {strides = array<i32>} : memref<2x64xi32, #tpu.memory_space<vmem>>, vector<16xi32>,
      %get3A_1230 = arith.constant 336 : index
      %get3A_1231 = tpu.vector_load %arg9[%get3A_1230] {strides = array<i32>} : memref<960xi32, #tpu.memory_space<vmem>>, vector<16xi32>,
      %add3A_1232 = vector.broadcast %mul3A_1155 : i32 to vector<16xi32>
      %add3A_1233 = arith.addi %get3A_1231, %add3A_1232 : vector<16xi32>
      %swap3A_1234 = arith.constant 0 : i32
      %swap3A_1235 = arith.index_cast %swap3A_1234 : i32 to index
      %swap3A_1236 = arith.constant 16 : index
      %swap3A_1237 = tpu.vector_load %arg8[%swap3A_1235, %swap3A_1236] {strides = array<i32>} : memref<2x64xi32, #tpu.memory_space<vmem>>, vector<16xi32>,
      tpu.vector_store %arg8[%swap3A_1235, %swap3A_1236], %add3A_1233 {strides = array<i32>} : memref<2x64xi32, #tpu.memory_space<vmem>>, vector<16xi32>,
      %get3A_1238 = arith.constant 352 : index
      %get3A_1239 = tpu.vector_load %arg9[%get3A_1238] {strides = array<i32>} : memref<960xi32, #tpu.memory_space<vmem>>, vector<16xi32>,
      %add3A_1240 = vector.broadcast %mul3A_1155 : i32 to vector<16xi32>
      %add3A_1241 = arith.addi %get3A_1239, %add3A_1240 : vector<16xi32>
      %swap3A_1242 = arith.constant 0 : i32
      %swap3A_1243 = arith.index_cast %swap3A_1242 : i32 to index
      %swap3A_1244 = arith.constant 32 : index
      %swap3A_1245 = tpu.vector_load %arg8[%swap3A_1243, %swap3A_1244] {strides = array<i32>} : memref<2x64xi32, #tpu.memory_space<vmem>>, vector<16xi32>,
      tpu.vector_store %arg8[%swap3A_1243, %swap3A_1244], %add3A_1241 {strides = array<i32>} : memref<2x64xi32, #tpu.memory_space<vmem>>, vector<16xi32>,
      %get3A_1246 = arith.constant 368 : index
      %get3A_1247 = tpu.vector_load %arg9[%get3A_1246] {strides = array<i32>} : memref<960xi32, #tpu.memory_space<vmem>>, vector<16xi32>,
      %add3A_1248 = vector.broadcast %mul3A_1155 : i32 to vector<16xi32>
      %add3A_1249 = arith.addi %get3A_1247, %add3A_1248 : vector<16xi32>
      %swap3A_1250 = arith.constant 0 : i32
      %swap3A_1251 = arith.index_cast %swap3A_1250 : i32 to index
      %swap3A_1252 = arith.constant 48 : index
      %swap3A_1253 = tpu.vector_load %arg8[%swap3A_1251, %swap3A_1252] {strides = array<i32>} : memref<2x64xi32, #tpu.memory_space<vmem>>, vector<16xi32>,
      tpu.vector_store %arg8[%swap3A_1251, %swap3A_1252], %add3A_1249 {strides = array<i32>} : memref<2x64xi32, #tpu.memory_space<vmem>>, vector<16xi32>,
      %dma_start3A_1254 = arith.constant 0 : i32
      %dma_start3A_1255 = arith.constant 0 : i32
      %dma_start3A_1256 = arith.constant 0 : i32
      %dma_start3A_1257 = arith.constant 0 : i32
      %dma_start3A_1258 = tpu.memref_slice %arg6[%dma_start3A_1255, %dma_start3A_1256, %dma_start3A_1257] : memref<2x192x128xf32, #tpu.memory_space<vmem>> -> memref<1x128x128xf32, #tpu.memory_space<vmem>>
      %dma_start3A_1259 = tpu.memref_squeeze %dma_start3A_1258 : memref<1x128x128xf32, #tpu.memory_space<vmem>> -> memref<128x128xf32, #tpu.memory_space<vmem>>
      %dma_start3A_1260 = arith.constant 0 : i32
      %dma_start3A_1261 = tpu.memref_slice %arg7[%dma_start3A_1254, %dma_start3A_1260] : memref<2x128xi32, #tpu.memory_space<vmem>> -> memref<1x128xi32, #tpu.memory_space<vmem>>
      %dma_start3A_1262 = tpu.memref_squeeze %dma_start3A_1261 : memref<1x128xi32, #tpu.memory_space<vmem>> -> memref<128xi32, #tpu.memory_space<vmem>>
      %dma_start3A_1263 = arith.constant 0 : i32
      %dma_start3A_1264 = arith.constant 0 : i32
      %dma_start3A_1265 = tpu.memref_slice %arg2[%dma_start3A_1263, %dma_start3A_1264] : memref<34752x128xf32, #tpu.memory_space<hbm>> -> memref<34752x128xf32, #tpu.memory_space<hbm>>
      tpu.enqueue_indirect_dma source(%dma_start3A_1265 : memref<34752x128xf32, #tpu.memory_space<hbm>>) target(%dma_start3A_1259 : memref<128x128xf32, #tpu.memory_space<vmem>>) offsets(%dma_start3A_1262 : memref<128xi32, #tpu.memory_space<vmem>>) semaphore(%arg29 : memref<!tpu.dma_semaphore, #tpu.memory_space<semaphore_mem>>)
      %dma_start3A_1266 = arith.constant 0 : i32
      %dma_start3A_1267 = arith.constant 0 : i32
      %dma_start3A_1268 = arith.constant 128 : i32
      %dma_start3A_1269 = arith.constant 0 : i32
      %dma_start3A_1270 = tpu.memref_slice %arg6[%dma_start3A_1267, %dma_start3A_1268, %dma_start3A_1269] : memref<2x192x128xf32, #tpu.memory_space<vmem>> -> memref<1x64x128xf32, #tpu.memory_space<vmem>>
      %dma_start3A_1271 = tpu.memref_squeeze %dma_start3A_1270 : memref<1x64x128xf32, #tpu.memory_space<vmem>> -> memref<64x128xf32, #tpu.memory_space<vmem>>
      %dma_start3A_1272 = arith.constant 0 : i32
      %dma_start3A_1273 = tpu.memref_slice %arg8[%dma_start3A_1266, %dma_start3A_1272] : memref<2x64xi32, #tpu.memory_space<vmem>> -> memref<1x64xi32, #tpu.memory_space<vmem>>
      %dma_start3A_1274 = tpu.memref_squeeze %dma_start3A_1273 : memref<1x64xi32, #tpu.memory_space<vmem>> -> memref<64xi32, #tpu.memory_space<vmem>>
      %dma_start3A_1275 = arith.constant 0 : i32
      %dma_start3A_1276 = arith.constant 0 : i32
      %dma_start3A_1277 = tpu.memref_slice %arg2[%dma_start3A_1275, %dma_start3A_1276] : memref<34752x128xf32, #tpu.memory_space<hbm>> -> memref<34752x128xf32, #tpu.memory_space<hbm>>
      tpu.enqueue_indirect_dma source(%dma_start3A_1277 : memref<34752x128xf32, #tpu.memory_space<hbm>>) target(%dma_start3A_1271 : memref<64x128xf32, #tpu.memory_space<vmem>>) offsets(%dma_start3A_1274 : memref<64xi32, #tpu.memory_space<vmem>>) semaphore(%arg29 : memref<!tpu.dma_semaphore, #tpu.memory_space<semaphore_mem>>)
      %dma_wait3A_1278 = arith.constant 1 : i32
      %dma_wait3A_1279 = arith.constant 1 : i32
      %dma_wait3A_1280 = arith.constant 0 : i32
      %dma_wait3A_1281 = arith.constant 0 : i32
      %dma_wait3A_1282 = tpu.memref_slice %arg6[%dma_wait3A_1279, %dma_wait3A_1280, %dma_wait3A_1281] : memref<2x192x128xf32, #tpu.memory_space<vmem>> -> memref<1x128x128xf32, #tpu.memory_space<vmem>>
      %dma_wait3A_1283 = tpu.memref_squeeze %dma_wait3A_1282 : memref<1x128x128xf32, #tpu.memory_space<vmem>> -> memref<128x128xf32, #tpu.memory_space<vmem>>
      %dma_wait3A_1284 = arith.constant 0 : i32
      %dma_wait3A_1285 = tpu.memref_slice %arg7[%dma_wait3A_1278, %dma_wait3A_1284] : memref<2x128xi32, #tpu.memory_space<vmem>> -> memref<1x128xi32, #tpu.memory_space<vmem>>
      %dma_wait3A_1286 = tpu.memref_squeeze %dma_wait3A_1285 : memref<1x128xi32, #tpu.memory_space<vmem>> -> memref<128xi32, #tpu.memory_space<vmem>>
      %dma_wait3A_1287 = arith.constant 0 : i32
      %dma_wait3A_1288 = arith.constant 0 : i32
      %dma_wait3A_1289 = tpu.memref_slice %arg2[%dma_wait3A_1287, %dma_wait3A_1288] : memref<34752x128xf32, #tpu.memory_space<hbm>> -> memref<34752x128xf32, #tpu.memory_space<hbm>>
      tpu.wait_indirect_dma semaphore(%arg30 : memref<!tpu.dma_semaphore, #tpu.memory_space<semaphore_mem>>) src(%dma_wait3A_1289 : memref<34752x128xf32, #tpu.memory_space<hbm>>) dst(%dma_wait3A_1283 : memref<128x128xf32, #tpu.memory_space<vmem>>)
      %dma_wait3A_1290 = arith.constant 1 : i32
      %dma_wait3A_1291 = arith.constant 1 : i32
      %dma_wait3A_1292 = arith.constant 128 : i32
      %dma_wait3A_1293 = arith.constant 0 : i32
      %dma_wait3A_1294 = tpu.memref_slice %arg6[%dma_wait3A_1291, %dma_wait3A_1292, %dma_wait3A_1293] : memref<2x192x128xf32, #tpu.memory_space<vmem>> -> memref<1x64x128xf32, #tpu.memory_space<vmem>>
      %dma_wait3A_1295 = tpu.memref_squeeze %dma_wait3A_1294 : memref<1x64x128xf32, #tpu.memory_space<vmem>> -> memref<64x128xf32, #tpu.memory_space<vmem>>
      %dma_wait3A_1296 = arith.constant 0 : i32
      %dma_wait3A_1297 = tpu.memref_slice %arg8[%dma_wait3A_1290, %dma_wait3A_1296] : memref<2x64xi32, #tpu.memory_space<vmem>> -> memref<1x64xi32, #tpu.memory_space<vmem>>
      %dma_wait3A_1298 = tpu.memref_squeeze %dma_wait3A_1297 : memref<1x64xi32, #tpu.memory_space<vmem>> -> memref<64xi32, #tpu.memory_space<vmem>>
      %dma_wait3A_1299 = arith.constant 0 : i32
      %dma_wait3A_1300 = arith.constant 0 : i32
      %dma_wait3A_1301 = tpu.memref_slice %arg2[%dma_wait3A_1299, %dma_wait3A_1300] : memref<34752x128xf32, #tpu.memory_space<hbm>> -> memref<34752x128xf32, #tpu.memory_space<hbm>>
      tpu.wait_indirect_dma semaphore(%arg30 : memref<!tpu.dma_semaphore, #tpu.memory_space<semaphore_mem>>) src(%dma_wait3A_1301 : memref<34752x128xf32, #tpu.memory_space<hbm>>) dst(%dma_wait3A_1295 : memref<64x128xf32, #tpu.memory_space<vmem>>)
      %broadcast_in_dim3A_1302 = vector.broadcast %and3A_810 : i32 to vector<16xi32>
      %get3A_1303 = arith.constant 0 : index
      %get3A_1304 = tpu.vector_load %arg26[%get3A_1303] {strides = array<i32>} : memref<144xi32, #tpu.memory_space<vmem>>, vector<16xi32>,
      %gather3A_1305 = arith.constant 1 : i32
      %gather3A_1306 = arith.constant 0 : i32
      %gather3A_1307 = arith.constant 0 : i32
      %gather3A_1308 = tpu.memref_slice %arg6[%gather3A_1305, %gather3A_1306, %gather3A_1307] : memref<2x192x128xf32, #tpu.memory_space<vmem>> -> memref<1x192x128xf32, #tpu.memory_space<vmem>>
      %gather3A_1309 = tpu.memref_squeeze %gather3A_1308 : memref<1x192x128xf32, #tpu.memory_space<vmem>> -> memref<192x128xf32, #tpu.memory_space<vmem>>
      %gather3A_1310 = tpu.vector_load_idx %gather3A_1309[%get3A_1304, %broadcast_in_dim3A_1302] : memref<192x128xf32, #tpu.memory_space<vmem>>[vector<16xi32>, vector<16xi32>], vector<16xf32>,
      %get3A_1311 = arith.constant 0 : index
      %get3A_1312 = tpu.vector_load %arg27[%get3A_1311] {strides = array<i32>} : memref<144xf32, #tpu.memory_space<vmem>>, vector<16xf32>,
      %mul3A_1313 = arith.mulf %gather3A_1310, %get3A_1312 : vector<16xf32>
      %get3A_1314 = arith.constant 0 : index
      %get3A_1315 = tpu.vector_load %arg28[%get3A_1314] {strides = array<i32>} : memref<144xf32, #tpu.memory_space<vmem>>, vector<16xf32>,
      %add3A_1316 = arith.addf %mul3A_1313, %get3A_1315 : vector<16xf32>
      %ne3A_1317 = arith.cmpf one, %gather3A_1310, %gather3A_1310 : vector<16xf32>
      %jit3A_1318 = arith.constant 0.000000e+00 : f32
      %broadcast_in_dim3A_1319 = vector.broadcast %jit3A_1318 : f32 to vector<16xf32>
      %select_n3A_1320 = arith.select %ne3A_1317, %broadcast_in_dim3A_1319, %add3A_1316 : vector<16xi1>, vector<16xf32>
      %swap3A_1321 = arith.constant 144 : index
      %swap3A_1322 = tpu.vector_load %arg25[%swap3A_1321] {strides = array<i32>} : memref<576xf32, #tpu.memory_space<vmem>>, vector<16xf32>,
      tpu.vector_store %arg25[%swap3A_1321], %select_n3A_1320 {strides = array<i32>} : memref<576xf32, #tpu.memory_space<vmem>>, vector<16xf32>,
      %get3A_1323 = arith.constant 16 : index
      %get3A_1324 = tpu.vector_load %arg26[%get3A_1323] {strides = array<i32>} : memref<144xi32, #tpu.memory_space<vmem>>, vector<16xi32>,
      %gather3A_1325 = arith.constant 1 : i32
      %gather3A_1326 = arith.constant 0 : i32
      %gather3A_1327 = arith.constant 0 : i32
      %gather3A_1328 = tpu.memref_slice %arg6[%gather3A_1325, %gather3A_1326, %gather3A_1327] : memref<2x192x128xf32, #tpu.memory_space<vmem>> -> memref<1x192x128xf32, #tpu.memory_space<vmem>>
      %gather3A_1329 = tpu.memref_squeeze %gather3A_1328 : memref<1x192x128xf32, #tpu.memory_space<vmem>> -> memref<192x128xf32, #tpu.memory_space<vmem>>
      %gather3A_1330 = tpu.vector_load_idx %gather3A_1329[%get3A_1324, %broadcast_in_dim3A_1302] : memref<192x128xf32, #tpu.memory_space<vmem>>[vector<16xi32>, vector<16xi32>], vector<16xf32>,
      %get3A_1331 = arith.constant 16 : index
      %get3A_1332 = tpu.vector_load %arg27[%get3A_1331] {strides = array<i32>} : memref<144xf32, #tpu.memory_space<vmem>>, vector<16xf32>,
      %mul3A_1333 = arith.mulf %gather3A_1330, %get3A_1332 : vector<16xf32>
      %get3A_1334 = arith.constant 16 : index
      %get3A_1335 = tpu.vector_load %arg28[%get3A_1334] {strides = array<i32>} : memref<144xf32, #tpu.memory_space<vmem>>, vector<16xf32>,
      %add3A_1336 = arith.addf %mul3A_1333, %get3A_1335 : vector<16xf32>
      %ne3A_1337 = arith.cmpf one, %gather3A_1330, %gather3A_1330 : vector<16xf32>
      %jit3A_1338 = arith.constant 0.000000e+00 : f32
      %broadcast_in_dim3A_1339 = vector.broadcast %jit3A_1338 : f32 to vector<16xf32>
      %select_n3A_1340 = arith.select %ne3A_1337, %broadcast_in_dim3A_1339, %add3A_1336 : vector<16xi1>, vector<16xf32>
      %swap3A_1341 = arith.constant 160 : index
      %swap3A_1342 = tpu.vector_load %arg25[%swap3A_1341] {strides = array<i32>} : memref<576xf32, #tpu.memory_space<vmem>>, vector<16xf32>,
      tpu.vector_store %arg25[%swap3A_1341], %select_n3A_1340 {strides = array<i32>} : memref<576xf32, #tpu.memory_space<vmem>>, vector<16xf32>,
      %get3A_1343 = arith.constant 32 : index
      %get3A_1344 = tpu.vector_load %arg26[%get3A_1343] {strides = array<i32>} : memref<144xi32, #tpu.memory_space<vmem>>, vector<16xi32>,
      %gather3A_1345 = arith.constant 1 : i32
      %gather3A_1346 = arith.constant 0 : i32
      %gather3A_1347 = arith.constant 0 : i32
      %gather3A_1348 = tpu.memref_slice %arg6[%gather3A_1345, %gather3A_1346, %gather3A_1347] : memref<2x192x128xf32, #tpu.memory_space<vmem>> -> memref<1x192x128xf32, #tpu.memory_space<vmem>>
      %gather3A_1349 = tpu.memref_squeeze %gather3A_1348 : memref<1x192x128xf32, #tpu.memory_space<vmem>> -> memref<192x128xf32, #tpu.memory_space<vmem>>
      %gather3A_1350 = tpu.vector_load_idx %gather3A_1349[%get3A_1344, %broadcast_in_dim3A_1302] : memref<192x128xf32, #tpu.memory_space<vmem>>[vector<16xi32>, vector<16xi32>], vector<16xf32>,
      %get3A_1351 = arith.constant 32 : index
      %get3A_1352 = tpu.vector_load %arg27[%get3A_1351] {strides = array<i32>} : memref<144xf32, #tpu.memory_space<vmem>>, vector<16xf32>,
      %mul3A_1353 = arith.mulf %gather3A_1350, %get3A_1352 : vector<16xf32>
      %get3A_1354 = arith.constant 32 : index
      %get3A_1355 = tpu.vector_load %arg28[%get3A_1354] {strides = array<i32>} : memref<144xf32, #tpu.memory_space<vmem>>, vector<16xf32>,
      %add3A_1356 = arith.addf %mul3A_1353, %get3A_1355 : vector<16xf32>
      %ne3A_1357 = arith.cmpf one, %gather3A_1350, %gather3A_1350 : vector<16xf32>
      %jit3A_1358 = arith.constant 0.000000e+00 : f32
      %broadcast_in_dim3A_1359 = vector.broadcast %jit3A_1358 : f32 to vector<16xf32>
      %select_n3A_1360 = arith.select %ne3A_1357, %broadcast_in_dim3A_1359, %add3A_1356 : vector<16xi1>, vector<16xf32>
      %swap3A_1361 = arith.constant 176 : index
      %swap3A_1362 = tpu.vector_load %arg25[%swap3A_1361] {strides = array<i32>} : memref<576xf32, #tpu.memory_space<vmem>>, vector<16xf32>,
      tpu.vector_store %arg25[%swap3A_1361], %select_n3A_1360 {strides = array<i32>} : memref<576xf32, #tpu.memory_space<vmem>>, vector<16xf32>,
      %get3A_1363 = arith.constant 48 : index
      %get3A_1364 = tpu.vector_load %arg26[%get3A_1363] {strides = array<i32>} : memref<144xi32, #tpu.memory_space<vmem>>, vector<16xi32>,
      %gather3A_1365 = arith.constant 1 : i32
      %gather3A_1366 = arith.constant 0 : i32
      %gather3A_1367 = arith.constant 0 : i32
      %gather3A_1368 = tpu.memref_slice %arg6[%gather3A_1365, %gather3A_1366, %gather3A_1367] : memref<2x192x128xf32, #tpu.memory_space<vmem>> -> memref<1x192x128xf32, #tpu.memory_space<vmem>>
      %gather3A_1369 = tpu.memref_squeeze %gather3A_1368 : memref<1x192x128xf32, #tpu.memory_space<vmem>> -> memref<192x128xf32, #tpu.memory_space<vmem>>
      %gather3A_1370 = tpu.vector_load_idx %gather3A_1369[%get3A_1364, %broadcast_in_dim3A_1302] : memref<192x128xf32, #tpu.memory_space<vmem>>[vector<16xi32>, vector<16xi32>], vector<16xf32>,
      %get3A_1371 = arith.constant 48 : index
      %get3A_1372 = tpu.vector_load %arg27[%get3A_1371] {strides = array<i32>} : memref<144xf32, #tpu.memory_space<vmem>>, vector<16xf32>,
      %mul3A_1373 = arith.mulf %gather3A_1370, %get3A_1372 : vector<16xf32>
      %get3A_1374 = arith.constant 48 : index
      %get3A_1375 = tpu.vector_load %arg28[%get3A_1374] {strides = array<i32>} : memref<144xf32, #tpu.memory_space<vmem>>, vector<16xf32>,
      %add3A_1376 = arith.addf %mul3A_1373, %get3A_1375 : vector<16xf32>
      %ne3A_1377 = arith.cmpf one, %gather3A_1370, %gather3A_1370 : vector<16xf32>
      %jit3A_1378 = arith.constant 0.000000e+00 : f32
      %broadcast_in_dim3A_1379 = vector.broadcast %jit3A_1378 : f32 to vector<16xf32>
      %select_n3A_1380 = arith.select %ne3A_1377, %broadcast_in_dim3A_1379, %add3A_1376 : vector<16xi1>, vector<16xf32>
      %swap3A_1381 = arith.constant 192 : index
      %swap3A_1382 = tpu.vector_load %arg25[%swap3A_1381] {strides = array<i32>} : memref<576xf32, #tpu.memory_space<vmem>>, vector<16xf32>,
      tpu.vector_store %arg25[%swap3A_1381], %select_n3A_1380 {strides = array<i32>} : memref<576xf32, #tpu.memory_space<vmem>>, vector<16xf32>,
      %get3A_1383 = arith.constant 64 : index
      %get3A_1384 = tpu.vector_load %arg26[%get3A_1383] {strides = array<i32>} : memref<144xi32, #tpu.memory_space<vmem>>, vector<16xi32>,
      %gather3A_1385 = arith.constant 1 : i32
      %gather3A_1386 = arith.constant 0 : i32
      %gather3A_1387 = arith.constant 0 : i32
      %gather3A_1388 = tpu.memref_slice %arg6[%gather3A_1385, %gather3A_1386, %gather3A_1387] : memref<2x192x128xf32, #tpu.memory_space<vmem>> -> memref<1x192x128xf32, #tpu.memory_space<vmem>>
      %gather3A_1389 = tpu.memref_squeeze %gather3A_1388 : memref<1x192x128xf32, #tpu.memory_space<vmem>> -> memref<192x128xf32, #tpu.memory_space<vmem>>
      %gather3A_1390 = tpu.vector_load_idx %gather3A_1389[%get3A_1384, %broadcast_in_dim3A_1302] : memref<192x128xf32, #tpu.memory_space<vmem>>[vector<16xi32>, vector<16xi32>], vector<16xf32>,
      %get3A_1391 = arith.constant 64 : index
      %get3A_1392 = tpu.vector_load %arg27[%get3A_1391] {strides = array<i32>} : memref<144xf32, #tpu.memory_space<vmem>>, vector<16xf32>,
      %mul3A_1393 = arith.mulf %gather3A_1390, %get3A_1392 : vector<16xf32>
      %get3A_1394 = arith.constant 64 : index
      %get3A_1395 = tpu.vector_load %arg28[%get3A_1394] {strides = array<i32>} : memref<144xf32, #tpu.memory_space<vmem>>, vector<16xf32>,
      %add3A_1396 = arith.addf %mul3A_1393, %get3A_1395 : vector<16xf32>
      %ne3A_1397 = arith.cmpf one, %gather3A_1390, %gather3A_1390 : vector<16xf32>
      %jit3A_1398 = arith.constant 0.000000e+00 : f32
      %broadcast_in_dim3A_1399 = vector.broadcast %jit3A_1398 : f32 to vector<16xf32>
      %select_n3A_1400 = arith.select %ne3A_1397, %broadcast_in_dim3A_1399, %add3A_1396 : vector<16xi1>, vector<16xf32>
      %swap3A_1401 = arith.constant 208 : index
      %swap3A_1402 = tpu.vector_load %arg25[%swap3A_1401] {strides = array<i32>} : memref<576xf32, #tpu.memory_space<vmem>>, vector<16xf32>,
      tpu.vector_store %arg25[%swap3A_1401], %select_n3A_1400 {strides = array<i32>} : memref<576xf32, #tpu.memory_space<vmem>>, vector<16xf32>,
      %get3A_1403 = arith.constant 80 : index
      %get3A_1404 = tpu.vector_load %arg26[%get3A_1403] {strides = array<i32>} : memref<144xi32, #tpu.memory_space<vmem>>, vector<16xi32>,
      %gather3A_1405 = arith.constant 1 : i32
      %gather3A_1406 = arith.constant 0 : i32
      %gather3A_1407 = arith.constant 0 : i32
      %gather3A_1408 = tpu.memref_slice %arg6[%gather3A_1405, %gather3A_1406, %gather3A_1407] : memref<2x192x128xf32, #tpu.memory_space<vmem>> -> memref<1x192x128xf32, #tpu.memory_space<vmem>>
      %gather3A_1409 = tpu.memref_squeeze %gather3A_1408 : memref<1x192x128xf32, #tpu.memory_space<vmem>> -> memref<192x128xf32, #tpu.memory_space<vmem>>
      %gather3A_1410 = tpu.vector_load_idx %gather3A_1409[%get3A_1404, %broadcast_in_dim3A_1302] : memref<192x128xf32, #tpu.memory_space<vmem>>[vector<16xi32>, vector<16xi32>], vector<16xf32>,
      %get3A_1411 = arith.constant 80 : index
      %get3A_1412 = tpu.vector_load %arg27[%get3A_1411] {strides = array<i32>} : memref<144xf32, #tpu.memory_space<vmem>>, vector<16xf32>,
      %mul3A_1413 = arith.mulf %gather3A_1410, %get3A_1412 : vector<16xf32>
      %get3A_1414 = arith.constant 80 : index
      %get3A_1415 = tpu.vector_load %arg28[%get3A_1414] {strides = array<i32>} : memref<144xf32, #tpu.memory_space<vmem>>, vector<16xf32>,
      %add3A_1416 = arith.addf %mul3A_1413, %get3A_1415 : vector<16xf32>
      %ne3A_1417 = arith.cmpf one, %gather3A_1410, %gather3A_1410 : vector<16xf32>
      %jit3A_1418 = arith.constant 0.000000e+00 : f32
      %broadcast_in_dim3A_1419 = vector.broadcast %jit3A_1418 : f32 to vector<16xf32>
      %select_n3A_1420 = arith.select %ne3A_1417, %broadcast_in_dim3A_1419, %add3A_1416 : vector<16xi1>, vector<16xf32>
      %swap3A_1421 = arith.constant 224 : index
      %swap3A_1422 = tpu.vector_load %arg25[%swap3A_1421] {strides = array<i32>} : memref<576xf32, #tpu.memory_space<vmem>>, vector<16xf32>,
      tpu.vector_store %arg25[%swap3A_1421], %select_n3A_1420 {strides = array<i32>} : memref<576xf32, #tpu.memory_space<vmem>>, vector<16xf32>,
      %get3A_1423 = arith.constant 96 : index
      %get3A_1424 = tpu.vector_load %arg26[%get3A_1423] {strides = array<i32>} : memref<144xi32, #tpu.memory_space<vmem>>, vector<16xi32>,
      %gather3A_1425 = arith.constant 1 : i32
      %gather3A_1426 = arith.constant 0 : i32
      %gather3A_1427 = arith.constant 0 : i32
      %gather3A_1428 = tpu.memref_slice %arg6[%gather3A_1425, %gather3A_1426, %gather3A_1427] : memref<2x192x128xf32, #tpu.memory_space<vmem>> -> memref<1x192x128xf32, #tpu.memory_space<vmem>>
      %gather3A_1429 = tpu.memref_squeeze %gather3A_1428 : memref<1x192x128xf32, #tpu.memory_space<vmem>> -> memref<192x128xf32, #tpu.memory_space<vmem>>
      %gather3A_1430 = tpu.vector_load_idx %gather3A_1429[%get3A_1424, %broadcast_in_dim3A_1302] : memref<192x128xf32, #tpu.memory_space<vmem>>[vector<16xi32>, vector<16xi32>], vector<16xf32>,
      %get3A_1431 = arith.constant 96 : index
      %get3A_1432 = tpu.vector_load %arg27[%get3A_1431] {strides = array<i32>} : memref<144xf32, #tpu.memory_space<vmem>>, vector<16xf32>,
      %mul3A_1433 = arith.mulf %gather3A_1430, %get3A_1432 : vector<16xf32>
      %get3A_1434 = arith.constant 96 : index
      %get3A_1435 = tpu.vector_load %arg28[%get3A_1434] {strides = array<i32>} : memref<144xf32, #tpu.memory_space<vmem>>, vector<16xf32>,
      %add3A_1436 = arith.addf %mul3A_1433, %get3A_1435 : vector<16xf32>
      %ne3A_1437 = arith.cmpf one, %gather3A_1430, %gather3A_1430 : vector<16xf32>
      %jit3A_1438 = arith.constant 0.000000e+00 : f32
      %broadcast_in_dim3A_1439 = vector.broadcast %jit3A_1438 : f32 to vector<16xf32>
      %select_n3A_1440 = arith.select %ne3A_1437, %broadcast_in_dim3A_1439, %add3A_1436 : vector<16xi1>, vector<16xf32>
      %swap3A_1441 = arith.constant 240 : index
      %swap3A_1442 = tpu.vector_load %arg25[%swap3A_1441] {strides = array<i32>} : memref<576xf32, #tpu.memory_space<vmem>>, vector<16xf32>,
      tpu.vector_store %arg25[%swap3A_1441], %select_n3A_1440 {strides = array<i32>} : memref<576xf32, #tpu.memory_space<vmem>>, vector<16xf32>,
      %get3A_1443 = arith.constant 112 : index
      %get3A_1444 = tpu.vector_load %arg26[%get3A_1443] {strides = array<i32>} : memref<144xi32, #tpu.memory_space<vmem>>, vector<16xi32>,
      %gather3A_1445 = arith.constant 1 : i32
      %gather3A_1446 = arith.constant 0 : i32
      %gather3A_1447 = arith.constant 0 : i32
      %gather3A_1448 = tpu.memref_slice %arg6[%gather3A_1445, %gather3A_1446, %gather3A_1447] : memref<2x192x128xf32, #tpu.memory_space<vmem>> -> memref<1x192x128xf32, #tpu.memory_space<vmem>>
      %gather3A_1449 = tpu.memref_squeeze %gather3A_1448 : memref<1x192x128xf32, #tpu.memory_space<vmem>> -> memref<192x128xf32, #tpu.memory_space<vmem>>
      %gather3A_1450 = tpu.vector_load_idx %gather3A_1449[%get3A_1444, %broadcast_in_dim3A_1302] : memref<192x128xf32, #tpu.memory_space<vmem>>[vector<16xi32>, vector<16xi32>], vector<16xf32>,
      %get3A_1451 = arith.constant 112 : index
      %get3A_1452 = tpu.vector_load %arg27[%get3A_1451] {strides = array<i32>} : memref<144xf32, #tpu.memory_space<vmem>>, vector<16xf32>,
      %mul3A_1453 = arith.mulf %gather3A_1450, %get3A_1452 : vector<16xf32>
      %get3A_1454 = arith.constant 112 : index
      %get3A_1455 = tpu.vector_load %arg28[%get3A_1454] {strides = array<i32>} : memref<144xf32, #tpu.memory_space<vmem>>, vector<16xf32>,
      %add3A_1456 = arith.addf %mul3A_1453, %get3A_1455 : vector<16xf32>
      %ne3A_1457 = arith.cmpf one, %gather3A_1450, %gather3A_1450 : vector<16xf32>
      %jit3A_1458 = arith.constant 0.000000e+00 : f32
      %broadcast_in_dim3A_1459 = vector.broadcast %jit3A_1458 : f32 to vector<16xf32>
      %select_n3A_1460 = arith.select %ne3A_1457, %broadcast_in_dim3A_1459, %add3A_1456 : vector<16xi1>, vector<16xf32>
      %swap3A_1461 = arith.constant 256 : index
      %swap3A_1462 = tpu.vector_load %arg25[%swap3A_1461] {strides = array<i32>} : memref<576xf32, #tpu.memory_space<vmem>>, vector<16xf32>,
      tpu.vector_store %arg25[%swap3A_1461], %select_n3A_1460 {strides = array<i32>} : memref<576xf32, #tpu.memory_space<vmem>>, vector<16xf32>,
      %get3A_1463 = arith.constant 128 : index
      %get3A_1464 = tpu.vector_load %arg26[%get3A_1463] {strides = array<i32>} : memref<144xi32, #tpu.memory_space<vmem>>, vector<16xi32>,
      %gather3A_1465 = arith.constant 1 : i32
      %gather3A_1466 = arith.constant 0 : i32
      %gather3A_1467 = arith.constant 0 : i32
      %gather3A_1468 = tpu.memref_slice %arg6[%gather3A_1465, %gather3A_1466, %gather3A_1467] : memref<2x192x128xf32, #tpu.memory_space<vmem>> -> memref<1x192x128xf32, #tpu.memory_space<vmem>>
      %gather3A_1469 = tpu.memref_squeeze %gather3A_1468 : memref<1x192x128xf32, #tpu.memory_space<vmem>> -> memref<192x128xf32, #tpu.memory_space<vmem>>
      %gather3A_1470 = tpu.vector_load_idx %gather3A_1469[%get3A_1464, %broadcast_in_dim3A_1302] : memref<192x128xf32, #tpu.memory_space<vmem>>[vector<16xi32>, vector<16xi32>], vector<16xf32>,
      %get3A_1471 = arith.constant 128 : index
      %get3A_1472 = tpu.vector_load %arg27[%get3A_1471] {strides = array<i32>} : memref<144xf32, #tpu.memory_space<vmem>>, vector<16xf32>,
      %mul3A_1473 = arith.mulf %gather3A_1470, %get3A_1472 : vector<16xf32>
      %get3A_1474 = arith.constant 128 : index
      %get3A_1475 = tpu.vector_load %arg28[%get3A_1474] {strides = array<i32>} : memref<144xf32, #tpu.memory_space<vmem>>, vector<16xf32>,
      %add3A_1476 = arith.addf %mul3A_1473, %get3A_1475 : vector<16xf32>
      %ne3A_1477 = arith.cmpf one, %gather3A_1470, %gather3A_1470 : vector<16xf32>
      %jit3A_1478 = arith.constant 0.000000e+00 : f32
      %broadcast_in_dim3A_1479 = vector.broadcast %jit3A_1478 : f32 to vector<16xf32>
      %select_n3A_1480 = arith.select %ne3A_1477, %broadcast_in_dim3A_1479, %add3A_1476 : vector<16xi1>, vector<16xf32>
      %swap3A_1481 = arith.constant 272 : index
      %swap3A_1482 = tpu.vector_load %arg25[%swap3A_1481] {strides = array<i32>} : memref<576xf32, #tpu.memory_space<vmem>>, vector<16xf32>,
      tpu.vector_store %arg25[%swap3A_1481], %select_n3A_1480 {strides = array<i32>} : memref<576xf32, #tpu.memory_space<vmem>>, vector<16xf32>,
      %mul3A_1483 = arith.constant 4 : i32
      %mul3A_1484 = arith.muli %arg1, %mul3A_1483 : i32
      %add3A_1485 = arith.constant 3 : i32
      %add3A_1486 = arith.addi %mul3A_1484, %add3A_1485 : i32
      %div3A_1487 = arith.constant 16 : i32
      %div3A_1488 = arith.divsi %add3A_1486, %div3A_1487 : i32
      %rem3A_1489 = arith.constant 16 : i32
      %rem3A_1490 = arith.remsi %add3A_1486, %rem3A_1489 : i32
      %mul3A_1491 = arith.constant 16 : i32
      %mul3A_1492 = arith.muli %div3A_1488, %mul3A_1491 : i32
      %get3A_1493 = arith.index_cast %mul3A_1492 : i32 to index
      %get3A_1494 = tpu.vector_load %arg24[%get3A_1493] {strides = array<i32>} : memref<64xi32, #tpu.memory_space<vmem>>, vector<16xi32>,
      %eq3A_1495 = vector.broadcast %rem3A_1490 : i32 to vector<16xi32>
      %eq3A_1496 = arith.cmpi eq, %iota3A, %eq3A_1495 : vector<16xi32>
      %select_n3A_1497 = arith.select %eq3A_1496, %get3A_1494, %broadcast_in_dim3A_644 : vector<16xi1>, vector<16xi32>
      %reduce_sum3A_1498 = arith.constant true
      %reduce_sum3A_1499 = vector.broadcast %reduce_sum3A_1498 : i1 to vector<16xi1>
      %reduce_sum3A_1500 = tpu.scan <sum>, %select_n3A_1497 masked %reduce_sum3A_1499 : vector<16xi32>, vector<16xi1> -> vector<16xi32>
      %reduce_sum3A_1501 = vector.extract %reduce_sum3A_1500[15] : i32 from vector<16xi32>
      %shift_right_logical3A_1502 = arith.constant 7 : i32
      %shift_right_logical3A_1503 = arith.shrui %reduce_sum3A_1501, %shift_right_logical3A_1502 : i32
      %mul3A_1504 = arith.constant 2 : i32
      %mul3A_1505 = arith.muli %shift_right_logical3A_1503, %mul3A_1504 : i32
      %and3A_1506 = arith.constant 127 : i32
      %and3A_1507 = arith.andi %reduce_sum3A_1501, %and3A_1506 : i32
      %get3A_1508 = arith.constant 192 : index
      %get3A_1509 = tpu.vector_load %arg9[%get3A_1508] {strides = array<i32>} : memref<960xi32, #tpu.memory_space<vmem>>, vector<16xi32>,
      %add3A_1510 = vector.broadcast %mul3A_1505 : i32 to vector<16xi32>
      %add3A_1511 = arith.addi %get3A_1509, %add3A_1510 : vector<16xi32>
      %swap3A_1512 = arith.constant 1 : i32
      %swap3A_1513 = arith.index_cast %swap3A_1512 : i32 to index
      %swap3A_1514 = arith.constant 0 : index
      %swap3A_1515 = tpu.vector_load %arg7[%swap3A_1513, %swap3A_1514] {strides = array<i32>} : memref<2x128xi32, #tpu.memory_space<vmem>>, vector<16xi32>,
      tpu.vector_store %arg7[%swap3A_1513, %swap3A_1514], %add3A_1511 {strides = array<i32>} : memref<2x128xi32, #tpu.memory_space<vmem>>, vector<16xi32>,
      %get3A_1516 = arith.constant 208 : index
      %get3A_1517 = tpu.vector_load %arg9[%get3A_1516] {strides = array<i32>} : memref<960xi32, #tpu.memory_space<vmem>>, vector<16xi32>,
      %add3A_1518 = vector.broadcast %mul3A_1505 : i32 to vector<16xi32>
      %add3A_1519 = arith.addi %get3A_1517, %add3A_1518 : vector<16xi32>
      %swap3A_1520 = arith.constant 1 : i32
      %swap3A_1521 = arith.index_cast %swap3A_1520 : i32 to index
      %swap3A_1522 = arith.constant 16 : index
      %swap3A_1523 = tpu.vector_load %arg7[%swap3A_1521, %swap3A_1522] {strides = array<i32>} : memref<2x128xi32, #tpu.memory_space<vmem>>, vector<16xi32>,
      tpu.vector_store %arg7[%swap3A_1521, %swap3A_1522], %add3A_1519 {strides = array<i32>} : memref<2x128xi32, #tpu.memory_space<vmem>>, vector<16xi32>,
      %get3A_1524 = arith.constant 224 : index
      %get3A_1525 = tpu.vector_load %arg9[%get3A_1524] {strides = array<i32>} : memref<960xi32, #tpu.memory_space<vmem>>, vector<16xi32>,
      %add3A_1526 = vector.broadcast %mul3A_1505 : i32 to vector<16xi32>
      %add3A_1527 = arith.addi %get3A_1525, %add3A_1526 : vector<16xi32>
      %swap3A_1528 = arith.constant 1 : i32
      %swap3A_1529 = arith.index_cast %swap3A_1528 : i32 to index
      %swap3A_1530 = arith.constant 32 : index
      %swap3A_1531 = tpu.vector_load %arg7[%swap3A_1529, %swap3A_1530] {strides = array<i32>} : memref<2x128xi32, #tpu.memory_space<vmem>>, vector<16xi32>,
      tpu.vector_store %arg7[%swap3A_1529, %swap3A_1530], %add3A_1527 {strides = array<i32>} : memref<2x128xi32, #tpu.memory_space<vmem>>, vector<16xi32>,
      %get3A_1532 = arith.constant 240 : index
      %get3A_1533 = tpu.vector_load %arg9[%get3A_1532] {strides = array<i32>} : memref<960xi32, #tpu.memory_space<vmem>>, vector<16xi32>,
      %add3A_1534 = vector.broadcast %mul3A_1505 : i32 to vector<16xi32>
      %add3A_1535 = arith.addi %get3A_1533, %add3A_1534 : vector<16xi32>
      %swap3A_1536 = arith.constant 1 : i32
      %swap3A_1537 = arith.index_cast %swap3A_1536 : i32 to index
      %swap3A_1538 = arith.constant 48 : index
      %swap3A_1539 = tpu.vector_load %arg7[%swap3A_1537, %swap3A_1538] {strides = array<i32>} : memref<2x128xi32, #tpu.memory_space<vmem>>, vector<16xi32>,
      tpu.vector_store %arg7[%swap3A_1537, %swap3A_1538], %add3A_1535 {strides = array<i32>} : memref<2x128xi32, #tpu.memory_space<vmem>>, vector<16xi32>,
      %get3A_1540 = arith.constant 256 : index
      %get3A_1541 = tpu.vector_load %arg9[%get3A_1540] {strides = array<i32>} : memref<960xi32, #tpu.memory_space<vmem>>, vector<16xi32>,
      %add3A_1542 = vector.broadcast %mul3A_1505 : i32 to vector<16xi32>
      %add3A_1543 = arith.addi %get3A_1541, %add3A_1542 : vector<16xi32>
      %swap3A_1544 = arith.constant 1 : i32
      %swap3A_1545 = arith.index_cast %swap3A_1544 : i32 to index
      %swap3A_1546 = arith.constant 64 : index
      %swap3A_1547 = tpu.vector_load %arg7[%swap3A_1545, %swap3A_1546] {strides = array<i32>} : memref<2x128xi32, #tpu.memory_space<vmem>>, vector<16xi32>,
      tpu.vector_store %arg7[%swap3A_1545, %swap3A_1546], %add3A_1543 {strides = array<i32>} : memref<2x128xi32, #tpu.memory_space<vmem>>, vector<16xi32>,
      %get3A_1548 = arith.constant 272 : index
      %get3A_1549 = tpu.vector_load %arg9[%get3A_1548] {strides = array<i32>} : memref<960xi32, #tpu.memory_space<vmem>>, vector<16xi32>,
      %add3A_1550 = vector.broadcast %mul3A_1505 : i32 to vector<16xi32>
      %add3A_1551 = arith.addi %get3A_1549, %add3A_1550 : vector<16xi32>
      %swap3A_1552 = arith.constant 1 : i32
      %swap3A_1553 = arith.index_cast %swap3A_1552 : i32 to index
      %swap3A_1554 = arith.constant 80 : index
      %swap3A_1555 = tpu.vector_load %arg7[%swap3A_1553, %swap3A_1554] {strides = array<i32>} : memref<2x128xi32, #tpu.memory_space<vmem>>, vector<16xi32>,
      tpu.vector_store %arg7[%swap3A_1553, %swap3A_1554], %add3A_1551 {strides = array<i32>} : memref<2x128xi32, #tpu.memory_space<vmem>>, vector<16xi32>,
      %get3A_1556 = arith.constant 288 : index
      %get3A_1557 = tpu.vector_load %arg9[%get3A_1556] {strides = array<i32>} : memref<960xi32, #tpu.memory_space<vmem>>, vector<16xi32>,
      %add3A_1558 = vector.broadcast %mul3A_1505 : i32 to vector<16xi32>
      %add3A_1559 = arith.addi %get3A_1557, %add3A_1558 : vector<16xi32>
      %swap3A_1560 = arith.constant 1 : i32
      %swap3A_1561 = arith.index_cast %swap3A_1560 : i32 to index
      %swap3A_1562 = arith.constant 96 : index
      %swap3A_1563 = tpu.vector_load %arg7[%swap3A_1561, %swap3A_1562] {strides = array<i32>} : memref<2x128xi32, #tpu.memory_space<vmem>>, vector<16xi32>,
      tpu.vector_store %arg7[%swap3A_1561, %swap3A_1562], %add3A_1559 {strides = array<i32>} : memref<2x128xi32, #tpu.memory_space<vmem>>, vector<16xi32>,
      %get3A_1564 = arith.constant 304 : index
      %get3A_1565 = tpu.vector_load %arg9[%get3A_1564] {strides = array<i32>} : memref<960xi32, #tpu.memory_space<vmem>>, vector<16xi32>,
      %add3A_1566 = vector.broadcast %mul3A_1505 : i32 to vector<16xi32>
      %add3A_1567 = arith.addi %get3A_1565, %add3A_1566 : vector<16xi32>
      %swap3A_1568 = arith.constant 1 : i32
      %swap3A_1569 = arith.index_cast %swap3A_1568 : i32 to index
      %swap3A_1570 = arith.constant 112 : index
      %swap3A_1571 = tpu.vector_load %arg7[%swap3A_1569, %swap3A_1570] {strides = array<i32>} : memref<2x128xi32, #tpu.memory_space<vmem>>, vector<16xi32>,
      tpu.vector_store %arg7[%swap3A_1569, %swap3A_1570], %add3A_1567 {strides = array<i32>} : memref<2x128xi32, #tpu.memory_space<vmem>>, vector<16xi32>,
      %get3A_1572 = arith.constant 320 : index
      %get3A_1573 = tpu.vector_load %arg9[%get3A_1572] {strides = array<i32>} : memref<960xi32, #tpu.memory_space<vmem>>, vector<16xi32>,
      %add3A_1574 = vector.broadcast %mul3A_1505 : i32 to vector<16xi32>
      %add3A_1575 = arith.addi %get3A_1573, %add3A_1574 : vector<16xi32>
      %swap3A_1576 = arith.constant 1 : i32
      %swap3A_1577 = arith.index_cast %swap3A_1576 : i32 to index
      %swap3A_1578 = arith.constant 0 : index
      %swap3A_1579 = tpu.vector_load %arg8[%swap3A_1577, %swap3A_1578] {strides = array<i32>} : memref<2x64xi32, #tpu.memory_space<vmem>>, vector<16xi32>,
      tpu.vector_store %arg8[%swap3A_1577, %swap3A_1578], %add3A_1575 {strides = array<i32>} : memref<2x64xi32, #tpu.memory_space<vmem>>, vector<16xi32>,
      %get3A_1580 = arith.constant 336 : index
      %get3A_1581 = tpu.vector_load %arg9[%get3A_1580] {strides = array<i32>} : memref<960xi32, #tpu.memory_space<vmem>>, vector<16xi32>,
      %add3A_1582 = vector.broadcast %mul3A_1505 : i32 to vector<16xi32>
      %add3A_1583 = arith.addi %get3A_1581, %add3A_1582 : vector<16xi32>
      %swap3A_1584 = arith.constant 1 : i32
      %swap3A_1585 = arith.index_cast %swap3A_1584 : i32 to index
      %swap3A_1586 = arith.constant 16 : index
      %swap3A_1587 = tpu.vector_load %arg8[%swap3A_1585, %swap3A_1586] {strides = array<i32>} : memref<2x64xi32, #tpu.memory_space<vmem>>, vector<16xi32>,
      tpu.vector_store %arg8[%swap3A_1585, %swap3A_1586], %add3A_1583 {strides = array<i32>} : memref<2x64xi32, #tpu.memory_space<vmem>>, vector<16xi32>,
      %get3A_1588 = arith.constant 352 : index
      %get3A_1589 = tpu.vector_load %arg9[%get3A_1588] {strides = array<i32>} : memref<960xi32, #tpu.memory_space<vmem>>, vector<16xi32>,
      %add3A_1590 = vector.broadcast %mul3A_1505 : i32 to vector<16xi32>
      %add3A_1591 = arith.addi %get3A_1589, %add3A_1590 : vector<16xi32>
      %swap3A_1592 = arith.constant 1 : i32
      %swap3A_1593 = arith.index_cast %swap3A_1592 : i32 to index
      %swap3A_1594 = arith.constant 32 : index
      %swap3A_1595 = tpu.vector_load %arg8[%swap3A_1593, %swap3A_1594] {strides = array<i32>} : memref<2x64xi32, #tpu.memory_space<vmem>>, vector<16xi32>,
      tpu.vector_store %arg8[%swap3A_1593, %swap3A_1594], %add3A_1591 {strides = array<i32>} : memref<2x64xi32, #tpu.memory_space<vmem>>, vector<16xi32>,
      %get3A_1596 = arith.constant 368 : index
      %get3A_1597 = tpu.vector_load %arg9[%get3A_1596] {strides = array<i32>} : memref<960xi32, #tpu.memory_space<vmem>>, vector<16xi32>,
      %add3A_1598 = vector.broadcast %mul3A_1505 : i32 to vector<16xi32>
      %add3A_1599 = arith.addi %get3A_1597, %add3A_1598 : vector<16xi32>
      %swap3A_1600 = arith.constant 1 : i32
      %swap3A_1601 = arith.index_cast %swap3A_1600 : i32 to index
      %swap3A_1602 = arith.constant 48 : index
      %swap3A_1603 = tpu.vector_load %arg8[%swap3A_1601, %swap3A_1602] {strides = array<i32>} : memref<2x64xi32, #tpu.memory_space<vmem>>, vector<16xi32>,
      tpu.vector_store %arg8[%swap3A_1601, %swap3A_1602], %add3A_1599 {strides = array<i32>} : memref<2x64xi32, #tpu.memory_space<vmem>>, vector<16xi32>,
      %dma_start3A_1604 = arith.constant 1 : i32
      %dma_start3A_1605 = arith.constant 1 : i32
      %dma_start3A_1606 = arith.constant 0 : i32
      %dma_start3A_1607 = arith.constant 0 : i32
      %dma_start3A_1608 = tpu.memref_slice %arg6[%dma_start3A_1605, %dma_start3A_1606, %dma_start3A_1607] : memref<2x192x128xf32, #tpu.memory_space<vmem>> -> memref<1x128x128xf32, #tpu.memory_space<vmem>>
      %dma_start3A_1609 = tpu.memref_squeeze %dma_start3A_1608 : memref<1x128x128xf32, #tpu.memory_space<vmem>> -> memref<128x128xf32, #tpu.memory_space<vmem>>
      %dma_start3A_1610 = arith.constant 0 : i32
      %dma_start3A_1611 = tpu.memref_slice %arg7[%dma_start3A_1604, %dma_start3A_1610] : memref<2x128xi32, #tpu.memory_space<vmem>> -> memref<1x128xi32, #tpu.memory_space<vmem>>
      %dma_start3A_1612 = tpu.memref_squeeze %dma_start3A_1611 : memref<1x128xi32, #tpu.memory_space<vmem>> -> memref<128xi32, #tpu.memory_space<vmem>>
      %dma_start3A_1613 = arith.constant 0 : i32
      %dma_start3A_1614 = arith.constant 0 : i32
      %dma_start3A_1615 = tpu.memref_slice %arg2[%dma_start3A_1613, %dma_start3A_1614] : memref<34752x128xf32, #tpu.memory_space<hbm>> -> memref<34752x128xf32, #tpu.memory_space<hbm>>
      tpu.enqueue_indirect_dma source(%dma_start3A_1615 : memref<34752x128xf32, #tpu.memory_space<hbm>>) target(%dma_start3A_1609 : memref<128x128xf32, #tpu.memory_space<vmem>>) offsets(%dma_start3A_1612 : memref<128xi32, #tpu.memory_space<vmem>>) semaphore(%arg30 : memref<!tpu.dma_semaphore, #tpu.memory_space<semaphore_mem>>)
      %dma_start3A_1616 = arith.constant 1 : i32
      %dma_start3A_1617 = arith.constant 1 : i32
      %dma_start3A_1618 = arith.constant 128 : i32
      %dma_start3A_1619 = arith.constant 0 : i32
      %dma_start3A_1620 = tpu.memref_slice %arg6[%dma_start3A_1617, %dma_start3A_1618, %dma_start3A_1619] : memref<2x192x128xf32, #tpu.memory_space<vmem>> -> memref<1x64x128xf32, #tpu.memory_space<vmem>>
      %dma_start3A_1621 = tpu.memref_squeeze %dma_start3A_1620 : memref<1x64x128xf32, #tpu.memory_space<vmem>> -> memref<64x128xf32, #tpu.memory_space<vmem>>
      %dma_start3A_1622 = arith.constant 0 : i32
      %dma_start3A_1623 = tpu.memref_slice %arg8[%dma_start3A_1616, %dma_start3A_1622] : memref<2x64xi32, #tpu.memory_space<vmem>> -> memref<1x64xi32, #tpu.memory_space<vmem>>
      %dma_start3A_1624 = tpu.memref_squeeze %dma_start3A_1623 : memref<1x64xi32, #tpu.memory_space<vmem>> -> memref<64xi32, #tpu.memory_space<vmem>>
      %dma_start3A_1625 = arith.constant 0 : i32
      %dma_start3A_1626 = arith.constant 0 : i32
      %dma_start3A_1627 = tpu.memref_slice %arg2[%dma_start3A_1625, %dma_start3A_1626] : memref<34752x128xf32, #tpu.memory_space<hbm>> -> memref<34752x128xf32, #tpu.memory_space<hbm>>
      tpu.enqueue_indirect_dma source(%dma_start3A_1627 : memref<34752x128xf32, #tpu.memory_space<hbm>>) target(%dma_start3A_1621 : memref<64x128xf32, #tpu.memory_space<vmem>>) offsets(%dma_start3A_1624 : memref<64xi32, #tpu.memory_space<vmem>>) semaphore(%arg30 : memref<!tpu.dma_semaphore, #tpu.memory_space<semaphore_mem>>)
      %dma_wait3A_1628 = arith.constant 0 : i32
      %dma_wait3A_1629 = arith.constant 0 : i32
      %dma_wait3A_1630 = arith.constant 0 : i32
      %dma_wait3A_1631 = arith.constant 0 : i32
      %dma_wait3A_1632 = tpu.memref_slice %arg6[%dma_wait3A_1629, %dma_wait3A_1630, %dma_wait3A_1631] : memref<2x192x128xf32, #tpu.memory_space<vmem>> -> memref<1x128x128xf32, #tpu.memory_space<vmem>>
      %dma_wait3A_1633 = tpu.memref_squeeze %dma_wait3A_1632 : memref<1x128x128xf32, #tpu.memory_space<vmem>> -> memref<128x128xf32, #tpu.memory_space<vmem>>
      %dma_wait3A_1634 = arith.constant 0 : i32
      %dma_wait3A_1635 = tpu.memref_slice %arg7[%dma_wait3A_1628, %dma_wait3A_1634] : memref<2x128xi32, #tpu.memory_space<vmem>> -> memref<1x128xi32, #tpu.memory_space<vmem>>
      %dma_wait3A_1636 = tpu.memref_squeeze %dma_wait3A_1635 : memref<1x128xi32, #tpu.memory_space<vmem>> -> memref<128xi32, #tpu.memory_space<vmem>>
      %dma_wait3A_1637 = arith.constant 0 : i32
      %dma_wait3A_1638 = arith.constant 0 : i32
      %dma_wait3A_1639 = tpu.memref_slice %arg2[%dma_wait3A_1637, %dma_wait3A_1638] : memref<34752x128xf32, #tpu.memory_space<hbm>> -> memref<34752x128xf32, #tpu.memory_space<hbm>>
      tpu.wait_indirect_dma semaphore(%arg29 : memref<!tpu.dma_semaphore, #tpu.memory_space<semaphore_mem>>) src(%dma_wait3A_1639 : memref<34752x128xf32, #tpu.memory_space<hbm>>) dst(%dma_wait3A_1633 : memref<128x128xf32, #tpu.memory_space<vmem>>)
      %dma_wait3A_1640 = arith.constant 0 : i32
      %dma_wait3A_1641 = arith.constant 0 : i32
      %dma_wait3A_1642 = arith.constant 128 : i32
      %dma_wait3A_1643 = arith.constant 0 : i32
      %dma_wait3A_1644 = tpu.memref_slice %arg6[%dma_wait3A_1641, %dma_wait3A_1642, %dma_wait3A_1643] : memref<2x192x128xf32, #tpu.memory_space<vmem>> -> memref<1x64x128xf32, #tpu.memory_space<vmem>>
      %dma_wait3A_1645 = tpu.memref_squeeze %dma_wait3A_1644 : memref<1x64x128xf32, #tpu.memory_space<vmem>> -> memref<64x128xf32, #tpu.memory_space<vmem>>
      %dma_wait3A_1646 = arith.constant 0 : i32
      %dma_wait3A_1647 = tpu.memref_slice %arg8[%dma_wait3A_1640, %dma_wait3A_1646] : memref<2x64xi32, #tpu.memory_space<vmem>> -> memref<1x64xi32, #tpu.memory_space<vmem>>
      %dma_wait3A_1648 = tpu.memref_squeeze %dma_wait3A_1647 : memref<1x64xi32, #tpu.memory_space<vmem>> -> memref<64xi32, #tpu.memory_space<vmem>>
      %dma_wait3A_1649 = arith.constant 0 : i32
      %dma_wait3A_1650 = arith.constant 0 : i32
      %dma_wait3A_1651 = tpu.memref_slice %arg2[%dma_wait3A_1649, %dma_wait3A_1650] : memref<34752x128xf32, #tpu.memory_space<hbm>> -> memref<34752x128xf32, #tpu.memory_space<hbm>>
      tpu.wait_indirect_dma semaphore(%arg29 : memref<!tpu.dma_semaphore, #tpu.memory_space<semaphore_mem>>) src(%dma_wait3A_1651 : memref<34752x128xf32, #tpu.memory_space<hbm>>) dst(%dma_wait3A_1645 : memref<64x128xf32, #tpu.memory_space<vmem>>)
      %broadcast_in_dim3A_1652 = vector.broadcast %and3A_1157 : i32 to vector<16xi32>
      %get3A_1653 = arith.constant 0 : index
      %get3A_1654 = tpu.vector_load %arg26[%get3A_1653] {strides = array<i32>} : memref<144xi32, #tpu.memory_space<vmem>>, vector<16xi32>,
      %gather3A_1655 = arith.constant 0 : i32
      %gather3A_1656 = arith.constant 0 : i32
      %gather3A_1657 = arith.constant 0 : i32
      %gather3A_1658 = tpu.memref_slice %arg6[%gather3A_1655, %gather3A_1656, %gather3A_1657] : memref<2x192x128xf32, #tpu.memory_space<vmem>> -> memref<1x192x128xf32, #tpu.memory_space<vmem>>
      %gather3A_1659 = tpu.memref_squeeze %gather3A_1658 : memref<1x192x128xf32, #tpu.memory_space<vmem>> -> memref<192x128xf32, #tpu.memory_space<vmem>>
      %gather3A_1660 = tpu.vector_load_idx %gather3A_1659[%get3A_1654, %broadcast_in_dim3A_1652] : memref<192x128xf32, #tpu.memory_space<vmem>>[vector<16xi32>, vector<16xi32>], vector<16xf32>,
      %get3A_1661 = arith.constant 0 : index
      %get3A_1662 = tpu.vector_load %arg27[%get3A_1661] {strides = array<i32>} : memref<144xf32, #tpu.memory_space<vmem>>, vector<16xf32>,
      %mul3A_1663 = arith.mulf %gather3A_1660, %get3A_1662 : vector<16xf32>
      %get3A_1664 = arith.constant 0 : index
      %get3A_1665 = tpu.vector_load %arg28[%get3A_1664] {strides = array<i32>} : memref<144xf32, #tpu.memory_space<vmem>>, vector<16xf32>,
      %add3A_1666 = arith.addf %mul3A_1663, %get3A_1665 : vector<16xf32>
      %ne3A_1667 = arith.cmpf one, %gather3A_1660, %gather3A_1660 : vector<16xf32>
      %jit3A_1668 = arith.constant 0.000000e+00 : f32
      %broadcast_in_dim3A_1669 = vector.broadcast %jit3A_1668 : f32 to vector<16xf32>
      %select_n3A_1670 = arith.select %ne3A_1667, %broadcast_in_dim3A_1669, %add3A_1666 : vector<16xi1>, vector<16xf32>
      %swap3A_1671 = arith.constant 288 : index
      %swap3A_1672 = tpu.vector_load %arg25[%swap3A_1671] {strides = array<i32>} : memref<576xf32, #tpu.memory_space<vmem>>, vector<16xf32>,
      tpu.vector_store %arg25[%swap3A_1671], %select_n3A_1670 {strides = array<i32>} : memref<576xf32, #tpu.memory_space<vmem>>, vector<16xf32>,
      %get3A_1673 = arith.constant 16 : index
      %get3A_1674 = tpu.vector_load %arg26[%get3A_1673] {strides = array<i32>} : memref<144xi32, #tpu.memory_space<vmem>>, vector<16xi32>,
      %gather3A_1675 = arith.constant 0 : i32
      %gather3A_1676 = arith.constant 0 : i32
      %gather3A_1677 = arith.constant 0 : i32
      %gather3A_1678 = tpu.memref_slice %arg6[%gather3A_1675, %gather3A_1676, %gather3A_1677] : memref<2x192x128xf32, #tpu.memory_space<vmem>> -> memref<1x192x128xf32, #tpu.memory_space<vmem>>
      %gather3A_1679 = tpu.memref_squeeze %gather3A_1678 : memref<1x192x128xf32, #tpu.memory_space<vmem>> -> memref<192x128xf32, #tpu.memory_space<vmem>>
      %gather3A_1680 = tpu.vector_load_idx %gather3A_1679[%get3A_1674, %broadcast_in_dim3A_1652] : memref<192x128xf32, #tpu.memory_space<vmem>>[vector<16xi32>, vector<16xi32>], vector<16xf32>,
      %get3A_1681 = arith.constant 16 : index
      %get3A_1682 = tpu.vector_load %arg27[%get3A_1681] {strides = array<i32>} : memref<144xf32, #tpu.memory_space<vmem>>, vector<16xf32>,
      %mul3A_1683 = arith.mulf %gather3A_1680, %get3A_1682 : vector<16xf32>
      %get3A_1684 = arith.constant 16 : index
      %get3A_1685 = tpu.vector_load %arg28[%get3A_1684] {strides = array<i32>} : memref<144xf32, #tpu.memory_space<vmem>>, vector<16xf32>,
      %add3A_1686 = arith.addf %mul3A_1683, %get3A_1685 : vector<16xf32>
      %ne3A_1687 = arith.cmpf one, %gather3A_1680, %gather3A_1680 : vector<16xf32>
      %jit3A_1688 = arith.constant 0.000000e+00 : f32
      %broadcast_in_dim3A_1689 = vector.broadcast %jit3A_1688 : f32 to vector<16xf32>
      %select_n3A_1690 = arith.select %ne3A_1687, %broadcast_in_dim3A_1689, %add3A_1686 : vector<16xi1>, vector<16xf32>
      %swap3A_1691 = arith.constant 304 : index
      %swap3A_1692 = tpu.vector_load %arg25[%swap3A_1691] {strides = array<i32>} : memref<576xf32, #tpu.memory_space<vmem>>, vector<16xf32>,
      tpu.vector_store %arg25[%swap3A_1691], %select_n3A_1690 {strides = array<i32>} : memref<576xf32, #tpu.memory_space<vmem>>, vector<16xf32>,
      %get3A_1693 = arith.constant 32 : index
      %get3A_1694 = tpu.vector_load %arg26[%get3A_1693] {strides = array<i32>} : memref<144xi32, #tpu.memory_space<vmem>>, vector<16xi32>,
      %gather3A_1695 = arith.constant 0 : i32
      %gather3A_1696 = arith.constant 0 : i32
      %gather3A_1697 = arith.constant 0 : i32
      %gather3A_1698 = tpu.memref_slice %arg6[%gather3A_1695, %gather3A_1696, %gather3A_1697] : memref<2x192x128xf32, #tpu.memory_space<vmem>> -> memref<1x192x128xf32, #tpu.memory_space<vmem>>
      %gather3A_1699 = tpu.memref_squeeze %gather3A_1698 : memref<1x192x128xf32, #tpu.memory_space<vmem>> -> memref<192x128xf32, #tpu.memory_space<vmem>>
      %gather3A_1700 = tpu.vector_load_idx %gather3A_1699[%get3A_1694, %broadcast_in_dim3A_1652] : memref<192x128xf32, #tpu.memory_space<vmem>>[vector<16xi32>, vector<16xi32>], vector<16xf32>,
      %get3A_1701 = arith.constant 32 : index
      %get3A_1702 = tpu.vector_load %arg27[%get3A_1701] {strides = array<i32>} : memref<144xf32, #tpu.memory_space<vmem>>, vector<16xf32>,
      %mul3A_1703 = arith.mulf %gather3A_1700, %get3A_1702 : vector<16xf32>
      %get3A_1704 = arith.constant 32 : index
      %get3A_1705 = tpu.vector_load %arg28[%get3A_1704] {strides = array<i32>} : memref<144xf32, #tpu.memory_space<vmem>>, vector<16xf32>,
      %add3A_1706 = arith.addf %mul3A_1703, %get3A_1705 : vector<16xf32>
      %ne3A_1707 = arith.cmpf one, %gather3A_1700, %gather3A_1700 : vector<16xf32>
      %jit3A_1708 = arith.constant 0.000000e+00 : f32
      %broadcast_in_dim3A_1709 = vector.broadcast %jit3A_1708 : f32 to vector<16xf32>
      %select_n3A_1710 = arith.select %ne3A_1707, %broadcast_in_dim3A_1709, %add3A_1706 : vector<16xi1>, vector<16xf32>
      %swap3A_1711 = arith.constant 320 : index
      %swap3A_1712 = tpu.vector_load %arg25[%swap3A_1711] {strides = array<i32>} : memref<576xf32, #tpu.memory_space<vmem>>, vector<16xf32>,
      tpu.vector_store %arg25[%swap3A_1711], %select_n3A_1710 {strides = array<i32>} : memref<576xf32, #tpu.memory_space<vmem>>, vector<16xf32>,
      %get3A_1713 = arith.constant 48 : index
      %get3A_1714 = tpu.vector_load %arg26[%get3A_1713] {strides = array<i32>} : memref<144xi32, #tpu.memory_space<vmem>>, vector<16xi32>,
      %gather3A_1715 = arith.constant 0 : i32
      %gather3A_1716 = arith.constant 0 : i32
      %gather3A_1717 = arith.constant 0 : i32
      %gather3A_1718 = tpu.memref_slice %arg6[%gather3A_1715, %gather3A_1716, %gather3A_1717] : memref<2x192x128xf32, #tpu.memory_space<vmem>> -> memref<1x192x128xf32, #tpu.memory_space<vmem>>
      %gather3A_1719 = tpu.memref_squeeze %gather3A_1718 : memref<1x192x128xf32, #tpu.memory_space<vmem>> -> memref<192x128xf32, #tpu.memory_space<vmem>>
      %gather3A_1720 = tpu.vector_load_idx %gather3A_1719[%get3A_1714, %broadcast_in_dim3A_1652] : memref<192x128xf32, #tpu.memory_space<vmem>>[vector<16xi32>, vector<16xi32>], vector<16xf32>,
      %get3A_1721 = arith.constant 48 : index
      %get3A_1722 = tpu.vector_load %arg27[%get3A_1721] {strides = array<i32>} : memref<144xf32, #tpu.memory_space<vmem>>, vector<16xf32>,
      %mul3A_1723 = arith.mulf %gather3A_1720, %get3A_1722 : vector<16xf32>
      %get3A_1724 = arith.constant 48 : index
      %get3A_1725 = tpu.vector_load %arg28[%get3A_1724] {strides = array<i32>} : memref<144xf32, #tpu.memory_space<vmem>>, vector<16xf32>,
      %add3A_1726 = arith.addf %mul3A_1723, %get3A_1725 : vector<16xf32>
      %ne3A_1727 = arith.cmpf one, %gather3A_1720, %gather3A_1720 : vector<16xf32>
      %jit3A_1728 = arith.constant 0.000000e+00 : f32
      %broadcast_in_dim3A_1729 = vector.broadcast %jit3A_1728 : f32 to vector<16xf32>
      %select_n3A_1730 = arith.select %ne3A_1727, %broadcast_in_dim3A_1729, %add3A_1726 : vector<16xi1>, vector<16xf32>
      %swap3A_1731 = arith.constant 336 : index
      %swap3A_1732 = tpu.vector_load %arg25[%swap3A_1731] {strides = array<i32>} : memref<576xf32, #tpu.memory_space<vmem>>, vector<16xf32>,
      tpu.vector_store %arg25[%swap3A_1731], %select_n3A_1730 {strides = array<i32>} : memref<576xf32, #tpu.memory_space<vmem>>, vector<16xf32>,
      %get3A_1733 = arith.constant 64 : index
      %get3A_1734 = tpu.vector_load %arg26[%get3A_1733] {strides = array<i32>} : memref<144xi32, #tpu.memory_space<vmem>>, vector<16xi32>,
      %gather3A_1735 = arith.constant 0 : i32
      %gather3A_1736 = arith.constant 0 : i32
      %gather3A_1737 = arith.constant 0 : i32
      %gather3A_1738 = tpu.memref_slice %arg6[%gather3A_1735, %gather3A_1736, %gather3A_1737] : memref<2x192x128xf32, #tpu.memory_space<vmem>> -> memref<1x192x128xf32, #tpu.memory_space<vmem>>
      %gather3A_1739 = tpu.memref_squeeze %gather3A_1738 : memref<1x192x128xf32, #tpu.memory_space<vmem>> -> memref<192x128xf32, #tpu.memory_space<vmem>>
      %gather3A_1740 = tpu.vector_load_idx %gather3A_1739[%get3A_1734, %broadcast_in_dim3A_1652] : memref<192x128xf32, #tpu.memory_space<vmem>>[vector<16xi32>, vector<16xi32>], vector<16xf32>,
      %get3A_1741 = arith.constant 64 : index
      %get3A_1742 = tpu.vector_load %arg27[%get3A_1741] {strides = array<i32>} : memref<144xf32, #tpu.memory_space<vmem>>, vector<16xf32>,
      %mul3A_1743 = arith.mulf %gather3A_1740, %get3A_1742 : vector<16xf32>
      %get3A_1744 = arith.constant 64 : index
      %get3A_1745 = tpu.vector_load %arg28[%get3A_1744] {strides = array<i32>} : memref<144xf32, #tpu.memory_space<vmem>>, vector<16xf32>,
      %add3A_1746 = arith.addf %mul3A_1743, %get3A_1745 : vector<16xf32>
      %ne3A_1747 = arith.cmpf one, %gather3A_1740, %gather3A_1740 : vector<16xf32>
      %jit3A_1748 = arith.constant 0.000000e+00 : f32
      %broadcast_in_dim3A_1749 = vector.broadcast %jit3A_1748 : f32 to vector<16xf32>
      %select_n3A_1750 = arith.select %ne3A_1747, %broadcast_in_dim3A_1749, %add3A_1746 : vector<16xi1>, vector<16xf32>
      %swap3A_1751 = arith.constant 352 : index
      %swap3A_1752 = tpu.vector_load %arg25[%swap3A_1751] {strides = array<i32>} : memref<576xf32, #tpu.memory_space<vmem>>, vector<16xf32>,
      tpu.vector_store %arg25[%swap3A_1751], %select_n3A_1750 {strides = array<i32>} : memref<576xf32, #tpu.memory_space<vmem>>, vector<16xf32>,
      %get3A_1753 = arith.constant 80 : index
      %get3A_1754 = tpu.vector_load %arg26[%get3A_1753] {strides = array<i32>} : memref<144xi32, #tpu.memory_space<vmem>>, vector<16xi32>,
      %gather3A_1755 = arith.constant 0 : i32
      %gather3A_1756 = arith.constant 0 : i32
      %gather3A_1757 = arith.constant 0 : i32
      %gather3A_1758 = tpu.memref_slice %arg6[%gather3A_1755, %gather3A_1756, %gather3A_1757] : memref<2x192x128xf32, #tpu.memory_space<vmem>> -> memref<1x192x128xf32, #tpu.memory_space<vmem>>
      %gather3A_1759 = tpu.memref_squeeze %gather3A_1758 : memref<1x192x128xf32, #tpu.memory_space<vmem>> -> memref<192x128xf32, #tpu.memory_space<vmem>>
      %gather3A_1760 = tpu.vector_load_idx %gather3A_1759[%get3A_1754, %broadcast_in_dim3A_1652] : memref<192x128xf32, #tpu.memory_space<vmem>>[vector<16xi32>, vector<16xi32>], vector<16xf32>,
      %get3A_1761 = arith.constant 80 : index
      %get3A_1762 = tpu.vector_load %arg27[%get3A_1761] {strides = array<i32>} : memref<144xf32, #tpu.memory_space<vmem>>, vector<16xf32>,
      %mul3A_1763 = arith.mulf %gather3A_1760, %get3A_1762 : vector<16xf32>
      %get3A_1764 = arith.constant 80 : index
      %get3A_1765 = tpu.vector_load %arg28[%get3A_1764] {strides = array<i32>} : memref<144xf32, #tpu.memory_space<vmem>>, vector<16xf32>,
      %add3A_1766 = arith.addf %mul3A_1763, %get3A_1765 : vector<16xf32>
      %ne3A_1767 = arith.cmpf one, %gather3A_1760, %gather3A_1760 : vector<16xf32>
      %jit3A_1768 = arith.constant 0.000000e+00 : f32
      %broadcast_in_dim3A_1769 = vector.broadcast %jit3A_1768 : f32 to vector<16xf32>
      %select_n3A_1770 = arith.select %ne3A_1767, %broadcast_in_dim3A_1769, %add3A_1766 : vector<16xi1>, vector<16xf32>
      %swap3A_1771 = arith.constant 368 : index
      %swap3A_1772 = tpu.vector_load %arg25[%swap3A_1771] {strides = array<i32>} : memref<576xf32, #tpu.memory_space<vmem>>, vector<16xf32>,
      tpu.vector_store %arg25[%swap3A_1771], %select_n3A_1770 {strides = array<i32>} : memref<576xf32, #tpu.memory_space<vmem>>, vector<16xf32>,
      %get3A_1773 = arith.constant 96 : index
      %get3A_1774 = tpu.vector_load %arg26[%get3A_1773] {strides = array<i32>} : memref<144xi32, #tpu.memory_space<vmem>>, vector<16xi32>,
      %gather3A_1775 = arith.constant 0 : i32
      %gather3A_1776 = arith.constant 0 : i32
      %gather3A_1777 = arith.constant 0 : i32
      %gather3A_1778 = tpu.memref_slice %arg6[%gather3A_1775, %gather3A_1776, %gather3A_1777] : memref<2x192x128xf32, #tpu.memory_space<vmem>> -> memref<1x192x128xf32, #tpu.memory_space<vmem>>
      %gather3A_1779 = tpu.memref_squeeze %gather3A_1778 : memref<1x192x128xf32, #tpu.memory_space<vmem>> -> memref<192x128xf32, #tpu.memory_space<vmem>>
      %gather3A_1780 = tpu.vector_load_idx %gather3A_1779[%get3A_1774, %broadcast_in_dim3A_1652] : memref<192x128xf32, #tpu.memory_space<vmem>>[vector<16xi32>, vector<16xi32>], vector<16xf32>,
      %get3A_1781 = arith.constant 96 : index
      %get3A_1782 = tpu.vector_load %arg27[%get3A_1781] {strides = array<i32>} : memref<144xf32, #tpu.memory_space<vmem>>, vector<16xf32>,
      %mul3A_1783 = arith.mulf %gather3A_1780, %get3A_1782 : vector<16xf32>
      %get3A_1784 = arith.constant 96 : index
      %get3A_1785 = tpu.vector_load %arg28[%get3A_1784] {strides = array<i32>} : memref<144xf32, #tpu.memory_space<vmem>>, vector<16xf32>,
      %add3A_1786 = arith.addf %mul3A_1783, %get3A_1785 : vector<16xf32>
      %ne3A_1787 = arith.cmpf one, %gather3A_1780, %gather3A_1780 : vector<16xf32>
      %jit3A_1788 = arith.constant 0.000000e+00 : f32
      %broadcast_in_dim3A_1789 = vector.broadcast %jit3A_1788 : f32 to vector<16xf32>
      %select_n3A_1790 = arith.select %ne3A_1787, %broadcast_in_dim3A_1789, %add3A_1786 : vector<16xi1>, vector<16xf32>
      %swap3A_1791 = arith.constant 384 : index
      %swap3A_1792 = tpu.vector_load %arg25[%swap3A_1791] {strides = array<i32>} : memref<576xf32, #tpu.memory_space<vmem>>, vector<16xf32>,
      tpu.vector_store %arg25[%swap3A_1791], %select_n3A_1790 {strides = array<i32>} : memref<576xf32, #tpu.memory_space<vmem>>, vector<16xf32>,
      %get3A_1793 = arith.constant 112 : index
      %get3A_1794 = tpu.vector_load %arg26[%get3A_1793] {strides = array<i32>} : memref<144xi32, #tpu.memory_space<vmem>>, vector<16xi32>,
      %gather3A_1795 = arith.constant 0 : i32
      %gather3A_1796 = arith.constant 0 : i32
      %gather3A_1797 = arith.constant 0 : i32
      %gather3A_1798 = tpu.memref_slice %arg6[%gather3A_1795, %gather3A_1796, %gather3A_1797] : memref<2x192x128xf32, #tpu.memory_space<vmem>> -> memref<1x192x128xf32, #tpu.memory_space<vmem>>
      %gather3A_1799 = tpu.memref_squeeze %gather3A_1798 : memref<1x192x128xf32, #tpu.memory_space<vmem>> -> memref<192x128xf32, #tpu.memory_space<vmem>>
      %gather3A_1800 = tpu.vector_load_idx %gather3A_1799[%get3A_1794, %broadcast_in_dim3A_1652] : memref<192x128xf32, #tpu.memory_space<vmem>>[vector<16xi32>, vector<16xi32>], vector<16xf32>,
      %get3A_1801 = arith.constant 112 : index
      %get3A_1802 = tpu.vector_load %arg27[%get3A_1801] {strides = array<i32>} : memref<144xf32, #tpu.memory_space<vmem>>, vector<16xf32>,
      %mul3A_1803 = arith.mulf %gather3A_1800, %get3A_1802 : vector<16xf32>
      %get3A_1804 = arith.constant 112 : index
      %get3A_1805 = tpu.vector_load %arg28[%get3A_1804] {strides = array<i32>} : memref<144xf32, #tpu.memory_space<vmem>>, vector<16xf32>,
      %add3A_1806 = arith.addf %mul3A_1803, %get3A_1805 : vector<16xf32>
      %ne3A_1807 = arith.cmpf one, %gather3A_1800, %gather3A_1800 : vector<16xf32>
      %jit3A_1808 = arith.constant 0.000000e+00 : f32
      %broadcast_in_dim3A_1809 = vector.broadcast %jit3A_1808 : f32 to vector<16xf32>
      %select_n3A_1810 = arith.select %ne3A_1807, %broadcast_in_dim3A_1809, %add3A_1806 : vector<16xi1>, vector<16xf32>
      %swap3A_1811 = arith.constant 400 : index
      %swap3A_1812 = tpu.vector_load %arg25[%swap3A_1811] {strides = array<i32>} : memref<576xf32, #tpu.memory_space<vmem>>, vector<16xf32>,
      tpu.vector_store %arg25[%swap3A_1811], %select_n3A_1810 {strides = array<i32>} : memref<576xf32, #tpu.memory_space<vmem>>, vector<16xf32>,
      %get3A_1813 = arith.constant 128 : index
      %get3A_1814 = tpu.vector_load %arg26[%get3A_1813] {strides = array<i32>} : memref<144xi32, #tpu.memory_space<vmem>>, vector<16xi32>,
      %gather3A_1815 = arith.constant 0 : i32
      %gather3A_1816 = arith.constant 0 : i32
      %gather3A_1817 = arith.constant 0 : i32
      %gather3A_1818 = tpu.memref_slice %arg6[%gather3A_1815, %gather3A_1816, %gather3A_1817] : memref<2x192x128xf32, #tpu.memory_space<vmem>> -> memref<1x192x128xf32, #tpu.memory_space<vmem>>
      %gather3A_1819 = tpu.memref_squeeze %gather3A_1818 : memref<1x192x128xf32, #tpu.memory_space<vmem>> -> memref<192x128xf32, #tpu.memory_space<vmem>>
      %gather3A_1820 = tpu.vector_load_idx %gather3A_1819[%get3A_1814, %broadcast_in_dim3A_1652] : memref<192x128xf32, #tpu.memory_space<vmem>>[vector<16xi32>, vector<16xi32>], vector<16xf32>,
      %get3A_1821 = arith.constant 128 : index
      %get3A_1822 = tpu.vector_load %arg27[%get3A_1821] {strides = array<i32>} : memref<144xf32, #tpu.memory_space<vmem>>, vector<16xf32>,
      %mul3A_1823 = arith.mulf %gather3A_1820, %get3A_1822 : vector<16xf32>
      %get3A_1824 = arith.constant 128 : index
      %get3A_1825 = tpu.vector_load %arg28[%get3A_1824] {strides = array<i32>} : memref<144xf32, #tpu.memory_space<vmem>>, vector<16xf32>,
      %add3A_1826 = arith.addf %mul3A_1823, %get3A_1825 : vector<16xf32>
      %ne3A_1827 = arith.cmpf one, %gather3A_1820, %gather3A_1820 : vector<16xf32>
      %jit3A_1828 = arith.constant 0.000000e+00 : f32
      %broadcast_in_dim3A_1829 = vector.broadcast %jit3A_1828 : f32 to vector<16xf32>
      %select_n3A_1830 = arith.select %ne3A_1827, %broadcast_in_dim3A_1829, %add3A_1826 : vector<16xi1>, vector<16xf32>
      %swap3A_1831 = arith.constant 416 : index
      %swap3A_1832 = tpu.vector_load %arg25[%swap3A_1831] {strides = array<i32>} : memref<576xf32, #tpu.memory_space<vmem>>, vector<16xf32>,
      tpu.vector_store %arg25[%swap3A_1831], %select_n3A_1830 {strides = array<i32>} : memref<576xf32, #tpu.memory_space<vmem>>, vector<16xf32>,
      %dma_wait3A_1833 = arith.constant 1 : i32
      %dma_wait3A_1834 = arith.constant 1 : i32
      %dma_wait3A_1835 = arith.constant 0 : i32
      %dma_wait3A_1836 = arith.constant 0 : i32
      %dma_wait3A_1837 = tpu.memref_slice %arg6[%dma_wait3A_1834, %dma_wait3A_1835, %dma_wait3A_1836] : memref<2x192x128xf32, #tpu.memory_space<vmem>> -> memref<1x128x128xf32, #tpu.memory_space<vmem>>
      %dma_wait3A_1838 = tpu.memref_squeeze %dma_wait3A_1837 : memref<1x128x128xf32, #tpu.memory_space<vmem>> -> memref<128x128xf32, #tpu.memory_space<vmem>>
      %dma_wait3A_1839 = arith.constant 0 : i32
      %dma_wait3A_1840 = tpu.memref_slice %arg7[%dma_wait3A_1833, %dma_wait3A_1839] : memref<2x128xi32, #tpu.memory_space<vmem>> -> memref<1x128xi32, #tpu.memory_space<vmem>>
      %dma_wait3A_1841 = tpu.memref_squeeze %dma_wait3A_1840 : memref<1x128xi32, #tpu.memory_space<vmem>> -> memref<128xi32, #tpu.memory_space<vmem>>
      %dma_wait3A_1842 = arith.constant 0 : i32
      %dma_wait3A_1843 = arith.constant 0 : i32
      %dma_wait3A_1844 = tpu.memref_slice %arg2[%dma_wait3A_1842, %dma_wait3A_1843] : memref<34752x128xf32, #tpu.memory_space<hbm>> -> memref<34752x128xf32, #tpu.memory_space<hbm>>
      tpu.wait_indirect_dma semaphore(%arg30 : memref<!tpu.dma_semaphore, #tpu.memory_space<semaphore_mem>>) src(%dma_wait3A_1844 : memref<34752x128xf32, #tpu.memory_space<hbm>>) dst(%dma_wait3A_1838 : memref<128x128xf32, #tpu.memory_space<vmem>>)
      %dma_wait3A_1845 = arith.constant 1 : i32
      %dma_wait3A_1846 = arith.constant 1 : i32
      %dma_wait3A_1847 = arith.constant 128 : i32
      %dma_wait3A_1848 = arith.constant 0 : i32
      %dma_wait3A_1849 = tpu.memref_slice %arg6[%dma_wait3A_1846, %dma_wait3A_1847, %dma_wait3A_1848] : memref<2x192x128xf32, #tpu.memory_space<vmem>> -> memref<1x64x128xf32, #tpu.memory_space<vmem>>
      %dma_wait3A_1850 = tpu.memref_squeeze %dma_wait3A_1849 : memref<1x64x128xf32, #tpu.memory_space<vmem>> -> memref<64x128xf32, #tpu.memory_space<vmem>>
      %dma_wait3A_1851 = arith.constant 0 : i32
      %dma_wait3A_1852 = tpu.memref_slice %arg8[%dma_wait3A_1845, %dma_wait3A_1851] : memref<2x64xi32, #tpu.memory_space<vmem>> -> memref<1x64xi32, #tpu.memory_space<vmem>>
      %dma_wait3A_1853 = tpu.memref_squeeze %dma_wait3A_1852 : memref<1x64xi32, #tpu.memory_space<vmem>> -> memref<64xi32, #tpu.memory_space<vmem>>
      %dma_wait3A_1854 = arith.constant 0 : i32
      %dma_wait3A_1855 = arith.constant 0 : i32
      %dma_wait3A_1856 = tpu.memref_slice %arg2[%dma_wait3A_1854, %dma_wait3A_1855] : memref<34752x128xf32, #tpu.memory_space<hbm>> -> memref<34752x128xf32, #tpu.memory_space<hbm>>
      tpu.wait_indirect_dma semaphore(%arg30 : memref<!tpu.dma_semaphore, #tpu.memory_space<semaphore_mem>>) src(%dma_wait3A_1856 : memref<34752x128xf32, #tpu.memory_space<hbm>>) dst(%dma_wait3A_1850 : memref<64x128xf32, #tpu.memory_space<vmem>>)
      %broadcast_in_dim3A_1857 = vector.broadcast %and3A_1507 : i32 to vector<16xi32>
      %get3A_1858 = arith.constant 0 : index
      %get3A_1859 = tpu.vector_load %arg26[%get3A_1858] {strides = array<i32>} : memref<144xi32, #tpu.memory_space<vmem>>, vector<16xi32>,
      %gather3A_1860 = arith.constant 1 : i32
      %gather3A_1861 = arith.constant 0 : i32
      %gather3A_1862 = arith.constant 0 : i32
      %gather3A_1863 = tpu.memref_slice %arg6[%gather3A_1860, %gather3A_1861, %gather3A_1862] : memref<2x192x128xf32, #tpu.memory_space<vmem>> -> memref<1x192x128xf32, #tpu.memory_space<vmem>>
      %gather3A_1864 = tpu.memref_squeeze %gather3A_1863 : memref<1x192x128xf32, #tpu.memory_space<vmem>> -> memref<192x128xf32, #tpu.memory_space<vmem>>
      %gather3A_1865 = tpu.vector_load_idx %gather3A_1864[%get3A_1859, %broadcast_in_dim3A_1857] : memref<192x128xf32, #tpu.memory_space<vmem>>[vector<16xi32>, vector<16xi32>], vector<16xf32>,
      %get3A_1866 = arith.constant 0 : index
      %get3A_1867 = tpu.vector_load %arg27[%get3A_1866] {strides = array<i32>} : memref<144xf32, #tpu.memory_space<vmem>>, vector<16xf32>,
      %mul3A_1868 = arith.mulf %gather3A_1865, %get3A_1867 : vector<16xf32>
      %get3A_1869 = arith.constant 0 : index
      %get3A_1870 = tpu.vector_load %arg28[%get3A_1869] {strides = array<i32>} : memref<144xf32, #tpu.memory_space<vmem>>, vector<16xf32>,
      %add3A_1871 = arith.addf %mul3A_1868, %get3A_1870 : vector<16xf32>
      %ne3A_1872 = arith.cmpf one, %gather3A_1865, %gather3A_1865 : vector<16xf32>
      %jit3A_1873 = arith.constant 0.000000e+00 : f32
      %broadcast_in_dim3A_1874 = vector.broadcast %jit3A_1873 : f32 to vector<16xf32>
      %select_n3A_1875 = arith.select %ne3A_1872, %broadcast_in_dim3A_1874, %add3A_1871 : vector<16xi1>, vector<16xf32>
      %swap3A_1876 = arith.constant 432 : index
      %swap3A_1877 = tpu.vector_load %arg25[%swap3A_1876] {strides = array<i32>} : memref<576xf32, #tpu.memory_space<vmem>>, vector<16xf32>,
      tpu.vector_store %arg25[%swap3A_1876], %select_n3A_1875 {strides = array<i32>} : memref<576xf32, #tpu.memory_space<vmem>>, vector<16xf32>,
      %get3A_1878 = arith.constant 16 : index
      %get3A_1879 = tpu.vector_load %arg26[%get3A_1878] {strides = array<i32>} : memref<144xi32, #tpu.memory_space<vmem>>, vector<16xi32>,
      %gather3A_1880 = arith.constant 1 : i32
      %gather3A_1881 = arith.constant 0 : i32
      %gather3A_1882 = arith.constant 0 : i32
      %gather3A_1883 = tpu.memref_slice %arg6[%gather3A_1880, %gather3A_1881, %gather3A_1882] : memref<2x192x128xf32, #tpu.memory_space<vmem>> -> memref<1x192x128xf32, #tpu.memory_space<vmem>>
      %gather3A_1884 = tpu.memref_squeeze %gather3A_1883 : memref<1x192x128xf32, #tpu.memory_space<vmem>> -> memref<192x128xf32, #tpu.memory_space<vmem>>
      %gather3A_1885 = tpu.vector_load_idx %gather3A_1884[%get3A_1879, %broadcast_in_dim3A_1857] : memref<192x128xf32, #tpu.memory_space<vmem>>[vector<16xi32>, vector<16xi32>], vector<16xf32>,
      %get3A_1886 = arith.constant 16 : index
      %get3A_1887 = tpu.vector_load %arg27[%get3A_1886] {strides = array<i32>} : memref<144xf32, #tpu.memory_space<vmem>>, vector<16xf32>,
      %mul3A_1888 = arith.mulf %gather3A_1885, %get3A_1887 : vector<16xf32>
      %get3A_1889 = arith.constant 16 : index
      %get3A_1890 = tpu.vector_load %arg28[%get3A_1889] {strides = array<i32>} : memref<144xf32, #tpu.memory_space<vmem>>, vector<16xf32>,
      %add3A_1891 = arith.addf %mul3A_1888, %get3A_1890 : vector<16xf32>
      %ne3A_1892 = arith.cmpf one, %gather3A_1885, %gather3A_1885 : vector<16xf32>
      %jit3A_1893 = arith.constant 0.000000e+00 : f32
      %broadcast_in_dim3A_1894 = vector.broadcast %jit3A_1893 : f32 to vector<16xf32>
      %select_n3A_1895 = arith.select %ne3A_1892, %broadcast_in_dim3A_1894, %add3A_1891 : vector<16xi1>, vector<16xf32>
      %swap3A_1896 = arith.constant 448 : index
      %swap3A_1897 = tpu.vector_load %arg25[%swap3A_1896] {strides = array<i32>} : memref<576xf32, #tpu.memory_space<vmem>>, vector<16xf32>,
      tpu.vector_store %arg25[%swap3A_1896], %select_n3A_1895 {strides = array<i32>} : memref<576xf32, #tpu.memory_space<vmem>>, vector<16xf32>,
      %get3A_1898 = arith.constant 32 : index
      %get3A_1899 = tpu.vector_load %arg26[%get3A_1898] {strides = array<i32>} : memref<144xi32, #tpu.memory_space<vmem>>, vector<16xi32>,
      %gather3A_1900 = arith.constant 1 : i32
      %gather3A_1901 = arith.constant 0 : i32
      %gather3A_1902 = arith.constant 0 : i32
      %gather3A_1903 = tpu.memref_slice %arg6[%gather3A_1900, %gather3A_1901, %gather3A_1902] : memref<2x192x128xf32, #tpu.memory_space<vmem>> -> memref<1x192x128xf32, #tpu.memory_space<vmem>>
      %gather3A_1904 = tpu.memref_squeeze %gather3A_1903 : memref<1x192x128xf32, #tpu.memory_space<vmem>> -> memref<192x128xf32, #tpu.memory_space<vmem>>
      %gather3A_1905 = tpu.vector_load_idx %gather3A_1904[%get3A_1899, %broadcast_in_dim3A_1857] : memref<192x128xf32, #tpu.memory_space<vmem>>[vector<16xi32>, vector<16xi32>], vector<16xf32>,
      %get3A_1906 = arith.constant 32 : index
      %get3A_1907 = tpu.vector_load %arg27[%get3A_1906] {strides = array<i32>} : memref<144xf32, #tpu.memory_space<vmem>>, vector<16xf32>,
      %mul3A_1908 = arith.mulf %gather3A_1905, %get3A_1907 : vector<16xf32>
      %get3A_1909 = arith.constant 32 : index
      %get3A_1910 = tpu.vector_load %arg28[%get3A_1909] {strides = array<i32>} : memref<144xf32, #tpu.memory_space<vmem>>, vector<16xf32>,
      %add3A_1911 = arith.addf %mul3A_1908, %get3A_1910 : vector<16xf32>
      %ne3A_1912 = arith.cmpf one, %gather3A_1905, %gather3A_1905 : vector<16xf32>
      %jit3A_1913 = arith.constant 0.000000e+00 : f32
      %broadcast_in_dim3A_1914 = vector.broadcast %jit3A_1913 : f32 to vector<16xf32>
      %select_n3A_1915 = arith.select %ne3A_1912, %broadcast_in_dim3A_1914, %add3A_1911 : vector<16xi1>, vector<16xf32>
      %swap3A_1916 = arith.constant 464 : index
      %swap3A_1917 = tpu.vector_load %arg25[%swap3A_1916] {strides = array<i32>} : memref<576xf32, #tpu.memory_space<vmem>>, vector<16xf32>,
      tpu.vector_store %arg25[%swap3A_1916], %select_n3A_1915 {strides = array<i32>} : memref<576xf32, #tpu.memory_space<vmem>>, vector<16xf32>,
      %get3A_1918 = arith.constant 48 : index
      %get3A_1919 = tpu.vector_load %arg26[%get3A_1918] {strides = array<i32>} : memref<144xi32, #tpu.memory_space<vmem>>, vector<16xi32>,
      %gather3A_1920 = arith.constant 1 : i32
      %gather3A_1921 = arith.constant 0 : i32
      %gather3A_1922 = arith.constant 0 : i32
      %gather3A_1923 = tpu.memref_slice %arg6[%gather3A_1920, %gather3A_1921, %gather3A_1922] : memref<2x192x128xf32, #tpu.memory_space<vmem>> -> memref<1x192x128xf32, #tpu.memory_space<vmem>>
      %gather3A_1924 = tpu.memref_squeeze %gather3A_1923 : memref<1x192x128xf32, #tpu.memory_space<vmem>> -> memref<192x128xf32, #tpu.memory_space<vmem>>
      %gather3A_1925 = tpu.vector_load_idx %gather3A_1924[%get3A_1919, %broadcast_in_dim3A_1857] : memref<192x128xf32, #tpu.memory_space<vmem>>[vector<16xi32>, vector<16xi32>], vector<16xf32>,
      %get3A_1926 = arith.constant 48 : index
      %get3A_1927 = tpu.vector_load %arg27[%get3A_1926] {strides = array<i32>} : memref<144xf32, #tpu.memory_space<vmem>>, vector<16xf32>,
      %mul3A_1928 = arith.mulf %gather3A_1925, %get3A_1927 : vector<16xf32>
      %get3A_1929 = arith.constant 48 : index
      %get3A_1930 = tpu.vector_load %arg28[%get3A_1929] {strides = array<i32>} : memref<144xf32, #tpu.memory_space<vmem>>, vector<16xf32>,
      %add3A_1931 = arith.addf %mul3A_1928, %get3A_1930 : vector<16xf32>
      %ne3A_1932 = arith.cmpf one, %gather3A_1925, %gather3A_1925 : vector<16xf32>
      %jit3A_1933 = arith.constant 0.000000e+00 : f32
      %broadcast_in_dim3A_1934 = vector.broadcast %jit3A_1933 : f32 to vector<16xf32>
      %select_n3A_1935 = arith.select %ne3A_1932, %broadcast_in_dim3A_1934, %add3A_1931 : vector<16xi1>, vector<16xf32>
      %swap3A_1936 = arith.constant 480 : index
      %swap3A_1937 = tpu.vector_load %arg25[%swap3A_1936] {strides = array<i32>} : memref<576xf32, #tpu.memory_space<vmem>>, vector<16xf32>,
      tpu.vector_store %arg25[%swap3A_1936], %select_n3A_1935 {strides = array<i32>} : memref<576xf32, #tpu.memory_space<vmem>>, vector<16xf32>,
      %get3A_1938 = arith.constant 64 : index
      %get3A_1939 = tpu.vector_load %arg26[%get3A_1938] {strides = array<i32>} : memref<144xi32, #tpu.memory_space<vmem>>, vector<16xi32>,
      %gather3A_1940 = arith.constant 1 : i32
      %gather3A_1941 = arith.constant 0 : i32
      %gather3A_1942 = arith.constant 0 : i32
      %gather3A_1943 = tpu.memref_slice %arg6[%gather3A_1940, %gather3A_1941, %gather3A_1942] : memref<2x192x128xf32, #tpu.memory_space<vmem>> -> memref<1x192x128xf32, #tpu.memory_space<vmem>>
      %gather3A_1944 = tpu.memref_squeeze %gather3A_1943 : memref<1x192x128xf32, #tpu.memory_space<vmem>> -> memref<192x128xf32, #tpu.memory_space<vmem>>
      %gather3A_1945 = tpu.vector_load_idx %gather3A_1944[%get3A_1939, %broadcast_in_dim3A_1857] : memref<192x128xf32, #tpu.memory_space<vmem>>[vector<16xi32>, vector<16xi32>], vector<16xf32>,
      %get3A_1946 = arith.constant 64 : index
      %get3A_1947 = tpu.vector_load %arg27[%get3A_1946] {strides = array<i32>} : memref<144xf32, #tpu.memory_space<vmem>>, vector<16xf32>,
      %mul3A_1948 = arith.mulf %gather3A_1945, %get3A_1947 : vector<16xf32>
      %get3A_1949 = arith.constant 64 : index
      %get3A_1950 = tpu.vector_load %arg28[%get3A_1949] {strides = array<i32>} : memref<144xf32, #tpu.memory_space<vmem>>, vector<16xf32>,
      %add3A_1951 = arith.addf %mul3A_1948, %get3A_1950 : vector<16xf32>
      %ne3A_1952 = arith.cmpf one, %gather3A_1945, %gather3A_1945 : vector<16xf32>
      %jit3A_1953 = arith.constant 0.000000e+00 : f32
      %broadcast_in_dim3A_1954 = vector.broadcast %jit3A_1953 : f32 to vector<16xf32>
      %select_n3A_1955 = arith.select %ne3A_1952, %broadcast_in_dim3A_1954, %add3A_1951 : vector<16xi1>, vector<16xf32>
      %swap3A_1956 = arith.constant 496 : index
      %swap3A_1957 = tpu.vector_load %arg25[%swap3A_1956] {strides = array<i32>} : memref<576xf32, #tpu.memory_space<vmem>>, vector<16xf32>,
      tpu.vector_store %arg25[%swap3A_1956], %select_n3A_1955 {strides = array<i32>} : memref<576xf32, #tpu.memory_space<vmem>>, vector<16xf32>,
      %get3A_1958 = arith.constant 80 : index
      %get3A_1959 = tpu.vector_load %arg26[%get3A_1958] {strides = array<i32>} : memref<144xi32, #tpu.memory_space<vmem>>, vector<16xi32>,
      %gather3A_1960 = arith.constant 1 : i32
      %gather3A_1961 = arith.constant 0 : i32
      %gather3A_1962 = arith.constant 0 : i32
      %gather3A_1963 = tpu.memref_slice %arg6[%gather3A_1960, %gather3A_1961, %gather3A_1962] : memref<2x192x128xf32, #tpu.memory_space<vmem>> -> memref<1x192x128xf32, #tpu.memory_space<vmem>>
      %gather3A_1964 = tpu.memref_squeeze %gather3A_1963 : memref<1x192x128xf32, #tpu.memory_space<vmem>> -> memref<192x128xf32, #tpu.memory_space<vmem>>
      %gather3A_1965 = tpu.vector_load_idx %gather3A_1964[%get3A_1959, %broadcast_in_dim3A_1857] : memref<192x128xf32, #tpu.memory_space<vmem>>[vector<16xi32>, vector<16xi32>], vector<16xf32>,
      %get3A_1966 = arith.constant 80 : index
      %get3A_1967 = tpu.vector_load %arg27[%get3A_1966] {strides = array<i32>} : memref<144xf32, #tpu.memory_space<vmem>>, vector<16xf32>,
      %mul3A_1968 = arith.mulf %gather3A_1965, %get3A_1967 : vector<16xf32>
      %get3A_1969 = arith.constant 80 : index
      %get3A_1970 = tpu.vector_load %arg28[%get3A_1969] {strides = array<i32>} : memref<144xf32, #tpu.memory_space<vmem>>, vector<16xf32>,
      %add3A_1971 = arith.addf %mul3A_1968, %get3A_1970 : vector<16xf32>
      %ne3A_1972 = arith.cmpf one, %gather3A_1965, %gather3A_1965 : vector<16xf32>
      %jit3A_1973 = arith.constant 0.000000e+00 : f32
      %broadcast_in_dim3A_1974 = vector.broadcast %jit3A_1973 : f32 to vector<16xf32>
      %select_n3A_1975 = arith.select %ne3A_1972, %broadcast_in_dim3A_1974, %add3A_1971 : vector<16xi1>, vector<16xf32>
      %swap3A_1976 = arith.constant 512 : index
      %swap3A_1977 = tpu.vector_load %arg25[%swap3A_1976] {strides = array<i32>} : memref<576xf32, #tpu.memory_space<vmem>>, vector<16xf32>,
      tpu.vector_store %arg25[%swap3A_1976], %select_n3A_1975 {strides = array<i32>} : memref<576xf32, #tpu.memory_space<vmem>>, vector<16xf32>,
      %get3A_1978 = arith.constant 96 : index
      %get3A_1979 = tpu.vector_load %arg26[%get3A_1978] {strides = array<i32>} : memref<144xi32, #tpu.memory_space<vmem>>, vector<16xi32>,
      %gather3A_1980 = arith.constant 1 : i32
      %gather3A_1981 = arith.constant 0 : i32
      %gather3A_1982 = arith.constant 0 : i32
      %gather3A_1983 = tpu.memref_slice %arg6[%gather3A_1980, %gather3A_1981, %gather3A_1982] : memref<2x192x128xf32, #tpu.memory_space<vmem>> -> memref<1x192x128xf32, #tpu.memory_space<vmem>>
      %gather3A_1984 = tpu.memref_squeeze %gather3A_1983 : memref<1x192x128xf32, #tpu.memory_space<vmem>> -> memref<192x128xf32, #tpu.memory_space<vmem>>
      %gather3A_1985 = tpu.vector_load_idx %gather3A_1984[%get3A_1979, %broadcast_in_dim3A_1857] : memref<192x128xf32, #tpu.memory_space<vmem>>[vector<16xi32>, vector<16xi32>], vector<16xf32>,
      %get3A_1986 = arith.constant 96 : index
      %get3A_1987 = tpu.vector_load %arg27[%get3A_1986] {strides = array<i32>} : memref<144xf32, #tpu.memory_space<vmem>>, vector<16xf32>,
      %mul3A_1988 = arith.mulf %gather3A_1985, %get3A_1987 : vector<16xf32>
      %get3A_1989 = arith.constant 96 : index
      %get3A_1990 = tpu.vector_load %arg28[%get3A_1989] {strides = array<i32>} : memref<144xf32, #tpu.memory_space<vmem>>, vector<16xf32>,
      %add3A_1991 = arith.addf %mul3A_1988, %get3A_1990 : vector<16xf32>
      %ne3A_1992 = arith.cmpf one, %gather3A_1985, %gather3A_1985 : vector<16xf32>
      %jit3A_1993 = arith.constant 0.000000e+00 : f32
      %broadcast_in_dim3A_1994 = vector.broadcast %jit3A_1993 : f32 to vector<16xf32>
      %select_n3A_1995 = arith.select %ne3A_1992, %broadcast_in_dim3A_1994, %add3A_1991 : vector<16xi1>, vector<16xf32>
      %swap3A_1996 = arith.constant 528 : index
      %swap3A_1997 = tpu.vector_load %arg25[%swap3A_1996] {strides = array<i32>} : memref<576xf32, #tpu.memory_space<vmem>>, vector<16xf32>,
      tpu.vector_store %arg25[%swap3A_1996], %select_n3A_1995 {strides = array<i32>} : memref<576xf32, #tpu.memory_space<vmem>>, vector<16xf32>,
      %get3A_1998 = arith.constant 112 : index
      %get3A_1999 = tpu.vector_load %arg26[%get3A_1998] {strides = array<i32>} : memref<144xi32, #tpu.memory_space<vmem>>, vector<16xi32>,
      %gather3A_2000 = arith.constant 1 : i32
      %gather3A_2001 = arith.constant 0 : i32
      %gather3A_2002 = arith.constant 0 : i32
      %gather3A_2003 = tpu.memref_slice %arg6[%gather3A_2000, %gather3A_2001, %gather3A_2002] : memref<2x192x128xf32, #tpu.memory_space<vmem>> -> memref<1x192x128xf32, #tpu.memory_space<vmem>>
      %gather3A_2004 = tpu.memref_squeeze %gather3A_2003 : memref<1x192x128xf32, #tpu.memory_space<vmem>> -> memref<192x128xf32, #tpu.memory_space<vmem>>
      %gather3A_2005 = tpu.vector_load_idx %gather3A_2004[%get3A_1999, %broadcast_in_dim3A_1857] : memref<192x128xf32, #tpu.memory_space<vmem>>[vector<16xi32>, vector<16xi32>], vector<16xf32>,
      %get3A_2006 = arith.constant 112 : index
      %get3A_2007 = tpu.vector_load %arg27[%get3A_2006] {strides = array<i32>} : memref<144xf32, #tpu.memory_space<vmem>>, vector<16xf32>,
      %mul3A_2008 = arith.mulf %gather3A_2005, %get3A_2007 : vector<16xf32>
      %get3A_2009 = arith.constant 112 : index
      %get3A_2010 = tpu.vector_load %arg28[%get3A_2009] {strides = array<i32>} : memref<144xf32, #tpu.memory_space<vmem>>, vector<16xf32>,
      %add3A_2011 = arith.addf %mul3A_2008, %get3A_2010 : vector<16xf32>
      %ne3A_2012 = arith.cmpf one, %gather3A_2005, %gather3A_2005 : vector<16xf32>
      %jit3A_2013 = arith.constant 0.000000e+00 : f32
      %broadcast_in_dim3A_2014 = vector.broadcast %jit3A_2013 : f32 to vector<16xf32>
      %select_n3A_2015 = arith.select %ne3A_2012, %broadcast_in_dim3A_2014, %add3A_2011 : vector<16xi1>, vector<16xf32>
      %swap3A_2016 = arith.constant 544 : index
      %swap3A_2017 = tpu.vector_load %arg25[%swap3A_2016] {strides = array<i32>} : memref<576xf32, #tpu.memory_space<vmem>>, vector<16xf32>,
      tpu.vector_store %arg25[%swap3A_2016], %select_n3A_2015 {strides = array<i32>} : memref<576xf32, #tpu.memory_space<vmem>>, vector<16xf32>,
      %get3A_2018 = arith.constant 128 : index
      %get3A_2019 = tpu.vector_load %arg26[%get3A_2018] {strides = array<i32>} : memref<144xi32, #tpu.memory_space<vmem>>, vector<16xi32>,
      %gather3A_2020 = arith.constant 1 : i32
      %gather3A_2021 = arith.constant 0 : i32
      %gather3A_2022 = arith.constant 0 : i32
      %gather3A_2023 = tpu.memref_slice %arg6[%gather3A_2020, %gather3A_2021, %gather3A_2022] : memref<2x192x128xf32, #tpu.memory_space<vmem>> -> memref<1x192x128xf32, #tpu.memory_space<vmem>>
      %gather3A_2024 = tpu.memref_squeeze %gather3A_2023 : memref<1x192x128xf32, #tpu.memory_space<vmem>> -> memref<192x128xf32, #tpu.memory_space<vmem>>
      %gather3A_2025 = tpu.vector_load_idx %gather3A_2024[%get3A_2019, %broadcast_in_dim3A_1857] : memref<192x128xf32, #tpu.memory_space<vmem>>[vector<16xi32>, vector<16xi32>], vector<16xf32>,
      %get3A_2026 = arith.constant 128 : index
      %get3A_2027 = tpu.vector_load %arg27[%get3A_2026] {strides = array<i32>} : memref<144xf32, #tpu.memory_space<vmem>>, vector<16xf32>,
      %mul3A_2028 = arith.mulf %gather3A_2025, %get3A_2027 : vector<16xf32>
      %get3A_2029 = arith.constant 128 : index
      %get3A_2030 = tpu.vector_load %arg28[%get3A_2029] {strides = array<i32>} : memref<144xf32, #tpu.memory_space<vmem>>, vector<16xf32>,
      %add3A_2031 = arith.addf %mul3A_2028, %get3A_2030 : vector<16xf32>
      %ne3A_2032 = arith.cmpf one, %gather3A_2025, %gather3A_2025 : vector<16xf32>
      %jit3A_2033 = arith.constant 0.000000e+00 : f32
      %broadcast_in_dim3A_2034 = vector.broadcast %jit3A_2033 : f32 to vector<16xf32>
      %select_n3A_2035 = arith.select %ne3A_2032, %broadcast_in_dim3A_2034, %add3A_2031 : vector<16xi1>, vector<16xf32>
      %swap3A_2036 = arith.constant 560 : index
      %swap3A_2037 = tpu.vector_load %arg25[%swap3A_2036] {strides = array<i32>} : memref<576xf32, #tpu.memory_space<vmem>>, vector<16xf32>,
      tpu.vector_store %arg25[%swap3A_2036], %select_n3A_2035 {strides = array<i32>} : memref<576xf32, #tpu.memory_space<vmem>>, vector<16xf32>,
      %mul3A_2038 = arith.constant 4 : i32
      %mul3A_2039 = arith.muli %arg1, %mul3A_2038 : i32
      %mul3A_2040 = arith.constant 144 : i32
      %mul3A_2041 = arith.muli %mul3A_2039, %mul3A_2040 : i32
      "tpu.region"() ({
        %run_scoped3A = tpu.sem_alloc : memref<!tpu.dma_semaphore, #tpu.memory_space<semaphore_mem>>
        %dma_start3A_2042 = tpu.memref_slice %arg4[%mul3A_2041] : memref<9216xf32, #tpu.memory_space<hbm>> -> memref<576xf32, #tpu.memory_space<hbm>>
        %dma_start3A_2043 = tpu.memref_slice %arg4[%mul3A_2041] : memref<9216xf32, #tpu.memory_space<hbm>> -> memref<576xf32, #tpu.memory_space<hbm>>
        tpu.enqueue_dma source(%arg25 : memref<576xf32, #tpu.memory_space<vmem>>) target(%dma_start3A_2043 : memref<576xf32, #tpu.memory_space<hbm>>) target_semaphore(%run_scoped3A : memref<!tpu.dma_semaphore, #tpu.memory_space<semaphore_mem>>)
        %dma_wait3A_2044 = tpu.memref_slice %arg4[%mul3A_2041] : memref<9216xf32, #tpu.memory_space<hbm>> -> memref<576xf32, #tpu.memory_space<hbm>>
        %dma_wait3A_2045 = tpu.memref_slice %arg4[%mul3A_2041] : memref<9216xf32, #tpu.memory_space<hbm>> -> memref<576xf32, #tpu.memory_space<hbm>>
        tpu.wait_dma2 semaphore(%run_scoped3A : memref<!tpu.dma_semaphore, #tpu.memory_space<semaphore_mem>>) src(%arg25 : memref<576xf32, #tpu.memory_space<vmem>>) dst(%dma_wait3A_2045 : memref<576xf32, #tpu.memory_space<hbm>>)
        tpu.yield
      }) : () -> ()
    } else {
    }
    return
  }
}

</mosaic_0001>

<sc_bundles>
// kernel: kernel.3.cloned.1.call-start
scs
__scs_entry_jumppad:
0x0: {  	(pc) =	sbr.rel $0x88, $3  }
0x1: {  	(tag) =	ssettag $0x0;
	lr =	simm.s32 $0x1  }
0x2: {  	[smem:$0x3FA0] =	sst lr;
	_ =	strace $0xD0000000  }
0x3: {  	_ = 	snop  }
0x4: {  	_ = 	snop  }
0x5: {  	_ = 	snop  }
0x6: {  	_ = 	snop  }
0x7: {  	_ = 	snop  }
__scs_overlays_trampoline_lowered:
0x8: {  	[smem:$0x3FAF] =	sst s0  }
0x9: {  	[smem:$0x3FB0] =	sst s1  }
0xa: {  	[smem:$0x3FB1] =	sst s2  }
0xb: {  	[smem:$0x3FB2] =	sst s3  }
0xc: {  	[smem:$0x3FB3] =	sst s4  }
0xd: {  	[smem:$0x3FB4] =	sst s5  }
0xe: {  	[smem:$0x3FB5] =	sst s6  }
0xf: {  	[smem:$0x3FB6] =	sst s7  }
0x10: {  	[smem:$0x3FB7] =	sst s8  }
0x11: {  	[smem:$0x3FB8] =	sst s9;
	s0 =	simm.s32 @!p0 $0x0  }
0x12: {  	s1 =	sld [smem:$0x3F9E];
	s0 =	simm.s32 @p0 $0x1  }
0x13: {  	[smem:$0x3FB9] =	sst s0;
	s0 =	simm.s32 @!p1 $0x0  }
0x14: {  	s2 =	sld [smem:$0x3F9D];
	s0 =	simm.s32 @p1 $0x1  }
0x15: {  	[smem:$0x3FBA] =	sst s0;
	s0 =	simm.s32 @!p2 $0x0  }
0x16: {  	s3 =	sld [smem:$0x3FDB];
	s0 =	simm.s32 @p2 $0x1  }
0x17: {  	s4 =	simm.s32 $0x1BF5;
	[smem:$0x3FBC] =	sst s0  }
0x18: {  	s0 =	sld [smem:$0x3F9F];
	_ =	swait.ge [sflag:s4], $0x0  }
0x19: {  	s7 =	sld [smem:$0x3FA0]  }
0x1a: {  	s8 =	sadd.s32 $0xFFFFE003, lr  }
0x1b: {  	s9 =	sadd.s32 $0xFFFFFEF7, lr;
	s5 =	simm.s32 $0xFFFFFFFF;
	p2 =	slt.u32 s8, $0xFFFFF086  }
0x1c: {  	p1 =	slt.u32 s9, $0xF7A;
	s5 =	simm.s32 @!p2 $0x0  }
0x1d: {  	s5 =	simm.s32 @p1 $0x1;
	p0 =	seq.s32 s7, s2  }
0x1e: {  	s7 =	smul.u32 @!p0 $0xF7A, s2;
	p2 =	seq.s32 @!p0 s5, $0x0  }
0x1f: {  	s9 =	smul.u32 $0xF7A, s1;
	s8 =	simm.s32 @!p0 $0x1BF5;
	p2 =	por !p2, p0  }
0x20: {  	[sflag:s8] =	ssyncset.s32 @!p0 $0xFFFFF086;
	s6 =	sadd.s32 @!p0 s3, s7;
	s7 =	simm.s32 @!p0 $0x108  }
0x21: {  	s3 =	sadd.s32 s3, s9;
	s6 =	sadd.s32 @!p0 $0x88, s6;
	s7 =	simm.s32 @p2 $0x1082  }
0x22: {  	[simem:s7], [sflag:s8] =	dma.local @!p0 [hbm:s6], $0xF7A  }
0x23: {  	s9 =	sor.u32 $0xD0000000, s2;
	s6 =	simm.s32 $0x108;
	_ =	swait.ge @!p0 [sflag:s8], $0x0  }
0x24: {  	s3 =	sadd.s32 $0x88, s3;
	s6 =	simm.s32 @!p1 $0x1082;
	[sflag:s4] =	ssyncset.s32 $0xFFFFF086  }
0x25: {  	[simem:s6], [sflag:s4] =	dma.local [hbm:s3], $0xF7A  }
0x26: {  	[smem:$0x3FA0] =	sst s1;
	(tag) =	ssettag s2;
	_ =	strace s9  }
0x27: {  	s1 =	sld [smem:$0x3FB0]  }
0x28: {  	s2 =	sld [smem:$0x3FB1]  }
0x29: {  	s4 =	sld [smem:$0x3FB3]  }
0x2a: {  	p0 =	seq.s32 s5, $0x0;
	s5 =	sld [smem:$0x3FB4]  }
0x2b: {  	s6 =	sld [smem:$0x3FB5]  }
0x2c: {  	s7 =	sld [smem:$0x3FB6]  }
0x2d: {  	s3 =	simm.s32 $0x108;
	s8 =	sld [smem:$0x3FB7]  }
0x2e: {  	s3 =	simm.s32 @!p0 $0x1082;
	s9 =	sld [smem:$0x3FB8]  }
0x2f: {  	lr =	sadd.s32 s0, s3;
	s0 =	sld [smem:$0x3FAF]  }
0x30: {  	s3 =	sld [smem:$0x3FB2]  }
0x31: {  	[smem:$0x3FBB] =	sst s10  }
0x32: {  	s10 =	sld [smem:$0x3FB9];
	_ =	sdelay $0x3  }
0x33: {  	p0 =	seq.s32 s10, $0x1;
	s10 =	sld [smem:$0x3FBB];
	_ =	sdelay $0x3  }
0x34: {  	[smem:$0x3FBB] =	sst s10  }
0x35: {  	s10 =	sld [smem:$0x3FBA];
	_ =	sdelay $0x3  }
0x36: {  	p1 =	seq.s32 s10, $0x1;
	s10 =	sld [smem:$0x3FBB];
	_ =	sdelay $0x3  }
0x37: {  	[smem:$0x3FBB] =	sst s10  }
0x38: {  	s10 =	sld [smem:$0x3FBC]  }
0x39: {  	_ = 	snop;
	(pc) =	sbr.ind lr, $3  }
0x3a: {  	_ = 	snop  }
0x3b: {  	_ = 	snop  }
0x3c: {  	p2 =	seq.s32 s10, $0x1;
	s10 =	sld [smem:$0x3FBB]  }
0x3d: {  	_ =	shalt  }
0x3e: {  	_ =	shalt  }
0x3f: {  	_ =	shalt  }
0x40: {  	_ =	shalt  }
0x41: {  	_ =	shalt  }
0x42: {  	_ =	shalt  }
0x43: {  	_ =	shalt  }
0x44: {  	_ =	shalt  }
0x45: {  	_ =	shalt  }
0x46: {  	_ =	shalt  }
0x47: {  	_ =	shalt  }
0x48: {  	_ =	shalt  }
0x49: {  	_ =	shalt  }
0x4a: {  	_ =	shalt  }
0x4b: {  	_ =	shalt  }
0x4c: {  	_ =	shalt  }
0x4d: {  	_ =	shalt  }
0x4e: {  	_ =	shalt  }
0x4f: {  	_ =	shalt  }
0x50: {  	_ =	shalt  }
0x51: {  	_ =	shalt  }
0x52: {  	_ =	shalt  }
0x53: {  	_ =	shalt  }
0x54: {  	_ =	shalt  }
0x55: {  	_ =	shalt  }
0x56: {  	_ =	shalt  }
0x57: {  	_ =	shalt  }
0x58: {  	_ =	shalt  }
0x59: {  	_ =	shalt  }
0x5a: {  	_ =	shalt  }
0x5b: {  	_ =	shalt  }
0x5c: {  	_ =	shalt  }
0x5d: {  	_ =	shalt  }
0x5e: {  	_ =	shalt  }
0x5f: {  	_ =	shalt  }
0x60: {  	_ =	shalt  }
0x61: {  	_ =	shalt  }
0x62: {  	_ =	shalt  }
0x63: {  	_ =	shalt  }
0x64: {  	_ =	shalt  }
0x65: {  	_ =	shalt  }
0x66: {  	_ =	shalt  }
0x67: {  	_ =	shalt  }
0x68: {  	_ =	shalt  }
0x69: {  	_ =	shalt  }
0x6a: {  	_ =	shalt  }
0x6b: {  	_ =	shalt  }
0x6c: {  	_ =	shalt  }
0x6d: {  	_ =	shalt  }
0x6e: {  	_ =	shalt  }
0x6f: {  	_ =	shalt  }
0x70: {  	_ =	shalt  }
0x71: {  	_ =	shalt  }
0x72: {  	_ =	shalt  }
0x73: {  	_ =	shalt  }
0x74: {  	_ =	shalt  }
0x75: {  	_ =	shalt  }
0x76: {  	_ =	shalt  }
0x77: {  	_ =	shalt  }
0x78: {  	_ =	shalt  }
0x79: {  	_ =	shalt  }
0x7a: {  	_ =	shalt  }
0x7b: {  	_ =	shalt  }
0x7c: {  	_ =	shalt  }
0x7d: {  	_ =	shalt  }
0x7e: {  	_ =	shalt  }
0x7f: {  	_ =	shalt  }
0x80: {  	_ =	shalt  }
0x81: {  	_ =	shalt  }
0x82: {  	_ =	shalt  }
0x83: {  	_ =	shalt  }
0x84: {  	_ =	shalt  }
0x85: {  	_ =	shalt  }
0x86: {  	_ =	shalt  }
0x87: {  	_ =	shalt  }
.Lfunc_end0:
.L_simem_size_0:
called_computation_lowered:
.L_overlay_start_0:
0x88: {  	s2 =	sld [smem:$0x3FD9]  }
0x89: {  	s3 =	sld [smem:$0x3FFE];
	_ =	sdelay $0x1  }
0x8a: {  	s1 =	srdreg.scid  }
0x8b: {  	s0 =	sand.u32 $0x1, s1  }
0x8c: {  	s14 =	sshll.u32 s0, $0xA;
	s2 =	sadd.s32 s3, s2  }
0x8d: {  	s2 =	sadd.s32 s2, s14  }
0x8e: {  	[smem:$0x3FC7] =	sst s2  }
0x8f: {  	_ = 	snop  }
0x90: {  	s2 =	sld [smem:$0x3FD0];
	_ =	sdelay $0x2  }
0x91: {  	s4 =	simm.s32 $0xA;
	s5 =	simm.s32 $0x10;
	s15 =	sld [smem:$0x3FC9]  }
0x92: {  	[smem:s5], [sflag:s4] =	dma.local [hbm:s2], $0x1  }
0x93: {  	_ =	swait.eq [sflag:s4], $0x1  }
0x94: {  	[sflag:s4] =	ssyncset.done $0x0  }
0x95: {  	s16 =	sld [smem:$0x10];
	[sflag:s4] =	ssyncadd.s32 $0xFFFFFFFF  }
0x96: {  	s17 =	sld [smem:$0x11];
	(tm) =	ssettm $0x1  }
0x97: {  	s18 =	sld [smem:$0x3FFB];
	_ =	sdelay $0x3  }
0x98: {  	_ =	strace s18  }
0x99: {  	s5 =	sld [smem:$0x3FFC];
	_ =	sdelay $0x3  }
0x9a: {  	_ =	strace s5  }
0x9b: {  	s5 =	sld [smem:$0x3FFD];
	_ =	sdelay $0x3  }
0x9c: {  	_ =	strace s5  }
0x9d: {  	_ =	strace $0x8FFFFFFF  }
0x9e: {  	s19 =	sld [smem:$0x3FDB];
	_ =	sdelay $0x1  }
0x9f: {  	s6 =	simm.s32 $_scs_section_size  }
0xa0: {  	s7 =	simm.s32 $_size__tile_overlayer_lowered;
	s8 =	simm.s32 $_tile_overlayer_lowered  }
0xa1: {  	s22 =	simm.s32 $0x1BFF;
	s21 =	sshll.u32 s8, $0x1;
	s5 =	sadd.s32 s6, s19  }
0xa2: {  	s9 =	simm.s32 $0x0;
	s20 =	sshll.u32 s7, $0x1;
	s7 =	sadd.s32 s21, s5  }
0xa3: {  	[timem:s9], [sflag:s22] =	dma.local [hbm:s7], s20  }
0xa4: {  	_ =	swait.ge [sflag:s22], s20  }
0xa5: {  	s6 =	ssub.s32 $0x0, s20;
	[sflag:s22] =	ssyncset.done $0x0  }
0xa6: {  	[sflag:s22] =	ssyncadd.s32 s6;
	_ =	sdelay $0x1  }
0xa7: {  	s23 =	simm.s32 $0x1B8B  }
0xa8: {  	_ =	swait.ge [sflag:s23], $0x1  }
0xa9: {  	[sflag:s23] =	ssyncset.done $0x0  }
0xaa: {  	s25 =	simm.s32 $0x1B8E;
	s24 =	sld [smem:$0x3FFE];
	[sflag:s23] =	ssyncadd.s32 $0xFFFFFFFF  }
0xab: {  	s26 =	simm.s32 $execute0_lowered;
	[smem:$0x3FD2] =	sst s25  }
0xac: {  	s7 =	sshll.u32 s26, $0x1;
	_ =	strace $0x80000046;
	[dreg:$0x1] =	wrdreg $0xFFFFFFFF  }
0xad: {  	s28 =	simm.s32 $_size_execute0_lowered;
	s5 =	sadd.s32 s5, s7;
	[dreg:$0x0] =	wrdreg $0x0  }
0xae: {  	s7 =	sshll.u32 s28, $0x1;
	[dreg:$0x2] =	wrdreg s5  }
0xaf: {  	[dreg:$0x3] =	wrdreg s7  }
0xb0: {  	[dreg:$0x4] =	wrdreg $0xC0  }
0xb1: {  	_ =	task [dreg:s9], $0x5FFFF  }
0xb2: {  	[dreg:$0x1] =	wrdreg $0xFFFFFFFF  }
0xb3: {  	[dreg:$0x0] =	wrdreg $0x60  }
0xb4: {  	[dreg:$0x2] =	wrdreg s15  }
0xb5: {  	[dreg:$0x3] =	wrdreg s24  }
0xb6: {  	[dreg:$0x4] =	wrdreg s16  }
0xb7: {  	[dreg:$0x5] =	wrdreg s17  }
0xb8: {  	[dreg:$0x6] =	wrdreg $0xC7600  }
0xb9: {  	[dreg:$0x7] =	wrdreg $0xC8600  }
0xba: {  	[dreg:$0x8] =	wrdreg $0xC9600  }
0xbb: {  	[dreg:$0x9] =	wrdreg $0xC9700  }
0xbc: {  	[dreg:$0xa] =	wrdreg $0xC9800  }
0xbd: {  	[dreg:$0xb] =	wrdreg $0x9  }
0xbe: {  	_ =	task.clear_ibuf [dreg:s9], $0xCFFFF;
	_ =	strace $0x90000046  }
0xbf: {  	s29 =	simm.s32 $0x9;
	_ =	strace $0x80000048  }
0xc0: {  	_ =	swait.ge [sflag:s29], $0x1  }
0xc1: {  	[sflag:s29] =	ssyncadd.s32 $0xFFFFFFFF  }
0xc2: {  	_ =	strace $0x90000048  }
0xc3: {  	_ =	sfence  }
0xc4: {  	s30 =	sld [smem:$0x0];
	_ =	sdelay $0x2  }
0xc5: {  	s31 =	sshll.u32 s1, $0xD;
	s1 =	sshrl.u32 s1, $0x2  }
0xc6: {  	s3 =	sand.u32 $0x4000, s31;
	s1 =	sadd.s32 s1, s30  }
0xc7: {  	s0 =	sor.u32 s3, s0;
	s1 =	sshll.u32 s1, $0x11  }
0xc8: {  	s0 =	sor.u32 s1, s0  }
0xc9: {  	s0 =	sadd.s32 $0x8F2B, s0  }
0xca: {  	[sflag:s0] =	ssyncadd.remote.s32 $0x1  }
0xcb: {  	_ =	sfence.sel $0xFFFF  }
0xcc: {  	[dreg:$0x0] =	wrdreg $0xFFFFFFFF;
	(pc) =	sbr.abs _section_cstart, $3  }
0xcd: {  	[dreg:$0x1] =	wrdreg $0xFFFFFFFF  }
0xce: {  	_ =	task.clear_ibuf [dreg:s9], $0x2FFFF;
	_ =	strace $0x9FFFFFFF  }
0xcf: {  	(tm) =	ssettm $0x7FFFFFFF  }
tec
execute0_lowered:
.L_overlay_start_1:
0x0: {  	(tag) =	ssettag $0x1  }
0x1: {  	s2 =	rddreg [dreg:$0x0]  }
0x2: {  	s1 =	rddreg [dreg:$0x1]  }
0x3: {  	s3 =	rddreg [dreg:$0x2]  }
0x4: {  	s11 =	rddreg [dreg:$0x3];
	s4 =	srdreg.scid  }
0x5: {  	s14 =	rddreg [dreg:$0x4];
	s4 =	sand.u32 $0x1, s4  }
0x6: {  	s13 =	rddreg [dreg:$0x5];
	p1 =	seq.s32 s4, $0x1  }
.Ltmp0:
0x7: {  	s17 =	rddreg [dreg:$0x6];
	(pc) =	sbr.rel @p1 .LBB2_9-.Ltmp0, $4  }
0x8: {  	s16 =	rddreg [dreg:$0x7]  }
0x9: {  	s10 =	rddreg [dreg:$0x8];
	s5 =	simm.s32 $0x0  }
0xa: {  	s12 =	stileid.u32;
	[smem:$0x7FF] =	sst s5  }
0xb: {  	s0 =	rddreg [dreg:$0x9];
	p0 =	sne.s32 s12, $0x0;
	_ =	strace $0x80000047  }
0xc: {  	v2 =	vimm.s32 $0x0  }
0xd: {  	(xrf0) =	vadd.scan.msk.s32 $0xffff, v2;
	_ =	sdelay $0x3  }
0xe: {  	s1 =	sadd.s32 $0x800, s1;
	s4 =	simm.s32 $0xC180  }
0xf: {  	[tilespmem:s4], [sflag:$0x3] =	stream.linear.gather [hbm4b:s1+s5], $0x3C0, $0x38;
	[tilespmem:$0xFFB8] =	vst v63  }
0x10: {  	s1 =	simm.s32 $0x3;
	v0, _, _ =	vpop (xrf0)  }
0x11: {  	_ =	swait.ge [sflag:s1], $0x3C0  }
0x12: {  	[sflag:s1] =	ssyncset.done $0x0  }
0x13: {  	[sflag:s1] =	ssyncadd.s32 $0xFFFFFC40  }
0x14: {  	v1 =	vld [tilespmem:$0xC180]  }
0x15: {  	v3 =	vld [tilespmem:$0xC190]  }
0x16: {  	v4 =	vld [tilespmem:$0xC1A0]  }
0x17: {  	v5 =	vld [tilespmem:$0xC1B0]  }
0x18: {  	s15 =	sshll.u32 s12, $0x2;
	v6 =	vld [tilespmem:$0xC1C0]  }
0x19: {  	v7 =	vld [tilespmem:$0xC1D0];
	v1 =	vadd.s32 s15, v1  }
0x1a: {  	[tilespmem:$0xC000] =	vst v1;
	v1 =	vadd.s32 s15, v3;
	v3 =	vld [tilespmem:$0xC1E0]  }
0x1b: {  	[tilespmem:$0xC010] =	vst v1;
	v1 =	vadd.s32 s15, v4;
	v4 =	vld [tilespmem:$0xC1F0]  }
0x1c: {  	[tilespmem:$0xC020] =	vst v1;
	v1 =	vadd.s32 s15, v5;
	v5 =	vld [tilespmem:$0xC200]  }
0x1d: {  	[tilespmem:$0xC030] =	vst v1;
	v1 =	vadd.s32 s15, v6;
	v6 =	vld [tilespmem:$0xC210]  }
0x1e: {  	[tilespmem:$0xC040] =	vst v1;
	v1 =	vadd.s32 s15, v7;
	v7 =	vld [tilespmem:$0xC220]  }
0x1f: {  	[tilespmem:$0xC050] =	vst v1;
	v1 =	vadd.s32 s15, v3;
	v3 =	vld [tilespmem:$0xC230]  }
0x20: {  	[tilespmem:$0xC060] =	vst v1;
	v1 =	vadd.s32 s15, v4  }
0x21: {  	[tilespmem:$0xC070] =	vst v1;
	v1 =	vadd.s32 s15, v5  }
0x22: {  	[tilespmem:$0xC100] =	vst v1;
	v1 =	vadd.s32 s15, v6  }
0x23: {  	[tilespmem:$0xC110] =	vst v1;
	v1 =	vadd.s32 s15, v7  }
0x24: {  	[tilespmem:$0xC120] =	vst v1;
	v1 =	vadd.s32 s15, v3  }
0x25: {  	s7 =	simm.s32 $0xC000;
	s6 =	simm.s32 $0x40;
	s4 =	simm.s32 $0x80;
	[tilespmem:$0xC130] =	vst v1  }
0x26: {  	[tilespmem:s5], [sflag:$0x1] =	stream.indirect.gather [hbm4b:s2+s4], $0x80, s7, s4, $0xb8;
	[tilespmem:$0xFFB8] =	vst v63  }
0x27: {  	s8 =	simm.s32 $0xC100;
	s9 =	simm.s32 $0x4000;
	s5 =	simm.s32 $0x1  }
0x28: {  	[tilespmem:s9], [sflag:$0x1] =	stream.indirect.gather [hbm4b:s2+s6], $0x80, s8, s6, $0xb8;
	[tilespmem:$0xFFB8] =	vst v63  }
0x29: {  	_ =	swait.ge [sflag:s5], $0x4000  }
0x2a: {  	[sflag:s5] =	ssyncset.done $0x0  }
0x2b: {  	[sflag:s5] =	ssyncadd.s32 $0xFFFFC000  }
0x2c: {  	_ =	swait.ge [sflag:s5], $0x2000  }
0x2d: {  	[sflag:s5] =	ssyncset.done $0x0  }
0x2e: {  	[sflag:s5] =	ssyncadd.s32 $0xFFFFE000  }
0x2f: {  	[tilespmem:$0xC540] =	vst v2  }
0x30: {  	[tilespmem:$0xC640] =	vst v2  }
0x31: {  	[tilespmem:$0xC550] =	vst v2  }
0x32: {  	[tilespmem:$0xC650] =	vst v2  }
0x33: {  	[tilespmem:$0xC560] =	vst v2  }
0x34: {  	[tilespmem:$0xC660] =	vst v2  }
0x35: {  	[tilespmem:$0xC570] =	vst v2  }
0x36: {  	[tilespmem:$0xC670] =	vst v2  }
0x37: {  	[tilespmem:$0xC580] =	vst v2  }
0x38: {  	[tilespmem:$0xC680] =	vst v2  }
0x39: {  	[tilespmem:$0xC590] =	vst v2  }
0x3a: {  	[tilespmem:$0xC690] =	vst v2  }
0x3b: {  	[tilespmem:$0xC5A0] =	vst v2  }
0x3c: {  	[tilespmem:$0xC6A0] =	vst v2  }
0x3d: {  	[tilespmem:$0xC5B0] =	vst v2  }
0x3e: {  	[tilespmem:$0xC6B0] =	vst v2  }
0x3f: {  	[tilespmem:$0xC5C0] =	vst v2  }
0x40: {  	[tilespmem:$0xC6C0] =	vst v2  }
0x41: {  	[tilespmem:$0xC5D0] =	vst v2  }
0x42: {  	[tilespmem:$0xC6D0] =	vst v2  }
0x43: {  	[tilespmem:$0xC5E0] =	vst v2  }
0x44: {  	[tilespmem:$0xC6E0] =	vst v2  }
0x45: {  	[tilespmem:$0xC5F0] =	vst v2  }
0x46: {  	[tilespmem:$0xC6F0] =	vst v2  }
0x47: {  	[tilespmem:$0xC600] =	vst v2  }
0x48: {  	[tilespmem:$0xC700] =	vst v2  }
0x49: {  	[tilespmem:$0xC610] =	vst v2  }
0x4a: {  	[tilespmem:$0xC710] =	vst v2  }
0x4b: {  	[tilespmem:$0xC620] =	vst v2  }
0x4c: {  	[tilespmem:$0xC720] =	vst v2  }
0x4d: {  	v0 =	vbroadcast v0, $0xF;
	[tilespmem:$0xC630] =	vst v2  }
0x4e: {  	[tilespmem:$0xC730] =	vst v2  }
0x4f: {  	s18 =	sshll.u32 s12, $0x8;
	[tilespmem:$0xC740] =	vst v0  }
0x50: {  	s20 =	simm.s32 $0xC540;
	s19 =	sadd.s32 s18, s14;
	[tilespmem:$0xC750] =	vst v0  }
0x51: {  	[spmem:s19] =	stream.linear.scatter [tilespmem:s20], [sflag:$0x3], $0x100, $0x38;
	[tilespmem:$0xFFB8] =	vst v63  }
0x52: {  	_ =	swait.ge [sflag:s1], $0x100  }
0x53: {  	[sflag:s1] =	ssyncset.done $0x0  }
0x54: {  	s18 =	sadd.s32 s18, s13;
	s20 =	simm.s32 $0xC640;
	[sflag:s1] =	ssyncadd.s32 $0xFFFFFF00  }
0x55: {  	[spmem:s18] =	stream.linear.scatter [tilespmem:s20], [sflag:$0x3], $0x100, $0x38;
	[tilespmem:$0xFFB8] =	vst v63  }
0x56: {  	_ =	swait.ge [sflag:s1], $0x100  }
0x57: {  	s21 =	sshll.u32 s12, $0x4;
	[sflag:s1] =	ssyncset.done $0x0  }
0x58: {  	s23 =	simm.s32 $0xC740;
	s22 =	sadd.s32 s21, s17;
	[sflag:s1] =	ssyncadd.s32 $0xFFFFFF00  }
0x59: {  	[spmem:s22] =	stream.linear.scatter [tilespmem:s23], [sflag:$0x3], $0x10, $0x38;
	[tilespmem:$0xFFB8] =	vst v63  }
0x5a: {  	_ =	swait.ge [sflag:s1], $0x10  }
0x5b: {  	[sflag:s1] =	ssyncset.done $0x0  }
0x5c: {  	s25 =	simm.s32 $0xC750;
	s24 =	sadd.s32 s21, s16;
	[sflag:s1] =	ssyncadd.s32 $0xFFFFFFF0  }
0x5d: {  	[spmem:s24] =	stream.linear.scatter [tilespmem:s25], [sflag:$0x3], $0x10, $0x38;
	[tilespmem:$0xFFB8] =	vst v63  }
0x5e: {  	_ =	swait.ge [sflag:s1], $0x10  }
0x5f: {  	[sflag:s1] =	ssyncset.done $0x0  }
0x60: {  	[sflag:s1] =	ssyncadd.s32 $0xFFFFFFF0  }
0x61: {  	s26 =	simm.s32 $0xE988;
	[bflag:$0x0] =	sbarrier.arrive $0xFFFF  }
0x62: {  	[tilespmem:s26], [sflag:$0x3] =	stream.linear.gather [spmem:s17], $0x100, $0x38;
	[tilespmem:$0xFFB8] =	vst v63  }
0x63: {  	_ =	swait.ge [sflag:s1], $0x100  }
0x64: {  	[sflag:s1] =	ssyncset.done $0x0  }
0x65: {  	s28 =	simm.s32 $0xEA88;
	[sflag:s1] =	ssyncadd.s32 $0xFFFFFF00  }
0x66: {  	[tilespmem:s28], [sflag:$0x3] =	stream.linear.gather [spmem:s16], $0x100, $0x38;
	[tilespmem:$0xFFB8] =	vst v63  }
0x67: {  	_ =	swait.ge [sflag:s1], $0x100  }
0x68: {  	[sflag:s1] =	ssyncset.done $0x0  }
0x69: {  	[sflag:s1] =	ssyncadd.s32 $0xFFFFFF00  }
0x6a: {  	v0 =	vld [tilespmem:$0xE988]  }
0x6b: {  	v1 =	vld [tilespmem:$0xEA88]  }
0x6c: {  	v3 =	vld [tilespmem:$0xE998]  }
0x6d: {  	v4 =	vld [tilespmem:$0xEA98]  }
0x6e: {  	v5 =	vld [tilespmem:$0xE9A8]  }
0x6f: {  	v6 =	vld [tilespmem:$0xEAA8]  }
0x70: {  	v7 =	vld [tilespmem:$0xE9B8]  }
0x71: {  	v8 =	vld [tilespmem:$0xEAB8]  }
0x72: {  	v9 =	vld [tilespmem:$0xE9C8]  }
0x73: {  	v10 =	vld [tilespmem:$0xEAC8]  }
0x74: {  	v11 =	vld [tilespmem:$0xE9D8]  }
0x75: {  	v12 =	vld [tilespmem:$0xEAD8]  }
0x76: {  	v13 =	vld [tilespmem:$0xE9E8]  }
0x77: {  	v14 =	vld [tilespmem:$0xEAE8]  }
0x78: {  	v15 =	vld [tilespmem:$0xE9F8]  }
0x79: {  	v16 =	vld [tilespmem:$0xEAF8]  }
0x7a: {  	v17 =	vld [tilespmem:$0xEA08]  }
0x7b: {  	v18 =	vld [tilespmem:$0xEB08]  }
0x7c: {  	v19 =	vld [tilespmem:$0xEA18]  }
0x7d: {  	v20 =	vld [tilespmem:$0xEB18]  }
0x7e: {  	v21 =	vld [tilespmem:$0xEA28]  }
0x7f: {  	v59 =	vld [tilespmem:$0xEB58]  }
0x80: {  	v60 =	vld [tilespmem:$0xEA68];
	v0 =	vadd.s32 v0, v3;
	v1 =	vadd.s32 v1, v4  }
0x81: {  	v61 =	vld [tilespmem:$0xEB68];
	v0 =	vadd.s32 v0, v5;
	v1 =	vadd.s32 v1, v6  }
0x82: {  	v3 =	vld [tilespmem:$0xEB28];
	v0 =	vadd.s32 v0, v7;
	v1 =	vadd.s32 v1, v8  }
0x83: {  	v4 =	vld [tilespmem:$0xEA38];
	v0 =	vadd.s32 v0, v9;
	v1 =	vadd.s32 v1, v10  }
0x84: {  	v5 =	vld [tilespmem:$0xEB38];
	v0 =	vadd.s32 v0, v11;
	v1 =	vadd.s32 v1, v12  }
0x85: {  	v6 =	vld [tilespmem:$0xEA48];
	v0 =	vadd.s32 v0, v13;
	v1 =	vadd.s32 v1, v14  }
0x86: {  	v7 =	vld [tilespmem:$0xEB48];
	v0 =	vadd.s32 v0, v15;
	v1 =	vadd.s32 v1, v16  }
0x87: {  	v8 =	vld [tilespmem:$0xEA58];
	v0 =	vadd.s32 v0, v17;
	v1 =	vadd.s32 v1, v18  }
0x88: {  	v62 =	vld [tilespmem:$0xEA78];
	v0 =	vadd.s32 v0, v19;
	v1 =	vadd.s32 v1, v20  }
0x89: {  	s15 =	sand.u32 $0xC, s15;
	v63 =	vld [tilespmem:$0xEB78];
	v0 =	vadd.s32 v0, v21;
	v1 =	vadd.s32 v1, v3  }
.Ltmp1:
0x8a: {  	s29 =	sor.u32 $0x1, s15;
	v0 =	vadd.s32 v0, v4;
	v1 =	vadd.s32 v1, v5;
	(pc) =	sbr.rel @p0 .LBB2_8-.Ltmp1, $4  }
0x8b: {  	v3 =	vmov s29;
	v0 =	vadd.s32 v0, v6;
	v1 =	vadd.s32 v1, v7  }
0x8c: {  	s31 =	smul.u32 $0x48, s12;
	s30 =	sor.u32 $0x2, s15;
	v4 =	vmov s15;
	v0 =	vadd.s32 v0, v8;
	v1 =	vadd.s32 v1, v59  }
0x8d: {  	s15 =	sor.u32 $0x3, s15;
	v0 =	vadd.s32 v0, v60;
	v6 =	vadd.s32 v1, v61;
	v1 =	vmov s30  }
0x8e: {  	s12 =	sand.u32 $0xC0, s21;
	s3 =	sadd.s32 s3, s31;
	v5 =	vadd.s32 v0, v62;
	v0 =	vmov s15;
	v6 =	vadd.s32 v6, v63  }
0x8f: {  	s15 =	simm.s32 $0xC988  }
0x90: {  	[tilespmem:s15], [sflag:$0x3] =	stream.linear.gather [spmem:s14], $0x1000, $0x38;
	[tilespmem:$0xFFB8] =	vst v63  }
0x91: {  	_ =	swait.ge [sflag:s1], $0x1000  }
0x92: {  	[sflag:s1] =	ssyncset.done $0x0  }
0x93: {  	s31 =	simm.s32 $0xD988;
	[sflag:s1] =	ssyncadd.s32 $0xFFFFF000  }
0x94: {  	[tilespmem:s31], [sflag:$0x3] =	stream.linear.gather [spmem:s13], $0x1000, $0x38;
	[tilespmem:$0xFFB8] =	vst v63  }
0x95: {  	_ =	swait.ge [sflag:s1], $0x1000  }
0x96: {  	[sflag:s1] =	ssyncset.done $0x0  }
0x97: {  	s15 =	simm.s32 $0xD998;
	[sflag:s1] =	ssyncadd.s32 $0xFFFFF000  }
0x98: {  	v9 =	vld [tilespmem:s15+$0x0]  }
0x99: {  	s16 =	simm.s32 $0xC998;
	v10 =	vld [tilespmem:s15+$0xFFFFFFF0]  }
0x9a: {  	v11 =	vld [tilespmem:s16+$0xFFFFFFF0]  }
0x9b: {  	vm0 =	vgt.s32 v5, v6;
	v7 =	vlaneseq.u32;
	s17 =	simm.s32 $0x20;
	v8 =	vimm.s32 $0x0;
	s14 =	simm.s32 $0x0;
	s13 =	simm.s32 $0xEB88;
	v12 =	vld [tilespmem:s16+$0x0]  }
.LBB2_3:
0x9c: {  	p1 =	sne.s32 s17, $0xFE0;
	_ =	sdelay $0x2  }
0x9d: {  	v10 =	vsel vm0, v10, v11  }
0x9e: {  	vm1 =	vlt.s32 v10, $0x2A;
	v9 =	vsel vm0, v9, v12  }
0x9f: {  	vm2 =	vlt.s32 v9, $0x2A;
	v9 =	vsel vm1, $0x1, v2  }
0xa0: {  	v10 =	vsel vm2, $0x1, v2;
	v11 =	vmpcnt.ones.xlane vm2;
	(xrf0) =	vadd.scan.msk.s32 $0xffff, v9  }
0xa1: {  	(xrf0) =	vadd.scan.msk.s32 $0xffff, v10;
	_ =	sdelay $0x2  }
0xa2: {  	v13 =	vmpcnt.ones.xlane vm1  }
0xa3: {  	v10 =	vsel vm1, $0xFFFFFFFF, v2  }
0xa4: {  	v12 =	vsel vm2, $0xFFFFFFFF, v2;
	v10 =	vadd.s32 v10, v8;
	v8 =	vadd.s32 v8, v13;
	v9, _, _ =	vpop (xrf0)  }
0xa5: {  	v9 =	vadd.s32 v9, v10;
	v10 =	vadd.s32 v12, v8;
	v8 =	vadd.s32 v11, v8;
	v11, _, _ =	vpop (xrf0)  }
0xa6: {  	v10 =	vadd.s32 v11, v10;
	_ =	sdelay $0x2  }
0xa7: {  	s18 =	sadd.s32 $0x10, s14;
	v11 =	vor.u32 s14, v7;
	s14 =	smov.u32 s17  }
0xa8: {  	[tilespmem:v9+s13+$0x0] =	vst.idx.msk vm1, v11;
	v9 =	vor.u32 s18, v7  }
.Ltmp2:
0xa9: {  	s15 =	sadd.s32 $0x20, s15;
	[tilespmem:v10+s13+$0x0] =	vst.idx.msk vm2, v9;
	(pc) =	sbr.rel @p1 .LBB2_3-.Ltmp2, $4  }
0xaa: {  	v9 =	vld [tilespmem:s15+$0x0]  }
0xab: {  	s16 =	sadd.s32 $0x20, s16;
	v10 =	vld [tilespmem:s15+$0xFFFFFFF0]  }
0xac: {  	v11 =	vld [tilespmem:s16+$0xFFFFFFF0]  }
0xad: {  	s17 =	sadd.s32 $0x20, s17;
	v12 =	vld [tilespmem:s16+$0x0]  }
0xae: {  	_ =	sdelay $0x2  }
0xaf: {  	v10 =	vsel vm0, v10, v11  }
0xb0: {  	vm1 =	vlt.s32 v10, $0x2A;
	v9 =	vsel vm0, v9, v12  }
0xb1: {  	vm0 =	vlt.s32 v9, $0x2A;
	v54 =	vmpcnt.ones.xlane vm1  }
0xb2: {  	v55 =	vmpcnt.ones.xlane vm0  }
0xb3: {  	v56 =	vsel vm1, $0x1, v2;
	v9 =	vadd.s32 v8, v54  }
0xb4: {  	vm2 =	vmmov $0x1;
	v57 =	vsel vm0, $0x1, v2;
	(xrf0) =	vadd.scan.msk.s32 $0xffff, v56;
	v10 =	vadd.s32 v55, v9  }
0xb5: {  	(xrf0) =	vadd.scan.msk.s32 $0xffff, v57;
	v10 =	vnsel vm2, $0x0, v10  }
0xb6: {  	(xrf0) =	vadd.scan.msk.s32 $0xffff, v10;
	_ =	sdelay $0x3  }
0xb7: {  	v58, _, _ =	vpop (xrf0)  }
0xb8: {  	v59, _, _ =	vpop (xrf0)  }
0xb9: {  	v60, _, _ =	vpop (xrf0)  }
0xba: {  	(v2sf) =	vpush v60, $0xF;
	_ =	sdelay $0xe  }
0xbb: {  	v13 =	vlaneseq.u32;
	v15 =	vsel vm1, $0xFFFFFFFF, v2;
	s15 =	spop (v2sf)  }
0xbc: {  	v16 =	vadd.s32 $0x1, v13;
	v2 =	vsel vm0, $0xFFFFFFFF, v2;
	v8 =	vadd.s32 v15, v8;
	s16 =	sand.u32 $0xF, s15;
	s29 =	sand.u32 $0xFFFFFFF0, s15  }
0xbd: {  	v2 =	vadd.s32 v2, v9;
	v61 =	vmov s16;
	v14 =	vor.u32 s29, v13  }
0xbe: {  	v8 =	vadd.s32 v58, v8;
	vm15 =	vlt.u32 v61, v16;
	vm3 =	vlt.s32 v14, $0x1000  }
0xbf: {  	v62 =	vor.u32 $0xFFFFFFF8, v13;
	v2 =	vadd.s32 v59, v2;
	vm2 =	vmand vm15, vm3  }
0xc0: {  	p1 =	sgt.u32 s15, $0xFEF;
	v9 =	vand.u32 v62, v14  }
.Ltmp3:
0xc1: {  	_ = 	snop;
	(pc) =	sbr.rel @p1 .LBB2_7-.Ltmp3, $4  }
0xc2: {  	v63 =	vor.u32 s14, v7;
	s30 =	sadd.s32 $0x10, s14  }
0xc3: {  	v7 =	vor.u32 s30, v7;
	[tilespmem:v8+s13+$0x0] =	vst.idx.msk vm1, v63  }
0xc4: {  	s31 =	simm.s32 $0xEB88;
	[tilespmem:v2+s13+$0x0] =	vst.idx.msk vm0, v7;
	v2 =	vimm.s32 $0x0  }
0xc5: {  	[tilespmem:v9+s31+$0x0] =	vst.idx.msk vm2, v2  }
0xc6: {  	s13 =	sshrl.u32 s15, $0x4  }
0xc7: {  	s15 =	ssub.s32 $0xFF, s13  }
0xc8: {  	p1 =	sne.s32 s15, $0x1  }
.Ltmp4:
0xc9: {  	s14 =	sshll.u32 s13, $0x6;
	(pc) =	sbr.rel @!p1 .LBB2_7-.Ltmp4, $4  }
0xca: {  	s14 =	sadd.s32 $0x40, s14  }
0xcb: {  	s31 =	sshra.s32 s14, $0x2  }
0xcc: {  	s13 =	sadd.s32 $0xEB88, s31  }
0xcd: {  	s14 =	sadd.s32 $0xFFFFFFFF, s15;
	[tilespmem:s13+$0x0] =	vst v2  }
.LBB2_6:
0xce: {  	p1 =	sne.s32 s14, $0x1  }
.Ltmp5:
0xcf: {  	_ = 	snop;
	(pc) =	sbr.rel @p1 .LBB2_6-.Ltmp5, $3  }
0xd0: {  	_ =	sdelay $0x1  }
0xd1: {  	s14 =	sadd.s32 $0xFFFFFFFF, s14;
	s13 =	sadd.s32 $0x10, s13  }
0xd2: {  	[tilespmem:s13+$0x0] =	vst v2  }
.LBB2_7:
0xd3: {  	v2 =	vld [tilespmem:$0xEB88]  }
0xd4: {  	v7 =	vld [tilespmem:$0xEB98]  }
0xd5: {  	v8 =	vld [tilespmem:$0xEBA8]  }
0xd6: {  	v9 =	vld [tilespmem:$0xEBB8];
	_ =	sdelay $0x1  }
0xd7: {  	[tilespmem:$0xFB88] =	vst v2  }
0xd8: {  	[tilespmem:$0xFB98] =	vst v7  }
0xd9: {  	[tilespmem:$0xFBA8] =	vst v8  }
0xda: {  	s13 =	simm.s32 $0xFB88;
	s31 =	simm.s32 $0x3;
	[tilespmem:$0xFBB8] =	vst v9  }
0xdb: {  	[spmem:s10] =	stream.linear.scatter [tilespmem:s13], [sflag:$0x3], $0x40, $0x38;
	[tilespmem:$0xFFB8] =	vst v63  }
0xdc: {  	_ =	swait.ge [sflag:s31], $0x40  }
0xdd: {  	[sflag:s31] =	ssyncset.done $0x0  }
0xde: {  	[sflag:s31] =	ssyncadd.s32 $0xFFFFFFC0  }
.LBB2_8:
0xdf: {  	v2 =	vld [tilespmem:$0xC300]  }
0xe0: {  	v7 =	vld [tilespmem:$0xC390]  }
0xe1: {  	v8 =	vld [tilespmem:$0xC420]  }
0xe2: {  	v9 =	vld [tilespmem:$0xC4B0]  }
0xe3: {  	v10 =	vld [tilespmem:$0xC310]  }
0xe4: {  	v11 =	vld [tilespmem:$0xC3A0]  }
0xe5: {  	v12 =	vld [tilespmem:$0xC430]  }
0xe6: {  	v13 =	vld [tilespmem:$0xC4C0]  }
0xe7: {  	v14 =	vld [tilespmem:$0xC320]  }
0xe8: {  	v15 =	vld [tilespmem:$0xC3B0]  }
0xe9: {  	v16 =	vld [tilespmem:$0xC440]  }
0xea: {  	v17 =	vld [tilespmem:$0xC4D0]  }
0xeb: {  	v18 =	vld [tilespmem:$0xC330]  }
0xec: {  	vm0 =	vgt.s32 v5, v6;
	v58 =	vld [tilespmem:$0xC3C0]  }
0xed: {  	v59 =	vld [tilespmem:$0xC450];
	v2 =	vsel vm0, v7, v2  }
0xee: {  	v61 =	vld [tilespmem:$0xC4E0];
	v60 =	vnsel vm0, $0x3F800000, v8;
	[tilespmem:$0xFE08] =	vst v2  }
0xef: {  	v63 =	vld [tilespmem:$0xC340];
	v62 =	vnsel vm0, $0x0, v9;
	[tilespmem:$0xFE98] =	vst v60  }
0xf0: {  	v20 =	vld [tilespmem:$0xC3D0];
	v19 =	vsel vm0, v11, v10;
	[tilespmem:$0xFF28] =	vst v62  }
0xf1: {  	v22 =	vld [tilespmem:$0xC460];
	v21 =	vnsel vm0, $0x3F800000, v12;
	[tilespmem:$0xFE18] =	vst v19  }
0xf2: {  	v24 =	vld [tilespmem:$0xC4F0];
	v23 =	vnsel vm0, $0x0, v13;
	[tilespmem:$0xFEA8] =	vst v21  }
0xf3: {  	v26 =	vld [tilespmem:$0xC350];
	v25 =	vsel vm0, v15, v14;
	[tilespmem:$0xFF38] =	vst v23  }
0xf4: {  	v28 =	vld [tilespmem:$0xC3E0];
	v27 =	vnsel vm0, $0x3F800000, v16;
	[tilespmem:$0xFE28] =	vst v25  }
0xf5: {  	v30 =	vld [tilespmem:$0xC470];
	v29 =	vnsel vm0, $0x0, v17;
	[tilespmem:$0xFEB8] =	vst v27  }
0xf6: {  	v32 =	vld [tilespmem:$0xC500];
	v31 =	vsel vm0, v58, v18;
	[tilespmem:$0xFF48] =	vst v29  }
0xf7: {  	v34 =	vld [tilespmem:$0xC360];
	v33 =	vnsel vm0, $0x3F800000, v59;
	[tilespmem:$0xFE38] =	vst v31  }
0xf8: {  	v36 =	vld [tilespmem:$0xC3F0];
	v35 =	vnsel vm0, $0x0, v61;
	[tilespmem:$0xFEC8] =	vst v33  }
0xf9: {  	v38 =	vld [tilespmem:$0xC480];
	v37 =	vsel vm0, v20, v63;
	[tilespmem:$0xFF58] =	vst v35  }
0xfa: {  	v40 =	vld [tilespmem:$0xC510];
	v39 =	vnsel vm0, $0x3F800000, v22;
	[tilespmem:$0xFE48] =	vst v37  }
0xfb: {  	v42 =	vld [tilespmem:$0xC370];
	v41 =	vnsel vm0, $0x0, v24;
	[tilespmem:$0xFED8] =	vst v39  }
0xfc: {  	v44 =	vld [tilespmem:$0xC400];
	v43 =	vsel vm0, v28, v26;
	[tilespmem:$0xFF68] =	vst v41  }
0xfd: {  	v46 =	vld [tilespmem:$0xC490];
	v45 =	vnsel vm0, $0x3F800000, v30;
	[tilespmem:$0xFE58] =	vst v43  }
0xfe: {  	v48 =	vld [tilespmem:$0xC520];
	v47 =	vnsel vm0, $0x0, v32;
	[tilespmem:$0xFEE8] =	vst v45  }
0xff: {  	v50 =	vld [tilespmem:$0xC380];
	v49 =	vsel vm0, v36, v34;
	[tilespmem:$0xFF78] =	vst v47  }
0x100: {  	v52 =	vld [tilespmem:$0xC410];
	v51 =	vnsel vm0, $0x3F800000, v38;
	[tilespmem:$0xFE68] =	vst v49  }
0x101: {  	v56 =	vld [tilespmem:$0xC530];
	v53 =	vnsel vm0, $0x0, v40;
	[tilespmem:$0xFEF8] =	vst v51  }
0x102: {  	v54 =	vld [tilespmem:$0xC4A0];
	v55 =	vsel vm0, v44, v42;
	[tilespmem:$0xFF88] =	vst v53  }
0x103: {  	v57 =	vnsel vm0, $0x3F800000, v46;
	[tilespmem:$0xFE78] =	vst v55  }
0x104: {  	v58 =	vnsel vm0, $0x0, v48;
	[tilespmem:$0xFF08] =	vst v57  }
0x105: {  	v59 =	vsel vm0, v52, v50;
	[tilespmem:$0xFF98] =	vst v58  }
0x106: {  	v61 =	vnsel vm0, $0x0, v56;
	[tilespmem:$0xFE88] =	vst v59  }
0x107: {  	v60 =	vnsel vm0, $0x3F800000, v54;
	[tilespmem:$0xFFA8] =	vst v61  }
0x108: {  	[tilespmem:$0xFF18] =	vst v60  }
0x109: {  	s13 =	simm.s32 @!p0 $0x0;
	s14 =	simm.s32 @!p0 $0xEB88;
	[bflag:$0x0] =	sbarrier.arrive $0xFFFF  }
0x10a: {  	[hbm4b:s11+s13] =	stream.linear.scatter @!p0 [tilespmem:s14], [sflag:$0x3], $0x1000, $0x38;
	[tilespmem:$0xFFB8] =	vst v63  }
0x10b: {  	s11 =	simm.s32 @!p0 $0x3  }
0x10c: {  	_ =	swait.ge @!p0 [sflag:s11], $0x1000  }
0x10d: {  	[sflag:s11] =	ssyncset.done @!p0 $0x0  }
0x10e: {  	s21 =	simm.s32 $0xFB88;
	[sflag:s11] =	ssyncadd.s32 @!p0 $0xFFFFF000  }
0x10f: {  	[tilespmem:s21], [sflag:$0x3] =	stream.linear.gather [spmem:s10], $0x40, $0x38;
	[tilespmem:$0xFFB8] =	vst v63  }
0x110: {  	_ =	swait.ge [sflag:s1], $0x40  }
0x111: {  	[sflag:s1] =	ssyncset.done $0x0  }
0x112: {  	s12 =	sshrl.u32 s12, $0x2;
	[sflag:s1] =	ssyncadd.s32 $0xFFFFFFC0  }
0x113: {  	v62 =	vld [tilespmem:s12+$0xFB88];
	_ =	sdelay $0x2  }
0x114: {  	v2 =	vlaneseq.u32  }
0x115: {  	vm12 =	veq.s32 v4, v2  }
0x116: {  	v4 =	vnsel vm12, $0x0, v62  }
0x117: {  	(xrf0) =	vadd.scan.msk.s32 $0xffff, v4;
	_ =	sdelay $0x5  }
0x118: {  	v4, _, _ =	vpop (xrf0)  }
0x119: {  	(v2sf) =	vpush v4, $0xF;
	_ =	sdelay $0xc  }
0x11a: {  	v63 =	vld [tilespmem:$0xC240]  }
0x11b: {  	v12 =	vld [tilespmem:$0xC250]  }
0x11c: {  	v13 =	vld [tilespmem:$0xC260];
	s22 =	spop (v2sf)  }
0x11d: {  	v14 =	vld [tilespmem:$0xC270];
	s10 =	sshrl.u32 s22, $0x6  }
0x11e: {  	v15 =	vld [tilespmem:$0xC280];
	s10 =	sand.u32 $0x3FFFFFE, s10  }
0x11f: {  	v16 =	vld [tilespmem:$0xC290];
	v5 =	vadd.s32 s10, v63  }
0x120: {  	v18 =	vld [tilespmem:$0xC2A0];
	v17 =	vadd.s32 s10, v12;
	[tilespmem:$0xC000] =	vst v5  }
0x121: {  	v20 =	vld [tilespmem:$0xC2B0];
	v19 =	vadd.s32 s10, v13;
	[tilespmem:$0xC010] =	vst v17  }
0x122: {  	v22 =	vld [tilespmem:$0xC2C0];
	v21 =	vadd.s32 s10, v14;
	[tilespmem:$0xC020] =	vst v19  }
0x123: {  	v24 =	vld [tilespmem:$0xC2D0];
	v23 =	vadd.s32 s10, v15;
	[tilespmem:$0xC030] =	vst v21  }
0x124: {  	v26 =	vld [tilespmem:$0xC2E0];
	v25 =	vadd.s32 s10, v16;
	[tilespmem:$0xC040] =	vst v23  }
0x125: {  	v28 =	vld [tilespmem:$0xC2F0];
	v27 =	vadd.s32 s10, v18;
	[tilespmem:$0xC050] =	vst v25  }
0x126: {  	v29 =	vadd.s32 s10, v20;
	[tilespmem:$0xC060] =	vst v27  }
0x127: {  	v30 =	vadd.s32 s10, v22;
	[tilespmem:$0xC070] =	vst v29  }
0x128: {  	v31 =	vadd.s32 s10, v24;
	[tilespmem:$0xC100] =	vst v30  }
0x129: {  	v32 =	vadd.s32 s10, v26;
	[tilespmem:$0xC110] =	vst v31  }
0x12a: {  	v33 =	vadd.s32 s10, v28;
	[tilespmem:$0xC120] =	vst v32  }
0x12b: {  	s23 =	simm.s32 $0x0;
	[tilespmem:$0xC130] =	vst v33  }
0x12c: {  	[tilespmem:s23], [sflag:$0x1] =	stream.indirect.gather [hbm4b:s2+s4], $0x80, s7, s4, $0xb8;
	[tilespmem:$0xFFB8] =	vst v63  }
0x12d: {  	_ = 	snop  }
0x12e: {  	[tilespmem:s9], [sflag:$0x1] =	stream.indirect.gather [hbm4b:s2+s6], $0x80, s8, s6, $0xb8;
	[tilespmem:$0xFFB8] =	vst v63  }
0x12f: {  	v5 =	vld [tilespmem:s12+$0xFB88];
	_ =	sdelay $0x3  }
0x130: {  	vm13 =	veq.s32 v3, v2  }
0x131: {  	v3 =	vnsel vm13, $0x0, v5  }
0x132: {  	(xrf0) =	vadd.scan.msk.s32 $0xffff, v3;
	_ =	sdelay $0x5  }
0x133: {  	v3, _, _ =	vpop (xrf0)  }
0x134: {  	(v2sf) =	vpush v3, $0xF;
	_ =	sdelay $0xc  }
0x135: {  	v34 =	vld [tilespmem:$0xC240]  }
0x136: {  	v35 =	vld [tilespmem:$0xC250]  }
0x137: {  	v36 =	vld [tilespmem:$0xC260];
	s24 =	spop (v2sf)  }
0x138: {  	v37 =	vld [tilespmem:$0xC270];
	s11 =	sshrl.u32 s24, $0x6  }
0x139: {  	v38 =	vld [tilespmem:$0xC280];
	s11 =	sand.u32 $0x3FFFFFE, s11  }
0x13a: {  	v39 =	vld [tilespmem:$0xC290];
	v5 =	vadd.s32 s11, v34  }
0x13b: {  	v41 =	vld [tilespmem:$0xC2A0];
	v40 =	vadd.s32 s11, v35;
	[tilespmem:$0xC080] =	vst v5  }
0x13c: {  	v43 =	vld [tilespmem:$0xC2B0];
	v42 =	vadd.s32 s11, v36;
	[tilespmem:$0xC090] =	vst v40  }
0x13d: {  	v45 =	vld [tilespmem:$0xC2C0];
	v44 =	vadd.s32 s11, v37;
	[tilespmem:$0xC0A0] =	vst v42  }
0x13e: {  	v47 =	vld [tilespmem:$0xC2D0];
	v46 =	vadd.s32 s11, v38;
	[tilespmem:$0xC0B0] =	vst v44  }
0x13f: {  	v49 =	vld [tilespmem:$0xC2E0];
	v48 =	vadd.s32 s11, v39;
	[tilespmem:$0xC0C0] =	vst v46  }
0x140: {  	v51 =	vld [tilespmem:$0xC2F0];
	v50 =	vadd.s32 s11, v41;
	[tilespmem:$0xC0D0] =	vst v48  }
0x141: {  	v52 =	vadd.s32 s11, v43;
	[tilespmem:$0xC0E0] =	vst v50  }
0x142: {  	v53 =	vadd.s32 s11, v45;
	[tilespmem:$0xC0F0] =	vst v52  }
0x143: {  	v54 =	vadd.s32 s11, v47;
	[tilespmem:$0xC140] =	vst v53  }
0x144: {  	v55 =	vadd.s32 s11, v49;
	[tilespmem:$0xC150] =	vst v54  }
0x145: {  	v56 =	vadd.s32 s11, v51;
	[tilespmem:$0xC160] =	vst v55  }
0x146: {  	s25 =	simm.s32 $0xC080;
	s26 =	simm.s32 $0x6000;
	[tilespmem:$0xC170] =	vst v56  }
0x147: {  	[tilespmem:s26], [sflag:$0x2] =	stream.indirect.gather [hbm4b:s2+s4], $0x80, s25, s4, $0xb8;
	[tilespmem:$0xFFB8] =	vst v63  }
0x148: {  	s28 =	simm.s32 $0xC140;
	s15 =	simm.s32 $0xA000  }
0x149: {  	[tilespmem:s15], [sflag:$0x2] =	stream.indirect.gather [hbm4b:s2+s6], $0x80, s28, s6, $0xb8;
	[tilespmem:$0xFFB8] =	vst v63  }
0x14a: {  	_ =	swait.ge [sflag:s5], $0x4000  }
0x14b: {  	[sflag:s5] =	ssyncset.done $0x0  }
0x14c: {  	[sflag:s5] =	ssyncadd.s32 $0xFFFFC000  }
0x14d: {  	_ =	swait.ge [sflag:s5], $0x2000  }
0x14e: {  	[sflag:s5] =	ssyncset.done $0x0  }
0x14f: {  	[sflag:s5] =	ssyncadd.s32 $0xFFFFE000  }
0x150: {  	v57 =	vld [tilespmem:$0xFE08];
	_ =	sdelay $0x2  }
0x151: {  	v4 =	vbroadcast v4, $0xF;
	_ =	sdelay $0x1  }
0x152: {  	v58 =	vand.u32 $0x78, v4;
	v5 =	vshll.u32 v57, $0x7  }
0x153: {  	v4 =	vand.u32 $0x7, v4;
	v5 =	vor.u32 v58, v5  }
0x154: {  	v5 =	vor.u32 v4, v5;
	_ =	sdelay $0x2  }
0x155: {  	v59 =	vld [tilespmem:$0xFE18]  }
0x156: {  	v60 =	vld [tilespmem:$0xFE98]  }
0x157: {  	v5 =	vld.idx.msk [tilespmem:v5+s23+$0x0], $0xffff;
	_ =	sdelay $0x1  }
0x158: {  	v61 =	vld [tilespmem:$0xFF28]  }
0x159: {  	v7 =	vshll.u32 v59, $0x7  }
0x15a: {  	v7 =	vor.u32 v58, v7  }
0x15b: {  	v7 =	vor.u32 v4, v7;
	v5 =	vmul.f32 v60, v5;
	_ =	sdelay $0x1  }
0x15c: {  	v5 =	vadd.f32 v61, v5  }
0x15d: {  	v62 =	vld [tilespmem:$0xFE28]  }
0x15e: {  	v63 =	vld [tilespmem:$0xFEA8];
	[tilespmem:$0xFBC8] =	vst v5  }
0x15f: {  	v7 =	vld.idx.msk [tilespmem:v7+s23+$0x0], $0xffff;
	_ =	sdelay $0x1  }
0x160: {  	v12 =	vld [tilespmem:$0xFF38]  }
0x161: {  	v5 =	vshll.u32 v62, $0x7  }
0x162: {  	v5 =	vor.u32 v58, v5  }
0x163: {  	v5 =	vor.u32 v4, v5;
	v7 =	vmul.f32 v63, v7;
	_ =	sdelay $0x1  }
0x164: {  	v7 =	vadd.f32 v12, v7  }
0x165: {  	v13 =	vld [tilespmem:$0xFE38]  }
0x166: {  	v14 =	vld [tilespmem:$0xFEB8];
	[tilespmem:$0xFBD8] =	vst v7  }
0x167: {  	v5 =	vld.idx.msk [tilespmem:v5+s23+$0x0], $0xffff;
	_ =	sdelay $0x1  }
0x168: {  	v15 =	vld [tilespmem:$0xFF48]  }
0x169: {  	v7 =	vshll.u32 v13, $0x7  }
0x16a: {  	v7 =	vor.u32 v58, v7  }
0x16b: {  	v7 =	vor.u32 v4, v7;
	v5 =	vmul.f32 v14, v5;
	_ =	sdelay $0x1  }
0x16c: {  	v5 =	vadd.f32 v15, v5  }
0x16d: {  	v16 =	vld [tilespmem:$0xFE48]  }
0x16e: {  	v17 =	vld [tilespmem:$0xFEC8];
	[tilespmem:$0xFBE8] =	vst v5  }
0x16f: {  	v7 =	vld.idx.msk [tilespmem:v7+s23+$0x0], $0xffff;
	_ =	sdelay $0x1  }
0x170: {  	v18 =	vld [tilespmem:$0xFF58]  }
0x171: {  	v5 =	vshll.u32 v16, $0x7  }
0x172: {  	v5 =	vor.u32 v58, v5  }
0x173: {  	v5 =	vor.u32 v4, v5;
	v7 =	vmul.f32 v17, v7;
	_ =	sdelay $0x1  }
0x174: {  	v7 =	vadd.f32 v18, v7  }
0x175: {  	v19 =	vld [tilespmem:$0xFE58]  }
0x176: {  	v20 =	vld [tilespmem:$0xFED8];
	[tilespmem:$0xFBF8] =	vst v7  }
0x177: {  	v5 =	vld.idx.msk [tilespmem:v5+s23+$0x0], $0xffff;
	_ =	sdelay $0x1  }
0x178: {  	v21 =	vld [tilespmem:$0xFF68]  }
0x179: {  	v7 =	vshll.u32 v19, $0x7  }
0x17a: {  	v7 =	vor.u32 v58, v7  }
0x17b: {  	v7 =	vor.u32 v4, v7;
	v5 =	vmul.f32 v20, v5;
	_ =	sdelay $0x1  }
0x17c: {  	v5 =	vadd.f32 v21, v5  }
0x17d: {  	v22 =	vld [tilespmem:$0xFE68]  }
0x17e: {  	v23 =	vld [tilespmem:$0xFEE8];
	[tilespmem:$0xFC08] =	vst v5  }
0x17f: {  	v7 =	vld.idx.msk [tilespmem:v7+s23+$0x0], $0xffff;
	_ =	sdelay $0x1  }
0x180: {  	v24 =	vld [tilespmem:$0xFF78]  }
0x181: {  	v5 =	vshll.u32 v22, $0x7  }
0x182: {  	v5 =	vor.u32 v58, v5  }
0x183: {  	v5 =	vor.u32 v4, v5;
	v7 =	vmul.f32 v23, v7;
	_ =	sdelay $0x1  }
0x184: {  	v7 =	vadd.f32 v24, v7  }
0x185: {  	v25 =	vld [tilespmem:$0xFE78]  }
0x186: {  	v26 =	vld [tilespmem:$0xFEF8];
	[tilespmem:$0xFC18] =	vst v7  }
0x187: {  	v5 =	vld.idx.msk [tilespmem:v5+s23+$0x0], $0xffff;
	_ =	sdelay $0x1  }
0x188: {  	v27 =	vld [tilespmem:$0xFF88]  }
0x189: {  	v7 =	vshll.u32 v25, $0x7  }
0x18a: {  	v7 =	vor.u32 v58, v7  }
0x18b: {  	v7 =	vor.u32 v4, v7;
	v5 =	vmul.f32 v26, v5;
	_ =	sdelay $0x1  }
0x18c: {  	v5 =	vadd.f32 v27, v5  }
0x18d: {  	v28 =	vld [tilespmem:$0xFE88]  }
0x18e: {  	v29 =	vld [tilespmem:$0xFF08];
	[tilespmem:$0xFC28] =	vst v5  }
0x18f: {  	v7 =	vld.idx.msk [tilespmem:v7+s23+$0x0], $0xffff;
	_ =	sdelay $0x1  }
0x190: {  	v30 =	vld [tilespmem:$0xFF98]  }
0x191: {  	v5 =	vshll.u32 v28, $0x7  }
0x192: {  	v5 =	vor.u32 v58, v5  }
0x193: {  	v4 =	vor.u32 v4, v5;
	v31 =	vmul.f32 v29, v7;
	_ =	sdelay $0x1  }
0x194: {  	v32 =	vadd.f32 v30, v31;
	_ =	sdelay $0x1  }
0x195: {  	v33 =	vld [tilespmem:$0xFF18];
	[tilespmem:$0xFC38] =	vst v32  }
0x196: {  	v4 =	vld.idx.msk [tilespmem:v4+s23+$0x0], $0xffff;
	_ =	sdelay $0x1  }
0x197: {  	v34 =	vld [tilespmem:$0xFFA8];
	_ =	sdelay $0x2  }
0x198: {  	v4 =	vmul.f32 v33, v4;
	_ =	sdelay $0x1  }
0x199: {  	v4 =	vadd.f32 v34, v4;
	_ =	sdelay $0x1  }
0x19a: {  	[tilespmem:$0xFC48] =	vst v4  }
0x19b: {  	v4 =	vld [tilespmem:s12+$0xFB88];
	_ =	sdelay $0x3  }
0x19c: {  	vm14 =	veq.s32 v1, v2  }
0x19d: {  	v1 =	vnsel vm14, $0x0, v4  }
0x19e: {  	(xrf0) =	vadd.scan.msk.s32 $0xffff, v1;
	_ =	sdelay $0x5  }
0x19f: {  	v1, _, _ =	vpop (xrf0)  }
0x1a0: {  	(v2sf) =	vpush v1, $0xF;
	_ =	sdelay $0xc  }
0x1a1: {  	v35 =	vld [tilespmem:$0xC240]  }
0x1a2: {  	v36 =	vld [tilespmem:$0xC250]  }
0x1a3: {  	v37 =	vld [tilespmem:$0xC260];
	s16 =	spop (v2sf)  }
0x1a4: {  	v38 =	vld [tilespmem:$0xC270];
	s16 =	sshrl.u32 s16, $0x6  }
0x1a5: {  	v39 =	vld [tilespmem:$0xC280];
	s16 =	sand.u32 $0x3FFFFFE, s16  }
0x1a6: {  	v40 =	vld [tilespmem:$0xC290];
	v4 =	vadd.s32 s16, v35  }
0x1a7: {  	v42 =	vld [tilespmem:$0xC2A0];
	v41 =	vadd.s32 s16, v36;
	[tilespmem:$0xC000] =	vst v4  }
0x1a8: {  	v44 =	vld [tilespmem:$0xC2B0];
	v43 =	vadd.s32 s16, v37;
	[tilespmem:$0xC010] =	vst v41  }
0x1a9: {  	v46 =	vld [tilespmem:$0xC2C0];
	v45 =	vadd.s32 s16, v38;
	[tilespmem:$0xC020] =	vst v43  }
0x1aa: {  	v48 =	vld [tilespmem:$0xC2D0];
	v47 =	vadd.s32 s16, v39;
	[tilespmem:$0xC030] =	vst v45  }
0x1ab: {  	v50 =	vld [tilespmem:$0xC2E0];
	v49 =	vadd.s32 s16, v40;
	[tilespmem:$0xC040] =	vst v47  }
0x1ac: {  	v52 =	vld [tilespmem:$0xC2F0];
	v51 =	vadd.s32 s16, v42;
	[tilespmem:$0xC050] =	vst v49  }
0x1ad: {  	v53 =	vadd.s32 s16, v44;
	[tilespmem:$0xC060] =	vst v51  }
0x1ae: {  	v54 =	vadd.s32 s16, v46;
	[tilespmem:$0xC070] =	vst v53  }
0x1af: {  	v55 =	vadd.s32 s16, v48;
	[tilespmem:$0xC100] =	vst v54  }
0x1b0: {  	v56 =	vadd.s32 s16, v50;
	[tilespmem:$0xC110] =	vst v55  }
0x1b1: {  	v57 =	vadd.s32 s16, v52;
	[tilespmem:$0xC120] =	vst v56  }
0x1b2: {  	[tilespmem:$0xC130] =	vst v57  }
0x1b3: {  	[tilespmem:s23], [sflag:$0x1] =	stream.indirect.gather [hbm4b:s2+s4], $0x80, s7, s4, $0xb8;
	[tilespmem:$0xFFB8] =	vst v63  }
0x1b4: {  	s29 =	simm.s32 $0x2  }
0x1b5: {  	[tilespmem:s9], [sflag:$0x1] =	stream.indirect.gather [hbm4b:s2+s6], $0x80, s8, s6, $0xb8;
	[tilespmem:$0xFFB8] =	vst v63  }
0x1b6: {  	_ =	swait.ge [sflag:s29], $0x4000  }
0x1b7: {  	[sflag:s29] =	ssyncset.done $0x0  }
0x1b8: {  	[sflag:s29] =	ssyncadd.s32 $0xFFFFC000  }
0x1b9: {  	_ =	swait.ge [sflag:s29], $0x2000  }
0x1ba: {  	[sflag:s29] =	ssyncset.done $0x0  }
0x1bb: {  	[sflag:s29] =	ssyncadd.s32 $0xFFFFE000  }
0x1bc: {  	v58 =	vld [tilespmem:$0xFE08];
	_ =	sdelay $0x2  }
0x1bd: {  	v3 =	vbroadcast v3, $0xF;
	_ =	sdelay $0x1  }
0x1be: {  	v59 =	vand.u32 $0x78, v3;
	v4 =	vshll.u32 v58, $0x7  }
0x1bf: {  	v3 =	vand.u32 $0x7, v3;
	v4 =	vor.u32 v59, v4  }
0x1c0: {  	v4 =	vor.u32 v3, v4;
	_ =	sdelay $0x2  }
0x1c1: {  	v60 =	vld [tilespmem:$0xFE18]  }
0x1c2: {  	v61 =	vld [tilespmem:$0xFE98]  }
0x1c3: {  	v4 =	vld.idx.msk [tilespmem:v4+s26+$0x0], $0xffff;
	_ =	sdelay $0x1  }
0x1c4: {  	v62 =	vld [tilespmem:$0xFF28]  }
0x1c5: {  	v6 =	vshll.u32 v60, $0x7  }
0x1c6: {  	v6 =	vor.u32 v59, v6  }
0x1c7: {  	v6 =	vor.u32 v3, v6;
	v4 =	vmul.f32 v61, v4;
	_ =	sdelay $0x1  }
0x1c8: {  	v4 =	vadd.f32 v62, v4  }
0x1c9: {  	v63 =	vld [tilespmem:$0xFE28]  }
0x1ca: {  	v12 =	vld [tilespmem:$0xFEA8];
	[tilespmem:$0xFC58] =	vst v4  }
0x1cb: {  	v6 =	vld.idx.msk [tilespmem:v6+s26+$0x0], $0xffff;
	_ =	sdelay $0x1  }
0x1cc: {  	v13 =	vld [tilespmem:$0xFF38]  }
0x1cd: {  	v4 =	vshll.u32 v63, $0x7  }
0x1ce: {  	v4 =	vor.u32 v59, v4  }
0x1cf: {  	v4 =	vor.u32 v3, v4;
	v6 =	vmul.f32 v12, v6;
	_ =	sdelay $0x1  }
0x1d0: {  	v6 =	vadd.f32 v13, v6  }
0x1d1: {  	v14 =	vld [tilespmem:$0xFE38]  }
0x1d2: {  	v15 =	vld [tilespmem:$0xFEB8];
	[tilespmem:$0xFC68] =	vst v6  }
0x1d3: {  	v4 =	vld.idx.msk [tilespmem:v4+s26+$0x0], $0xffff;
	_ =	sdelay $0x1  }
0x1d4: {  	v16 =	vld [tilespmem:$0xFF48]  }
0x1d5: {  	v6 =	vshll.u32 v14, $0x7  }
0x1d6: {  	v6 =	vor.u32 v59, v6  }
0x1d7: {  	v6 =	vor.u32 v3, v6;
	v4 =	vmul.f32 v15, v4;
	_ =	sdelay $0x1  }
0x1d8: {  	v4 =	vadd.f32 v16, v4  }
0x1d9: {  	v17 =	vld [tilespmem:$0xFE48]  }
0x1da: {  	v18 =	vld [tilespmem:$0xFEC8];
	[tilespmem:$0xFC78] =	vst v4  }
0x1db: {  	v6 =	vld.idx.msk [tilespmem:v6+s26+$0x0], $0xffff;
	_ =	sdelay $0x1  }
0x1dc: {  	v19 =	vld [tilespmem:$0xFF58]  }
0x1dd: {  	v4 =	vshll.u32 v17, $0x7  }
0x1de: {  	v4 =	vor.u32 v59, v4  }
0x1df: {  	v4 =	vor.u32 v3, v4;
	v6 =	vmul.f32 v18, v6;
	_ =	sdelay $0x1  }
0x1e0: {  	v6 =	vadd.f32 v19, v6  }
0x1e1: {  	v20 =	vld [tilespmem:$0xFE58]  }
0x1e2: {  	v21 =	vld [tilespmem:$0xFED8];
	[tilespmem:$0xFC88] =	vst v6  }
0x1e3: {  	v4 =	vld.idx.msk [tilespmem:v4+s26+$0x0], $0xffff;
	_ =	sdelay $0x1  }
0x1e4: {  	v22 =	vld [tilespmem:$0xFF68]  }
0x1e5: {  	v6 =	vshll.u32 v20, $0x7  }
0x1e6: {  	v6 =	vor.u32 v59, v6  }
0x1e7: {  	v6 =	vor.u32 v3, v6;
	v4 =	vmul.f32 v21, v4;
	_ =	sdelay $0x1  }
0x1e8: {  	v4 =	vadd.f32 v22, v4  }
0x1e9: {  	v23 =	vld [tilespmem:$0xFE68]  }
0x1ea: {  	v24 =	vld [tilespmem:$0xFEE8];
	[tilespmem:$0xFC98] =	vst v4  }
0x1eb: {  	v6 =	vld.idx.msk [tilespmem:v6+s26+$0x0], $0xffff;
	_ =	sdelay $0x1  }
0x1ec: {  	v25 =	vld [tilespmem:$0xFF78]  }
0x1ed: {  	v4 =	vshll.u32 v23, $0x7  }
0x1ee: {  	v4 =	vor.u32 v59, v4  }
0x1ef: {  	v4 =	vor.u32 v3, v4;
	v6 =	vmul.f32 v24, v6;
	_ =	sdelay $0x1  }
0x1f0: {  	v6 =	vadd.f32 v25, v6  }
0x1f1: {  	v26 =	vld [tilespmem:$0xFE78]  }
0x1f2: {  	v27 =	vld [tilespmem:$0xFEF8];
	[tilespmem:$0xFCA8] =	vst v6  }
0x1f3: {  	v4 =	vld.idx.msk [tilespmem:v4+s26+$0x0], $0xffff;
	_ =	sdelay $0x1  }
0x1f4: {  	v28 =	vld [tilespmem:$0xFF88]  }
0x1f5: {  	v6 =	vshll.u32 v26, $0x7  }
0x1f6: {  	v6 =	vor.u32 v59, v6  }
0x1f7: {  	v6 =	vor.u32 v3, v6;
	v4 =	vmul.f32 v27, v4;
	_ =	sdelay $0x1  }
0x1f8: {  	v4 =	vadd.f32 v28, v4  }
0x1f9: {  	v29 =	vld [tilespmem:$0xFE88]  }
0x1fa: {  	v30 =	vld [tilespmem:$0xFF08];
	[tilespmem:$0xFCB8] =	vst v4  }
0x1fb: {  	v6 =	vld.idx.msk [tilespmem:v6+s26+$0x0], $0xffff;
	_ =	sdelay $0x1  }
0x1fc: {  	v31 =	vld [tilespmem:$0xFF98]  }
0x1fd: {  	v4 =	vshll.u32 v29, $0x7  }
0x1fe: {  	v4 =	vor.u32 v59, v4  }
0x1ff: {  	v3 =	vor.u32 v3, v4;
	v32 =	vmul.f32 v30, v6;
	_ =	sdelay $0x1  }
0x200: {  	v33 =	vadd.f32 v31, v32;
	_ =	sdelay $0x1  }
0x201: {  	v34 =	vld [tilespmem:$0xFF18];
	[tilespmem:$0xFCC8] =	vst v33  }
0x202: {  	v3 =	vld.idx.msk [tilespmem:v3+s26+$0x0], $0xffff;
	_ =	sdelay $0x1  }
0x203: {  	v35 =	vld [tilespmem:$0xFFA8];
	_ =	sdelay $0x2  }
0x204: {  	v3 =	vmul.f32 v34, v3;
	_ =	sdelay $0x1  }
0x205: {  	v3 =	vadd.f32 v35, v3;
	_ =	sdelay $0x1  }
0x206: {  	[tilespmem:$0xFCD8] =	vst v3  }
0x207: {  	v3 =	vld [tilespmem:s12+$0xFB88];
	_ =	sdelay $0x3  }
0x208: {  	vm15 =	veq.s32 v0, v2  }
0x209: {  	v0 =	vnsel vm15, $0x0, v3  }
0x20a: {  	(xrf0) =	vadd.scan.msk.s32 $0xffff, v0;
	_ =	sdelay $0x5  }
0x20b: {  	v0, _, _ =	vpop (xrf0)  }
0x20c: {  	(v2sf) =	vpush v0, $0xF;
	_ =	sdelay $0xc  }
0x20d: {  	v36 =	vld [tilespmem:$0xC240]  }
0x20e: {  	v37 =	vld [tilespmem:$0xC250]  }
0x20f: {  	v38 =	vld [tilespmem:$0xC260];
	s30 =	spop (v2sf)  }
0x210: {  	v39 =	vld [tilespmem:$0xC270];
	s8 =	sshrl.u32 s30, $0x6  }
0x211: {  	v40 =	vld [tilespmem:$0xC280];
	s8 =	sand.u32 $0x3FFFFFE, s8  }
0x212: {  	v41 =	vld [tilespmem:$0xC290];
	v2 =	vadd.s32 s8, v36  }
0x213: {  	v43 =	vld [tilespmem:$0xC2A0];
	v42 =	vadd.s32 s8, v37;
	[tilespmem:$0xC080] =	vst v2  }
0x214: {  	v45 =	vld [tilespmem:$0xC2B0];
	v44 =	vadd.s32 s8, v38;
	[tilespmem:$0xC090] =	vst v42  }
0x215: {  	v47 =	vld [tilespmem:$0xC2C0];
	v46 =	vadd.s32 s8, v39;
	[tilespmem:$0xC0A0] =	vst v44  }
0x216: {  	v49 =	vld [tilespmem:$0xC2D0];
	v48 =	vadd.s32 s8, v40;
	[tilespmem:$0xC0B0] =	vst v46  }
0x217: {  	v51 =	vld [tilespmem:$0xC2E0];
	v50 =	vadd.s32 s8, v41;
	[tilespmem:$0xC0C0] =	vst v48  }
0x218: {  	v53 =	vld [tilespmem:$0xC2F0];
	v52 =	vadd.s32 s8, v43;
	[tilespmem:$0xC0D0] =	vst v50  }
0x219: {  	v54 =	vadd.s32 s8, v45;
	[tilespmem:$0xC0E0] =	vst v52  }
0x21a: {  	v55 =	vadd.s32 s8, v47;
	[tilespmem:$0xC0F0] =	vst v54  }
0x21b: {  	v56 =	vadd.s32 s8, v49;
	[tilespmem:$0xC140] =	vst v55  }
0x21c: {  	v57 =	vadd.s32 s8, v51;
	[tilespmem:$0xC150] =	vst v56  }
0x21d: {  	v58 =	vadd.s32 s8, v53;
	[tilespmem:$0xC160] =	vst v57  }
0x21e: {  	[tilespmem:$0xC170] =	vst v58  }
0x21f: {  	[tilespmem:s26], [sflag:$0x2] =	stream.indirect.gather [hbm4b:s2+s4], $0x80, s25, s4, $0xb8;
	[tilespmem:$0xFFB8] =	vst v63  }
0x220: {  	_ = 	snop  }
0x221: {  	[tilespmem:s15], [sflag:$0x2] =	stream.indirect.gather [hbm4b:s2+s6], $0x80, s28, s6, $0xb8;
	[tilespmem:$0xFFB8] =	vst v63  }
0x222: {  	_ =	swait.ge [sflag:s5], $0x4000  }
0x223: {  	[sflag:s5] =	ssyncset.done $0x0  }
0x224: {  	[sflag:s5] =	ssyncadd.s32 $0xFFFFC000  }
0x225: {  	_ =	swait.ge [sflag:s5], $0x2000  }
0x226: {  	[sflag:s5] =	ssyncset.done $0x0  }
0x227: {  	[sflag:s5] =	ssyncadd.s32 $0xFFFFE000  }
0x228: {  	v59 =	vld [tilespmem:$0xFE08];
	_ =	sdelay $0x2  }
0x229: {  	v1 =	vbroadcast v1, $0xF;
	_ =	sdelay $0x1  }
0x22a: {  	v60 =	vand.u32 $0x78, v1;
	v2 =	vshll.u32 v59, $0x7  }
0x22b: {  	v1 =	vand.u32 $0x7, v1;
	v2 =	vor.u32 v60, v2  }
0x22c: {  	v2 =	vor.u32 v1, v2;
	_ =	sdelay $0x2  }
0x22d: {  	v61 =	vld [tilespmem:$0xFE18]  }
0x22e: {  	v62 =	vld [tilespmem:$0xFE98]  }
0x22f: {  	v2 =	vld.idx.msk [tilespmem:v2+s23+$0x0], $0xffff;
	_ =	sdelay $0x1  }
0x230: {  	v63 =	vld [tilespmem:$0xFF28]  }
0x231: {  	v4 =	vshll.u32 v61, $0x7  }
0x232: {  	v4 =	vor.u32 v60, v4  }
0x233: {  	v4 =	vor.u32 v1, v4;
	v2 =	vmul.f32 v62, v2;
	_ =	sdelay $0x1  }
0x234: {  	v2 =	vadd.f32 v63, v2  }
0x235: {  	v9 =	vld [tilespmem:$0xFE28]  }
0x236: {  	v10 =	vld [tilespmem:$0xFEA8];
	[tilespmem:$0xFCE8] =	vst v2  }
0x237: {  	v4 =	vld.idx.msk [tilespmem:v4+s23+$0x0], $0xffff;
	_ =	sdelay $0x1  }
0x238: {  	v11 =	vld [tilespmem:$0xFF38]  }
0x239: {  	v2 =	vshll.u32 v9, $0x7  }
0x23a: {  	v2 =	vor.u32 v60, v2  }
0x23b: {  	v2 =	vor.u32 v1, v2;
	v4 =	vmul.f32 v10, v4;
	_ =	sdelay $0x1  }
0x23c: {  	v4 =	vadd.f32 v11, v4  }
0x23d: {  	v12 =	vld [tilespmem:$0xFE38]  }
0x23e: {  	v13 =	vld [tilespmem:$0xFEB8];
	[tilespmem:$0xFCF8] =	vst v4  }
0x23f: {  	v2 =	vld.idx.msk [tilespmem:v2+s23+$0x0], $0xffff;
	_ =	sdelay $0x1  }
0x240: {  	v14 =	vld [tilespmem:$0xFF48]  }
0x241: {  	v4 =	vshll.u32 v12, $0x7  }
0x242: {  	v4 =	vor.u32 v60, v4  }
0x243: {  	v4 =	vor.u32 v1, v4;
	v2 =	vmul.f32 v13, v2;
	_ =	sdelay $0x1  }
0x244: {  	v2 =	vadd.f32 v14, v2  }
0x245: {  	v15 =	vld [tilespmem:$0xFE48]  }
0x246: {  	v16 =	vld [tilespmem:$0xFEC8];
	[tilespmem:$0xFD08] =	vst v2  }
0x247: {  	v4 =	vld.idx.msk [tilespmem:v4+s23+$0x0], $0xffff;
	_ =	sdelay $0x1  }
0x248: {  	v17 =	vld [tilespmem:$0xFF58]  }
0x249: {  	v2 =	vshll.u32 v15, $0x7  }
0x24a: {  	v2 =	vor.u32 v60, v2  }
0x24b: {  	v2 =	vor.u32 v1, v2;
	v4 =	vmul.f32 v16, v4;
	_ =	sdelay $0x1  }
0x24c: {  	v4 =	vadd.f32 v17, v4  }
0x24d: {  	v18 =	vld [tilespmem:$0xFE58]  }
0x24e: {  	v19 =	vld [tilespmem:$0xFED8];
	[tilespmem:$0xFD18] =	vst v4  }
0x24f: {  	v2 =	vld.idx.msk [tilespmem:v2+s23+$0x0], $0xffff;
	_ =	sdelay $0x1  }
0x250: {  	v20 =	vld [tilespmem:$0xFF68]  }
0x251: {  	v4 =	vshll.u32 v18, $0x7  }
0x252: {  	v4 =	vor.u32 v60, v4  }
0x253: {  	v4 =	vor.u32 v1, v4;
	v2 =	vmul.f32 v19, v2;
	_ =	sdelay $0x1  }
0x254: {  	v2 =	vadd.f32 v20, v2  }
0x255: {  	v21 =	vld [tilespmem:$0xFE68]  }
0x256: {  	v22 =	vld [tilespmem:$0xFEE8];
	[tilespmem:$0xFD28] =	vst v2  }
0x257: {  	v4 =	vld.idx.msk [tilespmem:v4+s23+$0x0], $0xffff;
	_ =	sdelay $0x1  }
0x258: {  	v23 =	vld [tilespmem:$0xFF78]  }
0x259: {  	v2 =	vshll.u32 v21, $0x7  }
0x25a: {  	v2 =	vor.u32 v60, v2  }
0x25b: {  	v2 =	vor.u32 v1, v2;
	v4 =	vmul.f32 v22, v4;
	_ =	sdelay $0x1  }
0x25c: {  	v4 =	vadd.f32 v23, v4  }
0x25d: {  	v24 =	vld [tilespmem:$0xFE78]  }
0x25e: {  	v25 =	vld [tilespmem:$0xFEF8];
	[tilespmem:$0xFD38] =	vst v4  }
0x25f: {  	v2 =	vld.idx.msk [tilespmem:v2+s23+$0x0], $0xffff;
	_ =	sdelay $0x1  }
0x260: {  	v26 =	vld [tilespmem:$0xFF88]  }
0x261: {  	v4 =	vshll.u32 v24, $0x7  }
0x262: {  	v4 =	vor.u32 v60, v4  }
0x263: {  	v4 =	vor.u32 v1, v4;
	v2 =	vmul.f32 v25, v2;
	_ =	sdelay $0x1  }
0x264: {  	v2 =	vadd.f32 v26, v2  }
0x265: {  	v27 =	vld [tilespmem:$0xFE88]  }
0x266: {  	v28 =	vld [tilespmem:$0xFF08];
	[tilespmem:$0xFD48] =	vst v2  }
0x267: {  	v4 =	vld.idx.msk [tilespmem:v4+s23+$0x0], $0xffff;
	_ =	sdelay $0x1  }
0x268: {  	v29 =	vld [tilespmem:$0xFF98]  }
0x269: {  	v2 =	vshll.u32 v27, $0x7  }
0x26a: {  	v2 =	vor.u32 v60, v2  }
0x26b: {  	v1 =	vor.u32 v1, v2;
	v30 =	vmul.f32 v28, v4;
	_ =	sdelay $0x1  }
0x26c: {  	v31 =	vadd.f32 v29, v30;
	_ =	sdelay $0x1  }
0x26d: {  	v32 =	vld [tilespmem:$0xFF18];
	[tilespmem:$0xFD58] =	vst v31  }
0x26e: {  	v1 =	vld.idx.msk [tilespmem:v1+s23+$0x0], $0xffff;
	_ =	sdelay $0x1  }
0x26f: {  	v33 =	vld [tilespmem:$0xFFA8];
	_ =	sdelay $0x2  }
0x270: {  	v1 =	vmul.f32 v32, v1;
	_ =	sdelay $0x1  }
0x271: {  	v1 =	vadd.f32 v33, v1;
	_ =	sdelay $0x1  }
0x272: {  	[tilespmem:$0xFD68] =	vst v1  }
0x273: {  	_ =	swait.ge [sflag:s29], $0x4000  }
0x274: {  	[sflag:s29] =	ssyncset.done $0x0  }
0x275: {  	[sflag:s29] =	ssyncadd.s32 $0xFFFFC000  }
0x276: {  	_ =	swait.ge [sflag:s29], $0x2000  }
0x277: {  	[sflag:s29] =	ssyncset.done $0x0  }
0x278: {  	[sflag:s29] =	ssyncadd.s32 $0xFFFFE000  }
0x279: {  	v34 =	vld [tilespmem:$0xFE08];
	_ =	sdelay $0x2  }
0x27a: {  	v0 =	vbroadcast v0, $0xF;
	_ =	sdelay $0x1  }
0x27b: {  	v35 =	vand.u32 $0x78, v0;
	v1 =	vshll.u32 v34, $0x7  }
0x27c: {  	v0 =	vand.u32 $0x7, v0;
	v1 =	vor.u32 v35, v1  }
0x27d: {  	v1 =	vor.u32 v0, v1;
	_ =	sdelay $0x2  }
0x27e: {  	v36 =	vld [tilespmem:$0xFE18]  }
0x27f: {  	v37 =	vld [tilespmem:$0xFE98]  }
0x280: {  	v1 =	vld.idx.msk [tilespmem:v1+s26+$0x0], $0xffff;
	_ =	sdelay $0x1  }
0x281: {  	v38 =	vld [tilespmem:$0xFF28]  }
0x282: {  	v3 =	vshll.u32 v36, $0x7  }
0x283: {  	v3 =	vor.u32 v35, v3  }
0x284: {  	v3 =	vor.u32 v0, v3;
	v1 =	vmul.f32 v37, v1;
	_ =	sdelay $0x1  }
0x285: {  	v1 =	vadd.f32 v38, v1  }
0x286: {  	v39 =	vld [tilespmem:$0xFE28]  }
0x287: {  	v40 =	vld [tilespmem:$0xFEA8];
	[tilespmem:$0xFD78] =	vst v1  }
0x288: {  	v3 =	vld.idx.msk [tilespmem:v3+s26+$0x0], $0xffff;
	_ =	sdelay $0x1  }
0x289: {  	v41 =	vld [tilespmem:$0xFF38]  }
0x28a: {  	v1 =	vshll.u32 v39, $0x7  }
0x28b: {  	v1 =	vor.u32 v35, v1  }
0x28c: {  	v1 =	vor.u32 v0, v1;
	v3 =	vmul.f32 v40, v3;
	_ =	sdelay $0x1  }
0x28d: {  	v3 =	vadd.f32 v41, v3  }
0x28e: {  	v42 =	vld [tilespmem:$0xFE38]  }
0x28f: {  	v43 =	vld [tilespmem:$0xFEB8];
	[tilespmem:$0xFD88] =	vst v3  }
0x290: {  	v1 =	vld.idx.msk [tilespmem:v1+s26+$0x0], $0xffff;
	_ =	sdelay $0x1  }
0x291: {  	v44 =	vld [tilespmem:$0xFF48]  }
0x292: {  	v3 =	vshll.u32 v42, $0x7  }
0x293: {  	v3 =	vor.u32 v35, v3  }
0x294: {  	v3 =	vor.u32 v0, v3;
	v1 =	vmul.f32 v43, v1;
	_ =	sdelay $0x1  }
0x295: {  	v1 =	vadd.f32 v44, v1  }
0x296: {  	v45 =	vld [tilespmem:$0xFE48]  }
0x297: {  	v46 =	vld [tilespmem:$0xFEC8];
	[tilespmem:$0xFD98] =	vst v1  }
0x298: {  	v3 =	vld.idx.msk [tilespmem:v3+s26+$0x0], $0xffff;
	_ =	sdelay $0x1  }
0x299: {  	v47 =	vld [tilespmem:$0xFF58]  }
0x29a: {  	v1 =	vshll.u32 v45, $0x7  }
0x29b: {  	v1 =	vor.u32 v35, v1  }
0x29c: {  	v1 =	vor.u32 v0, v1;
	v3 =	vmul.f32 v46, v3;
	_ =	sdelay $0x1  }
0x29d: {  	v3 =	vadd.f32 v47, v3  }
0x29e: {  	v48 =	vld [tilespmem:$0xFE58]  }
0x29f: {  	v49 =	vld [tilespmem:$0xFED8];
	[tilespmem:$0xFDA8] =	vst v3  }
0x2a0: {  	v1 =	vld.idx.msk [tilespmem:v1+s26+$0x0], $0xffff;
	_ =	sdelay $0x1  }
0x2a1: {  	v50 =	vld [tilespmem:$0xFF68]  }
0x2a2: {  	v3 =	vshll.u32 v48, $0x7  }
0x2a3: {  	v3 =	vor.u32 v35, v3  }
0x2a4: {  	v3 =	vor.u32 v0, v3;
	v1 =	vmul.f32 v49, v1;
	_ =	sdelay $0x1  }
0x2a5: {  	v1 =	vadd.f32 v50, v1  }
0x2a6: {  	v51 =	vld [tilespmem:$0xFE68]  }
0x2a7: {  	v52 =	vld [tilespmem:$0xFEE8];
	[tilespmem:$0xFDB8] =	vst v1  }
0x2a8: {  	v3 =	vld.idx.msk [tilespmem:v3+s26+$0x0], $0xffff;
	_ =	sdelay $0x1  }
0x2a9: {  	v53 =	vld [tilespmem:$0xFF78]  }
0x2aa: {  	v1 =	vshll.u32 v51, $0x7  }
0x2ab: {  	v1 =	vor.u32 v35, v1  }
0x2ac: {  	v1 =	vor.u32 v0, v1;
	v3 =	vmul.f32 v52, v3;
	_ =	sdelay $0x1  }
0x2ad: {  	v3 =	vadd.f32 v53, v3  }
0x2ae: {  	v54 =	vld [tilespmem:$0xFE78]  }
0x2af: {  	v55 =	vld [tilespmem:$0xFEF8];
	[tilespmem:$0xFDC8] =	vst v3  }
0x2b0: {  	v1 =	vld.idx.msk [tilespmem:v1+s26+$0x0], $0xffff;
	_ =	sdelay $0x1  }
0x2b1: {  	v56 =	vld [tilespmem:$0xFF88]  }
0x2b2: {  	v3 =	vshll.u32 v54, $0x7  }
0x2b3: {  	v3 =	vor.u32 v35, v3  }
0x2b4: {  	v3 =	vor.u32 v0, v3;
	v1 =	vmul.f32 v55, v1;
	_ =	sdelay $0x1  }
0x2b5: {  	v1 =	vadd.f32 v56, v1  }
0x2b6: {  	v57 =	vld [tilespmem:$0xFE88]  }
0x2b7: {  	v58 =	vld [tilespmem:$0xFF08];
	[tilespmem:$0xFDD8] =	vst v1  }
0x2b8: {  	v3 =	vld.idx.msk [tilespmem:v3+s26+$0x0], $0xffff;
	_ =	sdelay $0x1  }
0x2b9: {  	v59 =	vld [tilespmem:$0xFF98]  }
0x2ba: {  	v1 =	vshll.u32 v57, $0x7  }
0x2bb: {  	v1 =	vor.u32 v35, v1  }
0x2bc: {  	v0 =	vor.u32 v0, v1;
	v60 =	vmul.f32 v58, v3;
	_ =	sdelay $0x1  }
0x2bd: {  	v61 =	vadd.f32 v59, v60;
	_ =	sdelay $0x1  }
0x2be: {  	v62 =	vld [tilespmem:$0xFF18];
	[tilespmem:$0xFDE8] =	vst v61  }
0x2bf: {  	v0 =	vld.idx.msk [tilespmem:v0+s26+$0x0], $0xffff;
	_ =	sdelay $0x1  }
0x2c0: {  	v63 =	vld [tilespmem:$0xFFA8];
	_ =	sdelay $0x2  }
0x2c1: {  	v0 =	vmul.f32 v62, v0;
	_ =	sdelay $0x1  }
0x2c2: {  	v0 =	vadd.f32 v63, v0;
	_ =	sdelay $0x1  }
0x2c3: {  	s31 =	simm.s32 $0xFBC8;
	[tilespmem:$0xFDF8] =	vst v0  }
0x2c4: {  	[hbm4b:s3+s23] =	stream.linear.scatter [tilespmem:s31], [sflag:$0x3], $0x240, $0x38;
	[tilespmem:$0xFFB8] =	vst v63  }
0x2c5: {  	_ =	swait.ge [sflag:s1], $0x240  }
0x2c6: {  	[sflag:s1] =	ssyncset.done $0x0  }
0x2c7: {  	[sflag:s1] =	ssyncadd.s32 $0xFFFFFDC0  }
.LBB2_9:
0x2c8: {  	_ =	sfence.sel $0x180000  }
0x2c9: {  	[bflag:$0x0] =	sbarrier.arrive $0xFFFF  }
0x2ca: {  	_ =	strace $0x90000047  }
0x2cb: {  	s0 =	sadd.s32 @!p0 $0x100000, s0;
	[bflag:$0x2] =	sbarrier.arrive $0xFFFF  }
0x2cc: {  	[sflag:s0] =	ssyncadd.tile.s32 @!p0 $0x1;
	_ =	shalt  }
.Lfunc_end2:
_tile_overlayer_lowered:
.L_overlay_start_2:
0x2cd: {  	(tag) =	ssettag $0x2  }
0x2ce: {  	s0 =	rddreg [dreg:$0x0];
	s2 =	stileid.u32  }
0x2cf: {  	s1 =	rddreg [dreg:$0x1];
	p0 =	sne.s32 s2, $0x0  }
0x2d0: {  	s3 =	rddreg [dreg:$0x2];
	[bflag:$0x3] =	sbarrier.arrive $0xFFFF;
	s2 =	simm.s32 @!p0 $0x1C03  }
0x2d1: {  	[timem:s3], [sflag:s2] =	dma.local @!p0 [hbm:s0], s1  }
0x2d2: {  	s0 =	simm.s32 @!p0 $0x3  }
0x2d3: {  	_ =	swait.ge @!p0 [sflag:s0], s1  }
0x2d4: {  	s1 =	ssub.s32 @!p0 $0x0, s1;
	[sflag:s0] =	ssyncset.done @!p0 $0x0  }
0x2d5: {  	[sflag:s0] =	ssyncadd.s32 @!p0 s1  }
0x2d6: {  	[bflag:$0x3] =	sbarrier.arrive $0xFFFF  }
0x2d7: {  	_ =	shalt  }

</sc_bundles>
